<compile_context>
chip_gen: v7x
topology: tpu7x:2x2x1
jax: 0.10.2.dev20260603
libtpu: 0.0.44.dev20260713+nightly
codegen_flags: <defaults>
</compile_context>

<pallas_src>
import functools

import jax
import jax.numpy as jnp
from jax import lax
from jax.experimental import pallas as pl
from jax.experimental.pallas import tpu as pltpu
from jax.experimental.pallas import tpu_sc as plsc
from jax._src.pallas import mpmd as _mpmd

NC = 2
NS = 16
L = 16
CH = 128
W = 128


def _sc_mesh():
    return plsc.VectorSubcoreMesh(core_axis_name="c", subcore_axis_name="s",
                                  num_cores=NC, num_subcores=NS)


def _sc_params():
    return pltpu.CompilerParams(use_tc_tiling_on_sc=False)


def _make_to_rows(M, D, lb):
    P = W // D
    R = lb // P
    G = pl.cdiv(M, lb)

    def body(x, o):
        eye = (lax.broadcasted_iota(jnp.int32, (D, D), 0)
               == lax.broadcasted_iota(jnp.int32, (D, D), 1)
               ).astype(jnp.float32)
        for j in range(P):
            o[:, pl.ds(j * D, D)] = lax.dot_general(
                x[:, pl.ds(j * R, R)], eye, (((0,), (0,)), ((), ())),
                precision=lax.Precision.HIGHEST,
                preferred_element_type=jnp.float32)

    return pl.pallas_call(
        body,
        grid=(G,),
        in_specs=[pl.BlockSpec((D, lb), lambda i: (0, i))],
        out_specs=pl.BlockSpec((R, W), lambda i: (i, 0)),
        out_shape=jax.ShapeDtypeStruct((G * R, W), jnp.float32),
    )


def _make_to_native(M, D, lb):
    P = W // D
    R = lb // P
    G = pl.cdiv(M, lb)

    def body(x, o):
        eye = (lax.broadcasted_iota(jnp.int32, (D, D), 0)
               == lax.broadcasted_iota(jnp.int32, (D, D), 1)
               ).astype(jnp.float32)
        for j in range(P):
            o[:, pl.ds(j * R, R)] = lax.dot_general(
                eye, x[:, pl.ds(j * D, D)], (((1,), (1,)), ((), ())),
                precision=lax.Precision.HIGHEST,
                preferred_element_type=jnp.float32)

    return pl.pallas_call(
        body,
        grid=(G,),
        in_specs=[pl.BlockSpec((R, W), lambda i: (i, 0))],
        out_specs=pl.BlockSpec((D, lb), lambda i: (0, i)),
        out_shape=jax.ShapeDtypeStruct((D, M), jnp.float32),
    )


def _make_elect(M, B):
    EV = B // NS
    NCHUNK = EV // CH

    def body(idx2, rep_o, idx2d, rep2d, e1d, T):
        cid = lax.axis_index("c")
        sid = lax.axis_index("s")
        base = sid * EV
        rows_per_tile = EV // CH

        @pl.when(cid == 0)
        def _():
            pltpu.sync_copy(idx2.at[pl.ds(sid * rows_per_tile,
                                          rows_per_tile)], idx2d)

            def init_body(i, carry):
                e1d[pl.ds(i * L, L)] = (
                    jnp.full((L,), base, dtype=jnp.int32)
                    + i * L + lax.iota(jnp.int32, L))
                return carry
            lax.fori_loop(0, EV // L, init_body, 0)
            for j in range(NCHUNK):
                pltpu.sync_copy(e1d.at[pl.ds(j * CH, CH)],
                                T.at[idx2d.at[j]])

        plsc.subcore_barrier()

        @pl.when(cid == 0)
        def _():
            for j in range(NCHUNK):
                pltpu.sync_copy(T.at[idx2d.at[j]], rep2d.at[j])
            pltpu.sync_copy(rep2d,
                            rep_o.at[pl.ds(sid * rows_per_tile,
                                           rows_per_tile)])

    out_type = jax.ShapeDtypeStruct((B // CH, CH), jnp.int32)
    scratch = [
        pltpu.VMEM((EV // CH, CH), jnp.int32),
        pltpu.VMEM((EV // CH, CH), jnp.int32),
        pltpu.VMEM((EV,), jnp.int32),
        pltpu.VMEM_SHARED((M,), jnp.int32),
    ]
    return pl.kernel(body, out_type=out_type, mesh=_sc_mesh(),
                     scratch_types=scratch, compiler_params=_sc_params())


def _row_permute(idx2d, nrows):
    for r in range(nrows):
        for k in range(CH // L):
            v = idx2d[r, pl.ds(k * L, L)]
            w = ((v & (-8192)) | ((v & 2047) << 2)
                 | (lax.shift_right_logical(v, 11) & 3))
            idx2d[r, pl.ds(k * L, L)] = w


def _make_hgather(M, B, D):
    NW = NC * NS
    EV = B // NW
    NCHUNK = EV // CH

    def body(tab, idx2, h_o, idx2d, rows_v):
        cid = lax.axis_index("c")
        sid = lax.axis_index("s")
        w = cid * NS + sid
        rows_per_w = EV // CH
        pltpu.sync_copy(idx2.at[pl.ds(w * rows_per_w, rows_per_w)], idx2d)
        _row_permute(idx2d, rows_per_w)
        for j in range(NCHUNK):
            pltpu.sync_copy(tab.at[idx2d.at[j]],
                            rows_v.at[pl.ds(j * CH, CH)])
        pltpu.sync_copy(rows_v, h_o.at[pl.ds(w * EV, EV)])

    out_type = jax.ShapeDtypeStruct((B, D), jnp.float32)
    scratch = [
        pltpu.VMEM((EV // CH, CH), jnp.int32),
        pltpu.VMEM((EV, D), jnp.float32),
    ]
    return pl.kernel(body, out_type=out_type, mesh=_sc_mesh(),
                     scratch_types=scratch, compiler_params=_sc_params())


def _make_aggregate(B, D):
    EV = B // NS
    NCHUNK = EV // CH

    def body(rep2, val, S_o, c_o,
             rep2d, ones1d, z1v, val_v, rows_v, acc, cnt):
        cid = lax.axis_index("c")
        sid = lax.axis_index("s")
        base = sid * EV
        rows_per_tile = EV // CH

        @pl.when(cid == 0)
        def _():
            pltpu.sync_copy(rep2.at[pl.ds(sid * rows_per_tile,
                                          rows_per_tile)], rep2d)
            pltpu.sync_copy(val.at[pl.ds(base, EV)], val_v)

            def init_body(i, carry):
                ones1d[pl.ds(i * L, L)] = jnp.full((L,), 1.0,
                                                   dtype=jnp.float32)
                z1v[pl.ds(i * L, L)] = jnp.full((L,), 0.0, dtype=jnp.float32)
                return carry
            lax.fori_loop(0, EV // L, init_body, 0)

            def zero_body(i, carry):
                rows_v[i, pl.ds(0, L)] = jnp.full((L,), 0.0,
                                                  dtype=jnp.float32)
                rows_v[i, pl.ds(L, L)] = jnp.full((L,), 0.0,
                                                  dtype=jnp.float32)
                return carry
            lax.fori_loop(0, EV, zero_body, 0)

            pltpu.sync_copy(rows_v, acc.at[pl.ds(base, EV)])
            pltpu.sync_copy(z1v, cnt.at[pl.ds(base, EV)])

        plsc.subcore_barrier()

        @pl.when(cid == 0)
        def _():
            for j in range(NCHUNK):
                pltpu.sync_copy(val_v.at[pl.ds(j * CH, CH)],
                                acc.at[rep2d.at[j]], add=True)
                pltpu.sync_copy(ones1d.at[pl.ds(j * CH, CH)],
                                cnt.at[rep2d.at[j]], add=True)

        plsc.subcore_barrier()

        @pl.when(cid == 0)
        def _():
            for j in range(NCHUNK):
                pltpu.sync_copy(acc.at[rep2d.at[j]],
                                rows_v.at[pl.ds(j * CH, CH)])
                pltpu.sync_copy(cnt.at[rep2d.at[j]],
                                ones1d.at[pl.ds(j * CH, CH)])
            pltpu.sync_copy(rows_v, S_o.at[pl.ds(base, EV)])
            pltpu.sync_copy(ones1d, c_o.at[pl.ds(base, EV)])

    out_type = (
        jax.ShapeDtypeStruct((B, D), jnp.float32),
        jax.ShapeDtypeStruct((B,), jnp.float32),
    )
    scratch = [
        pltpu.VMEM((EV // CH, CH), jnp.int32),
        pltpu.VMEM((EV,), jnp.float32),
        pltpu.VMEM((EV,), jnp.float32),
        pltpu.VMEM((EV, D), jnp.float32),
        pltpu.VMEM((EV, D), jnp.float32),
        pltpu.VMEM_SHARED((B, D), jnp.float32),
        pltpu.VMEM_SHARED((B,), jnp.float32),
    ]
    return pl.kernel(body, out_type=out_type, mesh=_sc_mesh(),
                     scratch_types=scratch, compiler_params=_sc_params())


def _make_gru(B, D, block):

    def body(S, c, h, Wr, Wz, Wn, Ur, Uz, Un, br, bz, bn, dr, dz, dn, out):
        m = S[...] / jnp.maximum(c[...], 1.0)
        hh = h[...]
        i_r = jnp.dot(m, Wr[...], preferred_element_type=jnp.float32) + br[...]
        i_z = jnp.dot(m, Wz[...], preferred_element_type=jnp.float32) + bz[...]
        i_n = jnp.dot(m, Wn[...], preferred_element_type=jnp.float32) + bn[...]
        h_r = jnp.dot(hh, Ur[...], preferred_element_type=jnp.float32) + dr[...]
        h_z = jnp.dot(hh, Uz[...], preferred_element_type=jnp.float32) + dz[...]
        h_n = jnp.dot(hh, Un[...], preferred_element_type=jnp.float32) + dn[...]
        r = jax.nn.sigmoid(i_r + h_r)
        z = jax.nn.sigmoid(i_z + h_z)
        n = jnp.tanh(i_n + r * h_n)
        out[:, pl.ds(0, D)] = ((1.0 - z) * n + z * hh)

    grid = (B // block,)
    row_spec = pl.BlockSpec((block, D), lambda i: (i, 0))
    c_spec = pl.BlockSpec((block, 1), lambda i: (i, 0))
    w_spec = pl.BlockSpec((D, D), lambda i: (0, 0))
    b_spec = pl.BlockSpec((1, D), lambda i: (0, 0))
    return pl.pallas_call(
        body,
        grid=grid,
        in_specs=[row_spec, c_spec, row_spec] + [w_spec] * 6 + [b_spec] * 6,
        out_specs=row_spec,
        out_shape=jax.ShapeDtypeStruct((B, D), jnp.float32),
    )


def _make_scatter(M, B, D):
    NW = NC * NS
    EV = B // NW
    NCHUNK = EV // CH

    def body(tab_in, idx2, hnew, out, idx2d, h_v):
        cid = lax.axis_index("c")
        sid = lax.axis_index("s")
        w = cid * NS + sid
        rows_per_w = EV // CH
        pltpu.sync_copy(idx2.at[pl.ds(w * rows_per_w, rows_per_w)], idx2d)
        _row_permute(idx2d, rows_per_w)
        pltpu.sync_copy(hnew.at[pl.ds(w * EV, EV)], h_v)
        for j in range(NCHUNK):
            pltpu.sync_copy(h_v.at[pl.ds(j * CH, CH)], out.at[idx2d.at[j]])

    scratch = [
        pltpu.VMEM((EV // CH, CH), jnp.int32),
        pltpu.VMEM((EV, D), jnp.float32),
    ]
    return _mpmd._mpmd_map(
        [(_sc_mesh(), body)],
        out_types=jax.ShapeDtypeStruct((M, D), jnp.float32),
        input_output_aliases={0: 0},
        scratch_types=scratch,
        compiler_params=_sc_params(),
    )


def kernel(mem, idx, val, W_ih, W_hh, b_ih, b_hh):
    M, D = mem.shape
    B = idx.shape[0]

    idx2 = idx.astype(jnp.int32).reshape(B // CH, CH)

    mem_t = jnp.swapaxes(mem, 0, 1)
    LB = 8192
    tab = _make_to_rows(M, D, LB)(mem_t)
    TL = tab.shape[0]
    tab1m = tab.reshape(TL * (W // D), D)

    rep2 = _make_elect(M, B)(idx2)
    S, c = _make_aggregate(B, D)(rep2, val)
    h = _make_hgather(M, B, D)(tab1m, idx2)

    Wr, Wz, Wn = W_ih[:, :D], W_ih[:, D:2 * D], W_ih[:, 2 * D:]
    Ur, Uz, Un = W_hh[:, :D], W_hh[:, D:2 * D], W_hh[:, 2 * D:]
    br, bz, bn = (b_ih[:D].reshape(1, D), b_ih[D:2 * D].reshape(1, D),
                  b_ih[2 * D:].reshape(1, D))
    dr, dz, dn = (b_hh[:D].reshape(1, D), b_hh[D:2 * D].reshape(1, D),
                  b_hh[2 * D:].reshape(1, D))

    h_new = _make_gru(B, D, 2048)(
        S, c.reshape(B, 1), h, Wr, Wz, Wn, Ur, Uz, Un,
        br, bz, bn, dr, dz, dn)

    out_tab = _make_scatter(tab1m.shape[0], B, D)(tab1m, idx2, h_new)
    out_t = _make_to_native(M, D, LB)(out_tab.reshape(TL, W))
    return jnp.swapaxes(out_t, 0, 1)

# --- scband reference (transcript-rebuilt; emitter-appended) ---
"""Pipeline reference for scband-connect-55997783605361 (READ-ONLY COPY).

The authoritative reference and input builder live on the scoring server;
editing this copy changes nothing except your own understanding.
"""

import jax, jax.numpy as jnp
import numpy as np

M = 1000000
D = 32
B = 16384


def setup_inputs(seed: int = 0) -> dict:
    key = jax.random.key(seed)
    ks = jax.random.split(key, 8)
    mem = jax.random.normal(ks[0], (M, D), dtype=jnp.float32)
    idx = jax.random.randint(ks[1], (B,), 0, M)
    val = jax.random.normal(ks[2], (B, D), dtype=jnp.float32)
    scale = 1.0 / np.sqrt(D)
    W_ih = jax.random.uniform(ks[3], (D, 3 * D), minval=-scale, maxval=scale, dtype=jnp.float32)
    W_hh = jax.random.uniform(ks[4], (D, 3 * D), minval=-scale, maxval=scale, dtype=jnp.float32)
    b_ih = jax.random.uniform(ks[5], (3 * D,), minval=-scale, maxval=scale, dtype=jnp.float32)
    b_hh = jax.random.uniform(ks[6], (3 * D,), minval=-scale, maxval=scale, dtype=jnp.float32)
    return {"mem": mem, "idx": idx, "val": val, "W_ih": W_ih, "W_hh": W_hh, "b_ih": b_ih, "b_hh": b_hh}


def reference(mem, idx, val, W_ih, W_hh, b_ih, b_hh):
    # CONNECT _update_nodes_memory core: aggregate event messages per node
    # (mean aggregator), gather old memory, GRU memory-updater, scatter-write.
    num_nodes = mem.shape[0]
    d = val.shape[1]
    # message aggregation: scatter-add sums + counts -> per-node mean message
    msg_sum = jnp.zeros((num_nodes, d), dtype=val.dtype).at[idx].add(val)
    cnt = jnp.zeros((num_nodes,), dtype=val.dtype).at[idx].add(1.0)
    agg = msg_sum / jnp.maximum(cnt, 1.0)[:, None]
    # gather aggregated message and old memory per event (duplicates yield
    # identical values, so the scatter-overwrite below is deterministic)
    m = jnp.take(agg, idx, axis=0)
    h = jnp.take(mem, idx, axis=0)
    # GRU cell memory updater
    gi = m @ W_ih + b_ih
    gh = h @ W_hh + b_hh
    i_r, i_z, i_n = jnp.split(gi, 3, axis=-1)
    h_r, h_z, h_n = jnp.split(gh, 3, axis=-1)
    r = jax.nn.sigmoid(i_r + h_r)
    z = jax.nn.sigmoid(i_z + h_z)
    n = jnp.tanh(i_n + r * h_n)
    h_new = (1.0 - z) * n + z * h
    # scatter-overwrite updated rows into the memory table
    new_mem = mem.at[idx].set(h_new)
    return new_mem

if __name__ == "__main__":
    import jax
    _d = setup_inputs()
    print(jax.jit(kernel)(*tuple(_d.values())))

</pallas_src>

<mosaic_0001>
#map = affine_map<(d0, d1) -> (0, 0)>
module attributes {stable_mosaic.version = 14 : i64} {
  func.func @body(%arg0: i32, %arg1: i32, %arg2: memref<1007616x32xf32, #tpu.memory_space<hbm>>, %arg3: memref<128x128xi32, #tpu.memory_space<hbm>>, %arg4: memref<16384x32xf32, #tpu.memory_space<hbm>>, %arg5: memref<1007616x32xf32, #tpu.memory_space<hbm>>, %arg6: memref<4x128xi32, #tpu.memory_space<vmem>>, %arg7: memref<512x32xf32, #tpu.memory_space<vmem>>) attributes {dimension_semantics = [#tpu.dimension_semantics<core_parallel>, #tpu.dimension_semantics<subcore_parallel>], iteration_bounds = array<i64: 2, 16>, scalar_prefetch = 0 : i64, scratch_operands = 2 : i64, tpu.core_type = #tpu.core_type<sc_vector_subcore>, window_params = [{transform_indices = #map}, {transform_indices = #map}, {transform_indices = #map}, {transform_indices = #map}]} {
    %mul3A = arith.constant 16 : i32
    %mul3A_0 = arith.muli %arg0, %mul3A : i32
    %add3A = arith.addi %mul3A_0, %arg1 : i32
    %mul3A_1 = arith.constant 4 : i32
    %mul3A_2 = arith.muli %add3A, %mul3A_1 : i32
    "tpu.region"() ({
      %run_scoped3A_898 = tpu.sem_alloc : memref<!tpu.dma_semaphore, #tpu.memory_space<semaphore_mem>>
      %dma_start3A = arith.constant 0 : i32
      %dma_start3A_899 = tpu.memref_slice %arg3[%mul3A_2, %dma_start3A] : memref<128x128xi32, #tpu.memory_space<hbm>> -> memref<4x128xi32, #tpu.memory_space<hbm>>
      %dma_start3A_900 = arith.constant 0 : i32
      %dma_start3A_901 = tpu.memref_slice %arg3[%mul3A_2, %dma_start3A_900] : memref<128x128xi32, #tpu.memory_space<hbm>> -> memref<4x128xi32, #tpu.memory_space<hbm>>
      tpu.enqueue_dma source(%dma_start3A_901 : memref<4x128xi32, #tpu.memory_space<hbm>>) target(%arg6 : memref<4x128xi32, #tpu.memory_space<vmem>>) target_semaphore(%run_scoped3A_898 : memref<!tpu.dma_semaphore, #tpu.memory_space<semaphore_mem>>)
      %dma_wait3A = arith.constant 0 : i32
      %dma_wait3A_902 = tpu.memref_slice %arg3[%mul3A_2, %dma_wait3A] : memref<128x128xi32, #tpu.memory_space<hbm>> -> memref<4x128xi32, #tpu.memory_space<hbm>>
      %dma_wait3A_903 = arith.constant 0 : i32
      %dma_wait3A_904 = tpu.memref_slice %arg3[%mul3A_2, %dma_wait3A_903] : memref<128x128xi32, #tpu.memory_space<hbm>> -> memref<4x128xi32, #tpu.memory_space<hbm>>
      tpu.wait_dma2 semaphore(%run_scoped3A_898 : memref<!tpu.dma_semaphore, #tpu.memory_space<semaphore_mem>>) src(%dma_wait3A_904 : memref<4x128xi32, #tpu.memory_space<hbm>>) dst(%arg6 : memref<4x128xi32, #tpu.memory_space<vmem>>)
      tpu.yield
    }) : () -> ()
    %get3A = arith.constant 0 : i32
    %get3A_3 = arith.index_cast %get3A : i32 to index
    %get3A_4 = arith.constant 0 : index
    %get3A_5 = tpu.vector_load %arg6[%get3A_3, %get3A_4] {strides = array<i32>} : memref<4x128xi32, #tpu.memory_space<vmem>>, vector<1x16xi32>,
    %get3A_6 = vector.shape_cast %get3A_5 : vector<1x16xi32> to vector<16xi32>
    %and3A = arith.constant -8192 : i32
    %and3A_7 = vector.broadcast %and3A : i32 to vector<16xi32>
    %and3A_8 = arith.andi %get3A_6, %and3A_7 : vector<16xi32>
    %and3A_9 = arith.constant 2047 : i32
    %and3A_10 = vector.broadcast %and3A_9 : i32 to vector<16xi32>
    %and3A_11 = arith.andi %get3A_6, %and3A_10 : vector<16xi32>
    %shift_left3A = arith.constant 2 : i32
    %shift_left3A_12 = vector.broadcast %shift_left3A : i32 to vector<16xi32>
    %shift_left3A_13 = arith.shli %and3A_11, %shift_left3A_12 : vector<16xi32>
    %or3A = arith.ori %and3A_8, %shift_left3A_13 : vector<16xi32>
    %shift_right_logical3A = arith.constant 11 : i32
    %shift_right_logical3A_14 = vector.broadcast %shift_right_logical3A : i32 to vector<16xi32>
    %shift_right_logical3A_15 = arith.shrui %get3A_6, %shift_right_logical3A_14 : vector<16xi32>
    %and3A_16 = arith.constant 3 : i32
    %and3A_17 = vector.broadcast %and3A_16 : i32 to vector<16xi32>
    %and3A_18 = arith.andi %shift_right_logical3A_15, %and3A_17 : vector<16xi32>
    %or3A_19 = arith.ori %or3A, %and3A_18 : vector<16xi32>
    %swap3A = arith.constant 0 : i32
    %swap3A_20 = arith.index_cast %swap3A : i32 to index
    %swap3A_21 = arith.constant 0 : index
    %swap3A_22 = tpu.vector_load %arg6[%swap3A_20, %swap3A_21] {strides = array<i32>} : memref<4x128xi32, #tpu.memory_space<vmem>>, vector<1x16xi32>,
    %swap3A_23 = vector.shape_cast %swap3A_22 : vector<1x16xi32> to vector<16xi32>
    %swap3A_24 = vector.shape_cast %or3A_19 : vector<16xi32> to vector<1x16xi32>
    tpu.vector_store %arg6[%swap3A_20, %swap3A_21], %swap3A_24 {strides = array<i32>} : memref<4x128xi32, #tpu.memory_space<vmem>>, vector<1x16xi32>,
    %get3A_25 = arith.constant 0 : i32
    %get3A_26 = arith.index_cast %get3A_25 : i32 to index
    %get3A_27 = arith.constant 16 : index
    %get3A_28 = tpu.vector_load %arg6[%get3A_26, %get3A_27] {strides = array<i32>} : memref<4x128xi32, #tpu.memory_space<vmem>>, vector<1x16xi32>,
    %get3A_29 = vector.shape_cast %get3A_28 : vector<1x16xi32> to vector<16xi32>
    %and3A_30 = arith.constant -8192 : i32
    %and3A_31 = vector.broadcast %and3A_30 : i32 to vector<16xi32>
    %and3A_32 = arith.andi %get3A_29, %and3A_31 : vector<16xi32>
    %and3A_33 = arith.constant 2047 : i32
    %and3A_34 = vector.broadcast %and3A_33 : i32 to vector<16xi32>
    %and3A_35 = arith.andi %get3A_29, %and3A_34 : vector<16xi32>
    %shift_left3A_36 = arith.constant 2 : i32
    %shift_left3A_37 = vector.broadcast %shift_left3A_36 : i32 to vector<16xi32>
    %shift_left3A_38 = arith.shli %and3A_35, %shift_left3A_37 : vector<16xi32>
    %or3A_39 = arith.ori %and3A_32, %shift_left3A_38 : vector<16xi32>
    %shift_right_logical3A_40 = arith.constant 11 : i32
    %shift_right_logical3A_41 = vector.broadcast %shift_right_logical3A_40 : i32 to vector<16xi32>
    %shift_right_logical3A_42 = arith.shrui %get3A_29, %shift_right_logical3A_41 : vector<16xi32>
    %and3A_43 = arith.constant 3 : i32
    %and3A_44 = vector.broadcast %and3A_43 : i32 to vector<16xi32>
    %and3A_45 = arith.andi %shift_right_logical3A_42, %and3A_44 : vector<16xi32>
    %or3A_46 = arith.ori %or3A_39, %and3A_45 : vector<16xi32>
    %swap3A_47 = arith.constant 0 : i32
    %swap3A_48 = arith.index_cast %swap3A_47 : i32 to index
    %swap3A_49 = arith.constant 16 : index
    %swap3A_50 = tpu.vector_load %arg6[%swap3A_48, %swap3A_49] {strides = array<i32>} : memref<4x128xi32, #tpu.memory_space<vmem>>, vector<1x16xi32>,
    %swap3A_51 = vector.shape_cast %swap3A_50 : vector<1x16xi32> to vector<16xi32>
    %swap3A_52 = vector.shape_cast %or3A_46 : vector<16xi32> to vector<1x16xi32>
    tpu.vector_store %arg6[%swap3A_48, %swap3A_49], %swap3A_52 {strides = array<i32>} : memref<4x128xi32, #tpu.memory_space<vmem>>, vector<1x16xi32>,
    %get3A_53 = arith.constant 0 : i32
    %get3A_54 = arith.index_cast %get3A_53 : i32 to index
    %get3A_55 = arith.constant 32 : index
    %get3A_56 = tpu.vector_load %arg6[%get3A_54, %get3A_55] {strides = array<i32>} : memref<4x128xi32, #tpu.memory_space<vmem>>, vector<1x16xi32>,
    %get3A_57 = vector.shape_cast %get3A_56 : vector<1x16xi32> to vector<16xi32>
    %and3A_58 = arith.constant -8192 : i32
    %and3A_59 = vector.broadcast %and3A_58 : i32 to vector<16xi32>
    %and3A_60 = arith.andi %get3A_57, %and3A_59 : vector<16xi32>
    %and3A_61 = arith.constant 2047 : i32
    %and3A_62 = vector.broadcast %and3A_61 : i32 to vector<16xi32>
    %and3A_63 = arith.andi %get3A_57, %and3A_62 : vector<16xi32>
    %shift_left3A_64 = arith.constant 2 : i32
    %shift_left3A_65 = vector.broadcast %shift_left3A_64 : i32 to vector<16xi32>
    %shift_left3A_66 = arith.shli %and3A_63, %shift_left3A_65 : vector<16xi32>
    %or3A_67 = arith.ori %and3A_60, %shift_left3A_66 : vector<16xi32>
    %shift_right_logical3A_68 = arith.constant 11 : i32
    %shift_right_logical3A_69 = vector.broadcast %shift_right_logical3A_68 : i32 to vector<16xi32>
    %shift_right_logical3A_70 = arith.shrui %get3A_57, %shift_right_logical3A_69 : vector<16xi32>
    %and3A_71 = arith.constant 3 : i32
    %and3A_72 = vector.broadcast %and3A_71 : i32 to vector<16xi32>
    %and3A_73 = arith.andi %shift_right_logical3A_70, %and3A_72 : vector<16xi32>
    %or3A_74 = arith.ori %or3A_67, %and3A_73 : vector<16xi32>
    %swap3A_75 = arith.constant 0 : i32
    %swap3A_76 = arith.index_cast %swap3A_75 : i32 to index
    %swap3A_77 = arith.constant 32 : index
    %swap3A_78 = tpu.vector_load %arg6[%swap3A_76, %swap3A_77] {strides = array<i32>} : memref<4x128xi32, #tpu.memory_space<vmem>>, vector<1x16xi32>,
    %swap3A_79 = vector.shape_cast %swap3A_78 : vector<1x16xi32> to vector<16xi32>
    %swap3A_80 = vector.shape_cast %or3A_74 : vector<16xi32> to vector<1x16xi32>
    tpu.vector_store %arg6[%swap3A_76, %swap3A_77], %swap3A_80 {strides = array<i32>} : memref<4x128xi32, #tpu.memory_space<vmem>>, vector<1x16xi32>,
    %get3A_81 = arith.constant 0 : i32
    %get3A_82 = arith.index_cast %get3A_81 : i32 to index
    %get3A_83 = arith.constant 48 : index
    %get3A_84 = tpu.vector_load %arg6[%get3A_82, %get3A_83] {strides = array<i32>} : memref<4x128xi32, #tpu.memory_space<vmem>>, vector<1x16xi32>,
    %get3A_85 = vector.shape_cast %get3A_84 : vector<1x16xi32> to vector<16xi32>
    %and3A_86 = arith.constant -8192 : i32
    %and3A_87 = vector.broadcast %and3A_86 : i32 to vector<16xi32>
    %and3A_88 = arith.andi %get3A_85, %and3A_87 : vector<16xi32>
    %and3A_89 = arith.constant 2047 : i32
    %and3A_90 = vector.broadcast %and3A_89 : i32 to vector<16xi32>
    %and3A_91 = arith.andi %get3A_85, %and3A_90 : vector<16xi32>
    %shift_left3A_92 = arith.constant 2 : i32
    %shift_left3A_93 = vector.broadcast %shift_left3A_92 : i32 to vector<16xi32>
    %shift_left3A_94 = arith.shli %and3A_91, %shift_left3A_93 : vector<16xi32>
    %or3A_95 = arith.ori %and3A_88, %shift_left3A_94 : vector<16xi32>
    %shift_right_logical3A_96 = arith.constant 11 : i32
    %shift_right_logical3A_97 = vector.broadcast %shift_right_logical3A_96 : i32 to vector<16xi32>
    %shift_right_logical3A_98 = arith.shrui %get3A_85, %shift_right_logical3A_97 : vector<16xi32>
    %and3A_99 = arith.constant 3 : i32
    %and3A_100 = vector.broadcast %and3A_99 : i32 to vector<16xi32>
    %and3A_101 = arith.andi %shift_right_logical3A_98, %and3A_100 : vector<16xi32>
    %or3A_102 = arith.ori %or3A_95, %and3A_101 : vector<16xi32>
    %swap3A_103 = arith.constant 0 : i32
    %swap3A_104 = arith.index_cast %swap3A_103 : i32 to index
    %swap3A_105 = arith.constant 48 : index
    %swap3A_106 = tpu.vector_load %arg6[%swap3A_104, %swap3A_105] {strides = array<i32>} : memref<4x128xi32, #tpu.memory_space<vmem>>, vector<1x16xi32>,
    %swap3A_107 = vector.shape_cast %swap3A_106 : vector<1x16xi32> to vector<16xi32>
    %swap3A_108 = vector.shape_cast %or3A_102 : vector<16xi32> to vector<1x16xi32>
    tpu.vector_store %arg6[%swap3A_104, %swap3A_105], %swap3A_108 {strides = array<i32>} : memref<4x128xi32, #tpu.memory_space<vmem>>, vector<1x16xi32>,
    %get3A_109 = arith.constant 0 : i32
    %get3A_110 = arith.index_cast %get3A_109 : i32 to index
    %get3A_111 = arith.constant 64 : index
    %get3A_112 = tpu.vector_load %arg6[%get3A_110, %get3A_111] {strides = array<i32>} : memref<4x128xi32, #tpu.memory_space<vmem>>, vector<1x16xi32>,
    %get3A_113 = vector.shape_cast %get3A_112 : vector<1x16xi32> to vector<16xi32>
    %and3A_114 = arith.constant -8192 : i32
    %and3A_115 = vector.broadcast %and3A_114 : i32 to vector<16xi32>
    %and3A_116 = arith.andi %get3A_113, %and3A_115 : vector<16xi32>
    %and3A_117 = arith.constant 2047 : i32
    %and3A_118 = vector.broadcast %and3A_117 : i32 to vector<16xi32>
    %and3A_119 = arith.andi %get3A_113, %and3A_118 : vector<16xi32>
    %shift_left3A_120 = arith.constant 2 : i32
    %shift_left3A_121 = vector.broadcast %shift_left3A_120 : i32 to vector<16xi32>
    %shift_left3A_122 = arith.shli %and3A_119, %shift_left3A_121 : vector<16xi32>
    %or3A_123 = arith.ori %and3A_116, %shift_left3A_122 : vector<16xi32>
    %shift_right_logical3A_124 = arith.constant 11 : i32
    %shift_right_logical3A_125 = vector.broadcast %shift_right_logical3A_124 : i32 to vector<16xi32>
    %shift_right_logical3A_126 = arith.shrui %get3A_113, %shift_right_logical3A_125 : vector<16xi32>
    %and3A_127 = arith.constant 3 : i32
    %and3A_128 = vector.broadcast %and3A_127 : i32 to vector<16xi32>
    %and3A_129 = arith.andi %shift_right_logical3A_126, %and3A_128 : vector<16xi32>
    %or3A_130 = arith.ori %or3A_123, %and3A_129 : vector<16xi32>
    %swap3A_131 = arith.constant 0 : i32
    %swap3A_132 = arith.index_cast %swap3A_131 : i32 to index
    %swap3A_133 = arith.constant 64 : index
    %swap3A_134 = tpu.vector_load %arg6[%swap3A_132, %swap3A_133] {strides = array<i32>} : memref<4x128xi32, #tpu.memory_space<vmem>>, vector<1x16xi32>,
    %swap3A_135 = vector.shape_cast %swap3A_134 : vector<1x16xi32> to vector<16xi32>
    %swap3A_136 = vector.shape_cast %or3A_130 : vector<16xi32> to vector<1x16xi32>
    tpu.vector_store %arg6[%swap3A_132, %swap3A_133], %swap3A_136 {strides = array<i32>} : memref<4x128xi32, #tpu.memory_space<vmem>>, vector<1x16xi32>,
    %get3A_137 = arith.constant 0 : i32
    %get3A_138 = arith.index_cast %get3A_137 : i32 to index
    %get3A_139 = arith.constant 80 : index
    %get3A_140 = tpu.vector_load %arg6[%get3A_138, %get3A_139] {strides = array<i32>} : memref<4x128xi32, #tpu.memory_space<vmem>>, vector<1x16xi32>,
    %get3A_141 = vector.shape_cast %get3A_140 : vector<1x16xi32> to vector<16xi32>
    %and3A_142 = arith.constant -8192 : i32
    %and3A_143 = vector.broadcast %and3A_142 : i32 to vector<16xi32>
    %and3A_144 = arith.andi %get3A_141, %and3A_143 : vector<16xi32>
    %and3A_145 = arith.constant 2047 : i32
    %and3A_146 = vector.broadcast %and3A_145 : i32 to vector<16xi32>
    %and3A_147 = arith.andi %get3A_141, %and3A_146 : vector<16xi32>
    %shift_left3A_148 = arith.constant 2 : i32
    %shift_left3A_149 = vector.broadcast %shift_left3A_148 : i32 to vector<16xi32>
    %shift_left3A_150 = arith.shli %and3A_147, %shift_left3A_149 : vector<16xi32>
    %or3A_151 = arith.ori %and3A_144, %shift_left3A_150 : vector<16xi32>
    %shift_right_logical3A_152 = arith.constant 11 : i32
    %shift_right_logical3A_153 = vector.broadcast %shift_right_logical3A_152 : i32 to vector<16xi32>
    %shift_right_logical3A_154 = arith.shrui %get3A_141, %shift_right_logical3A_153 : vector<16xi32>
    %and3A_155 = arith.constant 3 : i32
    %and3A_156 = vector.broadcast %and3A_155 : i32 to vector<16xi32>
    %and3A_157 = arith.andi %shift_right_logical3A_154, %and3A_156 : vector<16xi32>
    %or3A_158 = arith.ori %or3A_151, %and3A_157 : vector<16xi32>
    %swap3A_159 = arith.constant 0 : i32
    %swap3A_160 = arith.index_cast %swap3A_159 : i32 to index
    %swap3A_161 = arith.constant 80 : index
    %swap3A_162 = tpu.vector_load %arg6[%swap3A_160, %swap3A_161] {strides = array<i32>} : memref<4x128xi32, #tpu.memory_space<vmem>>, vector<1x16xi32>,
    %swap3A_163 = vector.shape_cast %swap3A_162 : vector<1x16xi32> to vector<16xi32>
    %swap3A_164 = vector.shape_cast %or3A_158 : vector<16xi32> to vector<1x16xi32>
    tpu.vector_store %arg6[%swap3A_160, %swap3A_161], %swap3A_164 {strides = array<i32>} : memref<4x128xi32, #tpu.memory_space<vmem>>, vector<1x16xi32>,
    %get3A_165 = arith.constant 0 : i32
    %get3A_166 = arith.index_cast %get3A_165 : i32 to index
    %get3A_167 = arith.constant 96 : index
    %get3A_168 = tpu.vector_load %arg6[%get3A_166, %get3A_167] {strides = array<i32>} : memref<4x128xi32, #tpu.memory_space<vmem>>, vector<1x16xi32>,
    %get3A_169 = vector.shape_cast %get3A_168 : vector<1x16xi32> to vector<16xi32>
    %and3A_170 = arith.constant -8192 : i32
    %and3A_171 = vector.broadcast %and3A_170 : i32 to vector<16xi32>
    %and3A_172 = arith.andi %get3A_169, %and3A_171 : vector<16xi32>
    %and3A_173 = arith.constant 2047 : i32
    %and3A_174 = vector.broadcast %and3A_173 : i32 to vector<16xi32>
    %and3A_175 = arith.andi %get3A_169, %and3A_174 : vector<16xi32>
    %shift_left3A_176 = arith.constant 2 : i32
    %shift_left3A_177 = vector.broadcast %shift_left3A_176 : i32 to vector<16xi32>
    %shift_left3A_178 = arith.shli %and3A_175, %shift_left3A_177 : vector<16xi32>
    %or3A_179 = arith.ori %and3A_172, %shift_left3A_178 : vector<16xi32>
    %shift_right_logical3A_180 = arith.constant 11 : i32
    %shift_right_logical3A_181 = vector.broadcast %shift_right_logical3A_180 : i32 to vector<16xi32>
    %shift_right_logical3A_182 = arith.shrui %get3A_169, %shift_right_logical3A_181 : vector<16xi32>
    %and3A_183 = arith.constant 3 : i32
    %and3A_184 = vector.broadcast %and3A_183 : i32 to vector<16xi32>
    %and3A_185 = arith.andi %shift_right_logical3A_182, %and3A_184 : vector<16xi32>
    %or3A_186 = arith.ori %or3A_179, %and3A_185 : vector<16xi32>
    %swap3A_187 = arith.constant 0 : i32
    %swap3A_188 = arith.index_cast %swap3A_187 : i32 to index
    %swap3A_189 = arith.constant 96 : index
    %swap3A_190 = tpu.vector_load %arg6[%swap3A_188, %swap3A_189] {strides = array<i32>} : memref<4x128xi32, #tpu.memory_space<vmem>>, vector<1x16xi32>,
    %swap3A_191 = vector.shape_cast %swap3A_190 : vector<1x16xi32> to vector<16xi32>
    %swap3A_192 = vector.shape_cast %or3A_186 : vector<16xi32> to vector<1x16xi32>
    tpu.vector_store %arg6[%swap3A_188, %swap3A_189], %swap3A_192 {strides = array<i32>} : memref<4x128xi32, #tpu.memory_space<vmem>>, vector<1x16xi32>,
    %get3A_193 = arith.constant 0 : i32
    %get3A_194 = arith.index_cast %get3A_193 : i32 to index
    %get3A_195 = arith.constant 112 : index
    %get3A_196 = tpu.vector_load %arg6[%get3A_194, %get3A_195] {strides = array<i32>} : memref<4x128xi32, #tpu.memory_space<vmem>>, vector<1x16xi32>,
    %get3A_197 = vector.shape_cast %get3A_196 : vector<1x16xi32> to vector<16xi32>
    %and3A_198 = arith.constant -8192 : i32
    %and3A_199 = vector.broadcast %and3A_198 : i32 to vector<16xi32>
    %and3A_200 = arith.andi %get3A_197, %and3A_199 : vector<16xi32>
    %and3A_201 = arith.constant 2047 : i32
    %and3A_202 = vector.broadcast %and3A_201 : i32 to vector<16xi32>
    %and3A_203 = arith.andi %get3A_197, %and3A_202 : vector<16xi32>
    %shift_left3A_204 = arith.constant 2 : i32
    %shift_left3A_205 = vector.broadcast %shift_left3A_204 : i32 to vector<16xi32>
    %shift_left3A_206 = arith.shli %and3A_203, %shift_left3A_205 : vector<16xi32>
    %or3A_207 = arith.ori %and3A_200, %shift_left3A_206 : vector<16xi32>
    %shift_right_logical3A_208 = arith.constant 11 : i32
    %shift_right_logical3A_209 = vector.broadcast %shift_right_logical3A_208 : i32 to vector<16xi32>
    %shift_right_logical3A_210 = arith.shrui %get3A_197, %shift_right_logical3A_209 : vector<16xi32>
    %and3A_211 = arith.constant 3 : i32
    %and3A_212 = vector.broadcast %and3A_211 : i32 to vector<16xi32>
    %and3A_213 = arith.andi %shift_right_logical3A_210, %and3A_212 : vector<16xi32>
    %or3A_214 = arith.ori %or3A_207, %and3A_213 : vector<16xi32>
    %swap3A_215 = arith.constant 0 : i32
    %swap3A_216 = arith.index_cast %swap3A_215 : i32 to index
    %swap3A_217 = arith.constant 112 : index
    %swap3A_218 = tpu.vector_load %arg6[%swap3A_216, %swap3A_217] {strides = array<i32>} : memref<4x128xi32, #tpu.memory_space<vmem>>, vector<1x16xi32>,
    %swap3A_219 = vector.shape_cast %swap3A_218 : vector<1x16xi32> to vector<16xi32>
    %swap3A_220 = vector.shape_cast %or3A_214 : vector<16xi32> to vector<1x16xi32>
    tpu.vector_store %arg6[%swap3A_216, %swap3A_217], %swap3A_220 {strides = array<i32>} : memref<4x128xi32, #tpu.memory_space<vmem>>, vector<1x16xi32>,
    %get3A_221 = arith.constant 1 : i32
    %get3A_222 = arith.index_cast %get3A_221 : i32 to index
    %get3A_223 = arith.constant 0 : index
    %get3A_224 = tpu.vector_load %arg6[%get3A_222, %get3A_223] {strides = array<i32>} : memref<4x128xi32, #tpu.memory_space<vmem>>, vector<1x16xi32>,
    %get3A_225 = vector.shape_cast %get3A_224 : vector<1x16xi32> to vector<16xi32>
    %and3A_226 = arith.constant -8192 : i32
    %and3A_227 = vector.broadcast %and3A_226 : i32 to vector<16xi32>
    %and3A_228 = arith.andi %get3A_225, %and3A_227 : vector<16xi32>
    %and3A_229 = arith.constant 2047 : i32
    %and3A_230 = vector.broadcast %and3A_229 : i32 to vector<16xi32>
    %and3A_231 = arith.andi %get3A_225, %and3A_230 : vector<16xi32>
    %shift_left3A_232 = arith.constant 2 : i32
    %shift_left3A_233 = vector.broadcast %shift_left3A_232 : i32 to vector<16xi32>
    %shift_left3A_234 = arith.shli %and3A_231, %shift_left3A_233 : vector<16xi32>
    %or3A_235 = arith.ori %and3A_228, %shift_left3A_234 : vector<16xi32>
    %shift_right_logical3A_236 = arith.constant 11 : i32
    %shift_right_logical3A_237 = vector.broadcast %shift_right_logical3A_236 : i32 to vector<16xi32>
    %shift_right_logical3A_238 = arith.shrui %get3A_225, %shift_right_logical3A_237 : vector<16xi32>
    %and3A_239 = arith.constant 3 : i32
    %and3A_240 = vector.broadcast %and3A_239 : i32 to vector<16xi32>
    %and3A_241 = arith.andi %shift_right_logical3A_238, %and3A_240 : vector<16xi32>
    %or3A_242 = arith.ori %or3A_235, %and3A_241 : vector<16xi32>
    %swap3A_243 = arith.constant 1 : i32
    %swap3A_244 = arith.index_cast %swap3A_243 : i32 to index
    %swap3A_245 = arith.constant 0 : index
    %swap3A_246 = tpu.vector_load %arg6[%swap3A_244, %swap3A_245] {strides = array<i32>} : memref<4x128xi32, #tpu.memory_space<vmem>>, vector<1x16xi32>,
    %swap3A_247 = vector.shape_cast %swap3A_246 : vector<1x16xi32> to vector<16xi32>
    %swap3A_248 = vector.shape_cast %or3A_242 : vector<16xi32> to vector<1x16xi32>
    tpu.vector_store %arg6[%swap3A_244, %swap3A_245], %swap3A_248 {strides = array<i32>} : memref<4x128xi32, #tpu.memory_space<vmem>>, vector<1x16xi32>,
    %get3A_249 = arith.constant 1 : i32
    %get3A_250 = arith.index_cast %get3A_249 : i32 to index
    %get3A_251 = arith.constant 16 : index
    %get3A_252 = tpu.vector_load %arg6[%get3A_250, %get3A_251] {strides = array<i32>} : memref<4x128xi32, #tpu.memory_space<vmem>>, vector<1x16xi32>,
    %get3A_253 = vector.shape_cast %get3A_252 : vector<1x16xi32> to vector<16xi32>
    %and3A_254 = arith.constant -8192 : i32
    %and3A_255 = vector.broadcast %and3A_254 : i32 to vector<16xi32>
    %and3A_256 = arith.andi %get3A_253, %and3A_255 : vector<16xi32>
    %and3A_257 = arith.constant 2047 : i32
    %and3A_258 = vector.broadcast %and3A_257 : i32 to vector<16xi32>
    %and3A_259 = arith.andi %get3A_253, %and3A_258 : vector<16xi32>
    %shift_left3A_260 = arith.constant 2 : i32
    %shift_left3A_261 = vector.broadcast %shift_left3A_260 : i32 to vector<16xi32>
    %shift_left3A_262 = arith.shli %and3A_259, %shift_left3A_261 : vector<16xi32>
    %or3A_263 = arith.ori %and3A_256, %shift_left3A_262 : vector<16xi32>
    %shift_right_logical3A_264 = arith.constant 11 : i32
    %shift_right_logical3A_265 = vector.broadcast %shift_right_logical3A_264 : i32 to vector<16xi32>
    %shift_right_logical3A_266 = arith.shrui %get3A_253, %shift_right_logical3A_265 : vector<16xi32>
    %and3A_267 = arith.constant 3 : i32
    %and3A_268 = vector.broadcast %and3A_267 : i32 to vector<16xi32>
    %and3A_269 = arith.andi %shift_right_logical3A_266, %and3A_268 : vector<16xi32>
    %or3A_270 = arith.ori %or3A_263, %and3A_269 : vector<16xi32>
    %swap3A_271 = arith.constant 1 : i32
    %swap3A_272 = arith.index_cast %swap3A_271 : i32 to index
    %swap3A_273 = arith.constant 16 : index
    %swap3A_274 = tpu.vector_load %arg6[%swap3A_272, %swap3A_273] {strides = array<i32>} : memref<4x128xi32, #tpu.memory_space<vmem>>, vector<1x16xi32>,
    %swap3A_275 = vector.shape_cast %swap3A_274 : vector<1x16xi32> to vector<16xi32>
    %swap3A_276 = vector.shape_cast %or3A_270 : vector<16xi32> to vector<1x16xi32>
    tpu.vector_store %arg6[%swap3A_272, %swap3A_273], %swap3A_276 {strides = array<i32>} : memref<4x128xi32, #tpu.memory_space<vmem>>, vector<1x16xi32>,
    %get3A_277 = arith.constant 1 : i32
    %get3A_278 = arith.index_cast %get3A_277 : i32 to index
    %get3A_279 = arith.constant 32 : index
    %get3A_280 = tpu.vector_load %arg6[%get3A_278, %get3A_279] {strides = array<i32>} : memref<4x128xi32, #tpu.memory_space<vmem>>, vector<1x16xi32>,
    %get3A_281 = vector.shape_cast %get3A_280 : vector<1x16xi32> to vector<16xi32>
    %and3A_282 = arith.constant -8192 : i32
    %and3A_283 = vector.broadcast %and3A_282 : i32 to vector<16xi32>
    %and3A_284 = arith.andi %get3A_281, %and3A_283 : vector<16xi32>
    %and3A_285 = arith.constant 2047 : i32
    %and3A_286 = vector.broadcast %and3A_285 : i32 to vector<16xi32>
    %and3A_287 = arith.andi %get3A_281, %and3A_286 : vector<16xi32>
    %shift_left3A_288 = arith.constant 2 : i32
    %shift_left3A_289 = vector.broadcast %shift_left3A_288 : i32 to vector<16xi32>
    %shift_left3A_290 = arith.shli %and3A_287, %shift_left3A_289 : vector<16xi32>
    %or3A_291 = arith.ori %and3A_284, %shift_left3A_290 : vector<16xi32>
    %shift_right_logical3A_292 = arith.constant 11 : i32
    %shift_right_logical3A_293 = vector.broadcast %shift_right_logical3A_292 : i32 to vector<16xi32>
    %shift_right_logical3A_294 = arith.shrui %get3A_281, %shift_right_logical3A_293 : vector<16xi32>
    %and3A_295 = arith.constant 3 : i32
    %and3A_296 = vector.broadcast %and3A_295 : i32 to vector<16xi32>
    %and3A_297 = arith.andi %shift_right_logical3A_294, %and3A_296 : vector<16xi32>
    %or3A_298 = arith.ori %or3A_291, %and3A_297 : vector<16xi32>
    %swap3A_299 = arith.constant 1 : i32
    %swap3A_300 = arith.index_cast %swap3A_299 : i32 to index
    %swap3A_301 = arith.constant 32 : index
    %swap3A_302 = tpu.vector_load %arg6[%swap3A_300, %swap3A_301] {strides = array<i32>} : memref<4x128xi32, #tpu.memory_space<vmem>>, vector<1x16xi32>,
    %swap3A_303 = vector.shape_cast %swap3A_302 : vector<1x16xi32> to vector<16xi32>
    %swap3A_304 = vector.shape_cast %or3A_298 : vector<16xi32> to vector<1x16xi32>
    tpu.vector_store %arg6[%swap3A_300, %swap3A_301], %swap3A_304 {strides = array<i32>} : memref<4x128xi32, #tpu.memory_space<vmem>>, vector<1x16xi32>,
    %get3A_305 = arith.constant 1 : i32
    %get3A_306 = arith.index_cast %get3A_305 : i32 to index
    %get3A_307 = arith.constant 48 : index
    %get3A_308 = tpu.vector_load %arg6[%get3A_306, %get3A_307] {strides = array<i32>} : memref<4x128xi32, #tpu.memory_space<vmem>>, vector<1x16xi32>,
    %get3A_309 = vector.shape_cast %get3A_308 : vector<1x16xi32> to vector<16xi32>
    %and3A_310 = arith.constant -8192 : i32
    %and3A_311 = vector.broadcast %and3A_310 : i32 to vector<16xi32>
    %and3A_312 = arith.andi %get3A_309, %and3A_311 : vector<16xi32>
    %and3A_313 = arith.constant 2047 : i32
    %and3A_314 = vector.broadcast %and3A_313 : i32 to vector<16xi32>
    %and3A_315 = arith.andi %get3A_309, %and3A_314 : vector<16xi32>
    %shift_left3A_316 = arith.constant 2 : i32
    %shift_left3A_317 = vector.broadcast %shift_left3A_316 : i32 to vector<16xi32>
    %shift_left3A_318 = arith.shli %and3A_315, %shift_left3A_317 : vector<16xi32>
    %or3A_319 = arith.ori %and3A_312, %shift_left3A_318 : vector<16xi32>
    %shift_right_logical3A_320 = arith.constant 11 : i32
    %shift_right_logical3A_321 = vector.broadcast %shift_right_logical3A_320 : i32 to vector<16xi32>
    %shift_right_logical3A_322 = arith.shrui %get3A_309, %shift_right_logical3A_321 : vector<16xi32>
    %and3A_323 = arith.constant 3 : i32
    %and3A_324 = vector.broadcast %and3A_323 : i32 to vector<16xi32>
    %and3A_325 = arith.andi %shift_right_logical3A_322, %and3A_324 : vector<16xi32>
    %or3A_326 = arith.ori %or3A_319, %and3A_325 : vector<16xi32>
    %swap3A_327 = arith.constant 1 : i32
    %swap3A_328 = arith.index_cast %swap3A_327 : i32 to index
    %swap3A_329 = arith.constant 48 : index
    %swap3A_330 = tpu.vector_load %arg6[%swap3A_328, %swap3A_329] {strides = array<i32>} : memref<4x128xi32, #tpu.memory_space<vmem>>, vector<1x16xi32>,
    %swap3A_331 = vector.shape_cast %swap3A_330 : vector<1x16xi32> to vector<16xi32>
    %swap3A_332 = vector.shape_cast %or3A_326 : vector<16xi32> to vector<1x16xi32>
    tpu.vector_store %arg6[%swap3A_328, %swap3A_329], %swap3A_332 {strides = array<i32>} : memref<4x128xi32, #tpu.memory_space<vmem>>, vector<1x16xi32>,
    %get3A_333 = arith.constant 1 : i32
    %get3A_334 = arith.index_cast %get3A_333 : i32 to index
    %get3A_335 = arith.constant 64 : index
    %get3A_336 = tpu.vector_load %arg6[%get3A_334, %get3A_335] {strides = array<i32>} : memref<4x128xi32, #tpu.memory_space<vmem>>, vector<1x16xi32>,
    %get3A_337 = vector.shape_cast %get3A_336 : vector<1x16xi32> to vector<16xi32>
    %and3A_338 = arith.constant -8192 : i32
    %and3A_339 = vector.broadcast %and3A_338 : i32 to vector<16xi32>
    %and3A_340 = arith.andi %get3A_337, %and3A_339 : vector<16xi32>
    %and3A_341 = arith.constant 2047 : i32
    %and3A_342 = vector.broadcast %and3A_341 : i32 to vector<16xi32>
    %and3A_343 = arith.andi %get3A_337, %and3A_342 : vector<16xi32>
    %shift_left3A_344 = arith.constant 2 : i32
    %shift_left3A_345 = vector.broadcast %shift_left3A_344 : i32 to vector<16xi32>
    %shift_left3A_346 = arith.shli %and3A_343, %shift_left3A_345 : vector<16xi32>
    %or3A_347 = arith.ori %and3A_340, %shift_left3A_346 : vector<16xi32>
    %shift_right_logical3A_348 = arith.constant 11 : i32
    %shift_right_logical3A_349 = vector.broadcast %shift_right_logical3A_348 : i32 to vector<16xi32>
    %shift_right_logical3A_350 = arith.shrui %get3A_337, %shift_right_logical3A_349 : vector<16xi32>
    %and3A_351 = arith.constant 3 : i32
    %and3A_352 = vector.broadcast %and3A_351 : i32 to vector<16xi32>
    %and3A_353 = arith.andi %shift_right_logical3A_350, %and3A_352 : vector<16xi32>
    %or3A_354 = arith.ori %or3A_347, %and3A_353 : vector<16xi32>
    %swap3A_355 = arith.constant 1 : i32
    %swap3A_356 = arith.index_cast %swap3A_355 : i32 to index
    %swap3A_357 = arith.constant 64 : index
    %swap3A_358 = tpu.vector_load %arg6[%swap3A_356, %swap3A_357] {strides = array<i32>} : memref<4x128xi32, #tpu.memory_space<vmem>>, vector<1x16xi32>,
    %swap3A_359 = vector.shape_cast %swap3A_358 : vector<1x16xi32> to vector<16xi32>
    %swap3A_360 = vector.shape_cast %or3A_354 : vector<16xi32> to vector<1x16xi32>
    tpu.vector_store %arg6[%swap3A_356, %swap3A_357], %swap3A_360 {strides = array<i32>} : memref<4x128xi32, #tpu.memory_space<vmem>>, vector<1x16xi32>,
    %get3A_361 = arith.constant 1 : i32
    %get3A_362 = arith.index_cast %get3A_361 : i32 to index
    %get3A_363 = arith.constant 80 : index
    %get3A_364 = tpu.vector_load %arg6[%get3A_362, %get3A_363] {strides = array<i32>} : memref<4x128xi32, #tpu.memory_space<vmem>>, vector<1x16xi32>,
    %get3A_365 = vector.shape_cast %get3A_364 : vector<1x16xi32> to vector<16xi32>
    %and3A_366 = arith.constant -8192 : i32
    %and3A_367 = vector.broadcast %and3A_366 : i32 to vector<16xi32>
    %and3A_368 = arith.andi %get3A_365, %and3A_367 : vector<16xi32>
    %and3A_369 = arith.constant 2047 : i32
    %and3A_370 = vector.broadcast %and3A_369 : i32 to vector<16xi32>
    %and3A_371 = arith.andi %get3A_365, %and3A_370 : vector<16xi32>
    %shift_left3A_372 = arith.constant 2 : i32
    %shift_left3A_373 = vector.broadcast %shift_left3A_372 : i32 to vector<16xi32>
    %shift_left3A_374 = arith.shli %and3A_371, %shift_left3A_373 : vector<16xi32>
    %or3A_375 = arith.ori %and3A_368, %shift_left3A_374 : vector<16xi32>
    %shift_right_logical3A_376 = arith.constant 11 : i32
    %shift_right_logical3A_377 = vector.broadcast %shift_right_logical3A_376 : i32 to vector<16xi32>
    %shift_right_logical3A_378 = arith.shrui %get3A_365, %shift_right_logical3A_377 : vector<16xi32>
    %and3A_379 = arith.constant 3 : i32
    %and3A_380 = vector.broadcast %and3A_379 : i32 to vector<16xi32>
    %and3A_381 = arith.andi %shift_right_logical3A_378, %and3A_380 : vector<16xi32>
    %or3A_382 = arith.ori %or3A_375, %and3A_381 : vector<16xi32>
    %swap3A_383 = arith.constant 1 : i32
    %swap3A_384 = arith.index_cast %swap3A_383 : i32 to index
    %swap3A_385 = arith.constant 80 : index
    %swap3A_386 = tpu.vector_load %arg6[%swap3A_384, %swap3A_385] {strides = array<i32>} : memref<4x128xi32, #tpu.memory_space<vmem>>, vector<1x16xi32>,
    %swap3A_387 = vector.shape_cast %swap3A_386 : vector<1x16xi32> to vector<16xi32>
    %swap3A_388 = vector.shape_cast %or3A_382 : vector<16xi32> to vector<1x16xi32>
    tpu.vector_store %arg6[%swap3A_384, %swap3A_385], %swap3A_388 {strides = array<i32>} : memref<4x128xi32, #tpu.memory_space<vmem>>, vector<1x16xi32>,
    %get3A_389 = arith.constant 1 : i32
    %get3A_390 = arith.index_cast %get3A_389 : i32 to index
    %get3A_391 = arith.constant 96 : index
    %get3A_392 = tpu.vector_load %arg6[%get3A_390, %get3A_391] {strides = array<i32>} : memref<4x128xi32, #tpu.memory_space<vmem>>, vector<1x16xi32>,
    %get3A_393 = vector.shape_cast %get3A_392 : vector<1x16xi32> to vector<16xi32>
    %and3A_394 = arith.constant -8192 : i32
    %and3A_395 = vector.broadcast %and3A_394 : i32 to vector<16xi32>
    %and3A_396 = arith.andi %get3A_393, %and3A_395 : vector<16xi32>
    %and3A_397 = arith.constant 2047 : i32
    %and3A_398 = vector.broadcast %and3A_397 : i32 to vector<16xi32>
    %and3A_399 = arith.andi %get3A_393, %and3A_398 : vector<16xi32>
    %shift_left3A_400 = arith.constant 2 : i32
    %shift_left3A_401 = vector.broadcast %shift_left3A_400 : i32 to vector<16xi32>
    %shift_left3A_402 = arith.shli %and3A_399, %shift_left3A_401 : vector<16xi32>
    %or3A_403 = arith.ori %and3A_396, %shift_left3A_402 : vector<16xi32>
    %shift_right_logical3A_404 = arith.constant 11 : i32
    %shift_right_logical3A_405 = vector.broadcast %shift_right_logical3A_404 : i32 to vector<16xi32>
    %shift_right_logical3A_406 = arith.shrui %get3A_393, %shift_right_logical3A_405 : vector<16xi32>
    %and3A_407 = arith.constant 3 : i32
    %and3A_408 = vector.broadcast %and3A_407 : i32 to vector<16xi32>
    %and3A_409 = arith.andi %shift_right_logical3A_406, %and3A_408 : vector<16xi32>
    %or3A_410 = arith.ori %or3A_403, %and3A_409 : vector<16xi32>
    %swap3A_411 = arith.constant 1 : i32
    %swap3A_412 = arith.index_cast %swap3A_411 : i32 to index
    %swap3A_413 = arith.constant 96 : index
    %swap3A_414 = tpu.vector_load %arg6[%swap3A_412, %swap3A_413] {strides = array<i32>} : memref<4x128xi32, #tpu.memory_space<vmem>>, vector<1x16xi32>,
    %swap3A_415 = vector.shape_cast %swap3A_414 : vector<1x16xi32> to vector<16xi32>
    %swap3A_416 = vector.shape_cast %or3A_410 : vector<16xi32> to vector<1x16xi32>
    tpu.vector_store %arg6[%swap3A_412, %swap3A_413], %swap3A_416 {strides = array<i32>} : memref<4x128xi32, #tpu.memory_space<vmem>>, vector<1x16xi32>,
    %get3A_417 = arith.constant 1 : i32
    %get3A_418 = arith.index_cast %get3A_417 : i32 to index
    %get3A_419 = arith.constant 112 : index
    %get3A_420 = tpu.vector_load %arg6[%get3A_418, %get3A_419] {strides = array<i32>} : memref<4x128xi32, #tpu.memory_space<vmem>>, vector<1x16xi32>,
    %get3A_421 = vector.shape_cast %get3A_420 : vector<1x16xi32> to vector<16xi32>
    %and3A_422 = arith.constant -8192 : i32
    %and3A_423 = vector.broadcast %and3A_422 : i32 to vector<16xi32>
    %and3A_424 = arith.andi %get3A_421, %and3A_423 : vector<16xi32>
    %and3A_425 = arith.constant 2047 : i32
    %and3A_426 = vector.broadcast %and3A_425 : i32 to vector<16xi32>
    %and3A_427 = arith.andi %get3A_421, %and3A_426 : vector<16xi32>
    %shift_left3A_428 = arith.constant 2 : i32
    %shift_left3A_429 = vector.broadcast %shift_left3A_428 : i32 to vector<16xi32>
    %shift_left3A_430 = arith.shli %and3A_427, %shift_left3A_429 : vector<16xi32>
    %or3A_431 = arith.ori %and3A_424, %shift_left3A_430 : vector<16xi32>
    %shift_right_logical3A_432 = arith.constant 11 : i32
    %shift_right_logical3A_433 = vector.broadcast %shift_right_logical3A_432 : i32 to vector<16xi32>
    %shift_right_logical3A_434 = arith.shrui %get3A_421, %shift_right_logical3A_433 : vector<16xi32>
    %and3A_435 = arith.constant 3 : i32
    %and3A_436 = vector.broadcast %and3A_435 : i32 to vector<16xi32>
    %and3A_437 = arith.andi %shift_right_logical3A_434, %and3A_436 : vector<16xi32>
    %or3A_438 = arith.ori %or3A_431, %and3A_437 : vector<16xi32>
    %swap3A_439 = arith.constant 1 : i32
    %swap3A_440 = arith.index_cast %swap3A_439 : i32 to index
    %swap3A_441 = arith.constant 112 : index
    %swap3A_442 = tpu.vector_load %arg6[%swap3A_440, %swap3A_441] {strides = array<i32>} : memref<4x128xi32, #tpu.memory_space<vmem>>, vector<1x16xi32>,
    %swap3A_443 = vector.shape_cast %swap3A_442 : vector<1x16xi32> to vector<16xi32>
    %swap3A_444 = vector.shape_cast %or3A_438 : vector<16xi32> to vector<1x16xi32>
    tpu.vector_store %arg6[%swap3A_440, %swap3A_441], %swap3A_444 {strides = array<i32>} : memref<4x128xi32, #tpu.memory_space<vmem>>, vector<1x16xi32>,
    %get3A_445 = arith.constant 2 : i32
    %get3A_446 = arith.index_cast %get3A_445 : i32 to index
    %get3A_447 = arith.constant 0 : index
    %get3A_448 = tpu.vector_load %arg6[%get3A_446, %get3A_447] {strides = array<i32>} : memref<4x128xi32, #tpu.memory_space<vmem>>, vector<1x16xi32>,
    %get3A_449 = vector.shape_cast %get3A_448 : vector<1x16xi32> to vector<16xi32>
    %and3A_450 = arith.constant -8192 : i32
    %and3A_451 = vector.broadcast %and3A_450 : i32 to vector<16xi32>
    %and3A_452 = arith.andi %get3A_449, %and3A_451 : vector<16xi32>
    %and3A_453 = arith.constant 2047 : i32
    %and3A_454 = vector.broadcast %and3A_453 : i32 to vector<16xi32>
    %and3A_455 = arith.andi %get3A_449, %and3A_454 : vector<16xi32>
    %shift_left3A_456 = arith.constant 2 : i32
    %shift_left3A_457 = vector.broadcast %shift_left3A_456 : i32 to vector<16xi32>
    %shift_left3A_458 = arith.shli %and3A_455, %shift_left3A_457 : vector<16xi32>
    %or3A_459 = arith.ori %and3A_452, %shift_left3A_458 : vector<16xi32>
    %shift_right_logical3A_460 = arith.constant 11 : i32
    %shift_right_logical3A_461 = vector.broadcast %shift_right_logical3A_460 : i32 to vector<16xi32>
    %shift_right_logical3A_462 = arith.shrui %get3A_449, %shift_right_logical3A_461 : vector<16xi32>
    %and3A_463 = arith.constant 3 : i32
    %and3A_464 = vector.broadcast %and3A_463 : i32 to vector<16xi32>
    %and3A_465 = arith.andi %shift_right_logical3A_462, %and3A_464 : vector<16xi32>
    %or3A_466 = arith.ori %or3A_459, %and3A_465 : vector<16xi32>
    %swap3A_467 = arith.constant 2 : i32
    %swap3A_468 = arith.index_cast %swap3A_467 : i32 to index
    %swap3A_469 = arith.constant 0 : index
    %swap3A_470 = tpu.vector_load %arg6[%swap3A_468, %swap3A_469] {strides = array<i32>} : memref<4x128xi32, #tpu.memory_space<vmem>>, vector<1x16xi32>,
    %swap3A_471 = vector.shape_cast %swap3A_470 : vector<1x16xi32> to vector<16xi32>
    %swap3A_472 = vector.shape_cast %or3A_466 : vector<16xi32> to vector<1x16xi32>
    tpu.vector_store %arg6[%swap3A_468, %swap3A_469], %swap3A_472 {strides = array<i32>} : memref<4x128xi32, #tpu.memory_space<vmem>>, vector<1x16xi32>,
    %get3A_473 = arith.constant 2 : i32
    %get3A_474 = arith.index_cast %get3A_473 : i32 to index
    %get3A_475 = arith.constant 16 : index
    %get3A_476 = tpu.vector_load %arg6[%get3A_474, %get3A_475] {strides = array<i32>} : memref<4x128xi32, #tpu.memory_space<vmem>>, vector<1x16xi32>,
    %get3A_477 = vector.shape_cast %get3A_476 : vector<1x16xi32> to vector<16xi32>
    %and3A_478 = arith.constant -8192 : i32
    %and3A_479 = vector.broadcast %and3A_478 : i32 to vector<16xi32>
    %and3A_480 = arith.andi %get3A_477, %and3A_479 : vector<16xi32>
    %and3A_481 = arith.constant 2047 : i32
    %and3A_482 = vector.broadcast %and3A_481 : i32 to vector<16xi32>
    %and3A_483 = arith.andi %get3A_477, %and3A_482 : vector<16xi32>
    %shift_left3A_484 = arith.constant 2 : i32
    %shift_left3A_485 = vector.broadcast %shift_left3A_484 : i32 to vector<16xi32>
    %shift_left3A_486 = arith.shli %and3A_483, %shift_left3A_485 : vector<16xi32>
    %or3A_487 = arith.ori %and3A_480, %shift_left3A_486 : vector<16xi32>
    %shift_right_logical3A_488 = arith.constant 11 : i32
    %shift_right_logical3A_489 = vector.broadcast %shift_right_logical3A_488 : i32 to vector<16xi32>
    %shift_right_logical3A_490 = arith.shrui %get3A_477, %shift_right_logical3A_489 : vector<16xi32>
    %and3A_491 = arith.constant 3 : i32
    %and3A_492 = vector.broadcast %and3A_491 : i32 to vector<16xi32>
    %and3A_493 = arith.andi %shift_right_logical3A_490, %and3A_492 : vector<16xi32>
    %or3A_494 = arith.ori %or3A_487, %and3A_493 : vector<16xi32>
    %swap3A_495 = arith.constant 2 : i32
    %swap3A_496 = arith.index_cast %swap3A_495 : i32 to index
    %swap3A_497 = arith.constant 16 : index
    %swap3A_498 = tpu.vector_load %arg6[%swap3A_496, %swap3A_497] {strides = array<i32>} : memref<4x128xi32, #tpu.memory_space<vmem>>, vector<1x16xi32>,
    %swap3A_499 = vector.shape_cast %swap3A_498 : vector<1x16xi32> to vector<16xi32>
    %swap3A_500 = vector.shape_cast %or3A_494 : vector<16xi32> to vector<1x16xi32>
    tpu.vector_store %arg6[%swap3A_496, %swap3A_497], %swap3A_500 {strides = array<i32>} : memref<4x128xi32, #tpu.memory_space<vmem>>, vector<1x16xi32>,
    %get3A_501 = arith.constant 2 : i32
    %get3A_502 = arith.index_cast %get3A_501 : i32 to index
    %get3A_503 = arith.constant 32 : index
    %get3A_504 = tpu.vector_load %arg6[%get3A_502, %get3A_503] {strides = array<i32>} : memref<4x128xi32, #tpu.memory_space<vmem>>, vector<1x16xi32>,
    %get3A_505 = vector.shape_cast %get3A_504 : vector<1x16xi32> to vector<16xi32>
    %and3A_506 = arith.constant -8192 : i32
    %and3A_507 = vector.broadcast %and3A_506 : i32 to vector<16xi32>
    %and3A_508 = arith.andi %get3A_505, %and3A_507 : vector<16xi32>
    %and3A_509 = arith.constant 2047 : i32
    %and3A_510 = vector.broadcast %and3A_509 : i32 to vector<16xi32>
    %and3A_511 = arith.andi %get3A_505, %and3A_510 : vector<16xi32>
    %shift_left3A_512 = arith.constant 2 : i32
    %shift_left3A_513 = vector.broadcast %shift_left3A_512 : i32 to vector<16xi32>
    %shift_left3A_514 = arith.shli %and3A_511, %shift_left3A_513 : vector<16xi32>
    %or3A_515 = arith.ori %and3A_508, %shift_left3A_514 : vector<16xi32>
    %shift_right_logical3A_516 = arith.constant 11 : i32
    %shift_right_logical3A_517 = vector.broadcast %shift_right_logical3A_516 : i32 to vector<16xi32>
    %shift_right_logical3A_518 = arith.shrui %get3A_505, %shift_right_logical3A_517 : vector<16xi32>
    %and3A_519 = arith.constant 3 : i32
    %and3A_520 = vector.broadcast %and3A_519 : i32 to vector<16xi32>
    %and3A_521 = arith.andi %shift_right_logical3A_518, %and3A_520 : vector<16xi32>
    %or3A_522 = arith.ori %or3A_515, %and3A_521 : vector<16xi32>
    %swap3A_523 = arith.constant 2 : i32
    %swap3A_524 = arith.index_cast %swap3A_523 : i32 to index
    %swap3A_525 = arith.constant 32 : index
    %swap3A_526 = tpu.vector_load %arg6[%swap3A_524, %swap3A_525] {strides = array<i32>} : memref<4x128xi32, #tpu.memory_space<vmem>>, vector<1x16xi32>,
    %swap3A_527 = vector.shape_cast %swap3A_526 : vector<1x16xi32> to vector<16xi32>
    %swap3A_528 = vector.shape_cast %or3A_522 : vector<16xi32> to vector<1x16xi32>
    tpu.vector_store %arg6[%swap3A_524, %swap3A_525], %swap3A_528 {strides = array<i32>} : memref<4x128xi32, #tpu.memory_space<vmem>>, vector<1x16xi32>,
    %get3A_529 = arith.constant 2 : i32
    %get3A_530 = arith.index_cast %get3A_529 : i32 to index
    %get3A_531 = arith.constant 48 : index
    %get3A_532 = tpu.vector_load %arg6[%get3A_530, %get3A_531] {strides = array<i32>} : memref<4x128xi32, #tpu.memory_space<vmem>>, vector<1x16xi32>,
    %get3A_533 = vector.shape_cast %get3A_532 : vector<1x16xi32> to vector<16xi32>
    %and3A_534 = arith.constant -8192 : i32
    %and3A_535 = vector.broadcast %and3A_534 : i32 to vector<16xi32>
    %and3A_536 = arith.andi %get3A_533, %and3A_535 : vector<16xi32>
    %and3A_537 = arith.constant 2047 : i32
    %and3A_538 = vector.broadcast %and3A_537 : i32 to vector<16xi32>
    %and3A_539 = arith.andi %get3A_533, %and3A_538 : vector<16xi32>
    %shift_left3A_540 = arith.constant 2 : i32
    %shift_left3A_541 = vector.broadcast %shift_left3A_540 : i32 to vector<16xi32>
    %shift_left3A_542 = arith.shli %and3A_539, %shift_left3A_541 : vector<16xi32>
    %or3A_543 = arith.ori %and3A_536, %shift_left3A_542 : vector<16xi32>
    %shift_right_logical3A_544 = arith.constant 11 : i32
    %shift_right_logical3A_545 = vector.broadcast %shift_right_logical3A_544 : i32 to vector<16xi32>
    %shift_right_logical3A_546 = arith.shrui %get3A_533, %shift_right_logical3A_545 : vector<16xi32>
    %and3A_547 = arith.constant 3 : i32
    %and3A_548 = vector.broadcast %and3A_547 : i32 to vector<16xi32>
    %and3A_549 = arith.andi %shift_right_logical3A_546, %and3A_548 : vector<16xi32>
    %or3A_550 = arith.ori %or3A_543, %and3A_549 : vector<16xi32>
    %swap3A_551 = arith.constant 2 : i32
    %swap3A_552 = arith.index_cast %swap3A_551 : i32 to index
    %swap3A_553 = arith.constant 48 : index
    %swap3A_554 = tpu.vector_load %arg6[%swap3A_552, %swap3A_553] {strides = array<i32>} : memref<4x128xi32, #tpu.memory_space<vmem>>, vector<1x16xi32>,
    %swap3A_555 = vector.shape_cast %swap3A_554 : vector<1x16xi32> to vector<16xi32>
    %swap3A_556 = vector.shape_cast %or3A_550 : vector<16xi32> to vector<1x16xi32>
    tpu.vector_store %arg6[%swap3A_552, %swap3A_553], %swap3A_556 {strides = array<i32>} : memref<4x128xi32, #tpu.memory_space<vmem>>, vector<1x16xi32>,
    %get3A_557 = arith.constant 2 : i32
    %get3A_558 = arith.index_cast %get3A_557 : i32 to index
    %get3A_559 = arith.constant 64 : index
    %get3A_560 = tpu.vector_load %arg6[%get3A_558, %get3A_559] {strides = array<i32>} : memref<4x128xi32, #tpu.memory_space<vmem>>, vector<1x16xi32>,
    %get3A_561 = vector.shape_cast %get3A_560 : vector<1x16xi32> to vector<16xi32>
    %and3A_562 = arith.constant -8192 : i32
    %and3A_563 = vector.broadcast %and3A_562 : i32 to vector<16xi32>
    %and3A_564 = arith.andi %get3A_561, %and3A_563 : vector<16xi32>
    %and3A_565 = arith.constant 2047 : i32
    %and3A_566 = vector.broadcast %and3A_565 : i32 to vector<16xi32>
    %and3A_567 = arith.andi %get3A_561, %and3A_566 : vector<16xi32>
    %shift_left3A_568 = arith.constant 2 : i32
    %shift_left3A_569 = vector.broadcast %shift_left3A_568 : i32 to vector<16xi32>
    %shift_left3A_570 = arith.shli %and3A_567, %shift_left3A_569 : vector<16xi32>
    %or3A_571 = arith.ori %and3A_564, %shift_left3A_570 : vector<16xi32>
    %shift_right_logical3A_572 = arith.constant 11 : i32
    %shift_right_logical3A_573 = vector.broadcast %shift_right_logical3A_572 : i32 to vector<16xi32>
    %shift_right_logical3A_574 = arith.shrui %get3A_561, %shift_right_logical3A_573 : vector<16xi32>
    %and3A_575 = arith.constant 3 : i32
    %and3A_576 = vector.broadcast %and3A_575 : i32 to vector<16xi32>
    %and3A_577 = arith.andi %shift_right_logical3A_574, %and3A_576 : vector<16xi32>
    %or3A_578 = arith.ori %or3A_571, %and3A_577 : vector<16xi32>
    %swap3A_579 = arith.constant 2 : i32
    %swap3A_580 = arith.index_cast %swap3A_579 : i32 to index
    %swap3A_581 = arith.constant 64 : index
    %swap3A_582 = tpu.vector_load %arg6[%swap3A_580, %swap3A_581] {strides = array<i32>} : memref<4x128xi32, #tpu.memory_space<vmem>>, vector<1x16xi32>,
    %swap3A_583 = vector.shape_cast %swap3A_582 : vector<1x16xi32> to vector<16xi32>
    %swap3A_584 = vector.shape_cast %or3A_578 : vector<16xi32> to vector<1x16xi32>
    tpu.vector_store %arg6[%swap3A_580, %swap3A_581], %swap3A_584 {strides = array<i32>} : memref<4x128xi32, #tpu.memory_space<vmem>>, vector<1x16xi32>,
    %get3A_585 = arith.constant 2 : i32
    %get3A_586 = arith.index_cast %get3A_585 : i32 to index
    %get3A_587 = arith.constant 80 : index
    %get3A_588 = tpu.vector_load %arg6[%get3A_586, %get3A_587] {strides = array<i32>} : memref<4x128xi32, #tpu.memory_space<vmem>>, vector<1x16xi32>,
    %get3A_589 = vector.shape_cast %get3A_588 : vector<1x16xi32> to vector<16xi32>
    %and3A_590 = arith.constant -8192 : i32
    %and3A_591 = vector.broadcast %and3A_590 : i32 to vector<16xi32>
    %and3A_592 = arith.andi %get3A_589, %and3A_591 : vector<16xi32>
    %and3A_593 = arith.constant 2047 : i32
    %and3A_594 = vector.broadcast %and3A_593 : i32 to vector<16xi32>
    %and3A_595 = arith.andi %get3A_589, %and3A_594 : vector<16xi32>
    %shift_left3A_596 = arith.constant 2 : i32
    %shift_left3A_597 = vector.broadcast %shift_left3A_596 : i32 to vector<16xi32>
    %shift_left3A_598 = arith.shli %and3A_595, %shift_left3A_597 : vector<16xi32>
    %or3A_599 = arith.ori %and3A_592, %shift_left3A_598 : vector<16xi32>
    %shift_right_logical3A_600 = arith.constant 11 : i32
    %shift_right_logical3A_601 = vector.broadcast %shift_right_logical3A_600 : i32 to vector<16xi32>
    %shift_right_logical3A_602 = arith.shrui %get3A_589, %shift_right_logical3A_601 : vector<16xi32>
    %and3A_603 = arith.constant 3 : i32
    %and3A_604 = vector.broadcast %and3A_603 : i32 to vector<16xi32>
    %and3A_605 = arith.andi %shift_right_logical3A_602, %and3A_604 : vector<16xi32>
    %or3A_606 = arith.ori %or3A_599, %and3A_605 : vector<16xi32>
    %swap3A_607 = arith.constant 2 : i32
    %swap3A_608 = arith.index_cast %swap3A_607 : i32 to index
    %swap3A_609 = arith.constant 80 : index
    %swap3A_610 = tpu.vector_load %arg6[%swap3A_608, %swap3A_609] {strides = array<i32>} : memref<4x128xi32, #tpu.memory_space<vmem>>, vector<1x16xi32>,
    %swap3A_611 = vector.shape_cast %swap3A_610 : vector<1x16xi32> to vector<16xi32>
    %swap3A_612 = vector.shape_cast %or3A_606 : vector<16xi32> to vector<1x16xi32>
    tpu.vector_store %arg6[%swap3A_608, %swap3A_609], %swap3A_612 {strides = array<i32>} : memref<4x128xi32, #tpu.memory_space<vmem>>, vector<1x16xi32>,
    %get3A_613 = arith.constant 2 : i32
    %get3A_614 = arith.index_cast %get3A_613 : i32 to index
    %get3A_615 = arith.constant 96 : index
    %get3A_616 = tpu.vector_load %arg6[%get3A_614, %get3A_615] {strides = array<i32>} : memref<4x128xi32, #tpu.memory_space<vmem>>, vector<1x16xi32>,
    %get3A_617 = vector.shape_cast %get3A_616 : vector<1x16xi32> to vector<16xi32>
    %and3A_618 = arith.constant -8192 : i32
    %and3A_619 = vector.broadcast %and3A_618 : i32 to vector<16xi32>
    %and3A_620 = arith.andi %get3A_617, %and3A_619 : vector<16xi32>
    %and3A_621 = arith.constant 2047 : i32
    %and3A_622 = vector.broadcast %and3A_621 : i32 to vector<16xi32>
    %and3A_623 = arith.andi %get3A_617, %and3A_622 : vector<16xi32>
    %shift_left3A_624 = arith.constant 2 : i32
    %shift_left3A_625 = vector.broadcast %shift_left3A_624 : i32 to vector<16xi32>
    %shift_left3A_626 = arith.shli %and3A_623, %shift_left3A_625 : vector<16xi32>
    %or3A_627 = arith.ori %and3A_620, %shift_left3A_626 : vector<16xi32>
    %shift_right_logical3A_628 = arith.constant 11 : i32
    %shift_right_logical3A_629 = vector.broadcast %shift_right_logical3A_628 : i32 to vector<16xi32>
    %shift_right_logical3A_630 = arith.shrui %get3A_617, %shift_right_logical3A_629 : vector<16xi32>
    %and3A_631 = arith.constant 3 : i32
    %and3A_632 = vector.broadcast %and3A_631 : i32 to vector<16xi32>
    %and3A_633 = arith.andi %shift_right_logical3A_630, %and3A_632 : vector<16xi32>
    %or3A_634 = arith.ori %or3A_627, %and3A_633 : vector<16xi32>
    %swap3A_635 = arith.constant 2 : i32
    %swap3A_636 = arith.index_cast %swap3A_635 : i32 to index
    %swap3A_637 = arith.constant 96 : index
    %swap3A_638 = tpu.vector_load %arg6[%swap3A_636, %swap3A_637] {strides = array<i32>} : memref<4x128xi32, #tpu.memory_space<vmem>>, vector<1x16xi32>,
    %swap3A_639 = vector.shape_cast %swap3A_638 : vector<1x16xi32> to vector<16xi32>
    %swap3A_640 = vector.shape_cast %or3A_634 : vector<16xi32> to vector<1x16xi32>
    tpu.vector_store %arg6[%swap3A_636, %swap3A_637], %swap3A_640 {strides = array<i32>} : memref<4x128xi32, #tpu.memory_space<vmem>>, vector<1x16xi32>,
    %get3A_641 = arith.constant 2 : i32
    %get3A_642 = arith.index_cast %get3A_641 : i32 to index
    %get3A_643 = arith.constant 112 : index
    %get3A_644 = tpu.vector_load %arg6[%get3A_642, %get3A_643] {strides = array<i32>} : memref<4x128xi32, #tpu.memory_space<vmem>>, vector<1x16xi32>,
    %get3A_645 = vector.shape_cast %get3A_644 : vector<1x16xi32> to vector<16xi32>
    %and3A_646 = arith.constant -8192 : i32
    %and3A_647 = vector.broadcast %and3A_646 : i32 to vector<16xi32>
    %and3A_648 = arith.andi %get3A_645, %and3A_647 : vector<16xi32>
    %and3A_649 = arith.constant 2047 : i32
    %and3A_650 = vector.broadcast %and3A_649 : i32 to vector<16xi32>
    %and3A_651 = arith.andi %get3A_645, %and3A_650 : vector<16xi32>
    %shift_left3A_652 = arith.constant 2 : i32
    %shift_left3A_653 = vector.broadcast %shift_left3A_652 : i32 to vector<16xi32>
    %shift_left3A_654 = arith.shli %and3A_651, %shift_left3A_653 : vector<16xi32>
    %or3A_655 = arith.ori %and3A_648, %shift_left3A_654 : vector<16xi32>
    %shift_right_logical3A_656 = arith.constant 11 : i32
    %shift_right_logical3A_657 = vector.broadcast %shift_right_logical3A_656 : i32 to vector<16xi32>
    %shift_right_logical3A_658 = arith.shrui %get3A_645, %shift_right_logical3A_657 : vector<16xi32>
    %and3A_659 = arith.constant 3 : i32
    %and3A_660 = vector.broadcast %and3A_659 : i32 to vector<16xi32>
    %and3A_661 = arith.andi %shift_right_logical3A_658, %and3A_660 : vector<16xi32>
    %or3A_662 = arith.ori %or3A_655, %and3A_661 : vector<16xi32>
    %swap3A_663 = arith.constant 2 : i32
    %swap3A_664 = arith.index_cast %swap3A_663 : i32 to index
    %swap3A_665 = arith.constant 112 : index
    %swap3A_666 = tpu.vector_load %arg6[%swap3A_664, %swap3A_665] {strides = array<i32>} : memref<4x128xi32, #tpu.memory_space<vmem>>, vector<1x16xi32>,
    %swap3A_667 = vector.shape_cast %swap3A_666 : vector<1x16xi32> to vector<16xi32>
    %swap3A_668 = vector.shape_cast %or3A_662 : vector<16xi32> to vector<1x16xi32>
    tpu.vector_store %arg6[%swap3A_664, %swap3A_665], %swap3A_668 {strides = array<i32>} : memref<4x128xi32, #tpu.memory_space<vmem>>, vector<1x16xi32>,
    %get3A_669 = arith.constant 3 : i32
    %get3A_670 = arith.index_cast %get3A_669 : i32 to index
    %get3A_671 = arith.constant 0 : index
    %get3A_672 = tpu.vector_load %arg6[%get3A_670, %get3A_671] {strides = array<i32>} : memref<4x128xi32, #tpu.memory_space<vmem>>, vector<1x16xi32>,
    %get3A_673 = vector.shape_cast %get3A_672 : vector<1x16xi32> to vector<16xi32>
    %and3A_674 = arith.constant -8192 : i32
    %and3A_675 = vector.broadcast %and3A_674 : i32 to vector<16xi32>
    %and3A_676 = arith.andi %get3A_673, %and3A_675 : vector<16xi32>
    %and3A_677 = arith.constant 2047 : i32
    %and3A_678 = vector.broadcast %and3A_677 : i32 to vector<16xi32>
    %and3A_679 = arith.andi %get3A_673, %and3A_678 : vector<16xi32>
    %shift_left3A_680 = arith.constant 2 : i32
    %shift_left3A_681 = vector.broadcast %shift_left3A_680 : i32 to vector<16xi32>
    %shift_left3A_682 = arith.shli %and3A_679, %shift_left3A_681 : vector<16xi32>
    %or3A_683 = arith.ori %and3A_676, %shift_left3A_682 : vector<16xi32>
    %shift_right_logical3A_684 = arith.constant 11 : i32
    %shift_right_logical3A_685 = vector.broadcast %shift_right_logical3A_684 : i32 to vector<16xi32>
    %shift_right_logical3A_686 = arith.shrui %get3A_673, %shift_right_logical3A_685 : vector<16xi32>
    %and3A_687 = arith.constant 3 : i32
    %and3A_688 = vector.broadcast %and3A_687 : i32 to vector<16xi32>
    %and3A_689 = arith.andi %shift_right_logical3A_686, %and3A_688 : vector<16xi32>
    %or3A_690 = arith.ori %or3A_683, %and3A_689 : vector<16xi32>
    %swap3A_691 = arith.constant 3 : i32
    %swap3A_692 = arith.index_cast %swap3A_691 : i32 to index
    %swap3A_693 = arith.constant 0 : index
    %swap3A_694 = tpu.vector_load %arg6[%swap3A_692, %swap3A_693] {strides = array<i32>} : memref<4x128xi32, #tpu.memory_space<vmem>>, vector<1x16xi32>,
    %swap3A_695 = vector.shape_cast %swap3A_694 : vector<1x16xi32> to vector<16xi32>
    %swap3A_696 = vector.shape_cast %or3A_690 : vector<16xi32> to vector<1x16xi32>
    tpu.vector_store %arg6[%swap3A_692, %swap3A_693], %swap3A_696 {strides = array<i32>} : memref<4x128xi32, #tpu.memory_space<vmem>>, vector<1x16xi32>,
    %get3A_697 = arith.constant 3 : i32
    %get3A_698 = arith.index_cast %get3A_697 : i32 to index
    %get3A_699 = arith.constant 16 : index
    %get3A_700 = tpu.vector_load %arg6[%get3A_698, %get3A_699] {strides = array<i32>} : memref<4x128xi32, #tpu.memory_space<vmem>>, vector<1x16xi32>,
    %get3A_701 = vector.shape_cast %get3A_700 : vector<1x16xi32> to vector<16xi32>
    %and3A_702 = arith.constant -8192 : i32
    %and3A_703 = vector.broadcast %and3A_702 : i32 to vector<16xi32>
    %and3A_704 = arith.andi %get3A_701, %and3A_703 : vector<16xi32>
    %and3A_705 = arith.constant 2047 : i32
    %and3A_706 = vector.broadcast %and3A_705 : i32 to vector<16xi32>
    %and3A_707 = arith.andi %get3A_701, %and3A_706 : vector<16xi32>
    %shift_left3A_708 = arith.constant 2 : i32
    %shift_left3A_709 = vector.broadcast %shift_left3A_708 : i32 to vector<16xi32>
    %shift_left3A_710 = arith.shli %and3A_707, %shift_left3A_709 : vector<16xi32>
    %or3A_711 = arith.ori %and3A_704, %shift_left3A_710 : vector<16xi32>
    %shift_right_logical3A_712 = arith.constant 11 : i32
    %shift_right_logical3A_713 = vector.broadcast %shift_right_logical3A_712 : i32 to vector<16xi32>
    %shift_right_logical3A_714 = arith.shrui %get3A_701, %shift_right_logical3A_713 : vector<16xi32>
    %and3A_715 = arith.constant 3 : i32
    %and3A_716 = vector.broadcast %and3A_715 : i32 to vector<16xi32>
    %and3A_717 = arith.andi %shift_right_logical3A_714, %and3A_716 : vector<16xi32>
    %or3A_718 = arith.ori %or3A_711, %and3A_717 : vector<16xi32>
    %swap3A_719 = arith.constant 3 : i32
    %swap3A_720 = arith.index_cast %swap3A_719 : i32 to index
    %swap3A_721 = arith.constant 16 : index
    %swap3A_722 = tpu.vector_load %arg6[%swap3A_720, %swap3A_721] {strides = array<i32>} : memref<4x128xi32, #tpu.memory_space<vmem>>, vector<1x16xi32>,
    %swap3A_723 = vector.shape_cast %swap3A_722 : vector<1x16xi32> to vector<16xi32>
    %swap3A_724 = vector.shape_cast %or3A_718 : vector<16xi32> to vector<1x16xi32>
    tpu.vector_store %arg6[%swap3A_720, %swap3A_721], %swap3A_724 {strides = array<i32>} : memref<4x128xi32, #tpu.memory_space<vmem>>, vector<1x16xi32>,
    %get3A_725 = arith.constant 3 : i32
    %get3A_726 = arith.index_cast %get3A_725 : i32 to index
    %get3A_727 = arith.constant 32 : index
    %get3A_728 = tpu.vector_load %arg6[%get3A_726, %get3A_727] {strides = array<i32>} : memref<4x128xi32, #tpu.memory_space<vmem>>, vector<1x16xi32>,
    %get3A_729 = vector.shape_cast %get3A_728 : vector<1x16xi32> to vector<16xi32>
    %and3A_730 = arith.constant -8192 : i32
    %and3A_731 = vector.broadcast %and3A_730 : i32 to vector<16xi32>
    %and3A_732 = arith.andi %get3A_729, %and3A_731 : vector<16xi32>
    %and3A_733 = arith.constant 2047 : i32
    %and3A_734 = vector.broadcast %and3A_733 : i32 to vector<16xi32>
    %and3A_735 = arith.andi %get3A_729, %and3A_734 : vector<16xi32>
    %shift_left3A_736 = arith.constant 2 : i32
    %shift_left3A_737 = vector.broadcast %shift_left3A_736 : i32 to vector<16xi32>
    %shift_left3A_738 = arith.shli %and3A_735, %shift_left3A_737 : vector<16xi32>
    %or3A_739 = arith.ori %and3A_732, %shift_left3A_738 : vector<16xi32>
    %shift_right_logical3A_740 = arith.constant 11 : i32
    %shift_right_logical3A_741 = vector.broadcast %shift_right_logical3A_740 : i32 to vector<16xi32>
    %shift_right_logical3A_742 = arith.shrui %get3A_729, %shift_right_logical3A_741 : vector<16xi32>
    %and3A_743 = arith.constant 3 : i32
    %and3A_744 = vector.broadcast %and3A_743 : i32 to vector<16xi32>
    %and3A_745 = arith.andi %shift_right_logical3A_742, %and3A_744 : vector<16xi32>
    %or3A_746 = arith.ori %or3A_739, %and3A_745 : vector<16xi32>
    %swap3A_747 = arith.constant 3 : i32
    %swap3A_748 = arith.index_cast %swap3A_747 : i32 to index
    %swap3A_749 = arith.constant 32 : index
    %swap3A_750 = tpu.vector_load %arg6[%swap3A_748, %swap3A_749] {strides = array<i32>} : memref<4x128xi32, #tpu.memory_space<vmem>>, vector<1x16xi32>,
    %swap3A_751 = vector.shape_cast %swap3A_750 : vector<1x16xi32> to vector<16xi32>
    %swap3A_752 = vector.shape_cast %or3A_746 : vector<16xi32> to vector<1x16xi32>
    tpu.vector_store %arg6[%swap3A_748, %swap3A_749], %swap3A_752 {strides = array<i32>} : memref<4x128xi32, #tpu.memory_space<vmem>>, vector<1x16xi32>,
    %get3A_753 = arith.constant 3 : i32
    %get3A_754 = arith.index_cast %get3A_753 : i32 to index
    %get3A_755 = arith.constant 48 : index
    %get3A_756 = tpu.vector_load %arg6[%get3A_754, %get3A_755] {strides = array<i32>} : memref<4x128xi32, #tpu.memory_space<vmem>>, vector<1x16xi32>,
    %get3A_757 = vector.shape_cast %get3A_756 : vector<1x16xi32> to vector<16xi32>
    %and3A_758 = arith.constant -8192 : i32
    %and3A_759 = vector.broadcast %and3A_758 : i32 to vector<16xi32>
    %and3A_760 = arith.andi %get3A_757, %and3A_759 : vector<16xi32>
    %and3A_761 = arith.constant 2047 : i32
    %and3A_762 = vector.broadcast %and3A_761 : i32 to vector<16xi32>
    %and3A_763 = arith.andi %get3A_757, %and3A_762 : vector<16xi32>
    %shift_left3A_764 = arith.constant 2 : i32
    %shift_left3A_765 = vector.broadcast %shift_left3A_764 : i32 to vector<16xi32>
    %shift_left3A_766 = arith.shli %and3A_763, %shift_left3A_765 : vector<16xi32>
    %or3A_767 = arith.ori %and3A_760, %shift_left3A_766 : vector<16xi32>
    %shift_right_logical3A_768 = arith.constant 11 : i32
    %shift_right_logical3A_769 = vector.broadcast %shift_right_logical3A_768 : i32 to vector<16xi32>
    %shift_right_logical3A_770 = arith.shrui %get3A_757, %shift_right_logical3A_769 : vector<16xi32>
    %and3A_771 = arith.constant 3 : i32
    %and3A_772 = vector.broadcast %and3A_771 : i32 to vector<16xi32>
    %and3A_773 = arith.andi %shift_right_logical3A_770, %and3A_772 : vector<16xi32>
    %or3A_774 = arith.ori %or3A_767, %and3A_773 : vector<16xi32>
    %swap3A_775 = arith.constant 3 : i32
    %swap3A_776 = arith.index_cast %swap3A_775 : i32 to index
    %swap3A_777 = arith.constant 48 : index
    %swap3A_778 = tpu.vector_load %arg6[%swap3A_776, %swap3A_777] {strides = array<i32>} : memref<4x128xi32, #tpu.memory_space<vmem>>, vector<1x16xi32>,
    %swap3A_779 = vector.shape_cast %swap3A_778 : vector<1x16xi32> to vector<16xi32>
    %swap3A_780 = vector.shape_cast %or3A_774 : vector<16xi32> to vector<1x16xi32>
    tpu.vector_store %arg6[%swap3A_776, %swap3A_777], %swap3A_780 {strides = array<i32>} : memref<4x128xi32, #tpu.memory_space<vmem>>, vector<1x16xi32>,
    %get3A_781 = arith.constant 3 : i32
    %get3A_782 = arith.index_cast %get3A_781 : i32 to index
    %get3A_783 = arith.constant 64 : index
    %get3A_784 = tpu.vector_load %arg6[%get3A_782, %get3A_783] {strides = array<i32>} : memref<4x128xi32, #tpu.memory_space<vmem>>, vector<1x16xi32>,
    %get3A_785 = vector.shape_cast %get3A_784 : vector<1x16xi32> to vector<16xi32>
    %and3A_786 = arith.constant -8192 : i32
    %and3A_787 = vector.broadcast %and3A_786 : i32 to vector<16xi32>
    %and3A_788 = arith.andi %get3A_785, %and3A_787 : vector<16xi32>
    %and3A_789 = arith.constant 2047 : i32
    %and3A_790 = vector.broadcast %and3A_789 : i32 to vector<16xi32>
    %and3A_791 = arith.andi %get3A_785, %and3A_790 : vector<16xi32>
    %shift_left3A_792 = arith.constant 2 : i32
    %shift_left3A_793 = vector.broadcast %shift_left3A_792 : i32 to vector<16xi32>
    %shift_left3A_794 = arith.shli %and3A_791, %shift_left3A_793 : vector<16xi32>
    %or3A_795 = arith.ori %and3A_788, %shift_left3A_794 : vector<16xi32>
    %shift_right_logical3A_796 = arith.constant 11 : i32
    %shift_right_logical3A_797 = vector.broadcast %shift_right_logical3A_796 : i32 to vector<16xi32>
    %shift_right_logical3A_798 = arith.shrui %get3A_785, %shift_right_logical3A_797 : vector<16xi32>
    %and3A_799 = arith.constant 3 : i32
    %and3A_800 = vector.broadcast %and3A_799 : i32 to vector<16xi32>
    %and3A_801 = arith.andi %shift_right_logical3A_798, %and3A_800 : vector<16xi32>
    %or3A_802 = arith.ori %or3A_795, %and3A_801 : vector<16xi32>
    %swap3A_803 = arith.constant 3 : i32
    %swap3A_804 = arith.index_cast %swap3A_803 : i32 to index
    %swap3A_805 = arith.constant 64 : index
    %swap3A_806 = tpu.vector_load %arg6[%swap3A_804, %swap3A_805] {strides = array<i32>} : memref<4x128xi32, #tpu.memory_space<vmem>>, vector<1x16xi32>,
    %swap3A_807 = vector.shape_cast %swap3A_806 : vector<1x16xi32> to vector<16xi32>
    %swap3A_808 = vector.shape_cast %or3A_802 : vector<16xi32> to vector<1x16xi32>
    tpu.vector_store %arg6[%swap3A_804, %swap3A_805], %swap3A_808 {strides = array<i32>} : memref<4x128xi32, #tpu.memory_space<vmem>>, vector<1x16xi32>,
    %get3A_809 = arith.constant 3 : i32
    %get3A_810 = arith.index_cast %get3A_809 : i32 to index
    %get3A_811 = arith.constant 80 : index
    %get3A_812 = tpu.vector_load %arg6[%get3A_810, %get3A_811] {strides = array<i32>} : memref<4x128xi32, #tpu.memory_space<vmem>>, vector<1x16xi32>,
    %get3A_813 = vector.shape_cast %get3A_812 : vector<1x16xi32> to vector<16xi32>
    %and3A_814 = arith.constant -8192 : i32
    %and3A_815 = vector.broadcast %and3A_814 : i32 to vector<16xi32>
    %and3A_816 = arith.andi %get3A_813, %and3A_815 : vector<16xi32>
    %and3A_817 = arith.constant 2047 : i32
    %and3A_818 = vector.broadcast %and3A_817 : i32 to vector<16xi32>
    %and3A_819 = arith.andi %get3A_813, %and3A_818 : vector<16xi32>
    %shift_left3A_820 = arith.constant 2 : i32
    %shift_left3A_821 = vector.broadcast %shift_left3A_820 : i32 to vector<16xi32>
    %shift_left3A_822 = arith.shli %and3A_819, %shift_left3A_821 : vector<16xi32>
    %or3A_823 = arith.ori %and3A_816, %shift_left3A_822 : vector<16xi32>
    %shift_right_logical3A_824 = arith.constant 11 : i32
    %shift_right_logical3A_825 = vector.broadcast %shift_right_logical3A_824 : i32 to vector<16xi32>
    %shift_right_logical3A_826 = arith.shrui %get3A_813, %shift_right_logical3A_825 : vector<16xi32>
    %and3A_827 = arith.constant 3 : i32
    %and3A_828 = vector.broadcast %and3A_827 : i32 to vector<16xi32>
    %and3A_829 = arith.andi %shift_right_logical3A_826, %and3A_828 : vector<16xi32>
    %or3A_830 = arith.ori %or3A_823, %and3A_829 : vector<16xi32>
    %swap3A_831 = arith.constant 3 : i32
    %swap3A_832 = arith.index_cast %swap3A_831 : i32 to index
    %swap3A_833 = arith.constant 80 : index
    %swap3A_834 = tpu.vector_load %arg6[%swap3A_832, %swap3A_833] {strides = array<i32>} : memref<4x128xi32, #tpu.memory_space<vmem>>, vector<1x16xi32>,
    %swap3A_835 = vector.shape_cast %swap3A_834 : vector<1x16xi32> to vector<16xi32>
    %swap3A_836 = vector.shape_cast %or3A_830 : vector<16xi32> to vector<1x16xi32>
    tpu.vector_store %arg6[%swap3A_832, %swap3A_833], %swap3A_836 {strides = array<i32>} : memref<4x128xi32, #tpu.memory_space<vmem>>, vector<1x16xi32>,
    %get3A_837 = arith.constant 3 : i32
    %get3A_838 = arith.index_cast %get3A_837 : i32 to index
    %get3A_839 = arith.constant 96 : index
    %get3A_840 = tpu.vector_load %arg6[%get3A_838, %get3A_839] {strides = array<i32>} : memref<4x128xi32, #tpu.memory_space<vmem>>, vector<1x16xi32>,
    %get3A_841 = vector.shape_cast %get3A_840 : vector<1x16xi32> to vector<16xi32>
    %and3A_842 = arith.constant -8192 : i32
    %and3A_843 = vector.broadcast %and3A_842 : i32 to vector<16xi32>
    %and3A_844 = arith.andi %get3A_841, %and3A_843 : vector<16xi32>
    %and3A_845 = arith.constant 2047 : i32
    %and3A_846 = vector.broadcast %and3A_845 : i32 to vector<16xi32>
    %and3A_847 = arith.andi %get3A_841, %and3A_846 : vector<16xi32>
    %shift_left3A_848 = arith.constant 2 : i32
    %shift_left3A_849 = vector.broadcast %shift_left3A_848 : i32 to vector<16xi32>
    %shift_left3A_850 = arith.shli %and3A_847, %shift_left3A_849 : vector<16xi32>
    %or3A_851 = arith.ori %and3A_844, %shift_left3A_850 : vector<16xi32>
    %shift_right_logical3A_852 = arith.constant 11 : i32
    %shift_right_logical3A_853 = vector.broadcast %shift_right_logical3A_852 : i32 to vector<16xi32>
    %shift_right_logical3A_854 = arith.shrui %get3A_841, %shift_right_logical3A_853 : vector<16xi32>
    %and3A_855 = arith.constant 3 : i32
    %and3A_856 = vector.broadcast %and3A_855 : i32 to vector<16xi32>
    %and3A_857 = arith.andi %shift_right_logical3A_854, %and3A_856 : vector<16xi32>
    %or3A_858 = arith.ori %or3A_851, %and3A_857 : vector<16xi32>
    %swap3A_859 = arith.constant 3 : i32
    %swap3A_860 = arith.index_cast %swap3A_859 : i32 to index
    %swap3A_861 = arith.constant 96 : index
    %swap3A_862 = tpu.vector_load %arg6[%swap3A_860, %swap3A_861] {strides = array<i32>} : memref<4x128xi32, #tpu.memory_space<vmem>>, vector<1x16xi32>,
    %swap3A_863 = vector.shape_cast %swap3A_862 : vector<1x16xi32> to vector<16xi32>
    %swap3A_864 = vector.shape_cast %or3A_858 : vector<16xi32> to vector<1x16xi32>
    tpu.vector_store %arg6[%swap3A_860, %swap3A_861], %swap3A_864 {strides = array<i32>} : memref<4x128xi32, #tpu.memory_space<vmem>>, vector<1x16xi32>,
    %get3A_865 = arith.constant 3 : i32
    %get3A_866 = arith.index_cast %get3A_865 : i32 to index
    %get3A_867 = arith.constant 112 : index
    %get3A_868 = tpu.vector_load %arg6[%get3A_866, %get3A_867] {strides = array<i32>} : memref<4x128xi32, #tpu.memory_space<vmem>>, vector<1x16xi32>,
    %get3A_869 = vector.shape_cast %get3A_868 : vector<1x16xi32> to vector<16xi32>
    %and3A_870 = arith.constant -8192 : i32
    %and3A_871 = vector.broadcast %and3A_870 : i32 to vector<16xi32>
    %and3A_872 = arith.andi %get3A_869, %and3A_871 : vector<16xi32>
    %and3A_873 = arith.constant 2047 : i32
    %and3A_874 = vector.broadcast %and3A_873 : i32 to vector<16xi32>
    %and3A_875 = arith.andi %get3A_869, %and3A_874 : vector<16xi32>
    %shift_left3A_876 = arith.constant 2 : i32
    %shift_left3A_877 = vector.broadcast %shift_left3A_876 : i32 to vector<16xi32>
    %shift_left3A_878 = arith.shli %and3A_875, %shift_left3A_877 : vector<16xi32>
    %or3A_879 = arith.ori %and3A_872, %shift_left3A_878 : vector<16xi32>
    %shift_right_logical3A_880 = arith.constant 11 : i32
    %shift_right_logical3A_881 = vector.broadcast %shift_right_logical3A_880 : i32 to vector<16xi32>
    %shift_right_logical3A_882 = arith.shrui %get3A_869, %shift_right_logical3A_881 : vector<16xi32>
    %and3A_883 = arith.constant 3 : i32
    %and3A_884 = vector.broadcast %and3A_883 : i32 to vector<16xi32>
    %and3A_885 = arith.andi %shift_right_logical3A_882, %and3A_884 : vector<16xi32>
    %or3A_886 = arith.ori %or3A_879, %and3A_885 : vector<16xi32>
    %swap3A_887 = arith.constant 3 : i32
    %swap3A_888 = arith.index_cast %swap3A_887 : i32 to index
    %swap3A_889 = arith.constant 112 : index
    %swap3A_890 = tpu.vector_load %arg6[%swap3A_888, %swap3A_889] {strides = array<i32>} : memref<4x128xi32, #tpu.memory_space<vmem>>, vector<1x16xi32>,
    %swap3A_891 = vector.shape_cast %swap3A_890 : vector<1x16xi32> to vector<16xi32>
    %swap3A_892 = vector.shape_cast %or3A_886 : vector<16xi32> to vector<1x16xi32>
    tpu.vector_store %arg6[%swap3A_888, %swap3A_889], %swap3A_892 {strides = array<i32>} : memref<4x128xi32, #tpu.memory_space<vmem>>, vector<1x16xi32>,
    %mul3A_893 = arith.constant 512 : i32
    %mul3A_894 = arith.muli %add3A, %mul3A_893 : i32
    "tpu.region"() ({
      %run_scoped3A_898 = tpu.sem_alloc : memref<!tpu.dma_semaphore, #tpu.memory_space<semaphore_mem>>
      %dma_start3A = arith.constant 0 : i32
      %dma_start3A_899 = tpu.memref_slice %arg4[%mul3A_894, %dma_start3A] : memref<16384x32xf32, #tpu.memory_space<hbm>> -> memref<512x32xf32, #tpu.memory_space<hbm>>
      %dma_start3A_900 = arith.constant 0 : i32
      %dma_start3A_901 = tpu.memref_slice %arg4[%mul3A_894, %dma_start3A_900] : memref<16384x32xf32, #tpu.memory_space<hbm>> -> memref<512x32xf32, #tpu.memory_space<hbm>>
      tpu.enqueue_dma source(%dma_start3A_901 : memref<512x32xf32, #tpu.memory_space<hbm>>) target(%arg7 : memref<512x32xf32, #tpu.memory_space<vmem>>) target_semaphore(%run_scoped3A_898 : memref<!tpu.dma_semaphore, #tpu.memory_space<semaphore_mem>>)
      %dma_wait3A = arith.constant 0 : i32
      %dma_wait3A_902 = tpu.memref_slice %arg4[%mul3A_894, %dma_wait3A] : memref<16384x32xf32, #tpu.memory_space<hbm>> -> memref<512x32xf32, #tpu.memory_space<hbm>>
      %dma_wait3A_903 = arith.constant 0 : i32
      %dma_wait3A_904 = tpu.memref_slice %arg4[%mul3A_894, %dma_wait3A_903] : memref<16384x32xf32, #tpu.memory_space<hbm>> -> memref<512x32xf32, #tpu.memory_space<hbm>>
      tpu.wait_dma2 semaphore(%run_scoped3A_898 : memref<!tpu.dma_semaphore, #tpu.memory_space<semaphore_mem>>) src(%dma_wait3A_904 : memref<512x32xf32, #tpu.memory_space<hbm>>) dst(%arg7 : memref<512x32xf32, #tpu.memory_space<vmem>>)
      tpu.yield
    }) : () -> ()
    %run_scoped3A = arith.constant 0 : i32
    "tpu.region"() ({
      %run_scoped3A_898 = tpu.sem_alloc : memref<!tpu.dma_semaphore, #tpu.memory_space<semaphore_mem>>
      %dma_start3A = arith.constant 0 : i32
      %dma_start3A_899 = arith.constant 0 : i32
      %dma_start3A_900 = tpu.memref_slice %arg7[%dma_start3A, %dma_start3A_899] : memref<512x32xf32, #tpu.memory_space<vmem>> -> memref<128x32xf32, #tpu.memory_space<vmem>>
      %dma_start3A_901 = arith.constant 0 : i32
      %dma_start3A_902 = tpu.memref_slice %arg6[%run_scoped3A, %dma_start3A_901] : memref<4x128xi32, #tpu.memory_space<vmem>> -> memref<1x128xi32, #tpu.memory_space<vmem>>
      %dma_start3A_903 = tpu.memref_squeeze %dma_start3A_902 : memref<1x128xi32, #tpu.memory_space<vmem>> -> memref<128xi32, #tpu.memory_space<vmem>>
      %dma_start3A_904 = arith.constant 0 : i32
      %dma_start3A_905 = arith.constant 0 : i32
      %dma_start3A_906 = tpu.memref_slice %arg5[%dma_start3A_904, %dma_start3A_905] : memref<1007616x32xf32, #tpu.memory_space<hbm>> -> memref<1007616x32xf32, #tpu.memory_space<hbm>>
      tpu.enqueue_indirect_dma source(%dma_start3A_900 : memref<128x32xf32, #tpu.memory_space<vmem>>) target(%dma_start3A_906 : memref<1007616x32xf32, #tpu.memory_space<hbm>>) offsets(%dma_start3A_903 : memref<128xi32, #tpu.memory_space<vmem>>) semaphore(%run_scoped3A_898 : memref<!tpu.dma_semaphore, #tpu.memory_space<semaphore_mem>>)
      %dma_wait3A = arith.constant 0 : i32
      %dma_wait3A_907 = arith.constant 0 : i32
      %dma_wait3A_908 = tpu.memref_slice %arg7[%dma_wait3A, %dma_wait3A_907] : memref<512x32xf32, #tpu.memory_space<vmem>> -> memref<128x32xf32, #tpu.memory_space<vmem>>
      %dma_wait3A_909 = arith.constant 0 : i32
      %dma_wait3A_910 = tpu.memref_slice %arg6[%run_scoped3A, %dma_wait3A_909] : memref<4x128xi32, #tpu.memory_space<vmem>> -> memref<1x128xi32, #tpu.memory_space<vmem>>
      %dma_wait3A_911 = tpu.memref_squeeze %dma_wait3A_910 : memref<1x128xi32, #tpu.memory_space<vmem>> -> memref<128xi32, #tpu.memory_space<vmem>>
      %dma_wait3A_912 = arith.constant 0 : i32
      %dma_wait3A_913 = arith.constant 0 : i32
      %dma_wait3A_914 = tpu.memref_slice %arg5[%dma_wait3A_912, %dma_wait3A_913] : memref<1007616x32xf32, #tpu.memory_space<hbm>> -> memref<1007616x32xf32, #tpu.memory_space<hbm>>
      tpu.wait_indirect_dma semaphore(%run_scoped3A_898 : memref<!tpu.dma_semaphore, #tpu.memory_space<semaphore_mem>>) src(%dma_wait3A_908 : memref<128x32xf32, #tpu.memory_space<vmem>>) dst(%dma_wait3A_914 : memref<1007616x32xf32, #tpu.memory_space<hbm>>)
      tpu.yield
    }) : () -> ()
    %run_scoped3A_895 = arith.constant 1 : i32
    "tpu.region"() ({
      %run_scoped3A_898 = tpu.sem_alloc : memref<!tpu.dma_semaphore, #tpu.memory_space<semaphore_mem>>
      %dma_start3A = arith.constant 128 : i32
      %dma_start3A_899 = arith.constant 0 : i32
      %dma_start3A_900 = tpu.memref_slice %arg7[%dma_start3A, %dma_start3A_899] : memref<512x32xf32, #tpu.memory_space<vmem>> -> memref<128x32xf32, #tpu.memory_space<vmem>>
      %dma_start3A_901 = arith.constant 0 : i32
      %dma_start3A_902 = tpu.memref_slice %arg6[%run_scoped3A_895, %dma_start3A_901] : memref<4x128xi32, #tpu.memory_space<vmem>> -> memref<1x128xi32, #tpu.memory_space<vmem>>
      %dma_start3A_903 = tpu.memref_squeeze %dma_start3A_902 : memref<1x128xi32, #tpu.memory_space<vmem>> -> memref<128xi32, #tpu.memory_space<vmem>>
      %dma_start3A_904 = arith.constant 0 : i32
      %dma_start3A_905 = arith.constant 0 : i32
      %dma_start3A_906 = tpu.memref_slice %arg5[%dma_start3A_904, %dma_start3A_905] : memref<1007616x32xf32, #tpu.memory_space<hbm>> -> memref<1007616x32xf32, #tpu.memory_space<hbm>>
      tpu.enqueue_indirect_dma source(%dma_start3A_900 : memref<128x32xf32, #tpu.memory_space<vmem>>) target(%dma_start3A_906 : memref<1007616x32xf32, #tpu.memory_space<hbm>>) offsets(%dma_start3A_903 : memref<128xi32, #tpu.memory_space<vmem>>) semaphore(%run_scoped3A_898 : memref<!tpu.dma_semaphore, #tpu.memory_space<semaphore_mem>>)
      %dma_wait3A = arith.constant 128 : i32
      %dma_wait3A_907 = arith.constant 0 : i32
      %dma_wait3A_908 = tpu.memref_slice %arg7[%dma_wait3A, %dma_wait3A_907] : memref<512x32xf32, #tpu.memory_space<vmem>> -> memref<128x32xf32, #tpu.memory_space<vmem>>
      %dma_wait3A_909 = arith.constant 0 : i32
      %dma_wait3A_910 = tpu.memref_slice %arg6[%run_scoped3A_895, %dma_wait3A_909] : memref<4x128xi32, #tpu.memory_space<vmem>> -> memref<1x128xi32, #tpu.memory_space<vmem>>
      %dma_wait3A_911 = tpu.memref_squeeze %dma_wait3A_910 : memref<1x128xi32, #tpu.memory_space<vmem>> -> memref<128xi32, #tpu.memory_space<vmem>>
      %dma_wait3A_912 = arith.constant 0 : i32
      %dma_wait3A_913 = arith.constant 0 : i32
      %dma_wait3A_914 = tpu.memref_slice %arg5[%dma_wait3A_912, %dma_wait3A_913] : memref<1007616x32xf32, #tpu.memory_space<hbm>> -> memref<1007616x32xf32, #tpu.memory_space<hbm>>
      tpu.wait_indirect_dma semaphore(%run_scoped3A_898 : memref<!tpu.dma_semaphore, #tpu.memory_space<semaphore_mem>>) src(%dma_wait3A_908 : memref<128x32xf32, #tpu.memory_space<vmem>>) dst(%dma_wait3A_914 : memref<1007616x32xf32, #tpu.memory_space<hbm>>)
      tpu.yield
    }) : () -> ()
    %run_scoped3A_896 = arith.constant 2 : i32
    "tpu.region"() ({
      %run_scoped3A_898 = tpu.sem_alloc : memref<!tpu.dma_semaphore, #tpu.memory_space<semaphore_mem>>
      %dma_start3A = arith.constant 256 : i32
      %dma_start3A_899 = arith.constant 0 : i32
      %dma_start3A_900 = tpu.memref_slice %arg7[%dma_start3A, %dma_start3A_899] : memref<512x32xf32, #tpu.memory_space<vmem>> -> memref<128x32xf32, #tpu.memory_space<vmem>>
      %dma_start3A_901 = arith.constant 0 : i32
      %dma_start3A_902 = tpu.memref_slice %arg6[%run_scoped3A_896, %dma_start3A_901] : memref<4x128xi32, #tpu.memory_space<vmem>> -> memref<1x128xi32, #tpu.memory_space<vmem>>
      %dma_start3A_903 = tpu.memref_squeeze %dma_start3A_902 : memref<1x128xi32, #tpu.memory_space<vmem>> -> memref<128xi32, #tpu.memory_space<vmem>>
      %dma_start3A_904 = arith.constant 0 : i32
      %dma_start3A_905 = arith.constant 0 : i32
      %dma_start3A_906 = tpu.memref_slice %arg5[%dma_start3A_904, %dma_start3A_905] : memref<1007616x32xf32, #tpu.memory_space<hbm>> -> memref<1007616x32xf32, #tpu.memory_space<hbm>>
      tpu.enqueue_indirect_dma source(%dma_start3A_900 : memref<128x32xf32, #tpu.memory_space<vmem>>) target(%dma_start3A_906 : memref<1007616x32xf32, #tpu.memory_space<hbm>>) offsets(%dma_start3A_903 : memref<128xi32, #tpu.memory_space<vmem>>) semaphore(%run_scoped3A_898 : memref<!tpu.dma_semaphore, #tpu.memory_space<semaphore_mem>>)
      %dma_wait3A = arith.constant 256 : i32
      %dma_wait3A_907 = arith.constant 0 : i32
      %dma_wait3A_908 = tpu.memref_slice %arg7[%dma_wait3A, %dma_wait3A_907] : memref<512x32xf32, #tpu.memory_space<vmem>> -> memref<128x32xf32, #tpu.memory_space<vmem>>
      %dma_wait3A_909 = arith.constant 0 : i32
      %dma_wait3A_910 = tpu.memref_slice %arg6[%run_scoped3A_896, %dma_wait3A_909] : memref<4x128xi32, #tpu.memory_space<vmem>> -> memref<1x128xi32, #tpu.memory_space<vmem>>
      %dma_wait3A_911 = tpu.memref_squeeze %dma_wait3A_910 : memref<1x128xi32, #tpu.memory_space<vmem>> -> memref<128xi32, #tpu.memory_space<vmem>>
      %dma_wait3A_912 = arith.constant 0 : i32
      %dma_wait3A_913 = arith.constant 0 : i32
      %dma_wait3A_914 = tpu.memref_slice %arg5[%dma_wait3A_912, %dma_wait3A_913] : memref<1007616x32xf32, #tpu.memory_space<hbm>> -> memref<1007616x32xf32, #tpu.memory_space<hbm>>
      tpu.wait_indirect_dma semaphore(%run_scoped3A_898 : memref<!tpu.dma_semaphore, #tpu.memory_space<semaphore_mem>>) src(%dma_wait3A_908 : memref<128x32xf32, #tpu.memory_space<vmem>>) dst(%dma_wait3A_914 : memref<1007616x32xf32, #tpu.memory_space<hbm>>)
      tpu.yield
    }) : () -> ()
    %run_scoped3A_897 = arith.constant 3 : i32
    "tpu.region"() ({
      %run_scoped3A_898 = tpu.sem_alloc : memref<!tpu.dma_semaphore, #tpu.memory_space<semaphore_mem>>
      %dma_start3A = arith.constant 384 : i32
      %dma_start3A_899 = arith.constant 0 : i32
      %dma_start3A_900 = tpu.memref_slice %arg7[%dma_start3A, %dma_start3A_899] : memref<512x32xf32, #tpu.memory_space<vmem>> -> memref<128x32xf32, #tpu.memory_space<vmem>>
      %dma_start3A_901 = arith.constant 0 : i32
      %dma_start3A_902 = tpu.memref_slice %arg6[%run_scoped3A_897, %dma_start3A_901] : memref<4x128xi32, #tpu.memory_space<vmem>> -> memref<1x128xi32, #tpu.memory_space<vmem>>
      %dma_start3A_903 = tpu.memref_squeeze %dma_start3A_902 : memref<1x128xi32, #tpu.memory_space<vmem>> -> memref<128xi32, #tpu.memory_space<vmem>>
      %dma_start3A_904 = arith.constant 0 : i32
      %dma_start3A_905 = arith.constant 0 : i32
      %dma_start3A_906 = tpu.memref_slice %arg5[%dma_start3A_904, %dma_start3A_905] : memref<1007616x32xf32, #tpu.memory_space<hbm>> -> memref<1007616x32xf32, #tpu.memory_space<hbm>>
      tpu.enqueue_indirect_dma source(%dma_start3A_900 : memref<128x32xf32, #tpu.memory_space<vmem>>) target(%dma_start3A_906 : memref<1007616x32xf32, #tpu.memory_space<hbm>>) offsets(%dma_start3A_903 : memref<128xi32, #tpu.memory_space<vmem>>) semaphore(%run_scoped3A_898 : memref<!tpu.dma_semaphore, #tpu.memory_space<semaphore_mem>>)
      %dma_wait3A = arith.constant 384 : i32
      %dma_wait3A_907 = arith.constant 0 : i32
      %dma_wait3A_908 = tpu.memref_slice %arg7[%dma_wait3A, %dma_wait3A_907] : memref<512x32xf32, #tpu.memory_space<vmem>> -> memref<128x32xf32, #tpu.memory_space<vmem>>
      %dma_wait3A_909 = arith.constant 0 : i32
      %dma_wait3A_910 = tpu.memref_slice %arg6[%run_scoped3A_897, %dma_wait3A_909] : memref<4x128xi32, #tpu.memory_space<vmem>> -> memref<1x128xi32, #tpu.memory_space<vmem>>
      %dma_wait3A_911 = tpu.memref_squeeze %dma_wait3A_910 : memref<1x128xi32, #tpu.memory_space<vmem>> -> memref<128xi32, #tpu.memory_space<vmem>>
      %dma_wait3A_912 = arith.constant 0 : i32
      %dma_wait3A_913 = arith.constant 0 : i32
      %dma_wait3A_914 = tpu.memref_slice %arg5[%dma_wait3A_912, %dma_wait3A_913] : memref<1007616x32xf32, #tpu.memory_space<hbm>> -> memref<1007616x32xf32, #tpu.memory_space<hbm>>
      tpu.wait_indirect_dma semaphore(%run_scoped3A_898 : memref<!tpu.dma_semaphore, #tpu.memory_space<semaphore_mem>>) src(%dma_wait3A_908 : memref<128x32xf32, #tpu.memory_space<vmem>>) dst(%dma_wait3A_914 : memref<1007616x32xf32, #tpu.memory_space<hbm>>)
      tpu.yield
    }) : () -> ()
    return
  }
}

#map = affine_map<(d0, d1) -> (0, 0)>
#map1 = affine_map<(d0, d1) -> (0)>
module attributes {stable_mosaic.version = 14 : i64} {
  func.func @body(%arg0: i32, %arg1: i32, %arg2: memref<128x128xi32, #tpu.memory_space<hbm>>, %arg3: memref<16384x32xf32, #tpu.memory_space<hbm>>, %arg4: memref<16384x32xf32, #tpu.memory_space<hbm>>, %arg5: memref<16384xf32, #tpu.memory_space<hbm>>, %arg6: memref<8x128xi32, #tpu.memory_space<vmem>>, %arg7: memref<1024xf32, #tpu.memory_space<vmem>>, %arg8: memref<1024xf32, #tpu.memory_space<vmem>>, %arg9: memref<1024x32xf32, #tpu.memory_space<vmem>>, %arg10: memref<1024x32xf32, #tpu.memory_space<vmem>>, %arg11: memref<16384x32xf32, #tpu.memory_space<vmem_shared>>, %arg12: memref<16384xf32, #tpu.memory_space<vmem_shared>>) attributes {dimension_semantics = [#tpu.dimension_semantics<core_parallel>, #tpu.dimension_semantics<subcore_parallel>], iteration_bounds = array<i64: 2, 16>, scalar_prefetch = 0 : i64, scratch_operands = 7 : i64, tpu.core_type = #tpu.core_type<sc_vector_subcore>, window_params = [{transform_indices = #map}, {transform_indices = #map}, {transform_indices = #map}, {transform_indices = #map1}]} {
    %mul3A = arith.constant 1024 : i32
    %mul3A_0 = arith.muli %arg1, %mul3A : i32
    %eq3A = arith.constant 0 : i32
    %eq3A_1 = arith.cmpi eq, %arg0, %eq3A : i32
    %convert_element_type3A = arith.extui %eq3A_1 : i1 to i32
    %cond3A = arith.constant 0 : i32
    %cond3A_2 = arith.cmpi ne, %convert_element_type3A, %cond3A : i32
    scf.if %cond3A_2 {
      %mul3A_14 = arith.constant 8 : i32
      %mul3A_15 = arith.muli %arg1, %mul3A_14 : i32
      "tpu.region"() ({
        %run_scoped3A = tpu.sem_alloc : memref<!tpu.dma_semaphore, #tpu.memory_space<semaphore_mem>>
        %dma_start3A = arith.constant 0 : i32
        %dma_start3A_27 = tpu.memref_slice %arg2[%mul3A_15, %dma_start3A] : memref<128x128xi32, #tpu.memory_space<hbm>> -> memref<8x128xi32, #tpu.memory_space<hbm>>
        %dma_start3A_28 = arith.constant 0 : i32
        %dma_start3A_29 = tpu.memref_slice %arg2[%mul3A_15, %dma_start3A_28] : memref<128x128xi32, #tpu.memory_space<hbm>> -> memref<8x128xi32, #tpu.memory_space<hbm>>
        tpu.enqueue_dma source(%dma_start3A_29 : memref<8x128xi32, #tpu.memory_space<hbm>>) target(%arg6 : memref<8x128xi32, #tpu.memory_space<vmem>>) target_semaphore(%run_scoped3A : memref<!tpu.dma_semaphore, #tpu.memory_space<semaphore_mem>>)
        %dma_wait3A = arith.constant 0 : i32
        %dma_wait3A_30 = tpu.memref_slice %arg2[%mul3A_15, %dma_wait3A] : memref<128x128xi32, #tpu.memory_space<hbm>> -> memref<8x128xi32, #tpu.memory_space<hbm>>
        %dma_wait3A_31 = arith.constant 0 : i32
        %dma_wait3A_32 = tpu.memref_slice %arg2[%mul3A_15, %dma_wait3A_31] : memref<128x128xi32, #tpu.memory_space<hbm>> -> memref<8x128xi32, #tpu.memory_space<hbm>>
        tpu.wait_dma2 semaphore(%run_scoped3A : memref<!tpu.dma_semaphore, #tpu.memory_space<semaphore_mem>>) src(%dma_wait3A_32 : memref<8x128xi32, #tpu.memory_space<hbm>>) dst(%arg6 : memref<8x128xi32, #tpu.memory_space<vmem>>)
        tpu.yield
      }) : () -> ()
      "tpu.region"() ({
        %run_scoped3A = tpu.sem_alloc : memref<!tpu.dma_semaphore, #tpu.memory_space<semaphore_mem>>
        %dma_start3A = arith.constant 0 : i32
        %dma_start3A_27 = tpu.memref_slice %arg3[%mul3A_0, %dma_start3A] : memref<16384x32xf32, #tpu.memory_space<hbm>> -> memref<1024x32xf32, #tpu.memory_space<hbm>>
        %dma_start3A_28 = arith.constant 0 : i32
        %dma_start3A_29 = tpu.memref_slice %arg3[%mul3A_0, %dma_start3A_28] : memref<16384x32xf32, #tpu.memory_space<hbm>> -> memref<1024x32xf32, #tpu.memory_space<hbm>>
        tpu.enqueue_dma source(%dma_start3A_29 : memref<1024x32xf32, #tpu.memory_space<hbm>>) target(%arg9 : memref<1024x32xf32, #tpu.memory_space<vmem>>) target_semaphore(%run_scoped3A : memref<!tpu.dma_semaphore, #tpu.memory_space<semaphore_mem>>)
        %dma_wait3A = arith.constant 0 : i32
        %dma_wait3A_30 = tpu.memref_slice %arg3[%mul3A_0, %dma_wait3A] : memref<16384x32xf32, #tpu.memory_space<hbm>> -> memref<1024x32xf32, #tpu.memory_space<hbm>>
        %dma_wait3A_31 = arith.constant 0 : i32
        %dma_wait3A_32 = tpu.memref_slice %arg3[%mul3A_0, %dma_wait3A_31] : memref<16384x32xf32, #tpu.memory_space<hbm>> -> memref<1024x32xf32, #tpu.memory_space<hbm>>
        tpu.wait_dma2 semaphore(%run_scoped3A : memref<!tpu.dma_semaphore, #tpu.memory_space<semaphore_mem>>) src(%dma_wait3A_32 : memref<1024x32xf32, #tpu.memory_space<hbm>>) dst(%arg9 : memref<1024x32xf32, #tpu.memory_space<vmem>>)
        tpu.yield
      }) : () -> ()
      %scan3A = arith.constant 0 : i32
      %scan3A_16 = arith.constant 0 : i32
      %scan3A_17 = arith.constant 64 : i32
      %scan3A_18 = arith.addi %scan3A_16, %scan3A_17 : i32
      %scan3A_19 = arith.constant 1 : i32
      scf.for %scan3A_27 = %scan3A_16 to %scan3A_18 step %scan3A_19  : i32 {
        %broadcast_in_dim3A = arith.constant 1.000000e+00 : f32
        %broadcast_in_dim3A_28 = vector.broadcast %broadcast_in_dim3A : f32 to vector<16xf32>
        %mul3A_29 = arith.constant 16 : i32
        %mul3A_30 = arith.muli %scan3A_27, %mul3A_29 : i32
        %swap3A = arith.index_cast %mul3A_30 : i32 to index
        %swap3A_31 = tpu.vector_load %arg7[%swap3A] {strides = array<i32>} : memref<1024xf32, #tpu.memory_space<vmem>>, vector<16xf32>,
        %swap3A_32 = vector.shape_cast %swap3A_31 : vector<16xf32> to vector<16xf32>
        %swap3A_33 = vector.shape_cast %broadcast_in_dim3A_28 : vector<16xf32> to vector<16xf32>
        tpu.vector_store %arg7[%swap3A], %swap3A_33 {strides = array<i32>} : memref<1024xf32, #tpu.memory_space<vmem>>, vector<16xf32>,
        %broadcast_in_dim3A_34 = arith.constant 0.000000e+00 : f32
        %broadcast_in_dim3A_35 = vector.broadcast %broadcast_in_dim3A_34 : f32 to vector<16xf32>
        %mul3A_36 = arith.constant 16 : i32
        %mul3A_37 = arith.muli %scan3A_27, %mul3A_36 : i32
        %swap3A_38 = arith.index_cast %mul3A_37 : i32 to index
        %swap3A_39 = tpu.vector_load %arg8[%swap3A_38] {strides = array<i32>} : memref<1024xf32, #tpu.memory_space<vmem>>, vector<16xf32>,
        %swap3A_40 = vector.shape_cast %swap3A_39 : vector<16xf32> to vector<16xf32>
        %swap3A_41 = vector.shape_cast %broadcast_in_dim3A_35 : vector<16xf32> to vector<16xf32>
        tpu.vector_store %arg8[%swap3A_38], %swap3A_41 {strides = array<i32>} : memref<1024xf32, #tpu.memory_space<vmem>>, vector<16xf32>,
      }
      %scan3A_20 = arith.constant 64 : i32
      %scan3A_21 = arith.constant 0 : i32
      %scan3A_22 = arith.constant 0 : i32
      %scan3A_23 = arith.constant 1024 : i32
      %scan3A_24 = arith.addi %scan3A_22, %scan3A_23 : i32
      %scan3A_25 = arith.constant 1 : i32
      scf.for %scan3A_27 = %scan3A_22 to %scan3A_24 step %scan3A_25  : i32 {
        %broadcast_in_dim3A = arith.constant 0.000000e+00 : f32
        %broadcast_in_dim3A_28 = vector.broadcast %broadcast_in_dim3A : f32 to vector<16xf32>
        %swap3A = arith.index_cast %scan3A_27 : i32 to index
        %swap3A_29 = arith.constant 0 : index
        %swap3A_30 = tpu.vector_load %arg10[%swap3A, %swap3A_29] {strides = array<i32>} : memref<1024x32xf32, #tpu.memory_space<vmem>>, vector<1x16xf32>,
        %swap3A_31 = vector.shape_cast %swap3A_30 : vector<1x16xf32> to vector<16xf32>
        %swap3A_32 = vector.shape_cast %broadcast_in_dim3A_28 : vector<16xf32> to vector<1x16xf32>
        tpu.vector_store %arg10[%swap3A, %swap3A_29], %swap3A_32 {strides = array<i32>} : memref<1024x32xf32, #tpu.memory_space<vmem>>, vector<1x16xf32>,
        %broadcast_in_dim3A_33 = arith.constant 0.000000e+00 : f32
        %broadcast_in_dim3A_34 = vector.broadcast %broadcast_in_dim3A_33 : f32 to vector<16xf32>
        %swap3A_35 = arith.index_cast %scan3A_27 : i32 to index
        %swap3A_36 = arith.constant 16 : index
        %swap3A_37 = tpu.vector_load %arg10[%swap3A_35, %swap3A_36] {strides = array<i32>} : memref<1024x32xf32, #tpu.memory_space<vmem>>, vector<1x16xf32>,
        %swap3A_38 = vector.shape_cast %swap3A_37 : vector<1x16xf32> to vector<16xf32>
        %swap3A_39 = vector.shape_cast %broadcast_in_dim3A_34 : vector<16xf32> to vector<1x16xf32>
        tpu.vector_store %arg10[%swap3A_35, %swap3A_36], %swap3A_39 {strides = array<i32>} : memref<1024x32xf32, #tpu.memory_space<vmem>>, vector<1x16xf32>,
      }
      %scan3A_26 = arith.constant 1024 : i32
      "tpu.region"() ({
        %run_scoped3A = tpu.sem_alloc : memref<!tpu.dma_semaphore, #tpu.memory_space<semaphore_mem>>
        %dma_start3A = arith.constant 0 : i32
        %dma_start3A_27 = tpu.memref_slice %arg11[%mul3A_0, %dma_start3A] : memref<16384x32xf32, #tpu.memory_space<vmem_shared>> -> memref<1024x32xf32, #tpu.memory_space<vmem_shared>>
        %dma_start3A_28 = arith.constant 0 : i32
        %dma_start3A_29 = tpu.memref_slice %arg11[%mul3A_0, %dma_start3A_28] : memref<16384x32xf32, #tpu.memory_space<vmem_shared>> -> memref<1024x32xf32, #tpu.memory_space<vmem_shared>>
        tpu.enqueue_dma source(%arg10 : memref<1024x32xf32, #tpu.memory_space<vmem>>) target(%dma_start3A_29 : memref<1024x32xf32, #tpu.memory_space<vmem_shared>>) target_semaphore(%run_scoped3A : memref<!tpu.dma_semaphore, #tpu.memory_space<semaphore_mem>>)
        %dma_wait3A = arith.constant 0 : i32
        %dma_wait3A_30 = tpu.memref_slice %arg11[%mul3A_0, %dma_wait3A] : memref<16384x32xf32, #tpu.memory_space<vmem_shared>> -> memref<1024x32xf32, #tpu.memory_space<vmem_shared>>
        %dma_wait3A_31 = arith.constant 0 : i32
        %dma_wait3A_32 = tpu.memref_slice %arg11[%mul3A_0, %dma_wait3A_31] : memref<16384x32xf32, #tpu.memory_space<vmem_shared>> -> memref<1024x32xf32, #tpu.memory_space<vmem_shared>>
        tpu.wait_dma2 semaphore(%run_scoped3A : memref<!tpu.dma_semaphore, #tpu.memory_space<semaphore_mem>>) src(%arg10 : memref<1024x32xf32, #tpu.memory_space<vmem>>) dst(%dma_wait3A_32 : memref<1024x32xf32, #tpu.memory_space<vmem_shared>>)
        tpu.yield
      }) : () -> ()
      "tpu.region"() ({
        %run_scoped3A = tpu.sem_alloc : memref<!tpu.dma_semaphore, #tpu.memory_space<semaphore_mem>>
        %dma_start3A = tpu.memref_slice %arg12[%mul3A_0] : memref<16384xf32, #tpu.memory_space<vmem_shared>> -> memref<1024xf32, #tpu.memory_space<vmem_shared>>
        %dma_start3A_27 = tpu.memref_slice %arg12[%mul3A_0] : memref<16384xf32, #tpu.memory_space<vmem_shared>> -> memref<1024xf32, #tpu.memory_space<vmem_shared>>
        tpu.enqueue_dma source(%arg8 : memref<1024xf32, #tpu.memory_space<vmem>>) target(%dma_start3A_27 : memref<1024xf32, #tpu.memory_space<vmem_shared>>) target_semaphore(%run_scoped3A : memref<!tpu.dma_semaphore, #tpu.memory_space<semaphore_mem>>)
        %dma_wait3A = tpu.memref_slice %arg12[%mul3A_0] : memref<16384xf32, #tpu.memory_space<vmem_shared>> -> memref<1024xf32, #tpu.memory_space<vmem_shared>>
        %dma_wait3A_28 = tpu.memref_slice %arg12[%mul3A_0] : memref<16384xf32, #tpu.memory_space<vmem_shared>> -> memref<1024xf32, #tpu.memory_space<vmem_shared>>
        tpu.wait_dma2 semaphore(%run_scoped3A : memref<!tpu.dma_semaphore, #tpu.memory_space<semaphore_mem>>) src(%arg8 : memref<1024xf32, #tpu.memory_space<vmem>>) dst(%dma_wait3A_28 : memref<1024xf32, #tpu.memory_space<vmem_shared>>)
        tpu.yield
      }) : () -> ()
    } else {
    }
    %barrier3A = arith.constant 0 : index
    tpu.barrier barrier_id(%barrier3A)
    %eq3A_3 = arith.constant 0 : i32
    %eq3A_4 = arith.cmpi eq, %arg0, %eq3A_3 : i32
    %convert_element_type3A_5 = arith.extui %eq3A_4 : i1 to i32
    %cond3A_6 = arith.constant 0 : i32
    %cond3A_7 = arith.cmpi ne, %convert_element_type3A_5, %cond3A_6 : i32
    scf.if %cond3A_7 {
      %run_scoped3A = arith.constant 0 : i32
      "tpu.region"() ({
        %run_scoped3A_29 = tpu.sem_alloc : memref<!tpu.dma_semaphore, #tpu.memory_space<semaphore_mem>>
        %dma_start3A = arith.constant 0 : i32
        %dma_start3A_30 = arith.constant 0 : i32
        %dma_start3A_31 = tpu.memref_slice %arg9[%dma_start3A, %dma_start3A_30] : memref<1024x32xf32, #tpu.memory_space<vmem>> -> memref<128x32xf32, #tpu.memory_space<vmem>>
        %dma_start3A_32 = arith.constant 0 : i32
        %dma_start3A_33 = tpu.memref_slice %arg6[%run_scoped3A, %dma_start3A_32] : memref<8x128xi32, #tpu.memory_space<vmem>> -> memref<1x128xi32, #tpu.memory_space<vmem>>
        %dma_start3A_34 = tpu.memref_squeeze %dma_start3A_33 : memref<1x128xi32, #tpu.memory_space<vmem>> -> memref<128xi32, #tpu.memory_space<vmem>>
        %dma_start3A_35 = arith.constant 0 : i32
        %dma_start3A_36 = arith.constant 0 : i32
        %dma_start3A_37 = tpu.memref_slice %arg11[%dma_start3A_35, %dma_start3A_36] : memref<16384x32xf32, #tpu.memory_space<vmem_shared>> -> memref<16384x32xf32, #tpu.memory_space<vmem_shared>>
        tpu.enqueue_indirect_dma source(%dma_start3A_31 : memref<128x32xf32, #tpu.memory_space<vmem>>) target(%dma_start3A_37 : memref<16384x32xf32, #tpu.memory_space<vmem_shared>>) offsets(%dma_start3A_34 : memref<128xi32, #tpu.memory_space<vmem>>) semaphore(%run_scoped3A_29 : memref<!tpu.dma_semaphore, #tpu.memory_space<semaphore_mem>>) {add = true}
        %dma_wait3A = arith.constant 0 : i32
        %dma_wait3A_38 = arith.constant 0 : i32
        %dma_wait3A_39 = tpu.memref_slice %arg9[%dma_wait3A, %dma_wait3A_38] : memref<1024x32xf32, #tpu.memory_space<vmem>> -> memref<128x32xf32, #tpu.memory_space<vmem>>
        %dma_wait3A_40 = arith.constant 0 : i32
        %dma_wait3A_41 = tpu.memref_slice %arg6[%run_scoped3A, %dma_wait3A_40] : memref<8x128xi32, #tpu.memory_space<vmem>> -> memref<1x128xi32, #tpu.memory_space<vmem>>
        %dma_wait3A_42 = tpu.memref_squeeze %dma_wait3A_41 : memref<1x128xi32, #tpu.memory_space<vmem>> -> memref<128xi32, #tpu.memory_space<vmem>>
        %dma_wait3A_43 = arith.constant 0 : i32
        %dma_wait3A_44 = arith.constant 0 : i32
        %dma_wait3A_45 = tpu.memref_slice %arg11[%dma_wait3A_43, %dma_wait3A_44] : memref<16384x32xf32, #tpu.memory_space<vmem_shared>> -> memref<16384x32xf32, #tpu.memory_space<vmem_shared>>
        tpu.wait_indirect_dma semaphore(%run_scoped3A_29 : memref<!tpu.dma_semaphore, #tpu.memory_space<semaphore_mem>>) src(%dma_wait3A_39 : memref<128x32xf32, #tpu.memory_space<vmem>>) dst(%dma_wait3A_45 : memref<16384x32xf32, #tpu.memory_space<vmem_shared>>)
        tpu.yield
      }) : () -> ()
      %run_scoped3A_14 = arith.constant 0 : i32
      "tpu.region"() ({
        %run_scoped3A_29 = tpu.sem_alloc : memref<!tpu.dma_semaphore, #tpu.memory_space<semaphore_mem>>
        %dma_start3A = arith.constant 0 : i32
        %dma_start3A_30 = tpu.memref_slice %arg7[%dma_start3A] : memref<1024xf32, #tpu.memory_space<vmem>> -> memref<128xf32, #tpu.memory_space<vmem>>
        %dma_start3A_31 = arith.constant 0 : i32
        %dma_start3A_32 = tpu.memref_slice %arg6[%run_scoped3A_14, %dma_start3A_31] : memref<8x128xi32, #tpu.memory_space<vmem>> -> memref<1x128xi32, #tpu.memory_space<vmem>>
        %dma_start3A_33 = tpu.memref_squeeze %dma_start3A_32 : memref<1x128xi32, #tpu.memory_space<vmem>> -> memref<128xi32, #tpu.memory_space<vmem>>
        %dma_start3A_34 = arith.constant 0 : i32
        %dma_start3A_35 = tpu.memref_slice %arg12[%dma_start3A_34] : memref<16384xf32, #tpu.memory_space<vmem_shared>> -> memref<16384xf32, #tpu.memory_space<vmem_shared>>
        tpu.enqueue_indirect_dma source(%dma_start3A_30 : memref<128xf32, #tpu.memory_space<vmem>>) target(%dma_start3A_35 : memref<16384xf32, #tpu.memory_space<vmem_shared>>) offsets(%dma_start3A_33 : memref<128xi32, #tpu.memory_space<vmem>>) semaphore(%run_scoped3A_29 : memref<!tpu.dma_semaphore, #tpu.memory_space<semaphore_mem>>) {add = true}
        %dma_wait3A = arith.constant 0 : i32
        %dma_wait3A_36 = tpu.memref_slice %arg7[%dma_wait3A] : memref<1024xf32, #tpu.memory_space<vmem>> -> memref<128xf32, #tpu.memory_space<vmem>>
        %dma_wait3A_37 = arith.constant 0 : i32
        %dma_wait3A_38 = tpu.memref_slice %arg6[%run_scoped3A_14, %dma_wait3A_37] : memref<8x128xi32, #tpu.memory_space<vmem>> -> memref<1x128xi32, #tpu.memory_space<vmem>>
        %dma_wait3A_39 = tpu.memref_squeeze %dma_wait3A_38 : memref<1x128xi32, #tpu.memory_space<vmem>> -> memref<128xi32, #tpu.memory_space<vmem>>
        %dma_wait3A_40 = arith.constant 0 : i32
        %dma_wait3A_41 = tpu.memref_slice %arg12[%dma_wait3A_40] : memref<16384xf32, #tpu.memory_space<vmem_shared>> -> memref<16384xf32, #tpu.memory_space<vmem_shared>>
        tpu.wait_indirect_dma semaphore(%run_scoped3A_29 : memref<!tpu.dma_semaphore, #tpu.memory_space<semaphore_mem>>) src(%dma_wait3A_36 : memref<128xf32, #tpu.memory_space<vmem>>) dst(%dma_wait3A_41 : memref<16384xf32, #tpu.memory_space<vmem_shared>>)
        tpu.yield
      }) : () -> ()
      %run_scoped3A_15 = arith.constant 1 : i32
      "tpu.region"() ({
        %run_scoped3A_29 = tpu.sem_alloc : memref<!tpu.dma_semaphore, #tpu.memory_space<semaphore_mem>>
        %dma_start3A = arith.constant 128 : i32
        %dma_start3A_30 = arith.constant 0 : i32
        %dma_start3A_31 = tpu.memref_slice %arg9[%dma_start3A, %dma_start3A_30] : memref<1024x32xf32, #tpu.memory_space<vmem>> -> memref<128x32xf32, #tpu.memory_space<vmem>>
        %dma_start3A_32 = arith.constant 0 : i32
        %dma_start3A_33 = tpu.memref_slice %arg6[%run_scoped3A_15, %dma_start3A_32] : memref<8x128xi32, #tpu.memory_space<vmem>> -> memref<1x128xi32, #tpu.memory_space<vmem>>
        %dma_start3A_34 = tpu.memref_squeeze %dma_start3A_33 : memref<1x128xi32, #tpu.memory_space<vmem>> -> memref<128xi32, #tpu.memory_space<vmem>>
        %dma_start3A_35 = arith.constant 0 : i32
        %dma_start3A_36 = arith.constant 0 : i32
        %dma_start3A_37 = tpu.memref_slice %arg11[%dma_start3A_35, %dma_start3A_36] : memref<16384x32xf32, #tpu.memory_space<vmem_shared>> -> memref<16384x32xf32, #tpu.memory_space<vmem_shared>>
        tpu.enqueue_indirect_dma source(%dma_start3A_31 : memref<128x32xf32, #tpu.memory_space<vmem>>) target(%dma_start3A_37 : memref<16384x32xf32, #tpu.memory_space<vmem_shared>>) offsets(%dma_start3A_34 : memref<128xi32, #tpu.memory_space<vmem>>) semaphore(%run_scoped3A_29 : memref<!tpu.dma_semaphore, #tpu.memory_space<semaphore_mem>>) {add = true}
        %dma_wait3A = arith.constant 128 : i32
        %dma_wait3A_38 = arith.constant 0 : i32
        %dma_wait3A_39 = tpu.memref_slice %arg9[%dma_wait3A, %dma_wait3A_38] : memref<1024x32xf32, #tpu.memory_space<vmem>> -> memref<128x32xf32, #tpu.memory_space<vmem>>
        %dma_wait3A_40 = arith.constant 0 : i32
        %dma_wait3A_41 = tpu.memref_slice %arg6[%run_scoped3A_15, %dma_wait3A_40] : memref<8x128xi32, #tpu.memory_space<vmem>> -> memref<1x128xi32, #tpu.memory_space<vmem>>
        %dma_wait3A_42 = tpu.memref_squeeze %dma_wait3A_41 : memref<1x128xi32, #tpu.memory_space<vmem>> -> memref<128xi32, #tpu.memory_space<vmem>>
        %dma_wait3A_43 = arith.constant 0 : i32
        %dma_wait3A_44 = arith.constant 0 : i32
        %dma_wait3A_45 = tpu.memref_slice %arg11[%dma_wait3A_43, %dma_wait3A_44] : memref<16384x32xf32, #tpu.memory_space<vmem_shared>> -> memref<16384x32xf32, #tpu.memory_space<vmem_shared>>
        tpu.wait_indirect_dma semaphore(%run_scoped3A_29 : memref<!tpu.dma_semaphore, #tpu.memory_space<semaphore_mem>>) src(%dma_wait3A_39 : memref<128x32xf32, #tpu.memory_space<vmem>>) dst(%dma_wait3A_45 : memref<16384x32xf32, #tpu.memory_space<vmem_shared>>)
        tpu.yield
      }) : () -> ()
      %run_scoped3A_16 = arith.constant 1 : i32
      "tpu.region"() ({
        %run_scoped3A_29 = tpu.sem_alloc : memref<!tpu.dma_semaphore, #tpu.memory_space<semaphore_mem>>
        %dma_start3A = arith.constant 128 : i32
        %dma_start3A_30 = tpu.memref_slice %arg7[%dma_start3A] : memref<1024xf32, #tpu.memory_space<vmem>> -> memref<128xf32, #tpu.memory_space<vmem>>
        %dma_start3A_31 = arith.constant 0 : i32
        %dma_start3A_32 = tpu.memref_slice %arg6[%run_scoped3A_16, %dma_start3A_31] : memref<8x128xi32, #tpu.memory_space<vmem>> -> memref<1x128xi32, #tpu.memory_space<vmem>>
        %dma_start3A_33 = tpu.memref_squeeze %dma_start3A_32 : memref<1x128xi32, #tpu.memory_space<vmem>> -> memref<128xi32, #tpu.memory_space<vmem>>
        %dma_start3A_34 = arith.constant 0 : i32
        %dma_start3A_35 = tpu.memref_slice %arg12[%dma_start3A_34] : memref<16384xf32, #tpu.memory_space<vmem_shared>> -> memref<16384xf32, #tpu.memory_space<vmem_shared>>
        tpu.enqueue_indirect_dma source(%dma_start3A_30 : memref<128xf32, #tpu.memory_space<vmem>>) target(%dma_start3A_35 : memref<16384xf32, #tpu.memory_space<vmem_shared>>) offsets(%dma_start3A_33 : memref<128xi32, #tpu.memory_space<vmem>>) semaphore(%run_scoped3A_29 : memref<!tpu.dma_semaphore, #tpu.memory_space<semaphore_mem>>) {add = true}
        %dma_wait3A = arith.constant 128 : i32
        %dma_wait3A_36 = tpu.memref_slice %arg7[%dma_wait3A] : memref<1024xf32, #tpu.memory_space<vmem>> -> memref<128xf32, #tpu.memory_space<vmem>>
        %dma_wait3A_37 = arith.constant 0 : i32
        %dma_wait3A_38 = tpu.memref_slice %arg6[%run_scoped3A_16, %dma_wait3A_37] : memref<8x128xi32, #tpu.memory_space<vmem>> -> memref<1x128xi32, #tpu.memory_space<vmem>>
        %dma_wait3A_39 = tpu.memref_squeeze %dma_wait3A_38 : memref<1x128xi32, #tpu.memory_space<vmem>> -> memref<128xi32, #tpu.memory_space<vmem>>
        %dma_wait3A_40 = arith.constant 0 : i32
        %dma_wait3A_41 = tpu.memref_slice %arg12[%dma_wait3A_40] : memref<16384xf32, #tpu.memory_space<vmem_shared>> -> memref<16384xf32, #tpu.memory_space<vmem_shared>>
        tpu.wait_indirect_dma semaphore(%run_scoped3A_29 : memref<!tpu.dma_semaphore, #tpu.memory_space<semaphore_mem>>) src(%dma_wait3A_36 : memref<128xf32, #tpu.memory_space<vmem>>) dst(%dma_wait3A_41 : memref<16384xf32, #tpu.memory_space<vmem_shared>>)
        tpu.yield
      }) : () -> ()
      %run_scoped3A_17 = arith.constant 2 : i32
      "tpu.region"() ({
        %run_scoped3A_29 = tpu.sem_alloc : memref<!tpu.dma_semaphore, #tpu.memory_space<semaphore_mem>>
        %dma_start3A = arith.constant 256 : i32
        %dma_start3A_30 = arith.constant 0 : i32
        %dma_start3A_31 = tpu.memref_slice %arg9[%dma_start3A, %dma_start3A_30] : memref<1024x32xf32, #tpu.memory_space<vmem>> -> memref<128x32xf32, #tpu.memory_space<vmem>>
        %dma_start3A_32 = arith.constant 0 : i32
        %dma_start3A_33 = tpu.memref_slice %arg6[%run_scoped3A_17, %dma_start3A_32] : memref<8x128xi32, #tpu.memory_space<vmem>> -> memref<1x128xi32, #tpu.memory_space<vmem>>
        %dma_start3A_34 = tpu.memref_squeeze %dma_start3A_33 : memref<1x128xi32, #tpu.memory_space<vmem>> -> memref<128xi32, #tpu.memory_space<vmem>>
        %dma_start3A_35 = arith.constant 0 : i32
        %dma_start3A_36 = arith.constant 0 : i32
        %dma_start3A_37 = tpu.memref_slice %arg11[%dma_start3A_35, %dma_start3A_36] : memref<16384x32xf32, #tpu.memory_space<vmem_shared>> -> memref<16384x32xf32, #tpu.memory_space<vmem_shared>>
        tpu.enqueue_indirect_dma source(%dma_start3A_31 : memref<128x32xf32, #tpu.memory_space<vmem>>) target(%dma_start3A_37 : memref<16384x32xf32, #tpu.memory_space<vmem_shared>>) offsets(%dma_start3A_34 : memref<128xi32, #tpu.memory_space<vmem>>) semaphore(%run_scoped3A_29 : memref<!tpu.dma_semaphore, #tpu.memory_space<semaphore_mem>>) {add = true}
        %dma_wait3A = arith.constant 256 : i32
        %dma_wait3A_38 = arith.constant 0 : i32
        %dma_wait3A_39 = tpu.memref_slice %arg9[%dma_wait3A, %dma_wait3A_38] : memref<1024x32xf32, #tpu.memory_space<vmem>> -> memref<128x32xf32, #tpu.memory_space<vmem>>
        %dma_wait3A_40 = arith.constant 0 : i32
        %dma_wait3A_41 = tpu.memref_slice %arg6[%run_scoped3A_17, %dma_wait3A_40] : memref<8x128xi32, #tpu.memory_space<vmem>> -> memref<1x128xi32, #tpu.memory_space<vmem>>
        %dma_wait3A_42 = tpu.memref_squeeze %dma_wait3A_41 : memref<1x128xi32, #tpu.memory_space<vmem>> -> memref<128xi32, #tpu.memory_space<vmem>>
        %dma_wait3A_43 = arith.constant 0 : i32
        %dma_wait3A_44 = arith.constant 0 : i32
        %dma_wait3A_45 = tpu.memref_slice %arg11[%dma_wait3A_43, %dma_wait3A_44] : memref<16384x32xf32, #tpu.memory_space<vmem_shared>> -> memref<16384x32xf32, #tpu.memory_space<vmem_shared>>
        tpu.wait_indirect_dma semaphore(%run_scoped3A_29 : memref<!tpu.dma_semaphore, #tpu.memory_space<semaphore_mem>>) src(%dma_wait3A_39 : memref<128x32xf32, #tpu.memory_space<vmem>>) dst(%dma_wait3A_45 : memref<16384x32xf32, #tpu.memory_space<vmem_shared>>)
        tpu.yield
      }) : () -> ()
      %run_scoped3A_18 = arith.constant 2 : i32
      "tpu.region"() ({
        %run_scoped3A_29 = tpu.sem_alloc : memref<!tpu.dma_semaphore, #tpu.memory_space<semaphore_mem>>
        %dma_start3A = arith.constant 256 : i32
        %dma_start3A_30 = tpu.memref_slice %arg7[%dma_start3A] : memref<1024xf32, #tpu.memory_space<vmem>> -> memref<128xf32, #tpu.memory_space<vmem>>
        %dma_start3A_31 = arith.constant 0 : i32
        %dma_start3A_32 = tpu.memref_slice %arg6[%run_scoped3A_18, %dma_start3A_31] : memref<8x128xi32, #tpu.memory_space<vmem>> -> memref<1x128xi32, #tpu.memory_space<vmem>>
        %dma_start3A_33 = tpu.memref_squeeze %dma_start3A_32 : memref<1x128xi32, #tpu.memory_space<vmem>> -> memref<128xi32, #tpu.memory_space<vmem>>
        %dma_start3A_34 = arith.constant 0 : i32
        %dma_start3A_35 = tpu.memref_slice %arg12[%dma_start3A_34] : memref<16384xf32, #tpu.memory_space<vmem_shared>> -> memref<16384xf32, #tpu.memory_space<vmem_shared>>
        tpu.enqueue_indirect_dma source(%dma_start3A_30 : memref<128xf32, #tpu.memory_space<vmem>>) target(%dma_start3A_35 : memref<16384xf32, #tpu.memory_space<vmem_shared>>) offsets(%dma_start3A_33 : memref<128xi32, #tpu.memory_space<vmem>>) semaphore(%run_scoped3A_29 : memref<!tpu.dma_semaphore, #tpu.memory_space<semaphore_mem>>) {add = true}
        %dma_wait3A = arith.constant 256 : i32
        %dma_wait3A_36 = tpu.memref_slice %arg7[%dma_wait3A] : memref<1024xf32, #tpu.memory_space<vmem>> -> memref<128xf32, #tpu.memory_space<vmem>>
        %dma_wait3A_37 = arith.constant 0 : i32
        %dma_wait3A_38 = tpu.memref_slice %arg6[%run_scoped3A_18, %dma_wait3A_37] : memref<8x128xi32, #tpu.memory_space<vmem>> -> memref<1x128xi32, #tpu.memory_space<vmem>>
        %dma_wait3A_39 = tpu.memref_squeeze %dma_wait3A_38 : memref<1x128xi32, #tpu.memory_space<vmem>> -> memref<128xi32, #tpu.memory_space<vmem>>
        %dma_wait3A_40 = arith.constant 0 : i32
        %dma_wait3A_41 = tpu.memref_slice %arg12[%dma_wait3A_40] : memref<16384xf32, #tpu.memory_space<vmem_shared>> -> memref<16384xf32, #tpu.memory_space<vmem_shared>>
        tpu.wait_indirect_dma semaphore(%run_scoped3A_29 : memref<!tpu.dma_semaphore, #tpu.memory_space<semaphore_mem>>) src(%dma_wait3A_36 : memref<128xf32, #tpu.memory_space<vmem>>) dst(%dma_wait3A_41 : memref<16384xf32, #tpu.memory_space<vmem_shared>>)
        tpu.yield
      }) : () -> ()
      %run_scoped3A_19 = arith.constant 3 : i32
      "tpu.region"() ({
        %run_scoped3A_29 = tpu.sem_alloc : memref<!tpu.dma_semaphore, #tpu.memory_space<semaphore_mem>>
        %dma_start3A = arith.constant 384 : i32
        %dma_start3A_30 = arith.constant 0 : i32
        %dma_start3A_31 = tpu.memref_slice %arg9[%dma_start3A, %dma_start3A_30] : memref<1024x32xf32, #tpu.memory_space<vmem>> -> memref<128x32xf32, #tpu.memory_space<vmem>>
        %dma_start3A_32 = arith.constant 0 : i32
        %dma_start3A_33 = tpu.memref_slice %arg6[%run_scoped3A_19, %dma_start3A_32] : memref<8x128xi32, #tpu.memory_space<vmem>> -> memref<1x128xi32, #tpu.memory_space<vmem>>
        %dma_start3A_34 = tpu.memref_squeeze %dma_start3A_33 : memref<1x128xi32, #tpu.memory_space<vmem>> -> memref<128xi32, #tpu.memory_space<vmem>>
        %dma_start3A_35 = arith.constant 0 : i32
        %dma_start3A_36 = arith.constant 0 : i32
        %dma_start3A_37 = tpu.memref_slice %arg11[%dma_start3A_35, %dma_start3A_36] : memref<16384x32xf32, #tpu.memory_space<vmem_shared>> -> memref<16384x32xf32, #tpu.memory_space<vmem_shared>>
        tpu.enqueue_indirect_dma source(%dma_start3A_31 : memref<128x32xf32, #tpu.memory_space<vmem>>) target(%dma_start3A_37 : memref<16384x32xf32, #tpu.memory_space<vmem_shared>>) offsets(%dma_start3A_34 : memref<128xi32, #tpu.memory_space<vmem>>) semaphore(%run_scoped3A_29 : memref<!tpu.dma_semaphore, #tpu.memory_space<semaphore_mem>>) {add = true}
        %dma_wait3A = arith.constant 384 : i32
        %dma_wait3A_38 = arith.constant 0 : i32
        %dma_wait3A_39 = tpu.memref_slice %arg9[%dma_wait3A, %dma_wait3A_38] : memref<1024x32xf32, #tpu.memory_space<vmem>> -> memref<128x32xf32, #tpu.memory_space<vmem>>
        %dma_wait3A_40 = arith.constant 0 : i32
        %dma_wait3A_41 = tpu.memref_slice %arg6[%run_scoped3A_19, %dma_wait3A_40] : memref<8x128xi32, #tpu.memory_space<vmem>> -> memref<1x128xi32, #tpu.memory_space<vmem>>
        %dma_wait3A_42 = tpu.memref_squeeze %dma_wait3A_41 : memref<1x128xi32, #tpu.memory_space<vmem>> -> memref<128xi32, #tpu.memory_space<vmem>>
        %dma_wait3A_43 = arith.constant 0 : i32
        %dma_wait3A_44 = arith.constant 0 : i32
        %dma_wait3A_45 = tpu.memref_slice %arg11[%dma_wait3A_43, %dma_wait3A_44] : memref<16384x32xf32, #tpu.memory_space<vmem_shared>> -> memref<16384x32xf32, #tpu.memory_space<vmem_shared>>
        tpu.wait_indirect_dma semaphore(%run_scoped3A_29 : memref<!tpu.dma_semaphore, #tpu.memory_space<semaphore_mem>>) src(%dma_wait3A_39 : memref<128x32xf32, #tpu.memory_space<vmem>>) dst(%dma_wait3A_45 : memref<16384x32xf32, #tpu.memory_space<vmem_shared>>)
        tpu.yield
      }) : () -> ()
      %run_scoped3A_20 = arith.constant 3 : i32
      "tpu.region"() ({
        %run_scoped3A_29 = tpu.sem_alloc : memref<!tpu.dma_semaphore, #tpu.memory_space<semaphore_mem>>
        %dma_start3A = arith.constant 384 : i32
        %dma_start3A_30 = tpu.memref_slice %arg7[%dma_start3A] : memref<1024xf32, #tpu.memory_space<vmem>> -> memref<128xf32, #tpu.memory_space<vmem>>
        %dma_start3A_31 = arith.constant 0 : i32
        %dma_start3A_32 = tpu.memref_slice %arg6[%run_scoped3A_20, %dma_start3A_31] : memref<8x128xi32, #tpu.memory_space<vmem>> -> memref<1x128xi32, #tpu.memory_space<vmem>>
        %dma_start3A_33 = tpu.memref_squeeze %dma_start3A_32 : memref<1x128xi32, #tpu.memory_space<vmem>> -> memref<128xi32, #tpu.memory_space<vmem>>
        %dma_start3A_34 = arith.constant 0 : i32
        %dma_start3A_35 = tpu.memref_slice %arg12[%dma_start3A_34] : memref<16384xf32, #tpu.memory_space<vmem_shared>> -> memref<16384xf32, #tpu.memory_space<vmem_shared>>
        tpu.enqueue_indirect_dma source(%dma_start3A_30 : memref<128xf32, #tpu.memory_space<vmem>>) target(%dma_start3A_35 : memref<16384xf32, #tpu.memory_space<vmem_shared>>) offsets(%dma_start3A_33 : memref<128xi32, #tpu.memory_space<vmem>>) semaphore(%run_scoped3A_29 : memref<!tpu.dma_semaphore, #tpu.memory_space<semaphore_mem>>) {add = true}
        %dma_wait3A = arith.constant 384 : i32
        %dma_wait3A_36 = tpu.memref_slice %arg7[%dma_wait3A] : memref<1024xf32, #tpu.memory_space<vmem>> -> memref<128xf32, #tpu.memory_space<vmem>>
        %dma_wait3A_37 = arith.constant 0 : i32
        %dma_wait3A_38 = tpu.memref_slice %arg6[%run_scoped3A_20, %dma_wait3A_37] : memref<8x128xi32, #tpu.memory_space<vmem>> -> memref<1x128xi32, #tpu.memory_space<vmem>>
        %dma_wait3A_39 = tpu.memref_squeeze %dma_wait3A_38 : memref<1x128xi32, #tpu.memory_space<vmem>> -> memref<128xi32, #tpu.memory_space<vmem>>
        %dma_wait3A_40 = arith.constant 0 : i32
        %dma_wait3A_41 = tpu.memref_slice %arg12[%dma_wait3A_40] : memref<16384xf32, #tpu.memory_space<vmem_shared>> -> memref<16384xf32, #tpu.memory_space<vmem_shared>>
        tpu.wait_indirect_dma semaphore(%run_scoped3A_29 : memref<!tpu.dma_semaphore, #tpu.memory_space<semaphore_mem>>) src(%dma_wait3A_36 : memref<128xf32, #tpu.memory_space<vmem>>) dst(%dma_wait3A_41 : memref<16384xf32, #tpu.memory_space<vmem_shared>>)
        tpu.yield
      }) : () -> ()
      %run_scoped3A_21 = arith.constant 4 : i32
      "tpu.region"() ({
        %run_scoped3A_29 = tpu.sem_alloc : memref<!tpu.dma_semaphore, #tpu.memory_space<semaphore_mem>>
        %dma_start3A = arith.constant 512 : i32
        %dma_start3A_30 = arith.constant 0 : i32
        %dma_start3A_31 = tpu.memref_slice %arg9[%dma_start3A, %dma_start3A_30] : memref<1024x32xf32, #tpu.memory_space<vmem>> -> memref<128x32xf32, #tpu.memory_space<vmem>>
        %dma_start3A_32 = arith.constant 0 : i32
        %dma_start3A_33 = tpu.memref_slice %arg6[%run_scoped3A_21, %dma_start3A_32] : memref<8x128xi32, #tpu.memory_space<vmem>> -> memref<1x128xi32, #tpu.memory_space<vmem>>
        %dma_start3A_34 = tpu.memref_squeeze %dma_start3A_33 : memref<1x128xi32, #tpu.memory_space<vmem>> -> memref<128xi32, #tpu.memory_space<vmem>>
        %dma_start3A_35 = arith.constant 0 : i32
        %dma_start3A_36 = arith.constant 0 : i32
        %dma_start3A_37 = tpu.memref_slice %arg11[%dma_start3A_35, %dma_start3A_36] : memref<16384x32xf32, #tpu.memory_space<vmem_shared>> -> memref<16384x32xf32, #tpu.memory_space<vmem_shared>>
        tpu.enqueue_indirect_dma source(%dma_start3A_31 : memref<128x32xf32, #tpu.memory_space<vmem>>) target(%dma_start3A_37 : memref<16384x32xf32, #tpu.memory_space<vmem_shared>>) offsets(%dma_start3A_34 : memref<128xi32, #tpu.memory_space<vmem>>) semaphore(%run_scoped3A_29 : memref<!tpu.dma_semaphore, #tpu.memory_space<semaphore_mem>>) {add = true}
        %dma_wait3A = arith.constant 512 : i32
        %dma_wait3A_38 = arith.constant 0 : i32
        %dma_wait3A_39 = tpu.memref_slice %arg9[%dma_wait3A, %dma_wait3A_38] : memref<1024x32xf32, #tpu.memory_space<vmem>> -> memref<128x32xf32, #tpu.memory_space<vmem>>
        %dma_wait3A_40 = arith.constant 0 : i32
        %dma_wait3A_41 = tpu.memref_slice %arg6[%run_scoped3A_21, %dma_wait3A_40] : memref<8x128xi32, #tpu.memory_space<vmem>> -> memref<1x128xi32, #tpu.memory_space<vmem>>
        %dma_wait3A_42 = tpu.memref_squeeze %dma_wait3A_41 : memref<1x128xi32, #tpu.memory_space<vmem>> -> memref<128xi32, #tpu.memory_space<vmem>>
        %dma_wait3A_43 = arith.constant 0 : i32
        %dma_wait3A_44 = arith.constant 0 : i32
        %dma_wait3A_45 = tpu.memref_slice %arg11[%dma_wait3A_43, %dma_wait3A_44] : memref<16384x32xf32, #tpu.memory_space<vmem_shared>> -> memref<16384x32xf32, #tpu.memory_space<vmem_shared>>
        tpu.wait_indirect_dma semaphore(%run_scoped3A_29 : memref<!tpu.dma_semaphore, #tpu.memory_space<semaphore_mem>>) src(%dma_wait3A_39 : memref<128x32xf32, #tpu.memory_space<vmem>>) dst(%dma_wait3A_45 : memref<16384x32xf32, #tpu.memory_space<vmem_shared>>)
        tpu.yield
      }) : () -> ()
      %run_scoped3A_22 = arith.constant 4 : i32
      "tpu.region"() ({
        %run_scoped3A_29 = tpu.sem_alloc : memref<!tpu.dma_semaphore, #tpu.memory_space<semaphore_mem>>
        %dma_start3A = arith.constant 512 : i32
        %dma_start3A_30 = tpu.memref_slice %arg7[%dma_start3A] : memref<1024xf32, #tpu.memory_space<vmem>> -> memref<128xf32, #tpu.memory_space<vmem>>
        %dma_start3A_31 = arith.constant 0 : i32
        %dma_start3A_32 = tpu.memref_slice %arg6[%run_scoped3A_22, %dma_start3A_31] : memref<8x128xi32, #tpu.memory_space<vmem>> -> memref<1x128xi32, #tpu.memory_space<vmem>>
        %dma_start3A_33 = tpu.memref_squeeze %dma_start3A_32 : memref<1x128xi32, #tpu.memory_space<vmem>> -> memref<128xi32, #tpu.memory_space<vmem>>
        %dma_start3A_34 = arith.constant 0 : i32
        %dma_start3A_35 = tpu.memref_slice %arg12[%dma_start3A_34] : memref<16384xf32, #tpu.memory_space<vmem_shared>> -> memref<16384xf32, #tpu.memory_space<vmem_shared>>
        tpu.enqueue_indirect_dma source(%dma_start3A_30 : memref<128xf32, #tpu.memory_space<vmem>>) target(%dma_start3A_35 : memref<16384xf32, #tpu.memory_space<vmem_shared>>) offsets(%dma_start3A_33 : memref<128xi32, #tpu.memory_space<vmem>>) semaphore(%run_scoped3A_29 : memref<!tpu.dma_semaphore, #tpu.memory_space<semaphore_mem>>) {add = true}
        %dma_wait3A = arith.constant 512 : i32
        %dma_wait3A_36 = tpu.memref_slice %arg7[%dma_wait3A] : memref<1024xf32, #tpu.memory_space<vmem>> -> memref<128xf32, #tpu.memory_space<vmem>>
        %dma_wait3A_37 = arith.constant 0 : i32
        %dma_wait3A_38 = tpu.memref_slice %arg6[%run_scoped3A_22, %dma_wait3A_37] : memref<8x128xi32, #tpu.memory_space<vmem>> -> memref<1x128xi32, #tpu.memory_space<vmem>>
        %dma_wait3A_39 = tpu.memref_squeeze %dma_wait3A_38 : memref<1x128xi32, #tpu.memory_space<vmem>> -> memref<128xi32, #tpu.memory_space<vmem>>
        %dma_wait3A_40 = arith.constant 0 : i32
        %dma_wait3A_41 = tpu.memref_slice %arg12[%dma_wait3A_40] : memref<16384xf32, #tpu.memory_space<vmem_shared>> -> memref<16384xf32, #tpu.memory_space<vmem_shared>>
        tpu.wait_indirect_dma semaphore(%run_scoped3A_29 : memref<!tpu.dma_semaphore, #tpu.memory_space<semaphore_mem>>) src(%dma_wait3A_36 : memref<128xf32, #tpu.memory_space<vmem>>) dst(%dma_wait3A_41 : memref<16384xf32, #tpu.memory_space<vmem_shared>>)
        tpu.yield
      }) : () -> ()
      %run_scoped3A_23 = arith.constant 5 : i32
      "tpu.region"() ({
        %run_scoped3A_29 = tpu.sem_alloc : memref<!tpu.dma_semaphore, #tpu.memory_space<semaphore_mem>>
        %dma_start3A = arith.constant 640 : i32
        %dma_start3A_30 = arith.constant 0 : i32
        %dma_start3A_31 = tpu.memref_slice %arg9[%dma_start3A, %dma_start3A_30] : memref<1024x32xf32, #tpu.memory_space<vmem>> -> memref<128x32xf32, #tpu.memory_space<vmem>>
        %dma_start3A_32 = arith.constant 0 : i32
        %dma_start3A_33 = tpu.memref_slice %arg6[%run_scoped3A_23, %dma_start3A_32] : memref<8x128xi32, #tpu.memory_space<vmem>> -> memref<1x128xi32, #tpu.memory_space<vmem>>
        %dma_start3A_34 = tpu.memref_squeeze %dma_start3A_33 : memref<1x128xi32, #tpu.memory_space<vmem>> -> memref<128xi32, #tpu.memory_space<vmem>>
        %dma_start3A_35 = arith.constant 0 : i32
        %dma_start3A_36 = arith.constant 0 : i32
        %dma_start3A_37 = tpu.memref_slice %arg11[%dma_start3A_35, %dma_start3A_36] : memref<16384x32xf32, #tpu.memory_space<vmem_shared>> -> memref<16384x32xf32, #tpu.memory_space<vmem_shared>>
        tpu.enqueue_indirect_dma source(%dma_start3A_31 : memref<128x32xf32, #tpu.memory_space<vmem>>) target(%dma_start3A_37 : memref<16384x32xf32, #tpu.memory_space<vmem_shared>>) offsets(%dma_start3A_34 : memref<128xi32, #tpu.memory_space<vmem>>) semaphore(%run_scoped3A_29 : memref<!tpu.dma_semaphore, #tpu.memory_space<semaphore_mem>>) {add = true}
        %dma_wait3A = arith.constant 640 : i32
        %dma_wait3A_38 = arith.constant 0 : i32
        %dma_wait3A_39 = tpu.memref_slice %arg9[%dma_wait3A, %dma_wait3A_38] : memref<1024x32xf32, #tpu.memory_space<vmem>> -> memref<128x32xf32, #tpu.memory_space<vmem>>
        %dma_wait3A_40 = arith.constant 0 : i32
        %dma_wait3A_41 = tpu.memref_slice %arg6[%run_scoped3A_23, %dma_wait3A_40] : memref<8x128xi32, #tpu.memory_space<vmem>> -> memref<1x128xi32, #tpu.memory_space<vmem>>
        %dma_wait3A_42 = tpu.memref_squeeze %dma_wait3A_41 : memref<1x128xi32, #tpu.memory_space<vmem>> -> memref<128xi32, #tpu.memory_space<vmem>>
        %dma_wait3A_43 = arith.constant 0 : i32
        %dma_wait3A_44 = arith.constant 0 : i32
        %dma_wait3A_45 = tpu.memref_slice %arg11[%dma_wait3A_43, %dma_wait3A_44] : memref<16384x32xf32, #tpu.memory_space<vmem_shared>> -> memref<16384x32xf32, #tpu.memory_space<vmem_shared>>
        tpu.wait_indirect_dma semaphore(%run_scoped3A_29 : memref<!tpu.dma_semaphore, #tpu.memory_space<semaphore_mem>>) src(%dma_wait3A_39 : memref<128x32xf32, #tpu.memory_space<vmem>>) dst(%dma_wait3A_45 : memref<16384x32xf32, #tpu.memory_space<vmem_shared>>)
        tpu.yield
      }) : () -> ()
      %run_scoped3A_24 = arith.constant 5 : i32
      "tpu.region"() ({
        %run_scoped3A_29 = tpu.sem_alloc : memref<!tpu.dma_semaphore, #tpu.memory_space<semaphore_mem>>
        %dma_start3A = arith.constant 640 : i32
        %dma_start3A_30 = tpu.memref_slice %arg7[%dma_start3A] : memref<1024xf32, #tpu.memory_space<vmem>> -> memref<128xf32, #tpu.memory_space<vmem>>
        %dma_start3A_31 = arith.constant 0 : i32
        %dma_start3A_32 = tpu.memref_slice %arg6[%run_scoped3A_24, %dma_start3A_31] : memref<8x128xi32, #tpu.memory_space<vmem>> -> memref<1x128xi32, #tpu.memory_space<vmem>>
        %dma_start3A_33 = tpu.memref_squeeze %dma_start3A_32 : memref<1x128xi32, #tpu.memory_space<vmem>> -> memref<128xi32, #tpu.memory_space<vmem>>
        %dma_start3A_34 = arith.constant 0 : i32
        %dma_start3A_35 = tpu.memref_slice %arg12[%dma_start3A_34] : memref<16384xf32, #tpu.memory_space<vmem_shared>> -> memref<16384xf32, #tpu.memory_space<vmem_shared>>
        tpu.enqueue_indirect_dma source(%dma_start3A_30 : memref<128xf32, #tpu.memory_space<vmem>>) target(%dma_start3A_35 : memref<16384xf32, #tpu.memory_space<vmem_shared>>) offsets(%dma_start3A_33 : memref<128xi32, #tpu.memory_space<vmem>>) semaphore(%run_scoped3A_29 : memref<!tpu.dma_semaphore, #tpu.memory_space<semaphore_mem>>) {add = true}
        %dma_wait3A = arith.constant 640 : i32
        %dma_wait3A_36 = tpu.memref_slice %arg7[%dma_wait3A] : memref<1024xf32, #tpu.memory_space<vmem>> -> memref<128xf32, #tpu.memory_space<vmem>>
        %dma_wait3A_37 = arith.constant 0 : i32
        %dma_wait3A_38 = tpu.memref_slice %arg6[%run_scoped3A_24, %dma_wait3A_37] : memref<8x128xi32, #tpu.memory_space<vmem>> -> memref<1x128xi32, #tpu.memory_space<vmem>>
        %dma_wait3A_39 = tpu.memref_squeeze %dma_wait3A_38 : memref<1x128xi32, #tpu.memory_space<vmem>> -> memref<128xi32, #tpu.memory_space<vmem>>
        %dma_wait3A_40 = arith.constant 0 : i32
        %dma_wait3A_41 = tpu.memref_slice %arg12[%dma_wait3A_40] : memref<16384xf32, #tpu.memory_space<vmem_shared>> -> memref<16384xf32, #tpu.memory_space<vmem_shared>>
        tpu.wait_indirect_dma semaphore(%run_scoped3A_29 : memref<!tpu.dma_semaphore, #tpu.memory_space<semaphore_mem>>) src(%dma_wait3A_36 : memref<128xf32, #tpu.memory_space<vmem>>) dst(%dma_wait3A_41 : memref<16384xf32, #tpu.memory_space<vmem_shared>>)
        tpu.yield
      }) : () -> ()
      %run_scoped3A_25 = arith.constant 6 : i32
      "tpu.region"() ({
        %run_scoped3A_29 = tpu.sem_alloc : memref<!tpu.dma_semaphore, #tpu.memory_space<semaphore_mem>>
        %dma_start3A = arith.constant 768 : i32
        %dma_start3A_30 = arith.constant 0 : i32
        %dma_start3A_31 = tpu.memref_slice %arg9[%dma_start3A, %dma_start3A_30] : memref<1024x32xf32, #tpu.memory_space<vmem>> -> memref<128x32xf32, #tpu.memory_space<vmem>>
        %dma_start3A_32 = arith.constant 0 : i32
        %dma_start3A_33 = tpu.memref_slice %arg6[%run_scoped3A_25, %dma_start3A_32] : memref<8x128xi32, #tpu.memory_space<vmem>> -> memref<1x128xi32, #tpu.memory_space<vmem>>
        %dma_start3A_34 = tpu.memref_squeeze %dma_start3A_33 : memref<1x128xi32, #tpu.memory_space<vmem>> -> memref<128xi32, #tpu.memory_space<vmem>>
        %dma_start3A_35 = arith.constant 0 : i32
        %dma_start3A_36 = arith.constant 0 : i32
        %dma_start3A_37 = tpu.memref_slice %arg11[%dma_start3A_35, %dma_start3A_36] : memref<16384x32xf32, #tpu.memory_space<vmem_shared>> -> memref<16384x32xf32, #tpu.memory_space<vmem_shared>>
        tpu.enqueue_indirect_dma source(%dma_start3A_31 : memref<128x32xf32, #tpu.memory_space<vmem>>) target(%dma_start3A_37 : memref<16384x32xf32, #tpu.memory_space<vmem_shared>>) offsets(%dma_start3A_34 : memref<128xi32, #tpu.memory_space<vmem>>) semaphore(%run_scoped3A_29 : memref<!tpu.dma_semaphore, #tpu.memory_space<semaphore_mem>>) {add = true}
        %dma_wait3A = arith.constant 768 : i32
        %dma_wait3A_38 = arith.constant 0 : i32
        %dma_wait3A_39 = tpu.memref_slice %arg9[%dma_wait3A, %dma_wait3A_38] : memref<1024x32xf32, #tpu.memory_space<vmem>> -> memref<128x32xf32, #tpu.memory_space<vmem>>
        %dma_wait3A_40 = arith.constant 0 : i32
        %dma_wait3A_41 = tpu.memref_slice %arg6[%run_scoped3A_25, %dma_wait3A_40] : memref<8x128xi32, #tpu.memory_space<vmem>> -> memref<1x128xi32, #tpu.memory_space<vmem>>
        %dma_wait3A_42 = tpu.memref_squeeze %dma_wait3A_41 : memref<1x128xi32, #tpu.memory_space<vmem>> -> memref<128xi32, #tpu.memory_space<vmem>>
        %dma_wait3A_43 = arith.constant 0 : i32
        %dma_wait3A_44 = arith.constant 0 : i32
        %dma_wait3A_45 = tpu.memref_slice %arg11[%dma_wait3A_43, %dma_wait3A_44] : memref<16384x32xf32, #tpu.memory_space<vmem_shared>> -> memref<16384x32xf32, #tpu.memory_space<vmem_shared>>
        tpu.wait_indirect_dma semaphore(%run_scoped3A_29 : memref<!tpu.dma_semaphore, #tpu.memory_space<semaphore_mem>>) src(%dma_wait3A_39 : memref<128x32xf32, #tpu.memory_space<vmem>>) dst(%dma_wait3A_45 : memref<16384x32xf32, #tpu.memory_space<vmem_shared>>)
        tpu.yield
      }) : () -> ()
      %run_scoped3A_26 = arith.constant 6 : i32
      "tpu.region"() ({
        %run_scoped3A_29 = tpu.sem_alloc : memref<!tpu.dma_semaphore, #tpu.memory_space<semaphore_mem>>
        %dma_start3A = arith.constant 768 : i32
        %dma_start3A_30 = tpu.memref_slice %arg7[%dma_start3A] : memref<1024xf32, #tpu.memory_space<vmem>> -> memref<128xf32, #tpu.memory_space<vmem>>
        %dma_start3A_31 = arith.constant 0 : i32
        %dma_start3A_32 = tpu.memref_slice %arg6[%run_scoped3A_26, %dma_start3A_31] : memref<8x128xi32, #tpu.memory_space<vmem>> -> memref<1x128xi32, #tpu.memory_space<vmem>>
        %dma_start3A_33 = tpu.memref_squeeze %dma_start3A_32 : memref<1x128xi32, #tpu.memory_space<vmem>> -> memref<128xi32, #tpu.memory_space<vmem>>
        %dma_start3A_34 = arith.constant 0 : i32
        %dma_start3A_35 = tpu.memref_slice %arg12[%dma_start3A_34] : memref<16384xf32, #tpu.memory_space<vmem_shared>> -> memref<16384xf32, #tpu.memory_space<vmem_shared>>
        tpu.enqueue_indirect_dma source(%dma_start3A_30 : memref<128xf32, #tpu.memory_space<vmem>>) target(%dma_start3A_35 : memref<16384xf32, #tpu.memory_space<vmem_shared>>) offsets(%dma_start3A_33 : memref<128xi32, #tpu.memory_space<vmem>>) semaphore(%run_scoped3A_29 : memref<!tpu.dma_semaphore, #tpu.memory_space<semaphore_mem>>) {add = true}
        %dma_wait3A = arith.constant 768 : i32
        %dma_wait3A_36 = tpu.memref_slice %arg7[%dma_wait3A] : memref<1024xf32, #tpu.memory_space<vmem>> -> memref<128xf32, #tpu.memory_space<vmem>>
        %dma_wait3A_37 = arith.constant 0 : i32
        %dma_wait3A_38 = tpu.memref_slice %arg6[%run_scoped3A_26, %dma_wait3A_37] : memref<8x128xi32, #tpu.memory_space<vmem>> -> memref<1x128xi32, #tpu.memory_space<vmem>>
        %dma_wait3A_39 = tpu.memref_squeeze %dma_wait3A_38 : memref<1x128xi32, #tpu.memory_space<vmem>> -> memref<128xi32, #tpu.memory_space<vmem>>
        %dma_wait3A_40 = arith.constant 0 : i32
        %dma_wait3A_41 = tpu.memref_slice %arg12[%dma_wait3A_40] : memref<16384xf32, #tpu.memory_space<vmem_shared>> -> memref<16384xf32, #tpu.memory_space<vmem_shared>>
        tpu.wait_indirect_dma semaphore(%run_scoped3A_29 : memref<!tpu.dma_semaphore, #tpu.memory_space<semaphore_mem>>) src(%dma_wait3A_36 : memref<128xf32, #tpu.memory_space<vmem>>) dst(%dma_wait3A_41 : memref<16384xf32, #tpu.memory_space<vmem_shared>>)
        tpu.yield
      }) : () -> ()
      %run_scoped3A_27 = arith.constant 7 : i32
      "tpu.region"() ({
        %run_scoped3A_29 = tpu.sem_alloc : memref<!tpu.dma_semaphore, #tpu.memory_space<semaphore_mem>>
        %dma_start3A = arith.constant 896 : i32
        %dma_start3A_30 = arith.constant 0 : i32
        %dma_start3A_31 = tpu.memref_slice %arg9[%dma_start3A, %dma_start3A_30] : memref<1024x32xf32, #tpu.memory_space<vmem>> -> memref<128x32xf32, #tpu.memory_space<vmem>>
        %dma_start3A_32 = arith.constant 0 : i32
        %dma_start3A_33 = tpu.memref_slice %arg6[%run_scoped3A_27, %dma_start3A_32] : memref<8x128xi32, #tpu.memory_space<vmem>> -> memref<1x128xi32, #tpu.memory_space<vmem>>
        %dma_start3A_34 = tpu.memref_squeeze %dma_start3A_33 : memref<1x128xi32, #tpu.memory_space<vmem>> -> memref<128xi32, #tpu.memory_space<vmem>>
        %dma_start3A_35 = arith.constant 0 : i32
        %dma_start3A_36 = arith.constant 0 : i32
        %dma_start3A_37 = tpu.memref_slice %arg11[%dma_start3A_35, %dma_start3A_36] : memref<16384x32xf32, #tpu.memory_space<vmem_shared>> -> memref<16384x32xf32, #tpu.memory_space<vmem_shared>>
        tpu.enqueue_indirect_dma source(%dma_start3A_31 : memref<128x32xf32, #tpu.memory_space<vmem>>) target(%dma_start3A_37 : memref<16384x32xf32, #tpu.memory_space<vmem_shared>>) offsets(%dma_start3A_34 : memref<128xi32, #tpu.memory_space<vmem>>) semaphore(%run_scoped3A_29 : memref<!tpu.dma_semaphore, #tpu.memory_space<semaphore_mem>>) {add = true}
        %dma_wait3A = arith.constant 896 : i32
        %dma_wait3A_38 = arith.constant 0 : i32
        %dma_wait3A_39 = tpu.memref_slice %arg9[%dma_wait3A, %dma_wait3A_38] : memref<1024x32xf32, #tpu.memory_space<vmem>> -> memref<128x32xf32, #tpu.memory_space<vmem>>
        %dma_wait3A_40 = arith.constant 0 : i32
        %dma_wait3A_41 = tpu.memref_slice %arg6[%run_scoped3A_27, %dma_wait3A_40] : memref<8x128xi32, #tpu.memory_space<vmem>> -> memref<1x128xi32, #tpu.memory_space<vmem>>
        %dma_wait3A_42 = tpu.memref_squeeze %dma_wait3A_41 : memref<1x128xi32, #tpu.memory_space<vmem>> -> memref<128xi32, #tpu.memory_space<vmem>>
        %dma_wait3A_43 = arith.constant 0 : i32
        %dma_wait3A_44 = arith.constant 0 : i32
        %dma_wait3A_45 = tpu.memref_slice %arg11[%dma_wait3A_43, %dma_wait3A_44] : memref<16384x32xf32, #tpu.memory_space<vmem_shared>> -> memref<16384x32xf32, #tpu.memory_space<vmem_shared>>
        tpu.wait_indirect_dma semaphore(%run_scoped3A_29 : memref<!tpu.dma_semaphore, #tpu.memory_space<semaphore_mem>>) src(%dma_wait3A_39 : memref<128x32xf32, #tpu.memory_space<vmem>>) dst(%dma_wait3A_45 : memref<16384x32xf32, #tpu.memory_space<vmem_shared>>)
        tpu.yield
      }) : () -> ()
      %run_scoped3A_28 = arith.constant 7 : i32
      "tpu.region"() ({
        %run_scoped3A_29 = tpu.sem_alloc : memref<!tpu.dma_semaphore, #tpu.memory_space<semaphore_mem>>
        %dma_start3A = arith.constant 896 : i32
        %dma_start3A_30 = tpu.memref_slice %arg7[%dma_start3A] : memref<1024xf32, #tpu.memory_space<vmem>> -> memref<128xf32, #tpu.memory_space<vmem>>
        %dma_start3A_31 = arith.constant 0 : i32
        %dma_start3A_32 = tpu.memref_slice %arg6[%run_scoped3A_28, %dma_start3A_31] : memref<8x128xi32, #tpu.memory_space<vmem>> -> memref<1x128xi32, #tpu.memory_space<vmem>>
        %dma_start3A_33 = tpu.memref_squeeze %dma_start3A_32 : memref<1x128xi32, #tpu.memory_space<vmem>> -> memref<128xi32, #tpu.memory_space<vmem>>
        %dma_start3A_34 = arith.constant 0 : i32
        %dma_start3A_35 = tpu.memref_slice %arg12[%dma_start3A_34] : memref<16384xf32, #tpu.memory_space<vmem_shared>> -> memref<16384xf32, #tpu.memory_space<vmem_shared>>
        tpu.enqueue_indirect_dma source(%dma_start3A_30 : memref<128xf32, #tpu.memory_space<vmem>>) target(%dma_start3A_35 : memref<16384xf32, #tpu.memory_space<vmem_shared>>) offsets(%dma_start3A_33 : memref<128xi32, #tpu.memory_space<vmem>>) semaphore(%run_scoped3A_29 : memref<!tpu.dma_semaphore, #tpu.memory_space<semaphore_mem>>) {add = true}
        %dma_wait3A = arith.constant 896 : i32
        %dma_wait3A_36 = tpu.memref_slice %arg7[%dma_wait3A] : memref<1024xf32, #tpu.memory_space<vmem>> -> memref<128xf32, #tpu.memory_space<vmem>>
        %dma_wait3A_37 = arith.constant 0 : i32
        %dma_wait3A_38 = tpu.memref_slice %arg6[%run_scoped3A_28, %dma_wait3A_37] : memref<8x128xi32, #tpu.memory_space<vmem>> -> memref<1x128xi32, #tpu.memory_space<vmem>>
        %dma_wait3A_39 = tpu.memref_squeeze %dma_wait3A_38 : memref<1x128xi32, #tpu.memory_space<vmem>> -> memref<128xi32, #tpu.memory_space<vmem>>
        %dma_wait3A_40 = arith.constant 0 : i32
        %dma_wait3A_41 = tpu.memref_slice %arg12[%dma_wait3A_40] : memref<16384xf32, #tpu.memory_space<vmem_shared>> -> memref<16384xf32, #tpu.memory_space<vmem_shared>>
        tpu.wait_indirect_dma semaphore(%run_scoped3A_29 : memref<!tpu.dma_semaphore, #tpu.memory_space<semaphore_mem>>) src(%dma_wait3A_36 : memref<128xf32, #tpu.memory_space<vmem>>) dst(%dma_wait3A_41 : memref<16384xf32, #tpu.memory_space<vmem_shared>>)
        tpu.yield
      }) : () -> ()
    } else {
    }
    %barrier3A_8 = arith.constant 0 : index
    tpu.barrier barrier_id(%barrier3A_8)
    %eq3A_9 = arith.constant 0 : i32
    %eq3A_10 = arith.cmpi eq, %arg0, %eq3A_9 : i32
    %convert_element_type3A_11 = arith.extui %eq3A_10 : i1 to i32
    %cond3A_12 = arith.constant 0 : i32
    %cond3A_13 = arith.cmpi ne, %convert_element_type3A_11, %cond3A_12 : i32
    scf.if %cond3A_13 {
      %run_scoped3A = arith.constant 0 : i32
      "tpu.region"() ({
        %run_scoped3A_29 = tpu.sem_alloc : memref<!tpu.dma_semaphore, #tpu.memory_space<semaphore_mem>>
        %dma_start3A = arith.constant 0 : i32
        %dma_start3A_30 = arith.constant 0 : i32
        %dma_start3A_31 = tpu.memref_slice %arg10[%dma_start3A, %dma_start3A_30] : memref<1024x32xf32, #tpu.memory_space<vmem>> -> memref<128x32xf32, #tpu.memory_space<vmem>>
        %dma_start3A_32 = arith.constant 0 : i32
        %dma_start3A_33 = tpu.memref_slice %arg6[%run_scoped3A, %dma_start3A_32] : memref<8x128xi32, #tpu.memory_space<vmem>> -> memref<1x128xi32, #tpu.memory_space<vmem>>
        %dma_start3A_34 = tpu.memref_squeeze %dma_start3A_33 : memref<1x128xi32, #tpu.memory_space<vmem>> -> memref<128xi32, #tpu.memory_space<vmem>>
        %dma_start3A_35 = arith.constant 0 : i32
        %dma_start3A_36 = arith.constant 0 : i32
        %dma_start3A_37 = tpu.memref_slice %arg11[%dma_start3A_35, %dma_start3A_36] : memref<16384x32xf32, #tpu.memory_space<vmem_shared>> -> memref<16384x32xf32, #tpu.memory_space<vmem_shared>>
        tpu.enqueue_indirect_dma source(%dma_start3A_37 : memref<16384x32xf32, #tpu.memory_space<vmem_shared>>) target(%dma_start3A_31 : memref<128x32xf32, #tpu.memory_space<vmem>>) offsets(%dma_start3A_34 : memref<128xi32, #tpu.memory_space<vmem>>) semaphore(%run_scoped3A_29 : memref<!tpu.dma_semaphore, #tpu.memory_space<semaphore_mem>>)
        %dma_wait3A = arith.constant 0 : i32
        %dma_wait3A_38 = arith.constant 0 : i32
        %dma_wait3A_39 = tpu.memref_slice %arg10[%dma_wait3A, %dma_wait3A_38] : memref<1024x32xf32, #tpu.memory_space<vmem>> -> memref<128x32xf32, #tpu.memory_space<vmem>>
        %dma_wait3A_40 = arith.constant 0 : i32
        %dma_wait3A_41 = tpu.memref_slice %arg6[%run_scoped3A, %dma_wait3A_40] : memref<8x128xi32, #tpu.memory_space<vmem>> -> memref<1x128xi32, #tpu.memory_space<vmem>>
        %dma_wait3A_42 = tpu.memref_squeeze %dma_wait3A_41 : memref<1x128xi32, #tpu.memory_space<vmem>> -> memref<128xi32, #tpu.memory_space<vmem>>
        %dma_wait3A_43 = arith.constant 0 : i32
        %dma_wait3A_44 = arith.constant 0 : i32
        %dma_wait3A_45 = tpu.memref_slice %arg11[%dma_wait3A_43, %dma_wait3A_44] : memref<16384x32xf32, #tpu.memory_space<vmem_shared>> -> memref<16384x32xf32, #tpu.memory_space<vmem_shared>>
        tpu.wait_indirect_dma semaphore(%run_scoped3A_29 : memref<!tpu.dma_semaphore, #tpu.memory_space<semaphore_mem>>) src(%dma_wait3A_45 : memref<16384x32xf32, #tpu.memory_space<vmem_shared>>) dst(%dma_wait3A_39 : memref<128x32xf32, #tpu.memory_space<vmem>>)
        tpu.yield
      }) : () -> ()
      %run_scoped3A_14 = arith.constant 0 : i32
      "tpu.region"() ({
        %run_scoped3A_29 = tpu.sem_alloc : memref<!tpu.dma_semaphore, #tpu.memory_space<semaphore_mem>>
        %dma_start3A = arith.constant 0 : i32
        %dma_start3A_30 = tpu.memref_slice %arg7[%dma_start3A] : memref<1024xf32, #tpu.memory_space<vmem>> -> memref<128xf32, #tpu.memory_space<vmem>>
        %dma_start3A_31 = arith.constant 0 : i32
        %dma_start3A_32 = tpu.memref_slice %arg6[%run_scoped3A_14, %dma_start3A_31] : memref<8x128xi32, #tpu.memory_space<vmem>> -> memref<1x128xi32, #tpu.memory_space<vmem>>
        %dma_start3A_33 = tpu.memref_squeeze %dma_start3A_32 : memref<1x128xi32, #tpu.memory_space<vmem>> -> memref<128xi32, #tpu.memory_space<vmem>>
        %dma_start3A_34 = arith.constant 0 : i32
        %dma_start3A_35 = tpu.memref_slice %arg12[%dma_start3A_34] : memref<16384xf32, #tpu.memory_space<vmem_shared>> -> memref<16384xf32, #tpu.memory_space<vmem_shared>>
        tpu.enqueue_indirect_dma source(%dma_start3A_35 : memref<16384xf32, #tpu.memory_space<vmem_shared>>) target(%dma_start3A_30 : memref<128xf32, #tpu.memory_space<vmem>>) offsets(%dma_start3A_33 : memref<128xi32, #tpu.memory_space<vmem>>) semaphore(%run_scoped3A_29 : memref<!tpu.dma_semaphore, #tpu.memory_space<semaphore_mem>>)
        %dma_wait3A = arith.constant 0 : i32
        %dma_wait3A_36 = tpu.memref_slice %arg7[%dma_wait3A] : memref<1024xf32, #tpu.memory_space<vmem>> -> memref<128xf32, #tpu.memory_space<vmem>>
        %dma_wait3A_37 = arith.constant 0 : i32
        %dma_wait3A_38 = tpu.memref_slice %arg6[%run_scoped3A_14, %dma_wait3A_37] : memref<8x128xi32, #tpu.memory_space<vmem>> -> memref<1x128xi32, #tpu.memory_space<vmem>>
        %dma_wait3A_39 = tpu.memref_squeeze %dma_wait3A_38 : memref<1x128xi32, #tpu.memory_space<vmem>> -> memref<128xi32, #tpu.memory_space<vmem>>
        %dma_wait3A_40 = arith.constant 0 : i32
        %dma_wait3A_41 = tpu.memref_slice %arg12[%dma_wait3A_40] : memref<16384xf32, #tpu.memory_space<vmem_shared>> -> memref<16384xf32, #tpu.memory_space<vmem_shared>>
        tpu.wait_indirect_dma semaphore(%run_scoped3A_29 : memref<!tpu.dma_semaphore, #tpu.memory_space<semaphore_mem>>) src(%dma_wait3A_41 : memref<16384xf32, #tpu.memory_space<vmem_shared>>) dst(%dma_wait3A_36 : memref<128xf32, #tpu.memory_space<vmem>>)
        tpu.yield
      }) : () -> ()
      %run_scoped3A_15 = arith.constant 1 : i32
      "tpu.region"() ({
        %run_scoped3A_29 = tpu.sem_alloc : memref<!tpu.dma_semaphore, #tpu.memory_space<semaphore_mem>>
        %dma_start3A = arith.constant 128 : i32
        %dma_start3A_30 = arith.constant 0 : i32
        %dma_start3A_31 = tpu.memref_slice %arg10[%dma_start3A, %dma_start3A_30] : memref<1024x32xf32, #tpu.memory_space<vmem>> -> memref<128x32xf32, #tpu.memory_space<vmem>>
        %dma_start3A_32 = arith.constant 0 : i32
        %dma_start3A_33 = tpu.memref_slice %arg6[%run_scoped3A_15, %dma_start3A_32] : memref<8x128xi32, #tpu.memory_space<vmem>> -> memref<1x128xi32, #tpu.memory_space<vmem>>
        %dma_start3A_34 = tpu.memref_squeeze %dma_start3A_33 : memref<1x128xi32, #tpu.memory_space<vmem>> -> memref<128xi32, #tpu.memory_space<vmem>>
        %dma_start3A_35 = arith.constant 0 : i32
        %dma_start3A_36 = arith.constant 0 : i32
        %dma_start3A_37 = tpu.memref_slice %arg11[%dma_start3A_35, %dma_start3A_36] : memref<16384x32xf32, #tpu.memory_space<vmem_shared>> -> memref<16384x32xf32, #tpu.memory_space<vmem_shared>>
        tpu.enqueue_indirect_dma source(%dma_start3A_37 : memref<16384x32xf32, #tpu.memory_space<vmem_shared>>) target(%dma_start3A_31 : memref<128x32xf32, #tpu.memory_space<vmem>>) offsets(%dma_start3A_34 : memref<128xi32, #tpu.memory_space<vmem>>) semaphore(%run_scoped3A_29 : memref<!tpu.dma_semaphore, #tpu.memory_space<semaphore_mem>>)
        %dma_wait3A = arith.constant 128 : i32
        %dma_wait3A_38 = arith.constant 0 : i32
        %dma_wait3A_39 = tpu.memref_slice %arg10[%dma_wait3A, %dma_wait3A_38] : memref<1024x32xf32, #tpu.memory_space<vmem>> -> memref<128x32xf32, #tpu.memory_space<vmem>>
        %dma_wait3A_40 = arith.constant 0 : i32
        %dma_wait3A_41 = tpu.memref_slice %arg6[%run_scoped3A_15, %dma_wait3A_40] : memref<8x128xi32, #tpu.memory_space<vmem>> -> memref<1x128xi32, #tpu.memory_space<vmem>>
        %dma_wait3A_42 = tpu.memref_squeeze %dma_wait3A_41 : memref<1x128xi32, #tpu.memory_space<vmem>> -> memref<128xi32, #tpu.memory_space<vmem>>
        %dma_wait3A_43 = arith.constant 0 : i32
        %dma_wait3A_44 = arith.constant 0 : i32
        %dma_wait3A_45 = tpu.memref_slice %arg11[%dma_wait3A_43, %dma_wait3A_44] : memref<16384x32xf32, #tpu.memory_space<vmem_shared>> -> memref<16384x32xf32, #tpu.memory_space<vmem_shared>>
        tpu.wait_indirect_dma semaphore(%run_scoped3A_29 : memref<!tpu.dma_semaphore, #tpu.memory_space<semaphore_mem>>) src(%dma_wait3A_45 : memref<16384x32xf32, #tpu.memory_space<vmem_shared>>) dst(%dma_wait3A_39 : memref<128x32xf32, #tpu.memory_space<vmem>>)
        tpu.yield
      }) : () -> ()
      %run_scoped3A_16 = arith.constant 1 : i32
      "tpu.region"() ({
        %run_scoped3A_29 = tpu.sem_alloc : memref<!tpu.dma_semaphore, #tpu.memory_space<semaphore_mem>>
        %dma_start3A = arith.constant 128 : i32
        %dma_start3A_30 = tpu.memref_slice %arg7[%dma_start3A] : memref<1024xf32, #tpu.memory_space<vmem>> -> memref<128xf32, #tpu.memory_space<vmem>>
        %dma_start3A_31 = arith.constant 0 : i32
        %dma_start3A_32 = tpu.memref_slice %arg6[%run_scoped3A_16, %dma_start3A_31] : memref<8x128xi32, #tpu.memory_space<vmem>> -> memref<1x128xi32, #tpu.memory_space<vmem>>
        %dma_start3A_33 = tpu.memref_squeeze %dma_start3A_32 : memref<1x128xi32, #tpu.memory_space<vmem>> -> memref<128xi32, #tpu.memory_space<vmem>>
        %dma_start3A_34 = arith.constant 0 : i32
        %dma_start3A_35 = tpu.memref_slice %arg12[%dma_start3A_34] : memref<16384xf32, #tpu.memory_space<vmem_shared>> -> memref<16384xf32, #tpu.memory_space<vmem_shared>>
        tpu.enqueue_indirect_dma source(%dma_start3A_35 : memref<16384xf32, #tpu.memory_space<vmem_shared>>) target(%dma_start3A_30 : memref<128xf32, #tpu.memory_space<vmem>>) offsets(%dma_start3A_33 : memref<128xi32, #tpu.memory_space<vmem>>) semaphore(%run_scoped3A_29 : memref<!tpu.dma_semaphore, #tpu.memory_space<semaphore_mem>>)
        %dma_wait3A = arith.constant 128 : i32
        %dma_wait3A_36 = tpu.memref_slice %arg7[%dma_wait3A] : memref<1024xf32, #tpu.memory_space<vmem>> -> memref<128xf32, #tpu.memory_space<vmem>>
        %dma_wait3A_37 = arith.constant 0 : i32
        %dma_wait3A_38 = tpu.memref_slice %arg6[%run_scoped3A_16, %dma_wait3A_37] : memref<8x128xi32, #tpu.memory_space<vmem>> -> memref<1x128xi32, #tpu.memory_space<vmem>>
        %dma_wait3A_39 = tpu.memref_squeeze %dma_wait3A_38 : memref<1x128xi32, #tpu.memory_space<vmem>> -> memref<128xi32, #tpu.memory_space<vmem>>
        %dma_wait3A_40 = arith.constant 0 : i32
        %dma_wait3A_41 = tpu.memref_slice %arg12[%dma_wait3A_40] : memref<16384xf32, #tpu.memory_space<vmem_shared>> -> memref<16384xf32, #tpu.memory_space<vmem_shared>>
        tpu.wait_indirect_dma semaphore(%run_scoped3A_29 : memref<!tpu.dma_semaphore, #tpu.memory_space<semaphore_mem>>) src(%dma_wait3A_41 : memref<16384xf32, #tpu.memory_space<vmem_shared>>) dst(%dma_wait3A_36 : memref<128xf32, #tpu.memory_space<vmem>>)
        tpu.yield
      }) : () -> ()
      %run_scoped3A_17 = arith.constant 2 : i32
      "tpu.region"() ({
        %run_scoped3A_29 = tpu.sem_alloc : memref<!tpu.dma_semaphore, #tpu.memory_space<semaphore_mem>>
        %dma_start3A = arith.constant 256 : i32
        %dma_start3A_30 = arith.constant 0 : i32
        %dma_start3A_31 = tpu.memref_slice %arg10[%dma_start3A, %dma_start3A_30] : memref<1024x32xf32, #tpu.memory_space<vmem>> -> memref<128x32xf32, #tpu.memory_space<vmem>>
        %dma_start3A_32 = arith.constant 0 : i32
        %dma_start3A_33 = tpu.memref_slice %arg6[%run_scoped3A_17, %dma_start3A_32] : memref<8x128xi32, #tpu.memory_space<vmem>> -> memref<1x128xi32, #tpu.memory_space<vmem>>
        %dma_start3A_34 = tpu.memref_squeeze %dma_start3A_33 : memref<1x128xi32, #tpu.memory_space<vmem>> -> memref<128xi32, #tpu.memory_space<vmem>>
        %dma_start3A_35 = arith.constant 0 : i32
        %dma_start3A_36 = arith.constant 0 : i32
        %dma_start3A_37 = tpu.memref_slice %arg11[%dma_start3A_35, %dma_start3A_36] : memref<16384x32xf32, #tpu.memory_space<vmem_shared>> -> memref<16384x32xf32, #tpu.memory_space<vmem_shared>>
        tpu.enqueue_indirect_dma source(%dma_start3A_37 : memref<16384x32xf32, #tpu.memory_space<vmem_shared>>) target(%dma_start3A_31 : memref<128x32xf32, #tpu.memory_space<vmem>>) offsets(%dma_start3A_34 : memref<128xi32, #tpu.memory_space<vmem>>) semaphore(%run_scoped3A_29 : memref<!tpu.dma_semaphore, #tpu.memory_space<semaphore_mem>>)
        %dma_wait3A = arith.constant 256 : i32
        %dma_wait3A_38 = arith.constant 0 : i32
        %dma_wait3A_39 = tpu.memref_slice %arg10[%dma_wait3A, %dma_wait3A_38] : memref<1024x32xf32, #tpu.memory_space<vmem>> -> memref<128x32xf32, #tpu.memory_space<vmem>>
        %dma_wait3A_40 = arith.constant 0 : i32
        %dma_wait3A_41 = tpu.memref_slice %arg6[%run_scoped3A_17, %dma_wait3A_40] : memref<8x128xi32, #tpu.memory_space<vmem>> -> memref<1x128xi32, #tpu.memory_space<vmem>>
        %dma_wait3A_42 = tpu.memref_squeeze %dma_wait3A_41 : memref<1x128xi32, #tpu.memory_space<vmem>> -> memref<128xi32, #tpu.memory_space<vmem>>
        %dma_wait3A_43 = arith.constant 0 : i32
        %dma_wait3A_44 = arith.constant 0 : i32
        %dma_wait3A_45 = tpu.memref_slice %arg11[%dma_wait3A_43, %dma_wait3A_44] : memref<16384x32xf32, #tpu.memory_space<vmem_shared>> -> memref<16384x32xf32, #tpu.memory_space<vmem_shared>>
        tpu.wait_indirect_dma semaphore(%run_scoped3A_29 : memref<!tpu.dma_semaphore, #tpu.memory_space<semaphore_mem>>) src(%dma_wait3A_45 : memref<16384x32xf32, #tpu.memory_space<vmem_shared>>) dst(%dma_wait3A_39 : memref<128x32xf32, #tpu.memory_space<vmem>>)
        tpu.yield
      }) : () -> ()
      %run_scoped3A_18 = arith.constant 2 : i32
      "tpu.region"() ({
        %run_scoped3A_29 = tpu.sem_alloc : memref<!tpu.dma_semaphore, #tpu.memory_space<semaphore_mem>>
        %dma_start3A = arith.constant 256 : i32
        %dma_start3A_30 = tpu.memref_slice %arg7[%dma_start3A] : memref<1024xf32, #tpu.memory_space<vmem>> -> memref<128xf32, #tpu.memory_space<vmem>>
        %dma_start3A_31 = arith.constant 0 : i32
        %dma_start3A_32 = tpu.memref_slice %arg6[%run_scoped3A_18, %dma_start3A_31] : memref<8x128xi32, #tpu.memory_space<vmem>> -> memref<1x128xi32, #tpu.memory_space<vmem>>
        %dma_start3A_33 = tpu.memref_squeeze %dma_start3A_32 : memref<1x128xi32, #tpu.memory_space<vmem>> -> memref<128xi32, #tpu.memory_space<vmem>>
        %dma_start3A_34 = arith.constant 0 : i32
        %dma_start3A_35 = tpu.memref_slice %arg12[%dma_start3A_34] : memref<16384xf32, #tpu.memory_space<vmem_shared>> -> memref<16384xf32, #tpu.memory_space<vmem_shared>>
        tpu.enqueue_indirect_dma source(%dma_start3A_35 : memref<16384xf32, #tpu.memory_space<vmem_shared>>) target(%dma_start3A_30 : memref<128xf32, #tpu.memory_space<vmem>>) offsets(%dma_start3A_33 : memref<128xi32, #tpu.memory_space<vmem>>) semaphore(%run_scoped3A_29 : memref<!tpu.dma_semaphore, #tpu.memory_space<semaphore_mem>>)
        %dma_wait3A = arith.constant 256 : i32
        %dma_wait3A_36 = tpu.memref_slice %arg7[%dma_wait3A] : memref<1024xf32, #tpu.memory_space<vmem>> -> memref<128xf32, #tpu.memory_space<vmem>>
        %dma_wait3A_37 = arith.constant 0 : i32
        %dma_wait3A_38 = tpu.memref_slice %arg6[%run_scoped3A_18, %dma_wait3A_37] : memref<8x128xi32, #tpu.memory_space<vmem>> -> memref<1x128xi32, #tpu.memory_space<vmem>>
        %dma_wait3A_39 = tpu.memref_squeeze %dma_wait3A_38 : memref<1x128xi32, #tpu.memory_space<vmem>> -> memref<128xi32, #tpu.memory_space<vmem>>
        %dma_wait3A_40 = arith.constant 0 : i32
        %dma_wait3A_41 = tpu.memref_slice %arg12[%dma_wait3A_40] : memref<16384xf32, #tpu.memory_space<vmem_shared>> -> memref<16384xf32, #tpu.memory_space<vmem_shared>>
        tpu.wait_indirect_dma semaphore(%run_scoped3A_29 : memref<!tpu.dma_semaphore, #tpu.memory_space<semaphore_mem>>) src(%dma_wait3A_41 : memref<16384xf32, #tpu.memory_space<vmem_shared>>) dst(%dma_wait3A_36 : memref<128xf32, #tpu.memory_space<vmem>>)
        tpu.yield
      }) : () -> ()
      %run_scoped3A_19 = arith.constant 3 : i32
      "tpu.region"() ({
        %run_scoped3A_29 = tpu.sem_alloc : memref<!tpu.dma_semaphore, #tpu.memory_space<semaphore_mem>>
        %dma_start3A = arith.constant 384 : i32
        %dma_start3A_30 = arith.constant 0 : i32
        %dma_start3A_31 = tpu.memref_slice %arg10[%dma_start3A, %dma_start3A_30] : memref<1024x32xf32, #tpu.memory_space<vmem>> -> memref<128x32xf32, #tpu.memory_space<vmem>>
        %dma_start3A_32 = arith.constant 0 : i32
        %dma_start3A_33 = tpu.memref_slice %arg6[%run_scoped3A_19, %dma_start3A_32] : memref<8x128xi32, #tpu.memory_space<vmem>> -> memref<1x128xi32, #tpu.memory_space<vmem>>
        %dma_start3A_34 = tpu.memref_squeeze %dma_start3A_33 : memref<1x128xi32, #tpu.memory_space<vmem>> -> memref<128xi32, #tpu.memory_space<vmem>>
        %dma_start3A_35 = arith.constant 0 : i32
        %dma_start3A_36 = arith.constant 0 : i32
        %dma_start3A_37 = tpu.memref_slice %arg11[%dma_start3A_35, %dma_start3A_36] : memref<16384x32xf32, #tpu.memory_space<vmem_shared>> -> memref<16384x32xf32, #tpu.memory_space<vmem_shared>>
        tpu.enqueue_indirect_dma source(%dma_start3A_37 : memref<16384x32xf32, #tpu.memory_space<vmem_shared>>) target(%dma_start3A_31 : memref<128x32xf32, #tpu.memory_space<vmem>>) offsets(%dma_start3A_34 : memref<128xi32, #tpu.memory_space<vmem>>) semaphore(%run_scoped3A_29 : memref<!tpu.dma_semaphore, #tpu.memory_space<semaphore_mem>>)
        %dma_wait3A = arith.constant 384 : i32
        %dma_wait3A_38 = arith.constant 0 : i32
        %dma_wait3A_39 = tpu.memref_slice %arg10[%dma_wait3A, %dma_wait3A_38] : memref<1024x32xf32, #tpu.memory_space<vmem>> -> memref<128x32xf32, #tpu.memory_space<vmem>>
        %dma_wait3A_40 = arith.constant 0 : i32
        %dma_wait3A_41 = tpu.memref_slice %arg6[%run_scoped3A_19, %dma_wait3A_40] : memref<8x128xi32, #tpu.memory_space<vmem>> -> memref<1x128xi32, #tpu.memory_space<vmem>>
        %dma_wait3A_42 = tpu.memref_squeeze %dma_wait3A_41 : memref<1x128xi32, #tpu.memory_space<vmem>> -> memref<128xi32, #tpu.memory_space<vmem>>
        %dma_wait3A_43 = arith.constant 0 : i32
        %dma_wait3A_44 = arith.constant 0 : i32
        %dma_wait3A_45 = tpu.memref_slice %arg11[%dma_wait3A_43, %dma_wait3A_44] : memref<16384x32xf32, #tpu.memory_space<vmem_shared>> -> memref<16384x32xf32, #tpu.memory_space<vmem_shared>>
        tpu.wait_indirect_dma semaphore(%run_scoped3A_29 : memref<!tpu.dma_semaphore, #tpu.memory_space<semaphore_mem>>) src(%dma_wait3A_45 : memref<16384x32xf32, #tpu.memory_space<vmem_shared>>) dst(%dma_wait3A_39 : memref<128x32xf32, #tpu.memory_space<vmem>>)
        tpu.yield
      }) : () -> ()
      %run_scoped3A_20 = arith.constant 3 : i32
      "tpu.region"() ({
        %run_scoped3A_29 = tpu.sem_alloc : memref<!tpu.dma_semaphore, #tpu.memory_space<semaphore_mem>>
        %dma_start3A = arith.constant 384 : i32
        %dma_start3A_30 = tpu.memref_slice %arg7[%dma_start3A] : memref<1024xf32, #tpu.memory_space<vmem>> -> memref<128xf32, #tpu.memory_space<vmem>>
        %dma_start3A_31 = arith.constant 0 : i32
        %dma_start3A_32 = tpu.memref_slice %arg6[%run_scoped3A_20, %dma_start3A_31] : memref<8x128xi32, #tpu.memory_space<vmem>> -> memref<1x128xi32, #tpu.memory_space<vmem>>
        %dma_start3A_33 = tpu.memref_squeeze %dma_start3A_32 : memref<1x128xi32, #tpu.memory_space<vmem>> -> memref<128xi32, #tpu.memory_space<vmem>>
        %dma_start3A_34 = arith.constant 0 : i32
        %dma_start3A_35 = tpu.memref_slice %arg12[%dma_start3A_34] : memref<16384xf32, #tpu.memory_space<vmem_shared>> -> memref<16384xf32, #tpu.memory_space<vmem_shared>>
        tpu.enqueue_indirect_dma source(%dma_start3A_35 : memref<16384xf32, #tpu.memory_space<vmem_shared>>) target(%dma_start3A_30 : memref<128xf32, #tpu.memory_space<vmem>>) offsets(%dma_start3A_33 : memref<128xi32, #tpu.memory_space<vmem>>) semaphore(%run_scoped3A_29 : memref<!tpu.dma_semaphore, #tpu.memory_space<semaphore_mem>>)
        %dma_wait3A = arith.constant 384 : i32
        %dma_wait3A_36 = tpu.memref_slice %arg7[%dma_wait3A] : memref<1024xf32, #tpu.memory_space<vmem>> -> memref<128xf32, #tpu.memory_space<vmem>>
        %dma_wait3A_37 = arith.constant 0 : i32
        %dma_wait3A_38 = tpu.memref_slice %arg6[%run_scoped3A_20, %dma_wait3A_37] : memref<8x128xi32, #tpu.memory_space<vmem>> -> memref<1x128xi32, #tpu.memory_space<vmem>>
        %dma_wait3A_39 = tpu.memref_squeeze %dma_wait3A_38 : memref<1x128xi32, #tpu.memory_space<vmem>> -> memref<128xi32, #tpu.memory_space<vmem>>
        %dma_wait3A_40 = arith.constant 0 : i32
        %dma_wait3A_41 = tpu.memref_slice %arg12[%dma_wait3A_40] : memref<16384xf32, #tpu.memory_space<vmem_shared>> -> memref<16384xf32, #tpu.memory_space<vmem_shared>>
        tpu.wait_indirect_dma semaphore(%run_scoped3A_29 : memref<!tpu.dma_semaphore, #tpu.memory_space<semaphore_mem>>) src(%dma_wait3A_41 : memref<16384xf32, #tpu.memory_space<vmem_shared>>) dst(%dma_wait3A_36 : memref<128xf32, #tpu.memory_space<vmem>>)
        tpu.yield
      }) : () -> ()
      %run_scoped3A_21 = arith.constant 4 : i32
      "tpu.region"() ({
        %run_scoped3A_29 = tpu.sem_alloc : memref<!tpu.dma_semaphore, #tpu.memory_space<semaphore_mem>>
        %dma_start3A = arith.constant 512 : i32
        %dma_start3A_30 = arith.constant 0 : i32
        %dma_start3A_31 = tpu.memref_slice %arg10[%dma_start3A, %dma_start3A_30] : memref<1024x32xf32, #tpu.memory_space<vmem>> -> memref<128x32xf32, #tpu.memory_space<vmem>>
        %dma_start3A_32 = arith.constant 0 : i32
        %dma_start3A_33 = tpu.memref_slice %arg6[%run_scoped3A_21, %dma_start3A_32] : memref<8x128xi32, #tpu.memory_space<vmem>> -> memref<1x128xi32, #tpu.memory_space<vmem>>
        %dma_start3A_34 = tpu.memref_squeeze %dma_start3A_33 : memref<1x128xi32, #tpu.memory_space<vmem>> -> memref<128xi32, #tpu.memory_space<vmem>>
        %dma_start3A_35 = arith.constant 0 : i32
        %dma_start3A_36 = arith.constant 0 : i32
        %dma_start3A_37 = tpu.memref_slice %arg11[%dma_start3A_35, %dma_start3A_36] : memref<16384x32xf32, #tpu.memory_space<vmem_shared>> -> memref<16384x32xf32, #tpu.memory_space<vmem_shared>>
        tpu.enqueue_indirect_dma source(%dma_start3A_37 : memref<16384x32xf32, #tpu.memory_space<vmem_shared>>) target(%dma_start3A_31 : memref<128x32xf32, #tpu.memory_space<vmem>>) offsets(%dma_start3A_34 : memref<128xi32, #tpu.memory_space<vmem>>) semaphore(%run_scoped3A_29 : memref<!tpu.dma_semaphore, #tpu.memory_space<semaphore_mem>>)
        %dma_wait3A = arith.constant 512 : i32
        %dma_wait3A_38 = arith.constant 0 : i32
        %dma_wait3A_39 = tpu.memref_slice %arg10[%dma_wait3A, %dma_wait3A_38] : memref<1024x32xf32, #tpu.memory_space<vmem>> -> memref<128x32xf32, #tpu.memory_space<vmem>>
        %dma_wait3A_40 = arith.constant 0 : i32
        %dma_wait3A_41 = tpu.memref_slice %arg6[%run_scoped3A_21, %dma_wait3A_40] : memref<8x128xi32, #tpu.memory_space<vmem>> -> memref<1x128xi32, #tpu.memory_space<vmem>>
        %dma_wait3A_42 = tpu.memref_squeeze %dma_wait3A_41 : memref<1x128xi32, #tpu.memory_space<vmem>> -> memref<128xi32, #tpu.memory_space<vmem>>
        %dma_wait3A_43 = arith.constant 0 : i32
        %dma_wait3A_44 = arith.constant 0 : i32
        %dma_wait3A_45 = tpu.memref_slice %arg11[%dma_wait3A_43, %dma_wait3A_44] : memref<16384x32xf32, #tpu.memory_space<vmem_shared>> -> memref<16384x32xf32, #tpu.memory_space<vmem_shared>>
        tpu.wait_indirect_dma semaphore(%run_scoped3A_29 : memref<!tpu.dma_semaphore, #tpu.memory_space<semaphore_mem>>) src(%dma_wait3A_45 : memref<16384x32xf32, #tpu.memory_space<vmem_shared>>) dst(%dma_wait3A_39 : memref<128x32xf32, #tpu.memory_space<vmem>>)
        tpu.yield
      }) : () -> ()
      %run_scoped3A_22 = arith.constant 4 : i32
      "tpu.region"() ({
        %run_scoped3A_29 = tpu.sem_alloc : memref<!tpu.dma_semaphore, #tpu.memory_space<semaphore_mem>>
        %dma_start3A = arith.constant 512 : i32
        %dma_start3A_30 = tpu.memref_slice %arg7[%dma_start3A] : memref<1024xf32, #tpu.memory_space<vmem>> -> memref<128xf32, #tpu.memory_space<vmem>>
        %dma_start3A_31 = arith.constant 0 : i32
        %dma_start3A_32 = tpu.memref_slice %arg6[%run_scoped3A_22, %dma_start3A_31] : memref<8x128xi32, #tpu.memory_space<vmem>> -> memref<1x128xi32, #tpu.memory_space<vmem>>
        %dma_start3A_33 = tpu.memref_squeeze %dma_start3A_32 : memref<1x128xi32, #tpu.memory_space<vmem>> -> memref<128xi32, #tpu.memory_space<vmem>>
        %dma_start3A_34 = arith.constant 0 : i32
        %dma_start3A_35 = tpu.memref_slice %arg12[%dma_start3A_34] : memref<16384xf32, #tpu.memory_space<vmem_shared>> -> memref<16384xf32, #tpu.memory_space<vmem_shared>>
        tpu.enqueue_indirect_dma source(%dma_start3A_35 : memref<16384xf32, #tpu.memory_space<vmem_shared>>) target(%dma_start3A_30 : memref<128xf32, #tpu.memory_space<vmem>>) offsets(%dma_start3A_33 : memref<128xi32, #tpu.memory_space<vmem>>) semaphore(%run_scoped3A_29 : memref<!tpu.dma_semaphore, #tpu.memory_space<semaphore_mem>>)
        %dma_wait3A = arith.constant 512 : i32
        %dma_wait3A_36 = tpu.memref_slice %arg7[%dma_wait3A] : memref<1024xf32, #tpu.memory_space<vmem>> -> memref<128xf32, #tpu.memory_space<vmem>>
        %dma_wait3A_37 = arith.constant 0 : i32
        %dma_wait3A_38 = tpu.memref_slice %arg6[%run_scoped3A_22, %dma_wait3A_37] : memref<8x128xi32, #tpu.memory_space<vmem>> -> memref<1x128xi32, #tpu.memory_space<vmem>>
        %dma_wait3A_39 = tpu.memref_squeeze %dma_wait3A_38 : memref<1x128xi32, #tpu.memory_space<vmem>> -> memref<128xi32, #tpu.memory_space<vmem>>
        %dma_wait3A_40 = arith.constant 0 : i32
        %dma_wait3A_41 = tpu.memref_slice %arg12[%dma_wait3A_40] : memref<16384xf32, #tpu.memory_space<vmem_shared>> -> memref<16384xf32, #tpu.memory_space<vmem_shared>>
        tpu.wait_indirect_dma semaphore(%run_scoped3A_29 : memref<!tpu.dma_semaphore, #tpu.memory_space<semaphore_mem>>) src(%dma_wait3A_41 : memref<16384xf32, #tpu.memory_space<vmem_shared>>) dst(%dma_wait3A_36 : memref<128xf32, #tpu.memory_space<vmem>>)
        tpu.yield
      }) : () -> ()
      %run_scoped3A_23 = arith.constant 5 : i32
      "tpu.region"() ({
        %run_scoped3A_29 = tpu.sem_alloc : memref<!tpu.dma_semaphore, #tpu.memory_space<semaphore_mem>>
        %dma_start3A = arith.constant 640 : i32
        %dma_start3A_30 = arith.constant 0 : i32
        %dma_start3A_31 = tpu.memref_slice %arg10[%dma_start3A, %dma_start3A_30] : memref<1024x32xf32, #tpu.memory_space<vmem>> -> memref<128x32xf32, #tpu.memory_space<vmem>>
        %dma_start3A_32 = arith.constant 0 : i32
        %dma_start3A_33 = tpu.memref_slice %arg6[%run_scoped3A_23, %dma_start3A_32] : memref<8x128xi32, #tpu.memory_space<vmem>> -> memref<1x128xi32, #tpu.memory_space<vmem>>
        %dma_start3A_34 = tpu.memref_squeeze %dma_start3A_33 : memref<1x128xi32, #tpu.memory_space<vmem>> -> memref<128xi32, #tpu.memory_space<vmem>>
        %dma_start3A_35 = arith.constant 0 : i32
        %dma_start3A_36 = arith.constant 0 : i32
        %dma_start3A_37 = tpu.memref_slice %arg11[%dma_start3A_35, %dma_start3A_36] : memref<16384x32xf32, #tpu.memory_space<vmem_shared>> -> memref<16384x32xf32, #tpu.memory_space<vmem_shared>>
        tpu.enqueue_indirect_dma source(%dma_start3A_37 : memref<16384x32xf32, #tpu.memory_space<vmem_shared>>) target(%dma_start3A_31 : memref<128x32xf32, #tpu.memory_space<vmem>>) offsets(%dma_start3A_34 : memref<128xi32, #tpu.memory_space<vmem>>) semaphore(%run_scoped3A_29 : memref<!tpu.dma_semaphore, #tpu.memory_space<semaphore_mem>>)
        %dma_wait3A = arith.constant 640 : i32
        %dma_wait3A_38 = arith.constant 0 : i32
        %dma_wait3A_39 = tpu.memref_slice %arg10[%dma_wait3A, %dma_wait3A_38] : memref<1024x32xf32, #tpu.memory_space<vmem>> -> memref<128x32xf32, #tpu.memory_space<vmem>>
        %dma_wait3A_40 = arith.constant 0 : i32
        %dma_wait3A_41 = tpu.memref_slice %arg6[%run_scoped3A_23, %dma_wait3A_40] : memref<8x128xi32, #tpu.memory_space<vmem>> -> memref<1x128xi32, #tpu.memory_space<vmem>>
        %dma_wait3A_42 = tpu.memref_squeeze %dma_wait3A_41 : memref<1x128xi32, #tpu.memory_space<vmem>> -> memref<128xi32, #tpu.memory_space<vmem>>
        %dma_wait3A_43 = arith.constant 0 : i32
        %dma_wait3A_44 = arith.constant 0 : i32
        %dma_wait3A_45 = tpu.memref_slice %arg11[%dma_wait3A_43, %dma_wait3A_44] : memref<16384x32xf32, #tpu.memory_space<vmem_shared>> -> memref<16384x32xf32, #tpu.memory_space<vmem_shared>>
        tpu.wait_indirect_dma semaphore(%run_scoped3A_29 : memref<!tpu.dma_semaphore, #tpu.memory_space<semaphore_mem>>) src(%dma_wait3A_45 : memref<16384x32xf32, #tpu.memory_space<vmem_shared>>) dst(%dma_wait3A_39 : memref<128x32xf32, #tpu.memory_space<vmem>>)
        tpu.yield
      }) : () -> ()
      %run_scoped3A_24 = arith.constant 5 : i32
      "tpu.region"() ({
        %run_scoped3A_29 = tpu.sem_alloc : memref<!tpu.dma_semaphore, #tpu.memory_space<semaphore_mem>>
        %dma_start3A = arith.constant 640 : i32
        %dma_start3A_30 = tpu.memref_slice %arg7[%dma_start3A] : memref<1024xf32, #tpu.memory_space<vmem>> -> memref<128xf32, #tpu.memory_space<vmem>>
        %dma_start3A_31 = arith.constant 0 : i32
        %dma_start3A_32 = tpu.memref_slice %arg6[%run_scoped3A_24, %dma_start3A_31] : memref<8x128xi32, #tpu.memory_space<vmem>> -> memref<1x128xi32, #tpu.memory_space<vmem>>
        %dma_start3A_33 = tpu.memref_squeeze %dma_start3A_32 : memref<1x128xi32, #tpu.memory_space<vmem>> -> memref<128xi32, #tpu.memory_space<vmem>>
        %dma_start3A_34 = arith.constant 0 : i32
        %dma_start3A_35 = tpu.memref_slice %arg12[%dma_start3A_34] : memref<16384xf32, #tpu.memory_space<vmem_shared>> -> memref<16384xf32, #tpu.memory_space<vmem_shared>>
        tpu.enqueue_indirect_dma source(%dma_start3A_35 : memref<16384xf32, #tpu.memory_space<vmem_shared>>) target(%dma_start3A_30 : memref<128xf32, #tpu.memory_space<vmem>>) offsets(%dma_start3A_33 : memref<128xi32, #tpu.memory_space<vmem>>) semaphore(%run_scoped3A_29 : memref<!tpu.dma_semaphore, #tpu.memory_space<semaphore_mem>>)
        %dma_wait3A = arith.constant 640 : i32
        %dma_wait3A_36 = tpu.memref_slice %arg7[%dma_wait3A] : memref<1024xf32, #tpu.memory_space<vmem>> -> memref<128xf32, #tpu.memory_space<vmem>>
        %dma_wait3A_37 = arith.constant 0 : i32
        %dma_wait3A_38 = tpu.memref_slice %arg6[%run_scoped3A_24, %dma_wait3A_37] : memref<8x128xi32, #tpu.memory_space<vmem>> -> memref<1x128xi32, #tpu.memory_space<vmem>>
        %dma_wait3A_39 = tpu.memref_squeeze %dma_wait3A_38 : memref<1x128xi32, #tpu.memory_space<vmem>> -> memref<128xi32, #tpu.memory_space<vmem>>
        %dma_wait3A_40 = arith.constant 0 : i32
        %dma_wait3A_41 = tpu.memref_slice %arg12[%dma_wait3A_40] : memref<16384xf32, #tpu.memory_space<vmem_shared>> -> memref<16384xf32, #tpu.memory_space<vmem_shared>>
        tpu.wait_indirect_dma semaphore(%run_scoped3A_29 : memref<!tpu.dma_semaphore, #tpu.memory_space<semaphore_mem>>) src(%dma_wait3A_41 : memref<16384xf32, #tpu.memory_space<vmem_shared>>) dst(%dma_wait3A_36 : memref<128xf32, #tpu.memory_space<vmem>>)
        tpu.yield
      }) : () -> ()
      %run_scoped3A_25 = arith.constant 6 : i32
      "tpu.region"() ({
        %run_scoped3A_29 = tpu.sem_alloc : memref<!tpu.dma_semaphore, #tpu.memory_space<semaphore_mem>>
        %dma_start3A = arith.constant 768 : i32
        %dma_start3A_30 = arith.constant 0 : i32
        %dma_start3A_31 = tpu.memref_slice %arg10[%dma_start3A, %dma_start3A_30] : memref<1024x32xf32, #tpu.memory_space<vmem>> -> memref<128x32xf32, #tpu.memory_space<vmem>>
        %dma_start3A_32 = arith.constant 0 : i32
        %dma_start3A_33 = tpu.memref_slice %arg6[%run_scoped3A_25, %dma_start3A_32] : memref<8x128xi32, #tpu.memory_space<vmem>> -> memref<1x128xi32, #tpu.memory_space<vmem>>
        %dma_start3A_34 = tpu.memref_squeeze %dma_start3A_33 : memref<1x128xi32, #tpu.memory_space<vmem>> -> memref<128xi32, #tpu.memory_space<vmem>>
        %dma_start3A_35 = arith.constant 0 : i32
        %dma_start3A_36 = arith.constant 0 : i32
        %dma_start3A_37 = tpu.memref_slice %arg11[%dma_start3A_35, %dma_start3A_36] : memref<16384x32xf32, #tpu.memory_space<vmem_shared>> -> memref<16384x32xf32, #tpu.memory_space<vmem_shared>>
        tpu.enqueue_indirect_dma source(%dma_start3A_37 : memref<16384x32xf32, #tpu.memory_space<vmem_shared>>) target(%dma_start3A_31 : memref<128x32xf32, #tpu.memory_space<vmem>>) offsets(%dma_start3A_34 : memref<128xi32, #tpu.memory_space<vmem>>) semaphore(%run_scoped3A_29 : memref<!tpu.dma_semaphore, #tpu.memory_space<semaphore_mem>>)
        %dma_wait3A = arith.constant 768 : i32
        %dma_wait3A_38 = arith.constant 0 : i32
        %dma_wait3A_39 = tpu.memref_slice %arg10[%dma_wait3A, %dma_wait3A_38] : memref<1024x32xf32, #tpu.memory_space<vmem>> -> memref<128x32xf32, #tpu.memory_space<vmem>>
        %dma_wait3A_40 = arith.constant 0 : i32
        %dma_wait3A_41 = tpu.memref_slice %arg6[%run_scoped3A_25, %dma_wait3A_40] : memref<8x128xi32, #tpu.memory_space<vmem>> -> memref<1x128xi32, #tpu.memory_space<vmem>>
        %dma_wait3A_42 = tpu.memref_squeeze %dma_wait3A_41 : memref<1x128xi32, #tpu.memory_space<vmem>> -> memref<128xi32, #tpu.memory_space<vmem>>
        %dma_wait3A_43 = arith.constant 0 : i32
        %dma_wait3A_44 = arith.constant 0 : i32
        %dma_wait3A_45 = tpu.memref_slice %arg11[%dma_wait3A_43, %dma_wait3A_44] : memref<16384x32xf32, #tpu.memory_space<vmem_shared>> -> memref<16384x32xf32, #tpu.memory_space<vmem_shared>>
        tpu.wait_indirect_dma semaphore(%run_scoped3A_29 : memref<!tpu.dma_semaphore, #tpu.memory_space<semaphore_mem>>) src(%dma_wait3A_45 : memref<16384x32xf32, #tpu.memory_space<vmem_shared>>) dst(%dma_wait3A_39 : memref<128x32xf32, #tpu.memory_space<vmem>>)
        tpu.yield
      }) : () -> ()
      %run_scoped3A_26 = arith.constant 6 : i32
      "tpu.region"() ({
        %run_scoped3A_29 = tpu.sem_alloc : memref<!tpu.dma_semaphore, #tpu.memory_space<semaphore_mem>>
        %dma_start3A = arith.constant 768 : i32
        %dma_start3A_30 = tpu.memref_slice %arg7[%dma_start3A] : memref<1024xf32, #tpu.memory_space<vmem>> -> memref<128xf32, #tpu.memory_space<vmem>>
        %dma_start3A_31 = arith.constant 0 : i32
        %dma_start3A_32 = tpu.memref_slice %arg6[%run_scoped3A_26, %dma_start3A_31] : memref<8x128xi32, #tpu.memory_space<vmem>> -> memref<1x128xi32, #tpu.memory_space<vmem>>
        %dma_start3A_33 = tpu.memref_squeeze %dma_start3A_32 : memref<1x128xi32, #tpu.memory_space<vmem>> -> memref<128xi32, #tpu.memory_space<vmem>>
        %dma_start3A_34 = arith.constant 0 : i32
        %dma_start3A_35 = tpu.memref_slice %arg12[%dma_start3A_34] : memref<16384xf32, #tpu.memory_space<vmem_shared>> -> memref<16384xf32, #tpu.memory_space<vmem_shared>>
        tpu.enqueue_indirect_dma source(%dma_start3A_35 : memref<16384xf32, #tpu.memory_space<vmem_shared>>) target(%dma_start3A_30 : memref<128xf32, #tpu.memory_space<vmem>>) offsets(%dma_start3A_33 : memref<128xi32, #tpu.memory_space<vmem>>) semaphore(%run_scoped3A_29 : memref<!tpu.dma_semaphore, #tpu.memory_space<semaphore_mem>>)
        %dma_wait3A = arith.constant 768 : i32
        %dma_wait3A_36 = tpu.memref_slice %arg7[%dma_wait3A] : memref<1024xf32, #tpu.memory_space<vmem>> -> memref<128xf32, #tpu.memory_space<vmem>>
        %dma_wait3A_37 = arith.constant 0 : i32
        %dma_wait3A_38 = tpu.memref_slice %arg6[%run_scoped3A_26, %dma_wait3A_37] : memref<8x128xi32, #tpu.memory_space<vmem>> -> memref<1x128xi32, #tpu.memory_space<vmem>>
        %dma_wait3A_39 = tpu.memref_squeeze %dma_wait3A_38 : memref<1x128xi32, #tpu.memory_space<vmem>> -> memref<128xi32, #tpu.memory_space<vmem>>
        %dma_wait3A_40 = arith.constant 0 : i32
        %dma_wait3A_41 = tpu.memref_slice %arg12[%dma_wait3A_40] : memref<16384xf32, #tpu.memory_space<vmem_shared>> -> memref<16384xf32, #tpu.memory_space<vmem_shared>>
        tpu.wait_indirect_dma semaphore(%run_scoped3A_29 : memref<!tpu.dma_semaphore, #tpu.memory_space<semaphore_mem>>) src(%dma_wait3A_41 : memref<16384xf32, #tpu.memory_space<vmem_shared>>) dst(%dma_wait3A_36 : memref<128xf32, #tpu.memory_space<vmem>>)
        tpu.yield
      }) : () -> ()
      %run_scoped3A_27 = arith.constant 7 : i32
      "tpu.region"() ({
        %run_scoped3A_29 = tpu.sem_alloc : memref<!tpu.dma_semaphore, #tpu.memory_space<semaphore_mem>>
        %dma_start3A = arith.constant 896 : i32
        %dma_start3A_30 = arith.constant 0 : i32
        %dma_start3A_31 = tpu.memref_slice %arg10[%dma_start3A, %dma_start3A_30] : memref<1024x32xf32, #tpu.memory_space<vmem>> -> memref<128x32xf32, #tpu.memory_space<vmem>>
        %dma_start3A_32 = arith.constant 0 : i32
        %dma_start3A_33 = tpu.memref_slice %arg6[%run_scoped3A_27, %dma_start3A_32] : memref<8x128xi32, #tpu.memory_space<vmem>> -> memref<1x128xi32, #tpu.memory_space<vmem>>
        %dma_start3A_34 = tpu.memref_squeeze %dma_start3A_33 : memref<1x128xi32, #tpu.memory_space<vmem>> -> memref<128xi32, #tpu.memory_space<vmem>>
        %dma_start3A_35 = arith.constant 0 : i32
        %dma_start3A_36 = arith.constant 0 : i32
        %dma_start3A_37 = tpu.memref_slice %arg11[%dma_start3A_35, %dma_start3A_36] : memref<16384x32xf32, #tpu.memory_space<vmem_shared>> -> memref<16384x32xf32, #tpu.memory_space<vmem_shared>>
        tpu.enqueue_indirect_dma source(%dma_start3A_37 : memref<16384x32xf32, #tpu.memory_space<vmem_shared>>) target(%dma_start3A_31 : memref<128x32xf32, #tpu.memory_space<vmem>>) offsets(%dma_start3A_34 : memref<128xi32, #tpu.memory_space<vmem>>) semaphore(%run_scoped3A_29 : memref<!tpu.dma_semaphore, #tpu.memory_space<semaphore_mem>>)
        %dma_wait3A = arith.constant 896 : i32
        %dma_wait3A_38 = arith.constant 0 : i32
        %dma_wait3A_39 = tpu.memref_slice %arg10[%dma_wait3A, %dma_wait3A_38] : memref<1024x32xf32, #tpu.memory_space<vmem>> -> memref<128x32xf32, #tpu.memory_space<vmem>>
        %dma_wait3A_40 = arith.constant 0 : i32
        %dma_wait3A_41 = tpu.memref_slice %arg6[%run_scoped3A_27, %dma_wait3A_40] : memref<8x128xi32, #tpu.memory_space<vmem>> -> memref<1x128xi32, #tpu.memory_space<vmem>>
        %dma_wait3A_42 = tpu.memref_squeeze %dma_wait3A_41 : memref<1x128xi32, #tpu.memory_space<vmem>> -> memref<128xi32, #tpu.memory_space<vmem>>
        %dma_wait3A_43 = arith.constant 0 : i32
        %dma_wait3A_44 = arith.constant 0 : i32
        %dma_wait3A_45 = tpu.memref_slice %arg11[%dma_wait3A_43, %dma_wait3A_44] : memref<16384x32xf32, #tpu.memory_space<vmem_shared>> -> memref<16384x32xf32, #tpu.memory_space<vmem_shared>>
        tpu.wait_indirect_dma semaphore(%run_scoped3A_29 : memref<!tpu.dma_semaphore, #tpu.memory_space<semaphore_mem>>) src(%dma_wait3A_45 : memref<16384x32xf32, #tpu.memory_space<vmem_shared>>) dst(%dma_wait3A_39 : memref<128x32xf32, #tpu.memory_space<vmem>>)
        tpu.yield
      }) : () -> ()
      %run_scoped3A_28 = arith.constant 7 : i32
      "tpu.region"() ({
        %run_scoped3A_29 = tpu.sem_alloc : memref<!tpu.dma_semaphore, #tpu.memory_space<semaphore_mem>>
        %dma_start3A = arith.constant 896 : i32
        %dma_start3A_30 = tpu.memref_slice %arg7[%dma_start3A] : memref<1024xf32, #tpu.memory_space<vmem>> -> memref<128xf32, #tpu.memory_space<vmem>>
        %dma_start3A_31 = arith.constant 0 : i32
        %dma_start3A_32 = tpu.memref_slice %arg6[%run_scoped3A_28, %dma_start3A_31] : memref<8x128xi32, #tpu.memory_space<vmem>> -> memref<1x128xi32, #tpu.memory_space<vmem>>
        %dma_start3A_33 = tpu.memref_squeeze %dma_start3A_32 : memref<1x128xi32, #tpu.memory_space<vmem>> -> memref<128xi32, #tpu.memory_space<vmem>>
        %dma_start3A_34 = arith.constant 0 : i32
        %dma_start3A_35 = tpu.memref_slice %arg12[%dma_start3A_34] : memref<16384xf32, #tpu.memory_space<vmem_shared>> -> memref<16384xf32, #tpu.memory_space<vmem_shared>>
        tpu.enqueue_indirect_dma source(%dma_start3A_35 : memref<16384xf32, #tpu.memory_space<vmem_shared>>) target(%dma_start3A_30 : memref<128xf32, #tpu.memory_space<vmem>>) offsets(%dma_start3A_33 : memref<128xi32, #tpu.memory_space<vmem>>) semaphore(%run_scoped3A_29 : memref<!tpu.dma_semaphore, #tpu.memory_space<semaphore_mem>>)
        %dma_wait3A = arith.constant 896 : i32
        %dma_wait3A_36 = tpu.memref_slice %arg7[%dma_wait3A] : memref<1024xf32, #tpu.memory_space<vmem>> -> memref<128xf32, #tpu.memory_space<vmem>>
        %dma_wait3A_37 = arith.constant 0 : i32
        %dma_wait3A_38 = tpu.memref_slice %arg6[%run_scoped3A_28, %dma_wait3A_37] : memref<8x128xi32, #tpu.memory_space<vmem>> -> memref<1x128xi32, #tpu.memory_space<vmem>>
        %dma_wait3A_39 = tpu.memref_squeeze %dma_wait3A_38 : memref<1x128xi32, #tpu.memory_space<vmem>> -> memref<128xi32, #tpu.memory_space<vmem>>
        %dma_wait3A_40 = arith.constant 0 : i32
        %dma_wait3A_41 = tpu.memref_slice %arg12[%dma_wait3A_40] : memref<16384xf32, #tpu.memory_space<vmem_shared>> -> memref<16384xf32, #tpu.memory_space<vmem_shared>>
        tpu.wait_indirect_dma semaphore(%run_scoped3A_29 : memref<!tpu.dma_semaphore, #tpu.memory_space<semaphore_mem>>) src(%dma_wait3A_41 : memref<16384xf32, #tpu.memory_space<vmem_shared>>) dst(%dma_wait3A_36 : memref<128xf32, #tpu.memory_space<vmem>>)
        tpu.yield
      }) : () -> ()
      "tpu.region"() ({
        %run_scoped3A_29 = tpu.sem_alloc : memref<!tpu.dma_semaphore, #tpu.memory_space<semaphore_mem>>
        %dma_start3A = arith.constant 0 : i32
        %dma_start3A_30 = tpu.memref_slice %arg4[%mul3A_0, %dma_start3A] : memref<16384x32xf32, #tpu.memory_space<hbm>> -> memref<1024x32xf32, #tpu.memory_space<hbm>>
        %dma_start3A_31 = arith.constant 0 : i32
        %dma_start3A_32 = tpu.memref_slice %arg4[%mul3A_0, %dma_start3A_31] : memref<16384x32xf32, #tpu.memory_space<hbm>> -> memref<1024x32xf32, #tpu.memory_space<hbm>>
        tpu.enqueue_dma source(%arg10 : memref<1024x32xf32, #tpu.memory_space<vmem>>) target(%dma_start3A_32 : memref<1024x32xf32, #tpu.memory_space<hbm>>) target_semaphore(%run_scoped3A_29 : memref<!tpu.dma_semaphore, #tpu.memory_space<semaphore_mem>>)
        %dma_wait3A = arith.constant 0 : i32
        %dma_wait3A_33 = tpu.memref_slice %arg4[%mul3A_0, %dma_wait3A] : memref<16384x32xf32, #tpu.memory_space<hbm>> -> memref<1024x32xf32, #tpu.memory_space<hbm>>
        %dma_wait3A_34 = arith.constant 0 : i32
        %dma_wait3A_35 = tpu.memref_slice %arg4[%mul3A_0, %dma_wait3A_34] : memref<16384x32xf32, #tpu.memory_space<hbm>> -> memref<1024x32xf32, #tpu.memory_space<hbm>>
        tpu.wait_dma2 semaphore(%run_scoped3A_29 : memref<!tpu.dma_semaphore, #tpu.memory_space<semaphore_mem>>) src(%arg10 : memref<1024x32xf32, #tpu.memory_space<vmem>>) dst(%dma_wait3A_35 : memref<1024x32xf32, #tpu.memory_space<hbm>>)
        tpu.yield
      }) : () -> ()
      "tpu.region"() ({
        %run_scoped3A_29 = tpu.sem_alloc : memref<!tpu.dma_semaphore, #tpu.memory_space<semaphore_mem>>
        %dma_start3A = tpu.memref_slice %arg5[%mul3A_0] : memref<16384xf32, #tpu.memory_space<hbm>> -> memref<1024xf32, #tpu.memory_space<hbm>>
        %dma_start3A_30 = tpu.memref_slice %arg5[%mul3A_0] : memref<16384xf32, #tpu.memory_space<hbm>> -> memref<1024xf32, #tpu.memory_space<hbm>>
        tpu.enqueue_dma source(%arg7 : memref<1024xf32, #tpu.memory_space<vmem>>) target(%dma_start3A_30 : memref<1024xf32, #tpu.memory_space<hbm>>) target_semaphore(%run_scoped3A_29 : memref<!tpu.dma_semaphore, #tpu.memory_space<semaphore_mem>>)
        %dma_wait3A = tpu.memref_slice %arg5[%mul3A_0] : memref<16384xf32, #tpu.memory_space<hbm>> -> memref<1024xf32, #tpu.memory_space<hbm>>
        %dma_wait3A_31 = tpu.memref_slice %arg5[%mul3A_0] : memref<16384xf32, #tpu.memory_space<hbm>> -> memref<1024xf32, #tpu.memory_space<hbm>>
        tpu.wait_dma2 semaphore(%run_scoped3A_29 : memref<!tpu.dma_semaphore, #tpu.memory_space<semaphore_mem>>) src(%arg7 : memref<1024xf32, #tpu.memory_space<vmem>>) dst(%dma_wait3A_31 : memref<1024xf32, #tpu.memory_space<hbm>>)
        tpu.yield
      }) : () -> ()
    } else {
    }
    return
  }
}

#map = affine_map<(d0, d1) -> (0, 0)>
module attributes {stable_mosaic.version = 14 : i64} {
  func.func @body(%arg0: i32, %arg1: i32, %arg2: memref<128x128xi32, #tpu.memory_space<hbm>>, %arg3: memref<128x128xi32, #tpu.memory_space<hbm>>, %arg4: memref<8x128xi32, #tpu.memory_space<vmem>>, %arg5: memref<8x128xi32, #tpu.memory_space<vmem>>, %arg6: memref<1024xi32, #tpu.memory_space<vmem>>, %arg7: memref<1000000xi32, #tpu.memory_space<vmem_shared>>) attributes {dimension_semantics = [#tpu.dimension_semantics<core_parallel>, #tpu.dimension_semantics<subcore_parallel>], iteration_bounds = array<i64: 2, 16>, scalar_prefetch = 0 : i64, scratch_operands = 4 : i64, tpu.core_type = #tpu.core_type<sc_vector_subcore>, window_params = [{transform_indices = #map}, {transform_indices = #map}]} {
    %mul3A = arith.constant 1024 : i32
    %mul3A_0 = arith.muli %arg1, %mul3A : i32
    %eq3A = arith.constant 0 : i32
    %eq3A_1 = arith.cmpi eq, %arg0, %eq3A : i32
    %convert_element_type3A = arith.extui %eq3A_1 : i1 to i32
    %cond3A = arith.constant 0 : i32
    %cond3A_2 = arith.cmpi ne, %convert_element_type3A, %cond3A : i32
    scf.if %cond3A_2 {
      %mul3A_8 = arith.constant 8 : i32
      %mul3A_9 = arith.muli %arg1, %mul3A_8 : i32
      "tpu.region"() ({
        %run_scoped3A_22 = tpu.sem_alloc : memref<!tpu.dma_semaphore, #tpu.memory_space<semaphore_mem>>
        %dma_start3A = arith.constant 0 : i32
        %dma_start3A_23 = tpu.memref_slice %arg2[%mul3A_9, %dma_start3A] : memref<128x128xi32, #tpu.memory_space<hbm>> -> memref<8x128xi32, #tpu.memory_space<hbm>>
        %dma_start3A_24 = arith.constant 0 : i32
        %dma_start3A_25 = tpu.memref_slice %arg2[%mul3A_9, %dma_start3A_24] : memref<128x128xi32, #tpu.memory_space<hbm>> -> memref<8x128xi32, #tpu.memory_space<hbm>>
        tpu.enqueue_dma source(%dma_start3A_25 : memref<8x128xi32, #tpu.memory_space<hbm>>) target(%arg4 : memref<8x128xi32, #tpu.memory_space<vmem>>) target_semaphore(%run_scoped3A_22 : memref<!tpu.dma_semaphore, #tpu.memory_space<semaphore_mem>>)
        %dma_wait3A = arith.constant 0 : i32
        %dma_wait3A_26 = tpu.memref_slice %arg2[%mul3A_9, %dma_wait3A] : memref<128x128xi32, #tpu.memory_space<hbm>> -> memref<8x128xi32, #tpu.memory_space<hbm>>
        %dma_wait3A_27 = arith.constant 0 : i32
        %dma_wait3A_28 = tpu.memref_slice %arg2[%mul3A_9, %dma_wait3A_27] : memref<128x128xi32, #tpu.memory_space<hbm>> -> memref<8x128xi32, #tpu.memory_space<hbm>>
        tpu.wait_dma2 semaphore(%run_scoped3A_22 : memref<!tpu.dma_semaphore, #tpu.memory_space<semaphore_mem>>) src(%dma_wait3A_28 : memref<8x128xi32, #tpu.memory_space<hbm>>) dst(%arg4 : memref<8x128xi32, #tpu.memory_space<vmem>>)
        tpu.yield
      }) : () -> ()
      %scan3A = arith.constant 0 : i32
      %scan3A_10 = arith.constant 0 : i32
      %scan3A_11 = arith.constant 64 : i32
      %scan3A_12 = arith.addi %scan3A_10, %scan3A_11 : i32
      %scan3A_13 = arith.constant 1 : i32
      scf.for %scan3A_22 = %scan3A_10 to %scan3A_12 step %scan3A_13  : i32 {
        %broadcast_in_dim3A = vector.broadcast %mul3A_0 : i32 to vector<16xi32>
        %mul3A_23 = arith.constant 16 : i32
        %mul3A_24 = arith.muli %scan3A_22, %mul3A_23 : i32
        %add3A = vector.broadcast %mul3A_24 : i32 to vector<16xi32>
        %add3A_25 = arith.addi %broadcast_in_dim3A, %add3A : vector<16xi32>
        %iota3A = tpu.iota {dimensions = array<i32: 0>} : vector<16xi32>
        %add3A_26 = arith.addi %add3A_25, %iota3A : vector<16xi32>
        %mul3A_27 = arith.constant 16 : i32
        %mul3A_28 = arith.muli %scan3A_22, %mul3A_27 : i32
        %swap3A = arith.index_cast %mul3A_28 : i32 to index
        %swap3A_29 = tpu.vector_load %arg6[%swap3A] {strides = array<i32>} : memref<1024xi32, #tpu.memory_space<vmem>>, vector<16xi32>,
        %swap3A_30 = vector.shape_cast %swap3A_29 : vector<16xi32> to vector<16xi32>
        %swap3A_31 = vector.shape_cast %add3A_26 : vector<16xi32> to vector<16xi32>
        tpu.vector_store %arg6[%swap3A], %swap3A_31 {strides = array<i32>} : memref<1024xi32, #tpu.memory_space<vmem>>, vector<16xi32>,
      }
      %scan3A_14 = arith.constant 64 : i32
      %run_scoped3A = arith.constant 0 : i32
      "tpu.region"() ({
        %run_scoped3A_22 = tpu.sem_alloc : memref<!tpu.dma_semaphore, #tpu.memory_space<semaphore_mem>>
        %dma_start3A = arith.constant 0 : i32
        %dma_start3A_23 = tpu.memref_slice %arg6[%dma_start3A] : memref<1024xi32, #tpu.memory_space<vmem>> -> memref<128xi32, #tpu.memory_space<vmem>>
        %dma_start3A_24 = arith.constant 0 : i32
        %dma_start3A_25 = tpu.memref_slice %arg4[%run_scoped3A, %dma_start3A_24] : memref<8x128xi32, #tpu.memory_space<vmem>> -> memref<1x128xi32, #tpu.memory_space<vmem>>
        %dma_start3A_26 = tpu.memref_squeeze %dma_start3A_25 : memref<1x128xi32, #tpu.memory_space<vmem>> -> memref<128xi32, #tpu.memory_space<vmem>>
        %dma_start3A_27 = arith.constant 0 : i32
        %dma_start3A_28 = tpu.memref_slice %arg7[%dma_start3A_27] : memref<1000000xi32, #tpu.memory_space<vmem_shared>> -> memref<1000000xi32, #tpu.memory_space<vmem_shared>>
        tpu.enqueue_indirect_dma source(%dma_start3A_23 : memref<128xi32, #tpu.memory_space<vmem>>) target(%dma_start3A_28 : memref<1000000xi32, #tpu.memory_space<vmem_shared>>) offsets(%dma_start3A_26 : memref<128xi32, #tpu.memory_space<vmem>>) semaphore(%run_scoped3A_22 : memref<!tpu.dma_semaphore, #tpu.memory_space<semaphore_mem>>)
        %dma_wait3A = arith.constant 0 : i32
        %dma_wait3A_29 = tpu.memref_slice %arg6[%dma_wait3A] : memref<1024xi32, #tpu.memory_space<vmem>> -> memref<128xi32, #tpu.memory_space<vmem>>
        %dma_wait3A_30 = arith.constant 0 : i32
        %dma_wait3A_31 = tpu.memref_slice %arg4[%run_scoped3A, %dma_wait3A_30] : memref<8x128xi32, #tpu.memory_space<vmem>> -> memref<1x128xi32, #tpu.memory_space<vmem>>
        %dma_wait3A_32 = tpu.memref_squeeze %dma_wait3A_31 : memref<1x128xi32, #tpu.memory_space<vmem>> -> memref<128xi32, #tpu.memory_space<vmem>>
        %dma_wait3A_33 = arith.constant 0 : i32
        %dma_wait3A_34 = tpu.memref_slice %arg7[%dma_wait3A_33] : memref<1000000xi32, #tpu.memory_space<vmem_shared>> -> memref<1000000xi32, #tpu.memory_space<vmem_shared>>
        tpu.wait_indirect_dma semaphore(%run_scoped3A_22 : memref<!tpu.dma_semaphore, #tpu.memory_space<semaphore_mem>>) src(%dma_wait3A_29 : memref<128xi32, #tpu.memory_space<vmem>>) dst(%dma_wait3A_34 : memref<1000000xi32, #tpu.memory_space<vmem_shared>>)
        tpu.yield
      }) : () -> ()
      %run_scoped3A_15 = arith.constant 1 : i32
      "tpu.region"() ({
        %run_scoped3A_22 = tpu.sem_alloc : memref<!tpu.dma_semaphore, #tpu.memory_space<semaphore_mem>>
        %dma_start3A = arith.constant 128 : i32
        %dma_start3A_23 = tpu.memref_slice %arg6[%dma_start3A] : memref<1024xi32, #tpu.memory_space<vmem>> -> memref<128xi32, #tpu.memory_space<vmem>>
        %dma_start3A_24 = arith.constant 0 : i32
        %dma_start3A_25 = tpu.memref_slice %arg4[%run_scoped3A_15, %dma_start3A_24] : memref<8x128xi32, #tpu.memory_space<vmem>> -> memref<1x128xi32, #tpu.memory_space<vmem>>
        %dma_start3A_26 = tpu.memref_squeeze %dma_start3A_25 : memref<1x128xi32, #tpu.memory_space<vmem>> -> memref<128xi32, #tpu.memory_space<vmem>>
        %dma_start3A_27 = arith.constant 0 : i32
        %dma_start3A_28 = tpu.memref_slice %arg7[%dma_start3A_27] : memref<1000000xi32, #tpu.memory_space<vmem_shared>> -> memref<1000000xi32, #tpu.memory_space<vmem_shared>>
        tpu.enqueue_indirect_dma source(%dma_start3A_23 : memref<128xi32, #tpu.memory_space<vmem>>) target(%dma_start3A_28 : memref<1000000xi32, #tpu.memory_space<vmem_shared>>) offsets(%dma_start3A_26 : memref<128xi32, #tpu.memory_space<vmem>>) semaphore(%run_scoped3A_22 : memref<!tpu.dma_semaphore, #tpu.memory_space<semaphore_mem>>)
        %dma_wait3A = arith.constant 128 : i32
        %dma_wait3A_29 = tpu.memref_slice %arg6[%dma_wait3A] : memref<1024xi32, #tpu.memory_space<vmem>> -> memref<128xi32, #tpu.memory_space<vmem>>
        %dma_wait3A_30 = arith.constant 0 : i32
        %dma_wait3A_31 = tpu.memref_slice %arg4[%run_scoped3A_15, %dma_wait3A_30] : memref<8x128xi32, #tpu.memory_space<vmem>> -> memref<1x128xi32, #tpu.memory_space<vmem>>
        %dma_wait3A_32 = tpu.memref_squeeze %dma_wait3A_31 : memref<1x128xi32, #tpu.memory_space<vmem>> -> memref<128xi32, #tpu.memory_space<vmem>>
        %dma_wait3A_33 = arith.constant 0 : i32
        %dma_wait3A_34 = tpu.memref_slice %arg7[%dma_wait3A_33] : memref<1000000xi32, #tpu.memory_space<vmem_shared>> -> memref<1000000xi32, #tpu.memory_space<vmem_shared>>
        tpu.wait_indirect_dma semaphore(%run_scoped3A_22 : memref<!tpu.dma_semaphore, #tpu.memory_space<semaphore_mem>>) src(%dma_wait3A_29 : memref<128xi32, #tpu.memory_space<vmem>>) dst(%dma_wait3A_34 : memref<1000000xi32, #tpu.memory_space<vmem_shared>>)
        tpu.yield
      }) : () -> ()
      %run_scoped3A_16 = arith.constant 2 : i32
      "tpu.region"() ({
        %run_scoped3A_22 = tpu.sem_alloc : memref<!tpu.dma_semaphore, #tpu.memory_space<semaphore_mem>>
        %dma_start3A = arith.constant 256 : i32
        %dma_start3A_23 = tpu.memref_slice %arg6[%dma_start3A] : memref<1024xi32, #tpu.memory_space<vmem>> -> memref<128xi32, #tpu.memory_space<vmem>>
        %dma_start3A_24 = arith.constant 0 : i32
        %dma_start3A_25 = tpu.memref_slice %arg4[%run_scoped3A_16, %dma_start3A_24] : memref<8x128xi32, #tpu.memory_space<vmem>> -> memref<1x128xi32, #tpu.memory_space<vmem>>
        %dma_start3A_26 = tpu.memref_squeeze %dma_start3A_25 : memref<1x128xi32, #tpu.memory_space<vmem>> -> memref<128xi32, #tpu.memory_space<vmem>>
        %dma_start3A_27 = arith.constant 0 : i32
        %dma_start3A_28 = tpu.memref_slice %arg7[%dma_start3A_27] : memref<1000000xi32, #tpu.memory_space<vmem_shared>> -> memref<1000000xi32, #tpu.memory_space<vmem_shared>>
        tpu.enqueue_indirect_dma source(%dma_start3A_23 : memref<128xi32, #tpu.memory_space<vmem>>) target(%dma_start3A_28 : memref<1000000xi32, #tpu.memory_space<vmem_shared>>) offsets(%dma_start3A_26 : memref<128xi32, #tpu.memory_space<vmem>>) semaphore(%run_scoped3A_22 : memref<!tpu.dma_semaphore, #tpu.memory_space<semaphore_mem>>)
        %dma_wait3A = arith.constant 256 : i32
        %dma_wait3A_29 = tpu.memref_slice %arg6[%dma_wait3A] : memref<1024xi32, #tpu.memory_space<vmem>> -> memref<128xi32, #tpu.memory_space<vmem>>
        %dma_wait3A_30 = arith.constant 0 : i32
        %dma_wait3A_31 = tpu.memref_slice %arg4[%run_scoped3A_16, %dma_wait3A_30] : memref<8x128xi32, #tpu.memory_space<vmem>> -> memref<1x128xi32, #tpu.memory_space<vmem>>
        %dma_wait3A_32 = tpu.memref_squeeze %dma_wait3A_31 : memref<1x128xi32, #tpu.memory_space<vmem>> -> memref<128xi32, #tpu.memory_space<vmem>>
        %dma_wait3A_33 = arith.constant 0 : i32
        %dma_wait3A_34 = tpu.memref_slice %arg7[%dma_wait3A_33] : memref<1000000xi32, #tpu.memory_space<vmem_shared>> -> memref<1000000xi32, #tpu.memory_space<vmem_shared>>
        tpu.wait_indirect_dma semaphore(%run_scoped3A_22 : memref<!tpu.dma_semaphore, #tpu.memory_space<semaphore_mem>>) src(%dma_wait3A_29 : memref<128xi32, #tpu.memory_space<vmem>>) dst(%dma_wait3A_34 : memref<1000000xi32, #tpu.memory_space<vmem_shared>>)
        tpu.yield
      }) : () -> ()
      %run_scoped3A_17 = arith.constant 3 : i32
      "tpu.region"() ({
        %run_scoped3A_22 = tpu.sem_alloc : memref<!tpu.dma_semaphore, #tpu.memory_space<semaphore_mem>>
        %dma_start3A = arith.constant 384 : i32
        %dma_start3A_23 = tpu.memref_slice %arg6[%dma_start3A] : memref<1024xi32, #tpu.memory_space<vmem>> -> memref<128xi32, #tpu.memory_space<vmem>>
        %dma_start3A_24 = arith.constant 0 : i32
        %dma_start3A_25 = tpu.memref_slice %arg4[%run_scoped3A_17, %dma_start3A_24] : memref<8x128xi32, #tpu.memory_space<vmem>> -> memref<1x128xi32, #tpu.memory_space<vmem>>
        %dma_start3A_26 = tpu.memref_squeeze %dma_start3A_25 : memref<1x128xi32, #tpu.memory_space<vmem>> -> memref<128xi32, #tpu.memory_space<vmem>>
        %dma_start3A_27 = arith.constant 0 : i32
        %dma_start3A_28 = tpu.memref_slice %arg7[%dma_start3A_27] : memref<1000000xi32, #tpu.memory_space<vmem_shared>> -> memref<1000000xi32, #tpu.memory_space<vmem_shared>>
        tpu.enqueue_indirect_dma source(%dma_start3A_23 : memref<128xi32, #tpu.memory_space<vmem>>) target(%dma_start3A_28 : memref<1000000xi32, #tpu.memory_space<vmem_shared>>) offsets(%dma_start3A_26 : memref<128xi32, #tpu.memory_space<vmem>>) semaphore(%run_scoped3A_22 : memref<!tpu.dma_semaphore, #tpu.memory_space<semaphore_mem>>)
        %dma_wait3A = arith.constant 384 : i32
        %dma_wait3A_29 = tpu.memref_slice %arg6[%dma_wait3A] : memref<1024xi32, #tpu.memory_space<vmem>> -> memref<128xi32, #tpu.memory_space<vmem>>
        %dma_wait3A_30 = arith.constant 0 : i32
        %dma_wait3A_31 = tpu.memref_slice %arg4[%run_scoped3A_17, %dma_wait3A_30] : memref<8x128xi32, #tpu.memory_space<vmem>> -> memref<1x128xi32, #tpu.memory_space<vmem>>
        %dma_wait3A_32 = tpu.memref_squeeze %dma_wait3A_31 : memref<1x128xi32, #tpu.memory_space<vmem>> -> memref<128xi32, #tpu.memory_space<vmem>>
        %dma_wait3A_33 = arith.constant 0 : i32
        %dma_wait3A_34 = tpu.memref_slice %arg7[%dma_wait3A_33] : memref<1000000xi32, #tpu.memory_space<vmem_shared>> -> memref<1000000xi32, #tpu.memory_space<vmem_shared>>
        tpu.wait_indirect_dma semaphore(%run_scoped3A_22 : memref<!tpu.dma_semaphore, #tpu.memory_space<semaphore_mem>>) src(%dma_wait3A_29 : memref<128xi32, #tpu.memory_space<vmem>>) dst(%dma_wait3A_34 : memref<1000000xi32, #tpu.memory_space<vmem_shared>>)
        tpu.yield
      }) : () -> ()
      %run_scoped3A_18 = arith.constant 4 : i32
      "tpu.region"() ({
        %run_scoped3A_22 = tpu.sem_alloc : memref<!tpu.dma_semaphore, #tpu.memory_space<semaphore_mem>>
        %dma_start3A = arith.constant 512 : i32
        %dma_start3A_23 = tpu.memref_slice %arg6[%dma_start3A] : memref<1024xi32, #tpu.memory_space<vmem>> -> memref<128xi32, #tpu.memory_space<vmem>>
        %dma_start3A_24 = arith.constant 0 : i32
        %dma_start3A_25 = tpu.memref_slice %arg4[%run_scoped3A_18, %dma_start3A_24] : memref<8x128xi32, #tpu.memory_space<vmem>> -> memref<1x128xi32, #tpu.memory_space<vmem>>
        %dma_start3A_26 = tpu.memref_squeeze %dma_start3A_25 : memref<1x128xi32, #tpu.memory_space<vmem>> -> memref<128xi32, #tpu.memory_space<vmem>>
        %dma_start3A_27 = arith.constant 0 : i32
        %dma_start3A_28 = tpu.memref_slice %arg7[%dma_start3A_27] : memref<1000000xi32, #tpu.memory_space<vmem_shared>> -> memref<1000000xi32, #tpu.memory_space<vmem_shared>>
        tpu.enqueue_indirect_dma source(%dma_start3A_23 : memref<128xi32, #tpu.memory_space<vmem>>) target(%dma_start3A_28 : memref<1000000xi32, #tpu.memory_space<vmem_shared>>) offsets(%dma_start3A_26 : memref<128xi32, #tpu.memory_space<vmem>>) semaphore(%run_scoped3A_22 : memref<!tpu.dma_semaphore, #tpu.memory_space<semaphore_mem>>)
        %dma_wait3A = arith.constant 512 : i32
        %dma_wait3A_29 = tpu.memref_slice %arg6[%dma_wait3A] : memref<1024xi32, #tpu.memory_space<vmem>> -> memref<128xi32, #tpu.memory_space<vmem>>
        %dma_wait3A_30 = arith.constant 0 : i32
        %dma_wait3A_31 = tpu.memref_slice %arg4[%run_scoped3A_18, %dma_wait3A_30] : memref<8x128xi32, #tpu.memory_space<vmem>> -> memref<1x128xi32, #tpu.memory_space<vmem>>
        %dma_wait3A_32 = tpu.memref_squeeze %dma_wait3A_31 : memref<1x128xi32, #tpu.memory_space<vmem>> -> memref<128xi32, #tpu.memory_space<vmem>>
        %dma_wait3A_33 = arith.constant 0 : i32
        %dma_wait3A_34 = tpu.memref_slice %arg7[%dma_wait3A_33] : memref<1000000xi32, #tpu.memory_space<vmem_shared>> -> memref<1000000xi32, #tpu.memory_space<vmem_shared>>
        tpu.wait_indirect_dma semaphore(%run_scoped3A_22 : memref<!tpu.dma_semaphore, #tpu.memory_space<semaphore_mem>>) src(%dma_wait3A_29 : memref<128xi32, #tpu.memory_space<vmem>>) dst(%dma_wait3A_34 : memref<1000000xi32, #tpu.memory_space<vmem_shared>>)
        tpu.yield
      }) : () -> ()
      %run_scoped3A_19 = arith.constant 5 : i32
      "tpu.region"() ({
        %run_scoped3A_22 = tpu.sem_alloc : memref<!tpu.dma_semaphore, #tpu.memory_space<semaphore_mem>>
        %dma_start3A = arith.constant 640 : i32
        %dma_start3A_23 = tpu.memref_slice %arg6[%dma_start3A] : memref<1024xi32, #tpu.memory_space<vmem>> -> memref<128xi32, #tpu.memory_space<vmem>>
        %dma_start3A_24 = arith.constant 0 : i32
        %dma_start3A_25 = tpu.memref_slice %arg4[%run_scoped3A_19, %dma_start3A_24] : memref<8x128xi32, #tpu.memory_space<vmem>> -> memref<1x128xi32, #tpu.memory_space<vmem>>
        %dma_start3A_26 = tpu.memref_squeeze %dma_start3A_25 : memref<1x128xi32, #tpu.memory_space<vmem>> -> memref<128xi32, #tpu.memory_space<vmem>>
        %dma_start3A_27 = arith.constant 0 : i32
        %dma_start3A_28 = tpu.memref_slice %arg7[%dma_start3A_27] : memref<1000000xi32, #tpu.memory_space<vmem_shared>> -> memref<1000000xi32, #tpu.memory_space<vmem_shared>>
        tpu.enqueue_indirect_dma source(%dma_start3A_23 : memref<128xi32, #tpu.memory_space<vmem>>) target(%dma_start3A_28 : memref<1000000xi32, #tpu.memory_space<vmem_shared>>) offsets(%dma_start3A_26 : memref<128xi32, #tpu.memory_space<vmem>>) semaphore(%run_scoped3A_22 : memref<!tpu.dma_semaphore, #tpu.memory_space<semaphore_mem>>)
        %dma_wait3A = arith.constant 640 : i32
        %dma_wait3A_29 = tpu.memref_slice %arg6[%dma_wait3A] : memref<1024xi32, #tpu.memory_space<vmem>> -> memref<128xi32, #tpu.memory_space<vmem>>
        %dma_wait3A_30 = arith.constant 0 : i32
        %dma_wait3A_31 = tpu.memref_slice %arg4[%run_scoped3A_19, %dma_wait3A_30] : memref<8x128xi32, #tpu.memory_space<vmem>> -> memref<1x128xi32, #tpu.memory_space<vmem>>
        %dma_wait3A_32 = tpu.memref_squeeze %dma_wait3A_31 : memref<1x128xi32, #tpu.memory_space<vmem>> -> memref<128xi32, #tpu.memory_space<vmem>>
        %dma_wait3A_33 = arith.constant 0 : i32
        %dma_wait3A_34 = tpu.memref_slice %arg7[%dma_wait3A_33] : memref<1000000xi32, #tpu.memory_space<vmem_shared>> -> memref<1000000xi32, #tpu.memory_space<vmem_shared>>
        tpu.wait_indirect_dma semaphore(%run_scoped3A_22 : memref<!tpu.dma_semaphore, #tpu.memory_space<semaphore_mem>>) src(%dma_wait3A_29 : memref<128xi32, #tpu.memory_space<vmem>>) dst(%dma_wait3A_34 : memref<1000000xi32, #tpu.memory_space<vmem_shared>>)
        tpu.yield
      }) : () -> ()
      %run_scoped3A_20 = arith.constant 6 : i32
      "tpu.region"() ({
        %run_scoped3A_22 = tpu.sem_alloc : memref<!tpu.dma_semaphore, #tpu.memory_space<semaphore_mem>>
        %dma_start3A = arith.constant 768 : i32
        %dma_start3A_23 = tpu.memref_slice %arg6[%dma_start3A] : memref<1024xi32, #tpu.memory_space<vmem>> -> memref<128xi32, #tpu.memory_space<vmem>>
        %dma_start3A_24 = arith.constant 0 : i32
        %dma_start3A_25 = tpu.memref_slice %arg4[%run_scoped3A_20, %dma_start3A_24] : memref<8x128xi32, #tpu.memory_space<vmem>> -> memref<1x128xi32, #tpu.memory_space<vmem>>
        %dma_start3A_26 = tpu.memref_squeeze %dma_start3A_25 : memref<1x128xi32, #tpu.memory_space<vmem>> -> memref<128xi32, #tpu.memory_space<vmem>>
        %dma_start3A_27 = arith.constant 0 : i32
        %dma_start3A_28 = tpu.memref_slice %arg7[%dma_start3A_27] : memref<1000000xi32, #tpu.memory_space<vmem_shared>> -> memref<1000000xi32, #tpu.memory_space<vmem_shared>>
        tpu.enqueue_indirect_dma source(%dma_start3A_23 : memref<128xi32, #tpu.memory_space<vmem>>) target(%dma_start3A_28 : memref<1000000xi32, #tpu.memory_space<vmem_shared>>) offsets(%dma_start3A_26 : memref<128xi32, #tpu.memory_space<vmem>>) semaphore(%run_scoped3A_22 : memref<!tpu.dma_semaphore, #tpu.memory_space<semaphore_mem>>)
        %dma_wait3A = arith.constant 768 : i32
        %dma_wait3A_29 = tpu.memref_slice %arg6[%dma_wait3A] : memref<1024xi32, #tpu.memory_space<vmem>> -> memref<128xi32, #tpu.memory_space<vmem>>
        %dma_wait3A_30 = arith.constant 0 : i32
        %dma_wait3A_31 = tpu.memref_slice %arg4[%run_scoped3A_20, %dma_wait3A_30] : memref<8x128xi32, #tpu.memory_space<vmem>> -> memref<1x128xi32, #tpu.memory_space<vmem>>
        %dma_wait3A_32 = tpu.memref_squeeze %dma_wait3A_31 : memref<1x128xi32, #tpu.memory_space<vmem>> -> memref<128xi32, #tpu.memory_space<vmem>>
        %dma_wait3A_33 = arith.constant 0 : i32
        %dma_wait3A_34 = tpu.memref_slice %arg7[%dma_wait3A_33] : memref<1000000xi32, #tpu.memory_space<vmem_shared>> -> memref<1000000xi32, #tpu.memory_space<vmem_shared>>
        tpu.wait_indirect_dma semaphore(%run_scoped3A_22 : memref<!tpu.dma_semaphore, #tpu.memory_space<semaphore_mem>>) src(%dma_wait3A_29 : memref<128xi32, #tpu.memory_space<vmem>>) dst(%dma_wait3A_34 : memref<1000000xi32, #tpu.memory_space<vmem_shared>>)
        tpu.yield
      }) : () -> ()
      %run_scoped3A_21 = arith.constant 7 : i32
      "tpu.region"() ({
        %run_scoped3A_22 = tpu.sem_alloc : memref<!tpu.dma_semaphore, #tpu.memory_space<semaphore_mem>>
        %dma_start3A = arith.constant 896 : i32
        %dma_start3A_23 = tpu.memref_slice %arg6[%dma_start3A] : memref<1024xi32, #tpu.memory_space<vmem>> -> memref<128xi32, #tpu.memory_space<vmem>>
        %dma_start3A_24 = arith.constant 0 : i32
        %dma_start3A_25 = tpu.memref_slice %arg4[%run_scoped3A_21, %dma_start3A_24] : memref<8x128xi32, #tpu.memory_space<vmem>> -> memref<1x128xi32, #tpu.memory_space<vmem>>
        %dma_start3A_26 = tpu.memref_squeeze %dma_start3A_25 : memref<1x128xi32, #tpu.memory_space<vmem>> -> memref<128xi32, #tpu.memory_space<vmem>>
        %dma_start3A_27 = arith.constant 0 : i32
        %dma_start3A_28 = tpu.memref_slice %arg7[%dma_start3A_27] : memref<1000000xi32, #tpu.memory_space<vmem_shared>> -> memref<1000000xi32, #tpu.memory_space<vmem_shared>>
        tpu.enqueue_indirect_dma source(%dma_start3A_23 : memref<128xi32, #tpu.memory_space<vmem>>) target(%dma_start3A_28 : memref<1000000xi32, #tpu.memory_space<vmem_shared>>) offsets(%dma_start3A_26 : memref<128xi32, #tpu.memory_space<vmem>>) semaphore(%run_scoped3A_22 : memref<!tpu.dma_semaphore, #tpu.memory_space<semaphore_mem>>)
        %dma_wait3A = arith.constant 896 : i32
        %dma_wait3A_29 = tpu.memref_slice %arg6[%dma_wait3A] : memref<1024xi32, #tpu.memory_space<vmem>> -> memref<128xi32, #tpu.memory_space<vmem>>
        %dma_wait3A_30 = arith.constant 0 : i32
        %dma_wait3A_31 = tpu.memref_slice %arg4[%run_scoped3A_21, %dma_wait3A_30] : memref<8x128xi32, #tpu.memory_space<vmem>> -> memref<1x128xi32, #tpu.memory_space<vmem>>
        %dma_wait3A_32 = tpu.memref_squeeze %dma_wait3A_31 : memref<1x128xi32, #tpu.memory_space<vmem>> -> memref<128xi32, #tpu.memory_space<vmem>>
        %dma_wait3A_33 = arith.constant 0 : i32
        %dma_wait3A_34 = tpu.memref_slice %arg7[%dma_wait3A_33] : memref<1000000xi32, #tpu.memory_space<vmem_shared>> -> memref<1000000xi32, #tpu.memory_space<vmem_shared>>
        tpu.wait_indirect_dma semaphore(%run_scoped3A_22 : memref<!tpu.dma_semaphore, #tpu.memory_space<semaphore_mem>>) src(%dma_wait3A_29 : memref<128xi32, #tpu.memory_space<vmem>>) dst(%dma_wait3A_34 : memref<1000000xi32, #tpu.memory_space<vmem_shared>>)
        tpu.yield
      }) : () -> ()
    } else {
    }
    %barrier3A = arith.constant 0 : index
    tpu.barrier barrier_id(%barrier3A)
    %eq3A_3 = arith.constant 0 : i32
    %eq3A_4 = arith.cmpi eq, %arg0, %eq3A_3 : i32
    %convert_element_type3A_5 = arith.extui %eq3A_4 : i1 to i32
    %cond3A_6 = arith.constant 0 : i32
    %cond3A_7 = arith.cmpi ne, %convert_element_type3A_5, %cond3A_6 : i32
    scf.if %cond3A_7 {
      %run_scoped3A = arith.constant 0 : i32
      %run_scoped3A_8 = arith.constant 0 : i32
      "tpu.region"() ({
        %run_scoped3A_25 = tpu.sem_alloc : memref<!tpu.dma_semaphore, #tpu.memory_space<semaphore_mem>>
        %dma_start3A = arith.constant 0 : i32
        %dma_start3A_26 = tpu.memref_slice %arg5[%run_scoped3A_8, %dma_start3A] : memref<8x128xi32, #tpu.memory_space<vmem>> -> memref<1x128xi32, #tpu.memory_space<vmem>>
        %dma_start3A_27 = tpu.memref_squeeze %dma_start3A_26 : memref<1x128xi32, #tpu.memory_space<vmem>> -> memref<128xi32, #tpu.memory_space<vmem>>
        %dma_start3A_28 = arith.constant 0 : i32
        %dma_start3A_29 = tpu.memref_slice %arg4[%run_scoped3A, %dma_start3A_28] : memref<8x128xi32, #tpu.memory_space<vmem>> -> memref<1x128xi32, #tpu.memory_space<vmem>>
        %dma_start3A_30 = tpu.memref_squeeze %dma_start3A_29 : memref<1x128xi32, #tpu.memory_space<vmem>> -> memref<128xi32, #tpu.memory_space<vmem>>
        %dma_start3A_31 = arith.constant 0 : i32
        %dma_start3A_32 = tpu.memref_slice %arg7[%dma_start3A_31] : memref<1000000xi32, #tpu.memory_space<vmem_shared>> -> memref<1000000xi32, #tpu.memory_space<vmem_shared>>
        tpu.enqueue_indirect_dma source(%dma_start3A_32 : memref<1000000xi32, #tpu.memory_space<vmem_shared>>) target(%dma_start3A_27 : memref<128xi32, #tpu.memory_space<vmem>>) offsets(%dma_start3A_30 : memref<128xi32, #tpu.memory_space<vmem>>) semaphore(%run_scoped3A_25 : memref<!tpu.dma_semaphore, #tpu.memory_space<semaphore_mem>>)
        %dma_wait3A = arith.constant 0 : i32
        %dma_wait3A_33 = tpu.memref_slice %arg5[%run_scoped3A_8, %dma_wait3A] : memref<8x128xi32, #tpu.memory_space<vmem>> -> memref<1x128xi32, #tpu.memory_space<vmem>>
        %dma_wait3A_34 = tpu.memref_squeeze %dma_wait3A_33 : memref<1x128xi32, #tpu.memory_space<vmem>> -> memref<128xi32, #tpu.memory_space<vmem>>
        %dma_wait3A_35 = arith.constant 0 : i32
        %dma_wait3A_36 = tpu.memref_slice %arg4[%run_scoped3A, %dma_wait3A_35] : memref<8x128xi32, #tpu.memory_space<vmem>> -> memref<1x128xi32, #tpu.memory_space<vmem>>
        %dma_wait3A_37 = tpu.memref_squeeze %dma_wait3A_36 : memref<1x128xi32, #tpu.memory_space<vmem>> -> memref<128xi32, #tpu.memory_space<vmem>>
        %dma_wait3A_38 = arith.constant 0 : i32
        %dma_wait3A_39 = tpu.memref_slice %arg7[%dma_wait3A_38] : memref<1000000xi32, #tpu.memory_space<vmem_shared>> -> memref<1000000xi32, #tpu.memory_space<vmem_shared>>
        tpu.wait_indirect_dma semaphore(%run_scoped3A_25 : memref<!tpu.dma_semaphore, #tpu.memory_space<semaphore_mem>>) src(%dma_wait3A_39 : memref<1000000xi32, #tpu.memory_space<vmem_shared>>) dst(%dma_wait3A_34 : memref<128xi32, #tpu.memory_space<vmem>>)
        tpu.yield
      }) : () -> ()
      %run_scoped3A_9 = arith.constant 1 : i32
      %run_scoped3A_10 = arith.constant 1 : i32
      "tpu.region"() ({
        %run_scoped3A_25 = tpu.sem_alloc : memref<!tpu.dma_semaphore, #tpu.memory_space<semaphore_mem>>
        %dma_start3A = arith.constant 0 : i32
        %dma_start3A_26 = tpu.memref_slice %arg5[%run_scoped3A_10, %dma_start3A] : memref<8x128xi32, #tpu.memory_space<vmem>> -> memref<1x128xi32, #tpu.memory_space<vmem>>
        %dma_start3A_27 = tpu.memref_squeeze %dma_start3A_26 : memref<1x128xi32, #tpu.memory_space<vmem>> -> memref<128xi32, #tpu.memory_space<vmem>>
        %dma_start3A_28 = arith.constant 0 : i32
        %dma_start3A_29 = tpu.memref_slice %arg4[%run_scoped3A_9, %dma_start3A_28] : memref<8x128xi32, #tpu.memory_space<vmem>> -> memref<1x128xi32, #tpu.memory_space<vmem>>
        %dma_start3A_30 = tpu.memref_squeeze %dma_start3A_29 : memref<1x128xi32, #tpu.memory_space<vmem>> -> memref<128xi32, #tpu.memory_space<vmem>>
        %dma_start3A_31 = arith.constant 0 : i32
        %dma_start3A_32 = tpu.memref_slice %arg7[%dma_start3A_31] : memref<1000000xi32, #tpu.memory_space<vmem_shared>> -> memref<1000000xi32, #tpu.memory_space<vmem_shared>>
        tpu.enqueue_indirect_dma source(%dma_start3A_32 : memref<1000000xi32, #tpu.memory_space<vmem_shared>>) target(%dma_start3A_27 : memref<128xi32, #tpu.memory_space<vmem>>) offsets(%dma_start3A_30 : memref<128xi32, #tpu.memory_space<vmem>>) semaphore(%run_scoped3A_25 : memref<!tpu.dma_semaphore, #tpu.memory_space<semaphore_mem>>)
        %dma_wait3A = arith.constant 0 : i32
        %dma_wait3A_33 = tpu.memref_slice %arg5[%run_scoped3A_10, %dma_wait3A] : memref<8x128xi32, #tpu.memory_space<vmem>> -> memref<1x128xi32, #tpu.memory_space<vmem>>
        %dma_wait3A_34 = tpu.memref_squeeze %dma_wait3A_33 : memref<1x128xi32, #tpu.memory_space<vmem>> -> memref<128xi32, #tpu.memory_space<vmem>>
        %dma_wait3A_35 = arith.constant 0 : i32
        %dma_wait3A_36 = tpu.memref_slice %arg4[%run_scoped3A_9, %dma_wait3A_35] : memref<8x128xi32, #tpu.memory_space<vmem>> -> memref<1x128xi32, #tpu.memory_space<vmem>>
        %dma_wait3A_37 = tpu.memref_squeeze %dma_wait3A_36 : memref<1x128xi32, #tpu.memory_space<vmem>> -> memref<128xi32, #tpu.memory_space<vmem>>
        %dma_wait3A_38 = arith.constant 0 : i32
        %dma_wait3A_39 = tpu.memref_slice %arg7[%dma_wait3A_38] : memref<1000000xi32, #tpu.memory_space<vmem_shared>> -> memref<1000000xi32, #tpu.memory_space<vmem_shared>>
        tpu.wait_indirect_dma semaphore(%run_scoped3A_25 : memref<!tpu.dma_semaphore, #tpu.memory_space<semaphore_mem>>) src(%dma_wait3A_39 : memref<1000000xi32, #tpu.memory_space<vmem_shared>>) dst(%dma_wait3A_34 : memref<128xi32, #tpu.memory_space<vmem>>)
        tpu.yield
      }) : () -> ()
      %run_scoped3A_11 = arith.constant 2 : i32
      %run_scoped3A_12 = arith.constant 2 : i32
      "tpu.region"() ({
        %run_scoped3A_25 = tpu.sem_alloc : memref<!tpu.dma_semaphore, #tpu.memory_space<semaphore_mem>>
        %dma_start3A = arith.constant 0 : i32
        %dma_start3A_26 = tpu.memref_slice %arg5[%run_scoped3A_12, %dma_start3A] : memref<8x128xi32, #tpu.memory_space<vmem>> -> memref<1x128xi32, #tpu.memory_space<vmem>>
        %dma_start3A_27 = tpu.memref_squeeze %dma_start3A_26 : memref<1x128xi32, #tpu.memory_space<vmem>> -> memref<128xi32, #tpu.memory_space<vmem>>
        %dma_start3A_28 = arith.constant 0 : i32
        %dma_start3A_29 = tpu.memref_slice %arg4[%run_scoped3A_11, %dma_start3A_28] : memref<8x128xi32, #tpu.memory_space<vmem>> -> memref<1x128xi32, #tpu.memory_space<vmem>>
        %dma_start3A_30 = tpu.memref_squeeze %dma_start3A_29 : memref<1x128xi32, #tpu.memory_space<vmem>> -> memref<128xi32, #tpu.memory_space<vmem>>
        %dma_start3A_31 = arith.constant 0 : i32
        %dma_start3A_32 = tpu.memref_slice %arg7[%dma_start3A_31] : memref<1000000xi32, #tpu.memory_space<vmem_shared>> -> memref<1000000xi32, #tpu.memory_space<vmem_shared>>
        tpu.enqueue_indirect_dma source(%dma_start3A_32 : memref<1000000xi32, #tpu.memory_space<vmem_shared>>) target(%dma_start3A_27 : memref<128xi32, #tpu.memory_space<vmem>>) offsets(%dma_start3A_30 : memref<128xi32, #tpu.memory_space<vmem>>) semaphore(%run_scoped3A_25 : memref<!tpu.dma_semaphore, #tpu.memory_space<semaphore_mem>>)
        %dma_wait3A = arith.constant 0 : i32
        %dma_wait3A_33 = tpu.memref_slice %arg5[%run_scoped3A_12, %dma_wait3A] : memref<8x128xi32, #tpu.memory_space<vmem>> -> memref<1x128xi32, #tpu.memory_space<vmem>>
        %dma_wait3A_34 = tpu.memref_squeeze %dma_wait3A_33 : memref<1x128xi32, #tpu.memory_space<vmem>> -> memref<128xi32, #tpu.memory_space<vmem>>
        %dma_wait3A_35 = arith.constant 0 : i32
        %dma_wait3A_36 = tpu.memref_slice %arg4[%run_scoped3A_11, %dma_wait3A_35] : memref<8x128xi32, #tpu.memory_space<vmem>> -> memref<1x128xi32, #tpu.memory_space<vmem>>
        %dma_wait3A_37 = tpu.memref_squeeze %dma_wait3A_36 : memref<1x128xi32, #tpu.memory_space<vmem>> -> memref<128xi32, #tpu.memory_space<vmem>>
        %dma_wait3A_38 = arith.constant 0 : i32
        %dma_wait3A_39 = tpu.memref_slice %arg7[%dma_wait3A_38] : memref<1000000xi32, #tpu.memory_space<vmem_shared>> -> memref<1000000xi32, #tpu.memory_space<vmem_shared>>
        tpu.wait_indirect_dma semaphore(%run_scoped3A_25 : memref<!tpu.dma_semaphore, #tpu.memory_space<semaphore_mem>>) src(%dma_wait3A_39 : memref<1000000xi32, #tpu.memory_space<vmem_shared>>) dst(%dma_wait3A_34 : memref<128xi32, #tpu.memory_space<vmem>>)
        tpu.yield
      }) : () -> ()
      %run_scoped3A_13 = arith.constant 3 : i32
      %run_scoped3A_14 = arith.constant 3 : i32
      "tpu.region"() ({
        %run_scoped3A_25 = tpu.sem_alloc : memref<!tpu.dma_semaphore, #tpu.memory_space<semaphore_mem>>
        %dma_start3A = arith.constant 0 : i32
        %dma_start3A_26 = tpu.memref_slice %arg5[%run_scoped3A_14, %dma_start3A] : memref<8x128xi32, #tpu.memory_space<vmem>> -> memref<1x128xi32, #tpu.memory_space<vmem>>
        %dma_start3A_27 = tpu.memref_squeeze %dma_start3A_26 : memref<1x128xi32, #tpu.memory_space<vmem>> -> memref<128xi32, #tpu.memory_space<vmem>>
        %dma_start3A_28 = arith.constant 0 : i32
        %dma_start3A_29 = tpu.memref_slice %arg4[%run_scoped3A_13, %dma_start3A_28] : memref<8x128xi32, #tpu.memory_space<vmem>> -> memref<1x128xi32, #tpu.memory_space<vmem>>
        %dma_start3A_30 = tpu.memref_squeeze %dma_start3A_29 : memref<1x128xi32, #tpu.memory_space<vmem>> -> memref<128xi32, #tpu.memory_space<vmem>>
        %dma_start3A_31 = arith.constant 0 : i32
        %dma_start3A_32 = tpu.memref_slice %arg7[%dma_start3A_31] : memref<1000000xi32, #tpu.memory_space<vmem_shared>> -> memref<1000000xi32, #tpu.memory_space<vmem_shared>>
        tpu.enqueue_indirect_dma source(%dma_start3A_32 : memref<1000000xi32, #tpu.memory_space<vmem_shared>>) target(%dma_start3A_27 : memref<128xi32, #tpu.memory_space<vmem>>) offsets(%dma_start3A_30 : memref<128xi32, #tpu.memory_space<vmem>>) semaphore(%run_scoped3A_25 : memref<!tpu.dma_semaphore, #tpu.memory_space<semaphore_mem>>)
        %dma_wait3A = arith.constant 0 : i32
        %dma_wait3A_33 = tpu.memref_slice %arg5[%run_scoped3A_14, %dma_wait3A] : memref<8x128xi32, #tpu.memory_space<vmem>> -> memref<1x128xi32, #tpu.memory_space<vmem>>
        %dma_wait3A_34 = tpu.memref_squeeze %dma_wait3A_33 : memref<1x128xi32, #tpu.memory_space<vmem>> -> memref<128xi32, #tpu.memory_space<vmem>>
        %dma_wait3A_35 = arith.constant 0 : i32
        %dma_wait3A_36 = tpu.memref_slice %arg4[%run_scoped3A_13, %dma_wait3A_35] : memref<8x128xi32, #tpu.memory_space<vmem>> -> memref<1x128xi32, #tpu.memory_space<vmem>>
        %dma_wait3A_37 = tpu.memref_squeeze %dma_wait3A_36 : memref<1x128xi32, #tpu.memory_space<vmem>> -> memref<128xi32, #tpu.memory_space<vmem>>
        %dma_wait3A_38 = arith.constant 0 : i32
        %dma_wait3A_39 = tpu.memref_slice %arg7[%dma_wait3A_38] : memref<1000000xi32, #tpu.memory_space<vmem_shared>> -> memref<1000000xi32, #tpu.memory_space<vmem_shared>>
        tpu.wait_indirect_dma semaphore(%run_scoped3A_25 : memref<!tpu.dma_semaphore, #tpu.memory_space<semaphore_mem>>) src(%dma_wait3A_39 : memref<1000000xi32, #tpu.memory_space<vmem_shared>>) dst(%dma_wait3A_34 : memref<128xi32, #tpu.memory_space<vmem>>)
        tpu.yield
      }) : () -> ()
      %run_scoped3A_15 = arith.constant 4 : i32
      %run_scoped3A_16 = arith.constant 4 : i32
      "tpu.region"() ({
        %run_scoped3A_25 = tpu.sem_alloc : memref<!tpu.dma_semaphore, #tpu.memory_space<semaphore_mem>>
        %dma_start3A = arith.constant 0 : i32
        %dma_start3A_26 = tpu.memref_slice %arg5[%run_scoped3A_16, %dma_start3A] : memref<8x128xi32, #tpu.memory_space<vmem>> -> memref<1x128xi32, #tpu.memory_space<vmem>>
        %dma_start3A_27 = tpu.memref_squeeze %dma_start3A_26 : memref<1x128xi32, #tpu.memory_space<vmem>> -> memref<128xi32, #tpu.memory_space<vmem>>
        %dma_start3A_28 = arith.constant 0 : i32
        %dma_start3A_29 = tpu.memref_slice %arg4[%run_scoped3A_15, %dma_start3A_28] : memref<8x128xi32, #tpu.memory_space<vmem>> -> memref<1x128xi32, #tpu.memory_space<vmem>>
        %dma_start3A_30 = tpu.memref_squeeze %dma_start3A_29 : memref<1x128xi32, #tpu.memory_space<vmem>> -> memref<128xi32, #tpu.memory_space<vmem>>
        %dma_start3A_31 = arith.constant 0 : i32
        %dma_start3A_32 = tpu.memref_slice %arg7[%dma_start3A_31] : memref<1000000xi32, #tpu.memory_space<vmem_shared>> -> memref<1000000xi32, #tpu.memory_space<vmem_shared>>
        tpu.enqueue_indirect_dma source(%dma_start3A_32 : memref<1000000xi32, #tpu.memory_space<vmem_shared>>) target(%dma_start3A_27 : memref<128xi32, #tpu.memory_space<vmem>>) offsets(%dma_start3A_30 : memref<128xi32, #tpu.memory_space<vmem>>) semaphore(%run_scoped3A_25 : memref<!tpu.dma_semaphore, #tpu.memory_space<semaphore_mem>>)
        %dma_wait3A = arith.constant 0 : i32
        %dma_wait3A_33 = tpu.memref_slice %arg5[%run_scoped3A_16, %dma_wait3A] : memref<8x128xi32, #tpu.memory_space<vmem>> -> memref<1x128xi32, #tpu.memory_space<vmem>>
        %dma_wait3A_34 = tpu.memref_squeeze %dma_wait3A_33 : memref<1x128xi32, #tpu.memory_space<vmem>> -> memref<128xi32, #tpu.memory_space<vmem>>
        %dma_wait3A_35 = arith.constant 0 : i32
        %dma_wait3A_36 = tpu.memref_slice %arg4[%run_scoped3A_15, %dma_wait3A_35] : memref<8x128xi32, #tpu.memory_space<vmem>> -> memref<1x128xi32, #tpu.memory_space<vmem>>
        %dma_wait3A_37 = tpu.memref_squeeze %dma_wait3A_36 : memref<1x128xi32, #tpu.memory_space<vmem>> -> memref<128xi32, #tpu.memory_space<vmem>>
        %dma_wait3A_38 = arith.constant 0 : i32
        %dma_wait3A_39 = tpu.memref_slice %arg7[%dma_wait3A_38] : memref<1000000xi32, #tpu.memory_space<vmem_shared>> -> memref<1000000xi32, #tpu.memory_space<vmem_shared>>
        tpu.wait_indirect_dma semaphore(%run_scoped3A_25 : memref<!tpu.dma_semaphore, #tpu.memory_space<semaphore_mem>>) src(%dma_wait3A_39 : memref<1000000xi32, #tpu.memory_space<vmem_shared>>) dst(%dma_wait3A_34 : memref<128xi32, #tpu.memory_space<vmem>>)
        tpu.yield
      }) : () -> ()
      %run_scoped3A_17 = arith.constant 5 : i32
      %run_scoped3A_18 = arith.constant 5 : i32
      "tpu.region"() ({
        %run_scoped3A_25 = tpu.sem_alloc : memref<!tpu.dma_semaphore, #tpu.memory_space<semaphore_mem>>
        %dma_start3A = arith.constant 0 : i32
        %dma_start3A_26 = tpu.memref_slice %arg5[%run_scoped3A_18, %dma_start3A] : memref<8x128xi32, #tpu.memory_space<vmem>> -> memref<1x128xi32, #tpu.memory_space<vmem>>
        %dma_start3A_27 = tpu.memref_squeeze %dma_start3A_26 : memref<1x128xi32, #tpu.memory_space<vmem>> -> memref<128xi32, #tpu.memory_space<vmem>>
        %dma_start3A_28 = arith.constant 0 : i32
        %dma_start3A_29 = tpu.memref_slice %arg4[%run_scoped3A_17, %dma_start3A_28] : memref<8x128xi32, #tpu.memory_space<vmem>> -> memref<1x128xi32, #tpu.memory_space<vmem>>
        %dma_start3A_30 = tpu.memref_squeeze %dma_start3A_29 : memref<1x128xi32, #tpu.memory_space<vmem>> -> memref<128xi32, #tpu.memory_space<vmem>>
        %dma_start3A_31 = arith.constant 0 : i32
        %dma_start3A_32 = tpu.memref_slice %arg7[%dma_start3A_31] : memref<1000000xi32, #tpu.memory_space<vmem_shared>> -> memref<1000000xi32, #tpu.memory_space<vmem_shared>>
        tpu.enqueue_indirect_dma source(%dma_start3A_32 : memref<1000000xi32, #tpu.memory_space<vmem_shared>>) target(%dma_start3A_27 : memref<128xi32, #tpu.memory_space<vmem>>) offsets(%dma_start3A_30 : memref<128xi32, #tpu.memory_space<vmem>>) semaphore(%run_scoped3A_25 : memref<!tpu.dma_semaphore, #tpu.memory_space<semaphore_mem>>)
        %dma_wait3A = arith.constant 0 : i32
        %dma_wait3A_33 = tpu.memref_slice %arg5[%run_scoped3A_18, %dma_wait3A] : memref<8x128xi32, #tpu.memory_space<vmem>> -> memref<1x128xi32, #tpu.memory_space<vmem>>
        %dma_wait3A_34 = tpu.memref_squeeze %dma_wait3A_33 : memref<1x128xi32, #tpu.memory_space<vmem>> -> memref<128xi32, #tpu.memory_space<vmem>>
        %dma_wait3A_35 = arith.constant 0 : i32
        %dma_wait3A_36 = tpu.memref_slice %arg4[%run_scoped3A_17, %dma_wait3A_35] : memref<8x128xi32, #tpu.memory_space<vmem>> -> memref<1x128xi32, #tpu.memory_space<vmem>>
        %dma_wait3A_37 = tpu.memref_squeeze %dma_wait3A_36 : memref<1x128xi32, #tpu.memory_space<vmem>> -> memref<128xi32, #tpu.memory_space<vmem>>
        %dma_wait3A_38 = arith.constant 0 : i32
        %dma_wait3A_39 = tpu.memref_slice %arg7[%dma_wait3A_38] : memref<1000000xi32, #tpu.memory_space<vmem_shared>> -> memref<1000000xi32, #tpu.memory_space<vmem_shared>>
        tpu.wait_indirect_dma semaphore(%run_scoped3A_25 : memref<!tpu.dma_semaphore, #tpu.memory_space<semaphore_mem>>) src(%dma_wait3A_39 : memref<1000000xi32, #tpu.memory_space<vmem_shared>>) dst(%dma_wait3A_34 : memref<128xi32, #tpu.memory_space<vmem>>)
        tpu.yield
      }) : () -> ()
      %run_scoped3A_19 = arith.constant 6 : i32
      %run_scoped3A_20 = arith.constant 6 : i32
      "tpu.region"() ({
        %run_scoped3A_25 = tpu.sem_alloc : memref<!tpu.dma_semaphore, #tpu.memory_space<semaphore_mem>>
        %dma_start3A = arith.constant 0 : i32
        %dma_start3A_26 = tpu.memref_slice %arg5[%run_scoped3A_20, %dma_start3A] : memref<8x128xi32, #tpu.memory_space<vmem>> -> memref<1x128xi32, #tpu.memory_space<vmem>>
        %dma_start3A_27 = tpu.memref_squeeze %dma_start3A_26 : memref<1x128xi32, #tpu.memory_space<vmem>> -> memref<128xi32, #tpu.memory_space<vmem>>
        %dma_start3A_28 = arith.constant 0 : i32
        %dma_start3A_29 = tpu.memref_slice %arg4[%run_scoped3A_19, %dma_start3A_28] : memref<8x128xi32, #tpu.memory_space<vmem>> -> memref<1x128xi32, #tpu.memory_space<vmem>>
        %dma_start3A_30 = tpu.memref_squeeze %dma_start3A_29 : memref<1x128xi32, #tpu.memory_space<vmem>> -> memref<128xi32, #tpu.memory_space<vmem>>
        %dma_start3A_31 = arith.constant 0 : i32
        %dma_start3A_32 = tpu.memref_slice %arg7[%dma_start3A_31] : memref<1000000xi32, #tpu.memory_space<vmem_shared>> -> memref<1000000xi32, #tpu.memory_space<vmem_shared>>
        tpu.enqueue_indirect_dma source(%dma_start3A_32 : memref<1000000xi32, #tpu.memory_space<vmem_shared>>) target(%dma_start3A_27 : memref<128xi32, #tpu.memory_space<vmem>>) offsets(%dma_start3A_30 : memref<128xi32, #tpu.memory_space<vmem>>) semaphore(%run_scoped3A_25 : memref<!tpu.dma_semaphore, #tpu.memory_space<semaphore_mem>>)
        %dma_wait3A = arith.constant 0 : i32
        %dma_wait3A_33 = tpu.memref_slice %arg5[%run_scoped3A_20, %dma_wait3A] : memref<8x128xi32, #tpu.memory_space<vmem>> -> memref<1x128xi32, #tpu.memory_space<vmem>>
        %dma_wait3A_34 = tpu.memref_squeeze %dma_wait3A_33 : memref<1x128xi32, #tpu.memory_space<vmem>> -> memref<128xi32, #tpu.memory_space<vmem>>
        %dma_wait3A_35 = arith.constant 0 : i32
        %dma_wait3A_36 = tpu.memref_slice %arg4[%run_scoped3A_19, %dma_wait3A_35] : memref<8x128xi32, #tpu.memory_space<vmem>> -> memref<1x128xi32, #tpu.memory_space<vmem>>
        %dma_wait3A_37 = tpu.memref_squeeze %dma_wait3A_36 : memref<1x128xi32, #tpu.memory_space<vmem>> -> memref<128xi32, #tpu.memory_space<vmem>>
        %dma_wait3A_38 = arith.constant 0 : i32
        %dma_wait3A_39 = tpu.memref_slice %arg7[%dma_wait3A_38] : memref<1000000xi32, #tpu.memory_space<vmem_shared>> -> memref<1000000xi32, #tpu.memory_space<vmem_shared>>
        tpu.wait_indirect_dma semaphore(%run_scoped3A_25 : memref<!tpu.dma_semaphore, #tpu.memory_space<semaphore_mem>>) src(%dma_wait3A_39 : memref<1000000xi32, #tpu.memory_space<vmem_shared>>) dst(%dma_wait3A_34 : memref<128xi32, #tpu.memory_space<vmem>>)
        tpu.yield
      }) : () -> ()
      %run_scoped3A_21 = arith.constant 7 : i32
      %run_scoped3A_22 = arith.constant 7 : i32
      "tpu.region"() ({
        %run_scoped3A_25 = tpu.sem_alloc : memref<!tpu.dma_semaphore, #tpu.memory_space<semaphore_mem>>
        %dma_start3A = arith.constant 0 : i32
        %dma_start3A_26 = tpu.memref_slice %arg5[%run_scoped3A_22, %dma_start3A] : memref<8x128xi32, #tpu.memory_space<vmem>> -> memref<1x128xi32, #tpu.memory_space<vmem>>
        %dma_start3A_27 = tpu.memref_squeeze %dma_start3A_26 : memref<1x128xi32, #tpu.memory_space<vmem>> -> memref<128xi32, #tpu.memory_space<vmem>>
        %dma_start3A_28 = arith.constant 0 : i32
        %dma_start3A_29 = tpu.memref_slice %arg4[%run_scoped3A_21, %dma_start3A_28] : memref<8x128xi32, #tpu.memory_space<vmem>> -> memref<1x128xi32, #tpu.memory_space<vmem>>
        %dma_start3A_30 = tpu.memref_squeeze %dma_start3A_29 : memref<1x128xi32, #tpu.memory_space<vmem>> -> memref<128xi32, #tpu.memory_space<vmem>>
        %dma_start3A_31 = arith.constant 0 : i32
        %dma_start3A_32 = tpu.memref_slice %arg7[%dma_start3A_31] : memref<1000000xi32, #tpu.memory_space<vmem_shared>> -> memref<1000000xi32, #tpu.memory_space<vmem_shared>>
        tpu.enqueue_indirect_dma source(%dma_start3A_32 : memref<1000000xi32, #tpu.memory_space<vmem_shared>>) target(%dma_start3A_27 : memref<128xi32, #tpu.memory_space<vmem>>) offsets(%dma_start3A_30 : memref<128xi32, #tpu.memory_space<vmem>>) semaphore(%run_scoped3A_25 : memref<!tpu.dma_semaphore, #tpu.memory_space<semaphore_mem>>)
        %dma_wait3A = arith.constant 0 : i32
        %dma_wait3A_33 = tpu.memref_slice %arg5[%run_scoped3A_22, %dma_wait3A] : memref<8x128xi32, #tpu.memory_space<vmem>> -> memref<1x128xi32, #tpu.memory_space<vmem>>
        %dma_wait3A_34 = tpu.memref_squeeze %dma_wait3A_33 : memref<1x128xi32, #tpu.memory_space<vmem>> -> memref<128xi32, #tpu.memory_space<vmem>>
        %dma_wait3A_35 = arith.constant 0 : i32
        %dma_wait3A_36 = tpu.memref_slice %arg4[%run_scoped3A_21, %dma_wait3A_35] : memref<8x128xi32, #tpu.memory_space<vmem>> -> memref<1x128xi32, #tpu.memory_space<vmem>>
        %dma_wait3A_37 = tpu.memref_squeeze %dma_wait3A_36 : memref<1x128xi32, #tpu.memory_space<vmem>> -> memref<128xi32, #tpu.memory_space<vmem>>
        %dma_wait3A_38 = arith.constant 0 : i32
        %dma_wait3A_39 = tpu.memref_slice %arg7[%dma_wait3A_38] : memref<1000000xi32, #tpu.memory_space<vmem_shared>> -> memref<1000000xi32, #tpu.memory_space<vmem_shared>>
        tpu.wait_indirect_dma semaphore(%run_scoped3A_25 : memref<!tpu.dma_semaphore, #tpu.memory_space<semaphore_mem>>) src(%dma_wait3A_39 : memref<1000000xi32, #tpu.memory_space<vmem_shared>>) dst(%dma_wait3A_34 : memref<128xi32, #tpu.memory_space<vmem>>)
        tpu.yield
      }) : () -> ()
      %mul3A_23 = arith.constant 8 : i32
      %mul3A_24 = arith.muli %arg1, %mul3A_23 : i32
      "tpu.region"() ({
        %run_scoped3A_25 = tpu.sem_alloc : memref<!tpu.dma_semaphore, #tpu.memory_space<semaphore_mem>>
        %dma_start3A = arith.constant 0 : i32
        %dma_start3A_26 = tpu.memref_slice %arg3[%mul3A_24, %dma_start3A] : memref<128x128xi32, #tpu.memory_space<hbm>> -> memref<8x128xi32, #tpu.memory_space<hbm>>
        %dma_start3A_27 = arith.constant 0 : i32
        %dma_start3A_28 = tpu.memref_slice %arg3[%mul3A_24, %dma_start3A_27] : memref<128x128xi32, #tpu.memory_space<hbm>> -> memref<8x128xi32, #tpu.memory_space<hbm>>
        tpu.enqueue_dma source(%arg5 : memref<8x128xi32, #tpu.memory_space<vmem>>) target(%dma_start3A_28 : memref<8x128xi32, #tpu.memory_space<hbm>>) target_semaphore(%run_scoped3A_25 : memref<!tpu.dma_semaphore, #tpu.memory_space<semaphore_mem>>)
        %dma_wait3A = arith.constant 0 : i32
        %dma_wait3A_29 = tpu.memref_slice %arg3[%mul3A_24, %dma_wait3A] : memref<128x128xi32, #tpu.memory_space<hbm>> -> memref<8x128xi32, #tpu.memory_space<hbm>>
        %dma_wait3A_30 = arith.constant 0 : i32
        %dma_wait3A_31 = tpu.memref_slice %arg3[%mul3A_24, %dma_wait3A_30] : memref<128x128xi32, #tpu.memory_space<hbm>> -> memref<8x128xi32, #tpu.memory_space<hbm>>
        tpu.wait_dma2 semaphore(%run_scoped3A_25 : memref<!tpu.dma_semaphore, #tpu.memory_space<semaphore_mem>>) src(%arg5 : memref<8x128xi32, #tpu.memory_space<vmem>>) dst(%dma_wait3A_31 : memref<8x128xi32, #tpu.memory_space<hbm>>)
        tpu.yield
      }) : () -> ()
    } else {
    }
    return
  }
}

#map = affine_map<(d0, d1) -> (0, 0)>
module attributes {stable_mosaic.version = 14 : i64} {
  func.func @body(%arg0: i32, %arg1: i32, %arg2: memref<1007616x32xf32, #tpu.memory_space<hbm>>, %arg3: memref<128x128xi32, #tpu.memory_space<hbm>>, %arg4: memref<16384x32xf32, #tpu.memory_space<hbm>>, %arg5: memref<4x128xi32, #tpu.memory_space<vmem>>, %arg6: memref<512x32xf32, #tpu.memory_space<vmem>>) attributes {dimension_semantics = [#tpu.dimension_semantics<core_parallel>, #tpu.dimension_semantics<subcore_parallel>], iteration_bounds = array<i64: 2, 16>, scalar_prefetch = 0 : i64, scratch_operands = 2 : i64, tpu.core_type = #tpu.core_type<sc_vector_subcore>, window_params = [{transform_indices = #map}, {transform_indices = #map}, {transform_indices = #map}]} {
    %mul3A = arith.constant 16 : i32
    %mul3A_0 = arith.muli %arg0, %mul3A : i32
    %add3A = arith.addi %mul3A_0, %arg1 : i32
    %mul3A_1 = arith.constant 4 : i32
    %mul3A_2 = arith.muli %add3A, %mul3A_1 : i32
    "tpu.region"() ({
      %run_scoped3A_898 = tpu.sem_alloc : memref<!tpu.dma_semaphore, #tpu.memory_space<semaphore_mem>>
      %dma_start3A = arith.constant 0 : i32
      %dma_start3A_899 = tpu.memref_slice %arg3[%mul3A_2, %dma_start3A] : memref<128x128xi32, #tpu.memory_space<hbm>> -> memref<4x128xi32, #tpu.memory_space<hbm>>
      %dma_start3A_900 = arith.constant 0 : i32
      %dma_start3A_901 = tpu.memref_slice %arg3[%mul3A_2, %dma_start3A_900] : memref<128x128xi32, #tpu.memory_space<hbm>> -> memref<4x128xi32, #tpu.memory_space<hbm>>
      tpu.enqueue_dma source(%dma_start3A_901 : memref<4x128xi32, #tpu.memory_space<hbm>>) target(%arg5 : memref<4x128xi32, #tpu.memory_space<vmem>>) target_semaphore(%run_scoped3A_898 : memref<!tpu.dma_semaphore, #tpu.memory_space<semaphore_mem>>)
      %dma_wait3A = arith.constant 0 : i32
      %dma_wait3A_902 = tpu.memref_slice %arg3[%mul3A_2, %dma_wait3A] : memref<128x128xi32, #tpu.memory_space<hbm>> -> memref<4x128xi32, #tpu.memory_space<hbm>>
      %dma_wait3A_903 = arith.constant 0 : i32
      %dma_wait3A_904 = tpu.memref_slice %arg3[%mul3A_2, %dma_wait3A_903] : memref<128x128xi32, #tpu.memory_space<hbm>> -> memref<4x128xi32, #tpu.memory_space<hbm>>
      tpu.wait_dma2 semaphore(%run_scoped3A_898 : memref<!tpu.dma_semaphore, #tpu.memory_space<semaphore_mem>>) src(%dma_wait3A_904 : memref<4x128xi32, #tpu.memory_space<hbm>>) dst(%arg5 : memref<4x128xi32, #tpu.memory_space<vmem>>)
      tpu.yield
    }) : () -> ()
    %get3A = arith.constant 0 : i32
    %get3A_3 = arith.index_cast %get3A : i32 to index
    %get3A_4 = arith.constant 0 : index
    %get3A_5 = tpu.vector_load %arg5[%get3A_3, %get3A_4] {strides = array<i32>} : memref<4x128xi32, #tpu.memory_space<vmem>>, vector<1x16xi32>,
    %get3A_6 = vector.shape_cast %get3A_5 : vector<1x16xi32> to vector<16xi32>
    %and3A = arith.constant -8192 : i32
    %and3A_7 = vector.broadcast %and3A : i32 to vector<16xi32>
    %and3A_8 = arith.andi %get3A_6, %and3A_7 : vector<16xi32>
    %and3A_9 = arith.constant 2047 : i32
    %and3A_10 = vector.broadcast %and3A_9 : i32 to vector<16xi32>
    %and3A_11 = arith.andi %get3A_6, %and3A_10 : vector<16xi32>
    %shift_left3A = arith.constant 2 : i32
    %shift_left3A_12 = vector.broadcast %shift_left3A : i32 to vector<16xi32>
    %shift_left3A_13 = arith.shli %and3A_11, %shift_left3A_12 : vector<16xi32>
    %or3A = arith.ori %and3A_8, %shift_left3A_13 : vector<16xi32>
    %shift_right_logical3A = arith.constant 11 : i32
    %shift_right_logical3A_14 = vector.broadcast %shift_right_logical3A : i32 to vector<16xi32>
    %shift_right_logical3A_15 = arith.shrui %get3A_6, %shift_right_logical3A_14 : vector<16xi32>
    %and3A_16 = arith.constant 3 : i32
    %and3A_17 = vector.broadcast %and3A_16 : i32 to vector<16xi32>
    %and3A_18 = arith.andi %shift_right_logical3A_15, %and3A_17 : vector<16xi32>
    %or3A_19 = arith.ori %or3A, %and3A_18 : vector<16xi32>
    %swap3A = arith.constant 0 : i32
    %swap3A_20 = arith.index_cast %swap3A : i32 to index
    %swap3A_21 = arith.constant 0 : index
    %swap3A_22 = tpu.vector_load %arg5[%swap3A_20, %swap3A_21] {strides = array<i32>} : memref<4x128xi32, #tpu.memory_space<vmem>>, vector<1x16xi32>,
    %swap3A_23 = vector.shape_cast %swap3A_22 : vector<1x16xi32> to vector<16xi32>
    %swap3A_24 = vector.shape_cast %or3A_19 : vector<16xi32> to vector<1x16xi32>
    tpu.vector_store %arg5[%swap3A_20, %swap3A_21], %swap3A_24 {strides = array<i32>} : memref<4x128xi32, #tpu.memory_space<vmem>>, vector<1x16xi32>,
    %get3A_25 = arith.constant 0 : i32
    %get3A_26 = arith.index_cast %get3A_25 : i32 to index
    %get3A_27 = arith.constant 16 : index
    %get3A_28 = tpu.vector_load %arg5[%get3A_26, %get3A_27] {strides = array<i32>} : memref<4x128xi32, #tpu.memory_space<vmem>>, vector<1x16xi32>,
    %get3A_29 = vector.shape_cast %get3A_28 : vector<1x16xi32> to vector<16xi32>
    %and3A_30 = arith.constant -8192 : i32
    %and3A_31 = vector.broadcast %and3A_30 : i32 to vector<16xi32>
    %and3A_32 = arith.andi %get3A_29, %and3A_31 : vector<16xi32>
    %and3A_33 = arith.constant 2047 : i32
    %and3A_34 = vector.broadcast %and3A_33 : i32 to vector<16xi32>
    %and3A_35 = arith.andi %get3A_29, %and3A_34 : vector<16xi32>
    %shift_left3A_36 = arith.constant 2 : i32
    %shift_left3A_37 = vector.broadcast %shift_left3A_36 : i32 to vector<16xi32>
    %shift_left3A_38 = arith.shli %and3A_35, %shift_left3A_37 : vector<16xi32>
    %or3A_39 = arith.ori %and3A_32, %shift_left3A_38 : vector<16xi32>
    %shift_right_logical3A_40 = arith.constant 11 : i32
    %shift_right_logical3A_41 = vector.broadcast %shift_right_logical3A_40 : i32 to vector<16xi32>
    %shift_right_logical3A_42 = arith.shrui %get3A_29, %shift_right_logical3A_41 : vector<16xi32>
    %and3A_43 = arith.constant 3 : i32
    %and3A_44 = vector.broadcast %and3A_43 : i32 to vector<16xi32>
    %and3A_45 = arith.andi %shift_right_logical3A_42, %and3A_44 : vector<16xi32>
    %or3A_46 = arith.ori %or3A_39, %and3A_45 : vector<16xi32>
    %swap3A_47 = arith.constant 0 : i32
    %swap3A_48 = arith.index_cast %swap3A_47 : i32 to index
    %swap3A_49 = arith.constant 16 : index
    %swap3A_50 = tpu.vector_load %arg5[%swap3A_48, %swap3A_49] {strides = array<i32>} : memref<4x128xi32, #tpu.memory_space<vmem>>, vector<1x16xi32>,
    %swap3A_51 = vector.shape_cast %swap3A_50 : vector<1x16xi32> to vector<16xi32>
    %swap3A_52 = vector.shape_cast %or3A_46 : vector<16xi32> to vector<1x16xi32>
    tpu.vector_store %arg5[%swap3A_48, %swap3A_49], %swap3A_52 {strides = array<i32>} : memref<4x128xi32, #tpu.memory_space<vmem>>, vector<1x16xi32>,
    %get3A_53 = arith.constant 0 : i32
    %get3A_54 = arith.index_cast %get3A_53 : i32 to index
    %get3A_55 = arith.constant 32 : index
    %get3A_56 = tpu.vector_load %arg5[%get3A_54, %get3A_55] {strides = array<i32>} : memref<4x128xi32, #tpu.memory_space<vmem>>, vector<1x16xi32>,
    %get3A_57 = vector.shape_cast %get3A_56 : vector<1x16xi32> to vector<16xi32>
    %and3A_58 = arith.constant -8192 : i32
    %and3A_59 = vector.broadcast %and3A_58 : i32 to vector<16xi32>
    %and3A_60 = arith.andi %get3A_57, %and3A_59 : vector<16xi32>
    %and3A_61 = arith.constant 2047 : i32
    %and3A_62 = vector.broadcast %and3A_61 : i32 to vector<16xi32>
    %and3A_63 = arith.andi %get3A_57, %and3A_62 : vector<16xi32>
    %shift_left3A_64 = arith.constant 2 : i32
    %shift_left3A_65 = vector.broadcast %shift_left3A_64 : i32 to vector<16xi32>
    %shift_left3A_66 = arith.shli %and3A_63, %shift_left3A_65 : vector<16xi32>
    %or3A_67 = arith.ori %and3A_60, %shift_left3A_66 : vector<16xi32>
    %shift_right_logical3A_68 = arith.constant 11 : i32
    %shift_right_logical3A_69 = vector.broadcast %shift_right_logical3A_68 : i32 to vector<16xi32>
    %shift_right_logical3A_70 = arith.shrui %get3A_57, %shift_right_logical3A_69 : vector<16xi32>
    %and3A_71 = arith.constant 3 : i32
    %and3A_72 = vector.broadcast %and3A_71 : i32 to vector<16xi32>
    %and3A_73 = arith.andi %shift_right_logical3A_70, %and3A_72 : vector<16xi32>
    %or3A_74 = arith.ori %or3A_67, %and3A_73 : vector<16xi32>
    %swap3A_75 = arith.constant 0 : i32
    %swap3A_76 = arith.index_cast %swap3A_75 : i32 to index
    %swap3A_77 = arith.constant 32 : index
    %swap3A_78 = tpu.vector_load %arg5[%swap3A_76, %swap3A_77] {strides = array<i32>} : memref<4x128xi32, #tpu.memory_space<vmem>>, vector<1x16xi32>,
    %swap3A_79 = vector.shape_cast %swap3A_78 : vector<1x16xi32> to vector<16xi32>
    %swap3A_80 = vector.shape_cast %or3A_74 : vector<16xi32> to vector<1x16xi32>
    tpu.vector_store %arg5[%swap3A_76, %swap3A_77], %swap3A_80 {strides = array<i32>} : memref<4x128xi32, #tpu.memory_space<vmem>>, vector<1x16xi32>,
    %get3A_81 = arith.constant 0 : i32
    %get3A_82 = arith.index_cast %get3A_81 : i32 to index
    %get3A_83 = arith.constant 48 : index
    %get3A_84 = tpu.vector_load %arg5[%get3A_82, %get3A_83] {strides = array<i32>} : memref<4x128xi32, #tpu.memory_space<vmem>>, vector<1x16xi32>,
    %get3A_85 = vector.shape_cast %get3A_84 : vector<1x16xi32> to vector<16xi32>
    %and3A_86 = arith.constant -8192 : i32
    %and3A_87 = vector.broadcast %and3A_86 : i32 to vector<16xi32>
    %and3A_88 = arith.andi %get3A_85, %and3A_87 : vector<16xi32>
    %and3A_89 = arith.constant 2047 : i32
    %and3A_90 = vector.broadcast %and3A_89 : i32 to vector<16xi32>
    %and3A_91 = arith.andi %get3A_85, %and3A_90 : vector<16xi32>
    %shift_left3A_92 = arith.constant 2 : i32
    %shift_left3A_93 = vector.broadcast %shift_left3A_92 : i32 to vector<16xi32>
    %shift_left3A_94 = arith.shli %and3A_91, %shift_left3A_93 : vector<16xi32>
    %or3A_95 = arith.ori %and3A_88, %shift_left3A_94 : vector<16xi32>
    %shift_right_logical3A_96 = arith.constant 11 : i32
    %shift_right_logical3A_97 = vector.broadcast %shift_right_logical3A_96 : i32 to vector<16xi32>
    %shift_right_logical3A_98 = arith.shrui %get3A_85, %shift_right_logical3A_97 : vector<16xi32>
    %and3A_99 = arith.constant 3 : i32
    %and3A_100 = vector.broadcast %and3A_99 : i32 to vector<16xi32>
    %and3A_101 = arith.andi %shift_right_logical3A_98, %and3A_100 : vector<16xi32>
    %or3A_102 = arith.ori %or3A_95, %and3A_101 : vector<16xi32>
    %swap3A_103 = arith.constant 0 : i32
    %swap3A_104 = arith.index_cast %swap3A_103 : i32 to index
    %swap3A_105 = arith.constant 48 : index
    %swap3A_106 = tpu.vector_load %arg5[%swap3A_104, %swap3A_105] {strides = array<i32>} : memref<4x128xi32, #tpu.memory_space<vmem>>, vector<1x16xi32>,
    %swap3A_107 = vector.shape_cast %swap3A_106 : vector<1x16xi32> to vector<16xi32>
    %swap3A_108 = vector.shape_cast %or3A_102 : vector<16xi32> to vector<1x16xi32>
    tpu.vector_store %arg5[%swap3A_104, %swap3A_105], %swap3A_108 {strides = array<i32>} : memref<4x128xi32, #tpu.memory_space<vmem>>, vector<1x16xi32>,
    %get3A_109 = arith.constant 0 : i32
    %get3A_110 = arith.index_cast %get3A_109 : i32 to index
    %get3A_111 = arith.constant 64 : index
    %get3A_112 = tpu.vector_load %arg5[%get3A_110, %get3A_111] {strides = array<i32>} : memref<4x128xi32, #tpu.memory_space<vmem>>, vector<1x16xi32>,
    %get3A_113 = vector.shape_cast %get3A_112 : vector<1x16xi32> to vector<16xi32>
    %and3A_114 = arith.constant -8192 : i32
    %and3A_115 = vector.broadcast %and3A_114 : i32 to vector<16xi32>
    %and3A_116 = arith.andi %get3A_113, %and3A_115 : vector<16xi32>
    %and3A_117 = arith.constant 2047 : i32
    %and3A_118 = vector.broadcast %and3A_117 : i32 to vector<16xi32>
    %and3A_119 = arith.andi %get3A_113, %and3A_118 : vector<16xi32>
    %shift_left3A_120 = arith.constant 2 : i32
    %shift_left3A_121 = vector.broadcast %shift_left3A_120 : i32 to vector<16xi32>
    %shift_left3A_122 = arith.shli %and3A_119, %shift_left3A_121 : vector<16xi32>
    %or3A_123 = arith.ori %and3A_116, %shift_left3A_122 : vector<16xi32>
    %shift_right_logical3A_124 = arith.constant 11 : i32
    %shift_right_logical3A_125 = vector.broadcast %shift_right_logical3A_124 : i32 to vector<16xi32>
    %shift_right_logical3A_126 = arith.shrui %get3A_113, %shift_right_logical3A_125 : vector<16xi32>
    %and3A_127 = arith.constant 3 : i32
    %and3A_128 = vector.broadcast %and3A_127 : i32 to vector<16xi32>
    %and3A_129 = arith.andi %shift_right_logical3A_126, %and3A_128 : vector<16xi32>
    %or3A_130 = arith.ori %or3A_123, %and3A_129 : vector<16xi32>
    %swap3A_131 = arith.constant 0 : i32
    %swap3A_132 = arith.index_cast %swap3A_131 : i32 to index
    %swap3A_133 = arith.constant 64 : index
    %swap3A_134 = tpu.vector_load %arg5[%swap3A_132, %swap3A_133] {strides = array<i32>} : memref<4x128xi32, #tpu.memory_space<vmem>>, vector<1x16xi32>,
    %swap3A_135 = vector.shape_cast %swap3A_134 : vector<1x16xi32> to vector<16xi32>
    %swap3A_136 = vector.shape_cast %or3A_130 : vector<16xi32> to vector<1x16xi32>
    tpu.vector_store %arg5[%swap3A_132, %swap3A_133], %swap3A_136 {strides = array<i32>} : memref<4x128xi32, #tpu.memory_space<vmem>>, vector<1x16xi32>,
    %get3A_137 = arith.constant 0 : i32
    %get3A_138 = arith.index_cast %get3A_137 : i32 to index
    %get3A_139 = arith.constant 80 : index
    %get3A_140 = tpu.vector_load %arg5[%get3A_138, %get3A_139] {strides = array<i32>} : memref<4x128xi32, #tpu.memory_space<vmem>>, vector<1x16xi32>,
    %get3A_141 = vector.shape_cast %get3A_140 : vector<1x16xi32> to vector<16xi32>
    %and3A_142 = arith.constant -8192 : i32
    %and3A_143 = vector.broadcast %and3A_142 : i32 to vector<16xi32>
    %and3A_144 = arith.andi %get3A_141, %and3A_143 : vector<16xi32>
    %and3A_145 = arith.constant 2047 : i32
    %and3A_146 = vector.broadcast %and3A_145 : i32 to vector<16xi32>
    %and3A_147 = arith.andi %get3A_141, %and3A_146 : vector<16xi32>
    %shift_left3A_148 = arith.constant 2 : i32
    %shift_left3A_149 = vector.broadcast %shift_left3A_148 : i32 to vector<16xi32>
    %shift_left3A_150 = arith.shli %and3A_147, %shift_left3A_149 : vector<16xi32>
    %or3A_151 = arith.ori %and3A_144, %shift_left3A_150 : vector<16xi32>
    %shift_right_logical3A_152 = arith.constant 11 : i32
    %shift_right_logical3A_153 = vector.broadcast %shift_right_logical3A_152 : i32 to vector<16xi32>
    %shift_right_logical3A_154 = arith.shrui %get3A_141, %shift_right_logical3A_153 : vector<16xi32>
    %and3A_155 = arith.constant 3 : i32
    %and3A_156 = vector.broadcast %and3A_155 : i32 to vector<16xi32>
    %and3A_157 = arith.andi %shift_right_logical3A_154, %and3A_156 : vector<16xi32>
    %or3A_158 = arith.ori %or3A_151, %and3A_157 : vector<16xi32>
    %swap3A_159 = arith.constant 0 : i32
    %swap3A_160 = arith.index_cast %swap3A_159 : i32 to index
    %swap3A_161 = arith.constant 80 : index
    %swap3A_162 = tpu.vector_load %arg5[%swap3A_160, %swap3A_161] {strides = array<i32>} : memref<4x128xi32, #tpu.memory_space<vmem>>, vector<1x16xi32>,
    %swap3A_163 = vector.shape_cast %swap3A_162 : vector<1x16xi32> to vector<16xi32>
    %swap3A_164 = vector.shape_cast %or3A_158 : vector<16xi32> to vector<1x16xi32>
    tpu.vector_store %arg5[%swap3A_160, %swap3A_161], %swap3A_164 {strides = array<i32>} : memref<4x128xi32, #tpu.memory_space<vmem>>, vector<1x16xi32>,
    %get3A_165 = arith.constant 0 : i32
    %get3A_166 = arith.index_cast %get3A_165 : i32 to index
    %get3A_167 = arith.constant 96 : index
    %get3A_168 = tpu.vector_load %arg5[%get3A_166, %get3A_167] {strides = array<i32>} : memref<4x128xi32, #tpu.memory_space<vmem>>, vector<1x16xi32>,
    %get3A_169 = vector.shape_cast %get3A_168 : vector<1x16xi32> to vector<16xi32>
    %and3A_170 = arith.constant -8192 : i32
    %and3A_171 = vector.broadcast %and3A_170 : i32 to vector<16xi32>
    %and3A_172 = arith.andi %get3A_169, %and3A_171 : vector<16xi32>
    %and3A_173 = arith.constant 2047 : i32
    %and3A_174 = vector.broadcast %and3A_173 : i32 to vector<16xi32>
    %and3A_175 = arith.andi %get3A_169, %and3A_174 : vector<16xi32>
    %shift_left3A_176 = arith.constant 2 : i32
    %shift_left3A_177 = vector.broadcast %shift_left3A_176 : i32 to vector<16xi32>
    %shift_left3A_178 = arith.shli %and3A_175, %shift_left3A_177 : vector<16xi32>
    %or3A_179 = arith.ori %and3A_172, %shift_left3A_178 : vector<16xi32>
    %shift_right_logical3A_180 = arith.constant 11 : i32
    %shift_right_logical3A_181 = vector.broadcast %shift_right_logical3A_180 : i32 to vector<16xi32>
    %shift_right_logical3A_182 = arith.shrui %get3A_169, %shift_right_logical3A_181 : vector<16xi32>
    %and3A_183 = arith.constant 3 : i32
    %and3A_184 = vector.broadcast %and3A_183 : i32 to vector<16xi32>
    %and3A_185 = arith.andi %shift_right_logical3A_182, %and3A_184 : vector<16xi32>
    %or3A_186 = arith.ori %or3A_179, %and3A_185 : vector<16xi32>
    %swap3A_187 = arith.constant 0 : i32
    %swap3A_188 = arith.index_cast %swap3A_187 : i32 to index
    %swap3A_189 = arith.constant 96 : index
    %swap3A_190 = tpu.vector_load %arg5[%swap3A_188, %swap3A_189] {strides = array<i32>} : memref<4x128xi32, #tpu.memory_space<vmem>>, vector<1x16xi32>,
    %swap3A_191 = vector.shape_cast %swap3A_190 : vector<1x16xi32> to vector<16xi32>
    %swap3A_192 = vector.shape_cast %or3A_186 : vector<16xi32> to vector<1x16xi32>
    tpu.vector_store %arg5[%swap3A_188, %swap3A_189], %swap3A_192 {strides = array<i32>} : memref<4x128xi32, #tpu.memory_space<vmem>>, vector<1x16xi32>,
    %get3A_193 = arith.constant 0 : i32
    %get3A_194 = arith.index_cast %get3A_193 : i32 to index
    %get3A_195 = arith.constant 112 : index
    %get3A_196 = tpu.vector_load %arg5[%get3A_194, %get3A_195] {strides = array<i32>} : memref<4x128xi32, #tpu.memory_space<vmem>>, vector<1x16xi32>,
    %get3A_197 = vector.shape_cast %get3A_196 : vector<1x16xi32> to vector<16xi32>
    %and3A_198 = arith.constant -8192 : i32
    %and3A_199 = vector.broadcast %and3A_198 : i32 to vector<16xi32>
    %and3A_200 = arith.andi %get3A_197, %and3A_199 : vector<16xi32>
    %and3A_201 = arith.constant 2047 : i32
    %and3A_202 = vector.broadcast %and3A_201 : i32 to vector<16xi32>
    %and3A_203 = arith.andi %get3A_197, %and3A_202 : vector<16xi32>
    %shift_left3A_204 = arith.constant 2 : i32
    %shift_left3A_205 = vector.broadcast %shift_left3A_204 : i32 to vector<16xi32>
    %shift_left3A_206 = arith.shli %and3A_203, %shift_left3A_205 : vector<16xi32>
    %or3A_207 = arith.ori %and3A_200, %shift_left3A_206 : vector<16xi32>
    %shift_right_logical3A_208 = arith.constant 11 : i32
    %shift_right_logical3A_209 = vector.broadcast %shift_right_logical3A_208 : i32 to vector<16xi32>
    %shift_right_logical3A_210 = arith.shrui %get3A_197, %shift_right_logical3A_209 : vector<16xi32>
    %and3A_211 = arith.constant 3 : i32
    %and3A_212 = vector.broadcast %and3A_211 : i32 to vector<16xi32>
    %and3A_213 = arith.andi %shift_right_logical3A_210, %and3A_212 : vector<16xi32>
    %or3A_214 = arith.ori %or3A_207, %and3A_213 : vector<16xi32>
    %swap3A_215 = arith.constant 0 : i32
    %swap3A_216 = arith.index_cast %swap3A_215 : i32 to index
    %swap3A_217 = arith.constant 112 : index
    %swap3A_218 = tpu.vector_load %arg5[%swap3A_216, %swap3A_217] {strides = array<i32>} : memref<4x128xi32, #tpu.memory_space<vmem>>, vector<1x16xi32>,
    %swap3A_219 = vector.shape_cast %swap3A_218 : vector<1x16xi32> to vector<16xi32>
    %swap3A_220 = vector.shape_cast %or3A_214 : vector<16xi32> to vector<1x16xi32>
    tpu.vector_store %arg5[%swap3A_216, %swap3A_217], %swap3A_220 {strides = array<i32>} : memref<4x128xi32, #tpu.memory_space<vmem>>, vector<1x16xi32>,
    %get3A_221 = arith.constant 1 : i32
    %get3A_222 = arith.index_cast %get3A_221 : i32 to index
    %get3A_223 = arith.constant 0 : index
    %get3A_224 = tpu.vector_load %arg5[%get3A_222, %get3A_223] {strides = array<i32>} : memref<4x128xi32, #tpu.memory_space<vmem>>, vector<1x16xi32>,
    %get3A_225 = vector.shape_cast %get3A_224 : vector<1x16xi32> to vector<16xi32>
    %and3A_226 = arith.constant -8192 : i32
    %and3A_227 = vector.broadcast %and3A_226 : i32 to vector<16xi32>
    %and3A_228 = arith.andi %get3A_225, %and3A_227 : vector<16xi32>
    %and3A_229 = arith.constant 2047 : i32
    %and3A_230 = vector.broadcast %and3A_229 : i32 to vector<16xi32>
    %and3A_231 = arith.andi %get3A_225, %and3A_230 : vector<16xi32>
    %shift_left3A_232 = arith.constant 2 : i32
    %shift_left3A_233 = vector.broadcast %shift_left3A_232 : i32 to vector<16xi32>
    %shift_left3A_234 = arith.shli %and3A_231, %shift_left3A_233 : vector<16xi32>
    %or3A_235 = arith.ori %and3A_228, %shift_left3A_234 : vector<16xi32>
    %shift_right_logical3A_236 = arith.constant 11 : i32
    %shift_right_logical3A_237 = vector.broadcast %shift_right_logical3A_236 : i32 to vector<16xi32>
    %shift_right_logical3A_238 = arith.shrui %get3A_225, %shift_right_logical3A_237 : vector<16xi32>
    %and3A_239 = arith.constant 3 : i32
    %and3A_240 = vector.broadcast %and3A_239 : i32 to vector<16xi32>
    %and3A_241 = arith.andi %shift_right_logical3A_238, %and3A_240 : vector<16xi32>
    %or3A_242 = arith.ori %or3A_235, %and3A_241 : vector<16xi32>
    %swap3A_243 = arith.constant 1 : i32
    %swap3A_244 = arith.index_cast %swap3A_243 : i32 to index
    %swap3A_245 = arith.constant 0 : index
    %swap3A_246 = tpu.vector_load %arg5[%swap3A_244, %swap3A_245] {strides = array<i32>} : memref<4x128xi32, #tpu.memory_space<vmem>>, vector<1x16xi32>,
    %swap3A_247 = vector.shape_cast %swap3A_246 : vector<1x16xi32> to vector<16xi32>
    %swap3A_248 = vector.shape_cast %or3A_242 : vector<16xi32> to vector<1x16xi32>
    tpu.vector_store %arg5[%swap3A_244, %swap3A_245], %swap3A_248 {strides = array<i32>} : memref<4x128xi32, #tpu.memory_space<vmem>>, vector<1x16xi32>,
    %get3A_249 = arith.constant 1 : i32
    %get3A_250 = arith.index_cast %get3A_249 : i32 to index
    %get3A_251 = arith.constant 16 : index
    %get3A_252 = tpu.vector_load %arg5[%get3A_250, %get3A_251] {strides = array<i32>} : memref<4x128xi32, #tpu.memory_space<vmem>>, vector<1x16xi32>,
    %get3A_253 = vector.shape_cast %get3A_252 : vector<1x16xi32> to vector<16xi32>
    %and3A_254 = arith.constant -8192 : i32
    %and3A_255 = vector.broadcast %and3A_254 : i32 to vector<16xi32>
    %and3A_256 = arith.andi %get3A_253, %and3A_255 : vector<16xi32>
    %and3A_257 = arith.constant 2047 : i32
    %and3A_258 = vector.broadcast %and3A_257 : i32 to vector<16xi32>
    %and3A_259 = arith.andi %get3A_253, %and3A_258 : vector<16xi32>
    %shift_left3A_260 = arith.constant 2 : i32
    %shift_left3A_261 = vector.broadcast %shift_left3A_260 : i32 to vector<16xi32>
    %shift_left3A_262 = arith.shli %and3A_259, %shift_left3A_261 : vector<16xi32>
    %or3A_263 = arith.ori %and3A_256, %shift_left3A_262 : vector<16xi32>
    %shift_right_logical3A_264 = arith.constant 11 : i32
    %shift_right_logical3A_265 = vector.broadcast %shift_right_logical3A_264 : i32 to vector<16xi32>
    %shift_right_logical3A_266 = arith.shrui %get3A_253, %shift_right_logical3A_265 : vector<16xi32>
    %and3A_267 = arith.constant 3 : i32
    %and3A_268 = vector.broadcast %and3A_267 : i32 to vector<16xi32>
    %and3A_269 = arith.andi %shift_right_logical3A_266, %and3A_268 : vector<16xi32>
    %or3A_270 = arith.ori %or3A_263, %and3A_269 : vector<16xi32>
    %swap3A_271 = arith.constant 1 : i32
    %swap3A_272 = arith.index_cast %swap3A_271 : i32 to index
    %swap3A_273 = arith.constant 16 : index
    %swap3A_274 = tpu.vector_load %arg5[%swap3A_272, %swap3A_273] {strides = array<i32>} : memref<4x128xi32, #tpu.memory_space<vmem>>, vector<1x16xi32>,
    %swap3A_275 = vector.shape_cast %swap3A_274 : vector<1x16xi32> to vector<16xi32>
    %swap3A_276 = vector.shape_cast %or3A_270 : vector<16xi32> to vector<1x16xi32>
    tpu.vector_store %arg5[%swap3A_272, %swap3A_273], %swap3A_276 {strides = array<i32>} : memref<4x128xi32, #tpu.memory_space<vmem>>, vector<1x16xi32>,
    %get3A_277 = arith.constant 1 : i32
    %get3A_278 = arith.index_cast %get3A_277 : i32 to index
    %get3A_279 = arith.constant 32 : index
    %get3A_280 = tpu.vector_load %arg5[%get3A_278, %get3A_279] {strides = array<i32>} : memref<4x128xi32, #tpu.memory_space<vmem>>, vector<1x16xi32>,
    %get3A_281 = vector.shape_cast %get3A_280 : vector<1x16xi32> to vector<16xi32>
    %and3A_282 = arith.constant -8192 : i32
    %and3A_283 = vector.broadcast %and3A_282 : i32 to vector<16xi32>
    %and3A_284 = arith.andi %get3A_281, %and3A_283 : vector<16xi32>
    %and3A_285 = arith.constant 2047 : i32
    %and3A_286 = vector.broadcast %and3A_285 : i32 to vector<16xi32>
    %and3A_287 = arith.andi %get3A_281, %and3A_286 : vector<16xi32>
    %shift_left3A_288 = arith.constant 2 : i32
    %shift_left3A_289 = vector.broadcast %shift_left3A_288 : i32 to vector<16xi32>
    %shift_left3A_290 = arith.shli %and3A_287, %shift_left3A_289 : vector<16xi32>
    %or3A_291 = arith.ori %and3A_284, %shift_left3A_290 : vector<16xi32>
    %shift_right_logical3A_292 = arith.constant 11 : i32
    %shift_right_logical3A_293 = vector.broadcast %shift_right_logical3A_292 : i32 to vector<16xi32>
    %shift_right_logical3A_294 = arith.shrui %get3A_281, %shift_right_logical3A_293 : vector<16xi32>
    %and3A_295 = arith.constant 3 : i32
    %and3A_296 = vector.broadcast %and3A_295 : i32 to vector<16xi32>
    %and3A_297 = arith.andi %shift_right_logical3A_294, %and3A_296 : vector<16xi32>
    %or3A_298 = arith.ori %or3A_291, %and3A_297 : vector<16xi32>
    %swap3A_299 = arith.constant 1 : i32
    %swap3A_300 = arith.index_cast %swap3A_299 : i32 to index
    %swap3A_301 = arith.constant 32 : index
    %swap3A_302 = tpu.vector_load %arg5[%swap3A_300, %swap3A_301] {strides = array<i32>} : memref<4x128xi32, #tpu.memory_space<vmem>>, vector<1x16xi32>,
    %swap3A_303 = vector.shape_cast %swap3A_302 : vector<1x16xi32> to vector<16xi32>
    %swap3A_304 = vector.shape_cast %or3A_298 : vector<16xi32> to vector<1x16xi32>
    tpu.vector_store %arg5[%swap3A_300, %swap3A_301], %swap3A_304 {strides = array<i32>} : memref<4x128xi32, #tpu.memory_space<vmem>>, vector<1x16xi32>,
    %get3A_305 = arith.constant 1 : i32
    %get3A_306 = arith.index_cast %get3A_305 : i32 to index
    %get3A_307 = arith.constant 48 : index
    %get3A_308 = tpu.vector_load %arg5[%get3A_306, %get3A_307] {strides = array<i32>} : memref<4x128xi32, #tpu.memory_space<vmem>>, vector<1x16xi32>,
    %get3A_309 = vector.shape_cast %get3A_308 : vector<1x16xi32> to vector<16xi32>
    %and3A_310 = arith.constant -8192 : i32
    %and3A_311 = vector.broadcast %and3A_310 : i32 to vector<16xi32>
    %and3A_312 = arith.andi %get3A_309, %and3A_311 : vector<16xi32>
    %and3A_313 = arith.constant 2047 : i32
    %and3A_314 = vector.broadcast %and3A_313 : i32 to vector<16xi32>
    %and3A_315 = arith.andi %get3A_309, %and3A_314 : vector<16xi32>
    %shift_left3A_316 = arith.constant 2 : i32
    %shift_left3A_317 = vector.broadcast %shift_left3A_316 : i32 to vector<16xi32>
    %shift_left3A_318 = arith.shli %and3A_315, %shift_left3A_317 : vector<16xi32>
    %or3A_319 = arith.ori %and3A_312, %shift_left3A_318 : vector<16xi32>
    %shift_right_logical3A_320 = arith.constant 11 : i32
    %shift_right_logical3A_321 = vector.broadcast %shift_right_logical3A_320 : i32 to vector<16xi32>
    %shift_right_logical3A_322 = arith.shrui %get3A_309, %shift_right_logical3A_321 : vector<16xi32>
    %and3A_323 = arith.constant 3 : i32
    %and3A_324 = vector.broadcast %and3A_323 : i32 to vector<16xi32>
    %and3A_325 = arith.andi %shift_right_logical3A_322, %and3A_324 : vector<16xi32>
    %or3A_326 = arith.ori %or3A_319, %and3A_325 : vector<16xi32>
    %swap3A_327 = arith.constant 1 : i32
    %swap3A_328 = arith.index_cast %swap3A_327 : i32 to index
    %swap3A_329 = arith.constant 48 : index
    %swap3A_330 = tpu.vector_load %arg5[%swap3A_328, %swap3A_329] {strides = array<i32>} : memref<4x128xi32, #tpu.memory_space<vmem>>, vector<1x16xi32>,
    %swap3A_331 = vector.shape_cast %swap3A_330 : vector<1x16xi32> to vector<16xi32>
    %swap3A_332 = vector.shape_cast %or3A_326 : vector<16xi32> to vector<1x16xi32>
    tpu.vector_store %arg5[%swap3A_328, %swap3A_329], %swap3A_332 {strides = array<i32>} : memref<4x128xi32, #tpu.memory_space<vmem>>, vector<1x16xi32>,
    %get3A_333 = arith.constant 1 : i32
    %get3A_334 = arith.index_cast %get3A_333 : i32 to index
    %get3A_335 = arith.constant 64 : index
    %get3A_336 = tpu.vector_load %arg5[%get3A_334, %get3A_335] {strides = array<i32>} : memref<4x128xi32, #tpu.memory_space<vmem>>, vector<1x16xi32>,
    %get3A_337 = vector.shape_cast %get3A_336 : vector<1x16xi32> to vector<16xi32>
    %and3A_338 = arith.constant -8192 : i32
    %and3A_339 = vector.broadcast %and3A_338 : i32 to vector<16xi32>
    %and3A_340 = arith.andi %get3A_337, %and3A_339 : vector<16xi32>
    %and3A_341 = arith.constant 2047 : i32
    %and3A_342 = vector.broadcast %and3A_341 : i32 to vector<16xi32>
    %and3A_343 = arith.andi %get3A_337, %and3A_342 : vector<16xi32>
    %shift_left3A_344 = arith.constant 2 : i32
    %shift_left3A_345 = vector.broadcast %shift_left3A_344 : i32 to vector<16xi32>
    %shift_left3A_346 = arith.shli %and3A_343, %shift_left3A_345 : vector<16xi32>
    %or3A_347 = arith.ori %and3A_340, %shift_left3A_346 : vector<16xi32>
    %shift_right_logical3A_348 = arith.constant 11 : i32
    %shift_right_logical3A_349 = vector.broadcast %shift_right_logical3A_348 : i32 to vector<16xi32>
    %shift_right_logical3A_350 = arith.shrui %get3A_337, %shift_right_logical3A_349 : vector<16xi32>
    %and3A_351 = arith.constant 3 : i32
    %and3A_352 = vector.broadcast %and3A_351 : i32 to vector<16xi32>
    %and3A_353 = arith.andi %shift_right_logical3A_350, %and3A_352 : vector<16xi32>
    %or3A_354 = arith.ori %or3A_347, %and3A_353 : vector<16xi32>
    %swap3A_355 = arith.constant 1 : i32
    %swap3A_356 = arith.index_cast %swap3A_355 : i32 to index
    %swap3A_357 = arith.constant 64 : index
    %swap3A_358 = tpu.vector_load %arg5[%swap3A_356, %swap3A_357] {strides = array<i32>} : memref<4x128xi32, #tpu.memory_space<vmem>>, vector<1x16xi32>,
    %swap3A_359 = vector.shape_cast %swap3A_358 : vector<1x16xi32> to vector<16xi32>
    %swap3A_360 = vector.shape_cast %or3A_354 : vector<16xi32> to vector<1x16xi32>
    tpu.vector_store %arg5[%swap3A_356, %swap3A_357], %swap3A_360 {strides = array<i32>} : memref<4x128xi32, #tpu.memory_space<vmem>>, vector<1x16xi32>,
    %get3A_361 = arith.constant 1 : i32
    %get3A_362 = arith.index_cast %get3A_361 : i32 to index
    %get3A_363 = arith.constant 80 : index
    %get3A_364 = tpu.vector_load %arg5[%get3A_362, %get3A_363] {strides = array<i32>} : memref<4x128xi32, #tpu.memory_space<vmem>>, vector<1x16xi32>,
    %get3A_365 = vector.shape_cast %get3A_364 : vector<1x16xi32> to vector<16xi32>
    %and3A_366 = arith.constant -8192 : i32
    %and3A_367 = vector.broadcast %and3A_366 : i32 to vector<16xi32>
    %and3A_368 = arith.andi %get3A_365, %and3A_367 : vector<16xi32>
    %and3A_369 = arith.constant 2047 : i32
    %and3A_370 = vector.broadcast %and3A_369 : i32 to vector<16xi32>
    %and3A_371 = arith.andi %get3A_365, %and3A_370 : vector<16xi32>
    %shift_left3A_372 = arith.constant 2 : i32
    %shift_left3A_373 = vector.broadcast %shift_left3A_372 : i32 to vector<16xi32>
    %shift_left3A_374 = arith.shli %and3A_371, %shift_left3A_373 : vector<16xi32>
    %or3A_375 = arith.ori %and3A_368, %shift_left3A_374 : vector<16xi32>
    %shift_right_logical3A_376 = arith.constant 11 : i32
    %shift_right_logical3A_377 = vector.broadcast %shift_right_logical3A_376 : i32 to vector<16xi32>
    %shift_right_logical3A_378 = arith.shrui %get3A_365, %shift_right_logical3A_377 : vector<16xi32>
    %and3A_379 = arith.constant 3 : i32
    %and3A_380 = vector.broadcast %and3A_379 : i32 to vector<16xi32>
    %and3A_381 = arith.andi %shift_right_logical3A_378, %and3A_380 : vector<16xi32>
    %or3A_382 = arith.ori %or3A_375, %and3A_381 : vector<16xi32>
    %swap3A_383 = arith.constant 1 : i32
    %swap3A_384 = arith.index_cast %swap3A_383 : i32 to index
    %swap3A_385 = arith.constant 80 : index
    %swap3A_386 = tpu.vector_load %arg5[%swap3A_384, %swap3A_385] {strides = array<i32>} : memref<4x128xi32, #tpu.memory_space<vmem>>, vector<1x16xi32>,
    %swap3A_387 = vector.shape_cast %swap3A_386 : vector<1x16xi32> to vector<16xi32>
    %swap3A_388 = vector.shape_cast %or3A_382 : vector<16xi32> to vector<1x16xi32>
    tpu.vector_store %arg5[%swap3A_384, %swap3A_385], %swap3A_388 {strides = array<i32>} : memref<4x128xi32, #tpu.memory_space<vmem>>, vector<1x16xi32>,
    %get3A_389 = arith.constant 1 : i32
    %get3A_390 = arith.index_cast %get3A_389 : i32 to index
    %get3A_391 = arith.constant 96 : index
    %get3A_392 = tpu.vector_load %arg5[%get3A_390, %get3A_391] {strides = array<i32>} : memref<4x128xi32, #tpu.memory_space<vmem>>, vector<1x16xi32>,
    %get3A_393 = vector.shape_cast %get3A_392 : vector<1x16xi32> to vector<16xi32>
    %and3A_394 = arith.constant -8192 : i32
    %and3A_395 = vector.broadcast %and3A_394 : i32 to vector<16xi32>
    %and3A_396 = arith.andi %get3A_393, %and3A_395 : vector<16xi32>
    %and3A_397 = arith.constant 2047 : i32
    %and3A_398 = vector.broadcast %and3A_397 : i32 to vector<16xi32>
    %and3A_399 = arith.andi %get3A_393, %and3A_398 : vector<16xi32>
    %shift_left3A_400 = arith.constant 2 : i32
    %shift_left3A_401 = vector.broadcast %shift_left3A_400 : i32 to vector<16xi32>
    %shift_left3A_402 = arith.shli %and3A_399, %shift_left3A_401 : vector<16xi32>
    %or3A_403 = arith.ori %and3A_396, %shift_left3A_402 : vector<16xi32>
    %shift_right_logical3A_404 = arith.constant 11 : i32
    %shift_right_logical3A_405 = vector.broadcast %shift_right_logical3A_404 : i32 to vector<16xi32>
    %shift_right_logical3A_406 = arith.shrui %get3A_393, %shift_right_logical3A_405 : vector<16xi32>
    %and3A_407 = arith.constant 3 : i32
    %and3A_408 = vector.broadcast %and3A_407 : i32 to vector<16xi32>
    %and3A_409 = arith.andi %shift_right_logical3A_406, %and3A_408 : vector<16xi32>
    %or3A_410 = arith.ori %or3A_403, %and3A_409 : vector<16xi32>
    %swap3A_411 = arith.constant 1 : i32
    %swap3A_412 = arith.index_cast %swap3A_411 : i32 to index
    %swap3A_413 = arith.constant 96 : index
    %swap3A_414 = tpu.vector_load %arg5[%swap3A_412, %swap3A_413] {strides = array<i32>} : memref<4x128xi32, #tpu.memory_space<vmem>>, vector<1x16xi32>,
    %swap3A_415 = vector.shape_cast %swap3A_414 : vector<1x16xi32> to vector<16xi32>
    %swap3A_416 = vector.shape_cast %or3A_410 : vector<16xi32> to vector<1x16xi32>
    tpu.vector_store %arg5[%swap3A_412, %swap3A_413], %swap3A_416 {strides = array<i32>} : memref<4x128xi32, #tpu.memory_space<vmem>>, vector<1x16xi32>,
    %get3A_417 = arith.constant 1 : i32
    %get3A_418 = arith.index_cast %get3A_417 : i32 to index
    %get3A_419 = arith.constant 112 : index
    %get3A_420 = tpu.vector_load %arg5[%get3A_418, %get3A_419] {strides = array<i32>} : memref<4x128xi32, #tpu.memory_space<vmem>>, vector<1x16xi32>,
    %get3A_421 = vector.shape_cast %get3A_420 : vector<1x16xi32> to vector<16xi32>
    %and3A_422 = arith.constant -8192 : i32
    %and3A_423 = vector.broadcast %and3A_422 : i32 to vector<16xi32>
    %and3A_424 = arith.andi %get3A_421, %and3A_423 : vector<16xi32>
    %and3A_425 = arith.constant 2047 : i32
    %and3A_426 = vector.broadcast %and3A_425 : i32 to vector<16xi32>
    %and3A_427 = arith.andi %get3A_421, %and3A_426 : vector<16xi32>
    %shift_left3A_428 = arith.constant 2 : i32
    %shift_left3A_429 = vector.broadcast %shift_left3A_428 : i32 to vector<16xi32>
    %shift_left3A_430 = arith.shli %and3A_427, %shift_left3A_429 : vector<16xi32>
    %or3A_431 = arith.ori %and3A_424, %shift_left3A_430 : vector<16xi32>
    %shift_right_logical3A_432 = arith.constant 11 : i32
    %shift_right_logical3A_433 = vector.broadcast %shift_right_logical3A_432 : i32 to vector<16xi32>
    %shift_right_logical3A_434 = arith.shrui %get3A_421, %shift_right_logical3A_433 : vector<16xi32>
    %and3A_435 = arith.constant 3 : i32
    %and3A_436 = vector.broadcast %and3A_435 : i32 to vector<16xi32>
    %and3A_437 = arith.andi %shift_right_logical3A_434, %and3A_436 : vector<16xi32>
    %or3A_438 = arith.ori %or3A_431, %and3A_437 : vector<16xi32>
    %swap3A_439 = arith.constant 1 : i32
    %swap3A_440 = arith.index_cast %swap3A_439 : i32 to index
    %swap3A_441 = arith.constant 112 : index
    %swap3A_442 = tpu.vector_load %arg5[%swap3A_440, %swap3A_441] {strides = array<i32>} : memref<4x128xi32, #tpu.memory_space<vmem>>, vector<1x16xi32>,
    %swap3A_443 = vector.shape_cast %swap3A_442 : vector<1x16xi32> to vector<16xi32>
    %swap3A_444 = vector.shape_cast %or3A_438 : vector<16xi32> to vector<1x16xi32>
    tpu.vector_store %arg5[%swap3A_440, %swap3A_441], %swap3A_444 {strides = array<i32>} : memref<4x128xi32, #tpu.memory_space<vmem>>, vector<1x16xi32>,
    %get3A_445 = arith.constant 2 : i32
    %get3A_446 = arith.index_cast %get3A_445 : i32 to index
    %get3A_447 = arith.constant 0 : index
    %get3A_448 = tpu.vector_load %arg5[%get3A_446, %get3A_447] {strides = array<i32>} : memref<4x128xi32, #tpu.memory_space<vmem>>, vector<1x16xi32>,
    %get3A_449 = vector.shape_cast %get3A_448 : vector<1x16xi32> to vector<16xi32>
    %and3A_450 = arith.constant -8192 : i32
    %and3A_451 = vector.broadcast %and3A_450 : i32 to vector<16xi32>
    %and3A_452 = arith.andi %get3A_449, %and3A_451 : vector<16xi32>
    %and3A_453 = arith.constant 2047 : i32
    %and3A_454 = vector.broadcast %and3A_453 : i32 to vector<16xi32>
    %and3A_455 = arith.andi %get3A_449, %and3A_454 : vector<16xi32>
    %shift_left3A_456 = arith.constant 2 : i32
    %shift_left3A_457 = vector.broadcast %shift_left3A_456 : i32 to vector<16xi32>
    %shift_left3A_458 = arith.shli %and3A_455, %shift_left3A_457 : vector<16xi32>
    %or3A_459 = arith.ori %and3A_452, %shift_left3A_458 : vector<16xi32>
    %shift_right_logical3A_460 = arith.constant 11 : i32
    %shift_right_logical3A_461 = vector.broadcast %shift_right_logical3A_460 : i32 to vector<16xi32>
    %shift_right_logical3A_462 = arith.shrui %get3A_449, %shift_right_logical3A_461 : vector<16xi32>
    %and3A_463 = arith.constant 3 : i32
    %and3A_464 = vector.broadcast %and3A_463 : i32 to vector<16xi32>
    %and3A_465 = arith.andi %shift_right_logical3A_462, %and3A_464 : vector<16xi32>
    %or3A_466 = arith.ori %or3A_459, %and3A_465 : vector<16xi32>
    %swap3A_467 = arith.constant 2 : i32
    %swap3A_468 = arith.index_cast %swap3A_467 : i32 to index
    %swap3A_469 = arith.constant 0 : index
    %swap3A_470 = tpu.vector_load %arg5[%swap3A_468, %swap3A_469] {strides = array<i32>} : memref<4x128xi32, #tpu.memory_space<vmem>>, vector<1x16xi32>,
    %swap3A_471 = vector.shape_cast %swap3A_470 : vector<1x16xi32> to vector<16xi32>
    %swap3A_472 = vector.shape_cast %or3A_466 : vector<16xi32> to vector<1x16xi32>
    tpu.vector_store %arg5[%swap3A_468, %swap3A_469], %swap3A_472 {strides = array<i32>} : memref<4x128xi32, #tpu.memory_space<vmem>>, vector<1x16xi32>,
    %get3A_473 = arith.constant 2 : i32
    %get3A_474 = arith.index_cast %get3A_473 : i32 to index
    %get3A_475 = arith.constant 16 : index
    %get3A_476 = tpu.vector_load %arg5[%get3A_474, %get3A_475] {strides = array<i32>} : memref<4x128xi32, #tpu.memory_space<vmem>>, vector<1x16xi32>,
    %get3A_477 = vector.shape_cast %get3A_476 : vector<1x16xi32> to vector<16xi32>
    %and3A_478 = arith.constant -8192 : i32
    %and3A_479 = vector.broadcast %and3A_478 : i32 to vector<16xi32>
    %and3A_480 = arith.andi %get3A_477, %and3A_479 : vector<16xi32>
    %and3A_481 = arith.constant 2047 : i32
    %and3A_482 = vector.broadcast %and3A_481 : i32 to vector<16xi32>
    %and3A_483 = arith.andi %get3A_477, %and3A_482 : vector<16xi32>
    %shift_left3A_484 = arith.constant 2 : i32
    %shift_left3A_485 = vector.broadcast %shift_left3A_484 : i32 to vector<16xi32>
    %shift_left3A_486 = arith.shli %and3A_483, %shift_left3A_485 : vector<16xi32>
    %or3A_487 = arith.ori %and3A_480, %shift_left3A_486 : vector<16xi32>
    %shift_right_logical3A_488 = arith.constant 11 : i32
    %shift_right_logical3A_489 = vector.broadcast %shift_right_logical3A_488 : i32 to vector<16xi32>
    %shift_right_logical3A_490 = arith.shrui %get3A_477, %shift_right_logical3A_489 : vector<16xi32>
    %and3A_491 = arith.constant 3 : i32
    %and3A_492 = vector.broadcast %and3A_491 : i32 to vector<16xi32>
    %and3A_493 = arith.andi %shift_right_logical3A_490, %and3A_492 : vector<16xi32>
    %or3A_494 = arith.ori %or3A_487, %and3A_493 : vector<16xi32>
    %swap3A_495 = arith.constant 2 : i32
    %swap3A_496 = arith.index_cast %swap3A_495 : i32 to index
    %swap3A_497 = arith.constant 16 : index
    %swap3A_498 = tpu.vector_load %arg5[%swap3A_496, %swap3A_497] {strides = array<i32>} : memref<4x128xi32, #tpu.memory_space<vmem>>, vector<1x16xi32>,
    %swap3A_499 = vector.shape_cast %swap3A_498 : vector<1x16xi32> to vector<16xi32>
    %swap3A_500 = vector.shape_cast %or3A_494 : vector<16xi32> to vector<1x16xi32>
    tpu.vector_store %arg5[%swap3A_496, %swap3A_497], %swap3A_500 {strides = array<i32>} : memref<4x128xi32, #tpu.memory_space<vmem>>, vector<1x16xi32>,
    %get3A_501 = arith.constant 2 : i32
    %get3A_502 = arith.index_cast %get3A_501 : i32 to index
    %get3A_503 = arith.constant 32 : index
    %get3A_504 = tpu.vector_load %arg5[%get3A_502, %get3A_503] {strides = array<i32>} : memref<4x128xi32, #tpu.memory_space<vmem>>, vector<1x16xi32>,
    %get3A_505 = vector.shape_cast %get3A_504 : vector<1x16xi32> to vector<16xi32>
    %and3A_506 = arith.constant -8192 : i32
    %and3A_507 = vector.broadcast %and3A_506 : i32 to vector<16xi32>
    %and3A_508 = arith.andi %get3A_505, %and3A_507 : vector<16xi32>
    %and3A_509 = arith.constant 2047 : i32
    %and3A_510 = vector.broadcast %and3A_509 : i32 to vector<16xi32>
    %and3A_511 = arith.andi %get3A_505, %and3A_510 : vector<16xi32>
    %shift_left3A_512 = arith.constant 2 : i32
    %shift_left3A_513 = vector.broadcast %shift_left3A_512 : i32 to vector<16xi32>
    %shift_left3A_514 = arith.shli %and3A_511, %shift_left3A_513 : vector<16xi32>
    %or3A_515 = arith.ori %and3A_508, %shift_left3A_514 : vector<16xi32>
    %shift_right_logical3A_516 = arith.constant 11 : i32
    %shift_right_logical3A_517 = vector.broadcast %shift_right_logical3A_516 : i32 to vector<16xi32>
    %shift_right_logical3A_518 = arith.shrui %get3A_505, %shift_right_logical3A_517 : vector<16xi32>
    %and3A_519 = arith.constant 3 : i32
    %and3A_520 = vector.broadcast %and3A_519 : i32 to vector<16xi32>
    %and3A_521 = arith.andi %shift_right_logical3A_518, %and3A_520 : vector<16xi32>
    %or3A_522 = arith.ori %or3A_515, %and3A_521 : vector<16xi32>
    %swap3A_523 = arith.constant 2 : i32
    %swap3A_524 = arith.index_cast %swap3A_523 : i32 to index
    %swap3A_525 = arith.constant 32 : index
    %swap3A_526 = tpu.vector_load %arg5[%swap3A_524, %swap3A_525] {strides = array<i32>} : memref<4x128xi32, #tpu.memory_space<vmem>>, vector<1x16xi32>,
    %swap3A_527 = vector.shape_cast %swap3A_526 : vector<1x16xi32> to vector<16xi32>
    %swap3A_528 = vector.shape_cast %or3A_522 : vector<16xi32> to vector<1x16xi32>
    tpu.vector_store %arg5[%swap3A_524, %swap3A_525], %swap3A_528 {strides = array<i32>} : memref<4x128xi32, #tpu.memory_space<vmem>>, vector<1x16xi32>,
    %get3A_529 = arith.constant 2 : i32
    %get3A_530 = arith.index_cast %get3A_529 : i32 to index
    %get3A_531 = arith.constant 48 : index
    %get3A_532 = tpu.vector_load %arg5[%get3A_530, %get3A_531] {strides = array<i32>} : memref<4x128xi32, #tpu.memory_space<vmem>>, vector<1x16xi32>,
    %get3A_533 = vector.shape_cast %get3A_532 : vector<1x16xi32> to vector<16xi32>
    %and3A_534 = arith.constant -8192 : i32
    %and3A_535 = vector.broadcast %and3A_534 : i32 to vector<16xi32>
    %and3A_536 = arith.andi %get3A_533, %and3A_535 : vector<16xi32>
    %and3A_537 = arith.constant 2047 : i32
    %and3A_538 = vector.broadcast %and3A_537 : i32 to vector<16xi32>
    %and3A_539 = arith.andi %get3A_533, %and3A_538 : vector<16xi32>
    %shift_left3A_540 = arith.constant 2 : i32
    %shift_left3A_541 = vector.broadcast %shift_left3A_540 : i32 to vector<16xi32>
    %shift_left3A_542 = arith.shli %and3A_539, %shift_left3A_541 : vector<16xi32>
    %or3A_543 = arith.ori %and3A_536, %shift_left3A_542 : vector<16xi32>
    %shift_right_logical3A_544 = arith.constant 11 : i32
    %shift_right_logical3A_545 = vector.broadcast %shift_right_logical3A_544 : i32 to vector<16xi32>
    %shift_right_logical3A_546 = arith.shrui %get3A_533, %shift_right_logical3A_545 : vector<16xi32>
    %and3A_547 = arith.constant 3 : i32
    %and3A_548 = vector.broadcast %and3A_547 : i32 to vector<16xi32>
    %and3A_549 = arith.andi %shift_right_logical3A_546, %and3A_548 : vector<16xi32>
    %or3A_550 = arith.ori %or3A_543, %and3A_549 : vector<16xi32>
    %swap3A_551 = arith.constant 2 : i32
    %swap3A_552 = arith.index_cast %swap3A_551 : i32 to index
    %swap3A_553 = arith.constant 48 : index
    %swap3A_554 = tpu.vector_load %arg5[%swap3A_552, %swap3A_553] {strides = array<i32>} : memref<4x128xi32, #tpu.memory_space<vmem>>, vector<1x16xi32>,
    %swap3A_555 = vector.shape_cast %swap3A_554 : vector<1x16xi32> to vector<16xi32>
    %swap3A_556 = vector.shape_cast %or3A_550 : vector<16xi32> to vector<1x16xi32>
    tpu.vector_store %arg5[%swap3A_552, %swap3A_553], %swap3A_556 {strides = array<i32>} : memref<4x128xi32, #tpu.memory_space<vmem>>, vector<1x16xi32>,
    %get3A_557 = arith.constant 2 : i32
    %get3A_558 = arith.index_cast %get3A_557 : i32 to index
    %get3A_559 = arith.constant 64 : index
    %get3A_560 = tpu.vector_load %arg5[%get3A_558, %get3A_559] {strides = array<i32>} : memref<4x128xi32, #tpu.memory_space<vmem>>, vector<1x16xi32>,
    %get3A_561 = vector.shape_cast %get3A_560 : vector<1x16xi32> to vector<16xi32>
    %and3A_562 = arith.constant -8192 : i32
    %and3A_563 = vector.broadcast %and3A_562 : i32 to vector<16xi32>
    %and3A_564 = arith.andi %get3A_561, %and3A_563 : vector<16xi32>
    %and3A_565 = arith.constant 2047 : i32
    %and3A_566 = vector.broadcast %and3A_565 : i32 to vector<16xi32>
    %and3A_567 = arith.andi %get3A_561, %and3A_566 : vector<16xi32>
    %shift_left3A_568 = arith.constant 2 : i32
    %shift_left3A_569 = vector.broadcast %shift_left3A_568 : i32 to vector<16xi32>
    %shift_left3A_570 = arith.shli %and3A_567, %shift_left3A_569 : vector<16xi32>
    %or3A_571 = arith.ori %and3A_564, %shift_left3A_570 : vector<16xi32>
    %shift_right_logical3A_572 = arith.constant 11 : i32
    %shift_right_logical3A_573 = vector.broadcast %shift_right_logical3A_572 : i32 to vector<16xi32>
    %shift_right_logical3A_574 = arith.shrui %get3A_561, %shift_right_logical3A_573 : vector<16xi32>
    %and3A_575 = arith.constant 3 : i32
    %and3A_576 = vector.broadcast %and3A_575 : i32 to vector<16xi32>
    %and3A_577 = arith.andi %shift_right_logical3A_574, %and3A_576 : vector<16xi32>
    %or3A_578 = arith.ori %or3A_571, %and3A_577 : vector<16xi32>
    %swap3A_579 = arith.constant 2 : i32
    %swap3A_580 = arith.index_cast %swap3A_579 : i32 to index
    %swap3A_581 = arith.constant 64 : index
    %swap3A_582 = tpu.vector_load %arg5[%swap3A_580, %swap3A_581] {strides = array<i32>} : memref<4x128xi32, #tpu.memory_space<vmem>>, vector<1x16xi32>,
    %swap3A_583 = vector.shape_cast %swap3A_582 : vector<1x16xi32> to vector<16xi32>
    %swap3A_584 = vector.shape_cast %or3A_578 : vector<16xi32> to vector<1x16xi32>
    tpu.vector_store %arg5[%swap3A_580, %swap3A_581], %swap3A_584 {strides = array<i32>} : memref<4x128xi32, #tpu.memory_space<vmem>>, vector<1x16xi32>,
    %get3A_585 = arith.constant 2 : i32
    %get3A_586 = arith.index_cast %get3A_585 : i32 to index
    %get3A_587 = arith.constant 80 : index
    %get3A_588 = tpu.vector_load %arg5[%get3A_586, %get3A_587] {strides = array<i32>} : memref<4x128xi32, #tpu.memory_space<vmem>>, vector<1x16xi32>,
    %get3A_589 = vector.shape_cast %get3A_588 : vector<1x16xi32> to vector<16xi32>
    %and3A_590 = arith.constant -8192 : i32
    %and3A_591 = vector.broadcast %and3A_590 : i32 to vector<16xi32>
    %and3A_592 = arith.andi %get3A_589, %and3A_591 : vector<16xi32>
    %and3A_593 = arith.constant 2047 : i32
    %and3A_594 = vector.broadcast %and3A_593 : i32 to vector<16xi32>
    %and3A_595 = arith.andi %get3A_589, %and3A_594 : vector<16xi32>
    %shift_left3A_596 = arith.constant 2 : i32
    %shift_left3A_597 = vector.broadcast %shift_left3A_596 : i32 to vector<16xi32>
    %shift_left3A_598 = arith.shli %and3A_595, %shift_left3A_597 : vector<16xi32>
    %or3A_599 = arith.ori %and3A_592, %shift_left3A_598 : vector<16xi32>
    %shift_right_logical3A_600 = arith.constant 11 : i32
    %shift_right_logical3A_601 = vector.broadcast %shift_right_logical3A_600 : i32 to vector<16xi32>
    %shift_right_logical3A_602 = arith.shrui %get3A_589, %shift_right_logical3A_601 : vector<16xi32>
    %and3A_603 = arith.constant 3 : i32
    %and3A_604 = vector.broadcast %and3A_603 : i32 to vector<16xi32>
    %and3A_605 = arith.andi %shift_right_logical3A_602, %and3A_604 : vector<16xi32>
    %or3A_606 = arith.ori %or3A_599, %and3A_605 : vector<16xi32>
    %swap3A_607 = arith.constant 2 : i32
    %swap3A_608 = arith.index_cast %swap3A_607 : i32 to index
    %swap3A_609 = arith.constant 80 : index
    %swap3A_610 = tpu.vector_load %arg5[%swap3A_608, %swap3A_609] {strides = array<i32>} : memref<4x128xi32, #tpu.memory_space<vmem>>, vector<1x16xi32>,
    %swap3A_611 = vector.shape_cast %swap3A_610 : vector<1x16xi32> to vector<16xi32>
    %swap3A_612 = vector.shape_cast %or3A_606 : vector<16xi32> to vector<1x16xi32>
    tpu.vector_store %arg5[%swap3A_608, %swap3A_609], %swap3A_612 {strides = array<i32>} : memref<4x128xi32, #tpu.memory_space<vmem>>, vector<1x16xi32>,
    %get3A_613 = arith.constant 2 : i32
    %get3A_614 = arith.index_cast %get3A_613 : i32 to index
    %get3A_615 = arith.constant 96 : index
    %get3A_616 = tpu.vector_load %arg5[%get3A_614, %get3A_615] {strides = array<i32>} : memref<4x128xi32, #tpu.memory_space<vmem>>, vector<1x16xi32>,
    %get3A_617 = vector.shape_cast %get3A_616 : vector<1x16xi32> to vector<16xi32>
    %and3A_618 = arith.constant -8192 : i32
    %and3A_619 = vector.broadcast %and3A_618 : i32 to vector<16xi32>
    %and3A_620 = arith.andi %get3A_617, %and3A_619 : vector<16xi32>
    %and3A_621 = arith.constant 2047 : i32
    %and3A_622 = vector.broadcast %and3A_621 : i32 to vector<16xi32>
    %and3A_623 = arith.andi %get3A_617, %and3A_622 : vector<16xi32>
    %shift_left3A_624 = arith.constant 2 : i32
    %shift_left3A_625 = vector.broadcast %shift_left3A_624 : i32 to vector<16xi32>
    %shift_left3A_626 = arith.shli %and3A_623, %shift_left3A_625 : vector<16xi32>
    %or3A_627 = arith.ori %and3A_620, %shift_left3A_626 : vector<16xi32>
    %shift_right_logical3A_628 = arith.constant 11 : i32
    %shift_right_logical3A_629 = vector.broadcast %shift_right_logical3A_628 : i32 to vector<16xi32>
    %shift_right_logical3A_630 = arith.shrui %get3A_617, %shift_right_logical3A_629 : vector<16xi32>
    %and3A_631 = arith.constant 3 : i32
    %and3A_632 = vector.broadcast %and3A_631 : i32 to vector<16xi32>
    %and3A_633 = arith.andi %shift_right_logical3A_630, %and3A_632 : vector<16xi32>
    %or3A_634 = arith.ori %or3A_627, %and3A_633 : vector<16xi32>
    %swap3A_635 = arith.constant 2 : i32
    %swap3A_636 = arith.index_cast %swap3A_635 : i32 to index
    %swap3A_637 = arith.constant 96 : index
    %swap3A_638 = tpu.vector_load %arg5[%swap3A_636, %swap3A_637] {strides = array<i32>} : memref<4x128xi32, #tpu.memory_space<vmem>>, vector<1x16xi32>,
    %swap3A_639 = vector.shape_cast %swap3A_638 : vector<1x16xi32> to vector<16xi32>
    %swap3A_640 = vector.shape_cast %or3A_634 : vector<16xi32> to vector<1x16xi32>
    tpu.vector_store %arg5[%swap3A_636, %swap3A_637], %swap3A_640 {strides = array<i32>} : memref<4x128xi32, #tpu.memory_space<vmem>>, vector<1x16xi32>,
    %get3A_641 = arith.constant 2 : i32
    %get3A_642 = arith.index_cast %get3A_641 : i32 to index
    %get3A_643 = arith.constant 112 : index
    %get3A_644 = tpu.vector_load %arg5[%get3A_642, %get3A_643] {strides = array<i32>} : memref<4x128xi32, #tpu.memory_space<vmem>>, vector<1x16xi32>,
    %get3A_645 = vector.shape_cast %get3A_644 : vector<1x16xi32> to vector<16xi32>
    %and3A_646 = arith.constant -8192 : i32
    %and3A_647 = vector.broadcast %and3A_646 : i32 to vector<16xi32>
    %and3A_648 = arith.andi %get3A_645, %and3A_647 : vector<16xi32>
    %and3A_649 = arith.constant 2047 : i32
    %and3A_650 = vector.broadcast %and3A_649 : i32 to vector<16xi32>
    %and3A_651 = arith.andi %get3A_645, %and3A_650 : vector<16xi32>
    %shift_left3A_652 = arith.constant 2 : i32
    %shift_left3A_653 = vector.broadcast %shift_left3A_652 : i32 to vector<16xi32>
    %shift_left3A_654 = arith.shli %and3A_651, %shift_left3A_653 : vector<16xi32>
    %or3A_655 = arith.ori %and3A_648, %shift_left3A_654 : vector<16xi32>
    %shift_right_logical3A_656 = arith.constant 11 : i32
    %shift_right_logical3A_657 = vector.broadcast %shift_right_logical3A_656 : i32 to vector<16xi32>
    %shift_right_logical3A_658 = arith.shrui %get3A_645, %shift_right_logical3A_657 : vector<16xi32>
    %and3A_659 = arith.constant 3 : i32
    %and3A_660 = vector.broadcast %and3A_659 : i32 to vector<16xi32>
    %and3A_661 = arith.andi %shift_right_logical3A_658, %and3A_660 : vector<16xi32>
    %or3A_662 = arith.ori %or3A_655, %and3A_661 : vector<16xi32>
    %swap3A_663 = arith.constant 2 : i32
    %swap3A_664 = arith.index_cast %swap3A_663 : i32 to index
    %swap3A_665 = arith.constant 112 : index
    %swap3A_666 = tpu.vector_load %arg5[%swap3A_664, %swap3A_665] {strides = array<i32>} : memref<4x128xi32, #tpu.memory_space<vmem>>, vector<1x16xi32>,
    %swap3A_667 = vector.shape_cast %swap3A_666 : vector<1x16xi32> to vector<16xi32>
    %swap3A_668 = vector.shape_cast %or3A_662 : vector<16xi32> to vector<1x16xi32>
    tpu.vector_store %arg5[%swap3A_664, %swap3A_665], %swap3A_668 {strides = array<i32>} : memref<4x128xi32, #tpu.memory_space<vmem>>, vector<1x16xi32>,
    %get3A_669 = arith.constant 3 : i32
    %get3A_670 = arith.index_cast %get3A_669 : i32 to index
    %get3A_671 = arith.constant 0 : index
    %get3A_672 = tpu.vector_load %arg5[%get3A_670, %get3A_671] {strides = array<i32>} : memref<4x128xi32, #tpu.memory_space<vmem>>, vector<1x16xi32>,
    %get3A_673 = vector.shape_cast %get3A_672 : vector<1x16xi32> to vector<16xi32>
    %and3A_674 = arith.constant -8192 : i32
    %and3A_675 = vector.broadcast %and3A_674 : i32 to vector<16xi32>
    %and3A_676 = arith.andi %get3A_673, %and3A_675 : vector<16xi32>
    %and3A_677 = arith.constant 2047 : i32
    %and3A_678 = vector.broadcast %and3A_677 : i32 to vector<16xi32>
    %and3A_679 = arith.andi %get3A_673, %and3A_678 : vector<16xi32>
    %shift_left3A_680 = arith.constant 2 : i32
    %shift_left3A_681 = vector.broadcast %shift_left3A_680 : i32 to vector<16xi32>
    %shift_left3A_682 = arith.shli %and3A_679, %shift_left3A_681 : vector<16xi32>
    %or3A_683 = arith.ori %and3A_676, %shift_left3A_682 : vector<16xi32>
    %shift_right_logical3A_684 = arith.constant 11 : i32
    %shift_right_logical3A_685 = vector.broadcast %shift_right_logical3A_684 : i32 to vector<16xi32>
    %shift_right_logical3A_686 = arith.shrui %get3A_673, %shift_right_logical3A_685 : vector<16xi32>
    %and3A_687 = arith.constant 3 : i32
    %and3A_688 = vector.broadcast %and3A_687 : i32 to vector<16xi32>
    %and3A_689 = arith.andi %shift_right_logical3A_686, %and3A_688 : vector<16xi32>
    %or3A_690 = arith.ori %or3A_683, %and3A_689 : vector<16xi32>
    %swap3A_691 = arith.constant 3 : i32
    %swap3A_692 = arith.index_cast %swap3A_691 : i32 to index
    %swap3A_693 = arith.constant 0 : index
    %swap3A_694 = tpu.vector_load %arg5[%swap3A_692, %swap3A_693] {strides = array<i32>} : memref<4x128xi32, #tpu.memory_space<vmem>>, vector<1x16xi32>,
    %swap3A_695 = vector.shape_cast %swap3A_694 : vector<1x16xi32> to vector<16xi32>
    %swap3A_696 = vector.shape_cast %or3A_690 : vector<16xi32> to vector<1x16xi32>
    tpu.vector_store %arg5[%swap3A_692, %swap3A_693], %swap3A_696 {strides = array<i32>} : memref<4x128xi32, #tpu.memory_space<vmem>>, vector<1x16xi32>,
    %get3A_697 = arith.constant 3 : i32
    %get3A_698 = arith.index_cast %get3A_697 : i32 to index
    %get3A_699 = arith.constant 16 : index
    %get3A_700 = tpu.vector_load %arg5[%get3A_698, %get3A_699] {strides = array<i32>} : memref<4x128xi32, #tpu.memory_space<vmem>>, vector<1x16xi32>,
    %get3A_701 = vector.shape_cast %get3A_700 : vector<1x16xi32> to vector<16xi32>
    %and3A_702 = arith.constant -8192 : i32
    %and3A_703 = vector.broadcast %and3A_702 : i32 to vector<16xi32>
    %and3A_704 = arith.andi %get3A_701, %and3A_703 : vector<16xi32>
    %and3A_705 = arith.constant 2047 : i32
    %and3A_706 = vector.broadcast %and3A_705 : i32 to vector<16xi32>
    %and3A_707 = arith.andi %get3A_701, %and3A_706 : vector<16xi32>
    %shift_left3A_708 = arith.constant 2 : i32
    %shift_left3A_709 = vector.broadcast %shift_left3A_708 : i32 to vector<16xi32>
    %shift_left3A_710 = arith.shli %and3A_707, %shift_left3A_709 : vector<16xi32>
    %or3A_711 = arith.ori %and3A_704, %shift_left3A_710 : vector<16xi32>
    %shift_right_logical3A_712 = arith.constant 11 : i32
    %shift_right_logical3A_713 = vector.broadcast %shift_right_logical3A_712 : i32 to vector<16xi32>
    %shift_right_logical3A_714 = arith.shrui %get3A_701, %shift_right_logical3A_713 : vector<16xi32>
    %and3A_715 = arith.constant 3 : i32
    %and3A_716 = vector.broadcast %and3A_715 : i32 to vector<16xi32>
    %and3A_717 = arith.andi %shift_right_logical3A_714, %and3A_716 : vector<16xi32>
    %or3A_718 = arith.ori %or3A_711, %and3A_717 : vector<16xi32>
    %swap3A_719 = arith.constant 3 : i32
    %swap3A_720 = arith.index_cast %swap3A_719 : i32 to index
    %swap3A_721 = arith.constant 16 : index
    %swap3A_722 = tpu.vector_load %arg5[%swap3A_720, %swap3A_721] {strides = array<i32>} : memref<4x128xi32, #tpu.memory_space<vmem>>, vector<1x16xi32>,
    %swap3A_723 = vector.shape_cast %swap3A_722 : vector<1x16xi32> to vector<16xi32>
    %swap3A_724 = vector.shape_cast %or3A_718 : vector<16xi32> to vector<1x16xi32>
    tpu.vector_store %arg5[%swap3A_720, %swap3A_721], %swap3A_724 {strides = array<i32>} : memref<4x128xi32, #tpu.memory_space<vmem>>, vector<1x16xi32>,
    %get3A_725 = arith.constant 3 : i32
    %get3A_726 = arith.index_cast %get3A_725 : i32 to index
    %get3A_727 = arith.constant 32 : index
    %get3A_728 = tpu.vector_load %arg5[%get3A_726, %get3A_727] {strides = array<i32>} : memref<4x128xi32, #tpu.memory_space<vmem>>, vector<1x16xi32>,
    %get3A_729 = vector.shape_cast %get3A_728 : vector<1x16xi32> to vector<16xi32>
    %and3A_730 = arith.constant -8192 : i32
    %and3A_731 = vector.broadcast %and3A_730 : i32 to vector<16xi32>
    %and3A_732 = arith.andi %get3A_729, %and3A_731 : vector<16xi32>
    %and3A_733 = arith.constant 2047 : i32
    %and3A_734 = vector.broadcast %and3A_733 : i32 to vector<16xi32>
    %and3A_735 = arith.andi %get3A_729, %and3A_734 : vector<16xi32>
    %shift_left3A_736 = arith.constant 2 : i32
    %shift_left3A_737 = vector.broadcast %shift_left3A_736 : i32 to vector<16xi32>
    %shift_left3A_738 = arith.shli %and3A_735, %shift_left3A_737 : vector<16xi32>
    %or3A_739 = arith.ori %and3A_732, %shift_left3A_738 : vector<16xi32>
    %shift_right_logical3A_740 = arith.constant 11 : i32
    %shift_right_logical3A_741 = vector.broadcast %shift_right_logical3A_740 : i32 to vector<16xi32>
    %shift_right_logical3A_742 = arith.shrui %get3A_729, %shift_right_logical3A_741 : vector<16xi32>
    %and3A_743 = arith.constant 3 : i32
    %and3A_744 = vector.broadcast %and3A_743 : i32 to vector<16xi32>
    %and3A_745 = arith.andi %shift_right_logical3A_742, %and3A_744 : vector<16xi32>
    %or3A_746 = arith.ori %or3A_739, %and3A_745 : vector<16xi32>
    %swap3A_747 = arith.constant 3 : i32
    %swap3A_748 = arith.index_cast %swap3A_747 : i32 to index
    %swap3A_749 = arith.constant 32 : index
    %swap3A_750 = tpu.vector_load %arg5[%swap3A_748, %swap3A_749] {strides = array<i32>} : memref<4x128xi32, #tpu.memory_space<vmem>>, vector<1x16xi32>,
    %swap3A_751 = vector.shape_cast %swap3A_750 : vector<1x16xi32> to vector<16xi32>
    %swap3A_752 = vector.shape_cast %or3A_746 : vector<16xi32> to vector<1x16xi32>
    tpu.vector_store %arg5[%swap3A_748, %swap3A_749], %swap3A_752 {strides = array<i32>} : memref<4x128xi32, #tpu.memory_space<vmem>>, vector<1x16xi32>,
    %get3A_753 = arith.constant 3 : i32
    %get3A_754 = arith.index_cast %get3A_753 : i32 to index
    %get3A_755 = arith.constant 48 : index
    %get3A_756 = tpu.vector_load %arg5[%get3A_754, %get3A_755] {strides = array<i32>} : memref<4x128xi32, #tpu.memory_space<vmem>>, vector<1x16xi32>,
    %get3A_757 = vector.shape_cast %get3A_756 : vector<1x16xi32> to vector<16xi32>
    %and3A_758 = arith.constant -8192 : i32
    %and3A_759 = vector.broadcast %and3A_758 : i32 to vector<16xi32>
    %and3A_760 = arith.andi %get3A_757, %and3A_759 : vector<16xi32>
    %and3A_761 = arith.constant 2047 : i32
    %and3A_762 = vector.broadcast %and3A_761 : i32 to vector<16xi32>
    %and3A_763 = arith.andi %get3A_757, %and3A_762 : vector<16xi32>
    %shift_left3A_764 = arith.constant 2 : i32
    %shift_left3A_765 = vector.broadcast %shift_left3A_764 : i32 to vector<16xi32>
    %shift_left3A_766 = arith.shli %and3A_763, %shift_left3A_765 : vector<16xi32>
    %or3A_767 = arith.ori %and3A_760, %shift_left3A_766 : vector<16xi32>
    %shift_right_logical3A_768 = arith.constant 11 : i32
    %shift_right_logical3A_769 = vector.broadcast %shift_right_logical3A_768 : i32 to vector<16xi32>
    %shift_right_logical3A_770 = arith.shrui %get3A_757, %shift_right_logical3A_769 : vector<16xi32>
    %and3A_771 = arith.constant 3 : i32
    %and3A_772 = vector.broadcast %and3A_771 : i32 to vector<16xi32>
    %and3A_773 = arith.andi %shift_right_logical3A_770, %and3A_772 : vector<16xi32>
    %or3A_774 = arith.ori %or3A_767, %and3A_773 : vector<16xi32>
    %swap3A_775 = arith.constant 3 : i32
    %swap3A_776 = arith.index_cast %swap3A_775 : i32 to index
    %swap3A_777 = arith.constant 48 : index
    %swap3A_778 = tpu.vector_load %arg5[%swap3A_776, %swap3A_777] {strides = array<i32>} : memref<4x128xi32, #tpu.memory_space<vmem>>, vector<1x16xi32>,
    %swap3A_779 = vector.shape_cast %swap3A_778 : vector<1x16xi32> to vector<16xi32>
    %swap3A_780 = vector.shape_cast %or3A_774 : vector<16xi32> to vector<1x16xi32>
    tpu.vector_store %arg5[%swap3A_776, %swap3A_777], %swap3A_780 {strides = array<i32>} : memref<4x128xi32, #tpu.memory_space<vmem>>, vector<1x16xi32>,
    %get3A_781 = arith.constant 3 : i32
    %get3A_782 = arith.index_cast %get3A_781 : i32 to index
    %get3A_783 = arith.constant 64 : index
    %get3A_784 = tpu.vector_load %arg5[%get3A_782, %get3A_783] {strides = array<i32>} : memref<4x128xi32, #tpu.memory_space<vmem>>, vector<1x16xi32>,
    %get3A_785 = vector.shape_cast %get3A_784 : vector<1x16xi32> to vector<16xi32>
    %and3A_786 = arith.constant -8192 : i32
    %and3A_787 = vector.broadcast %and3A_786 : i32 to vector<16xi32>
    %and3A_788 = arith.andi %get3A_785, %and3A_787 : vector<16xi32>
    %and3A_789 = arith.constant 2047 : i32
    %and3A_790 = vector.broadcast %and3A_789 : i32 to vector<16xi32>
    %and3A_791 = arith.andi %get3A_785, %and3A_790 : vector<16xi32>
    %shift_left3A_792 = arith.constant 2 : i32
    %shift_left3A_793 = vector.broadcast %shift_left3A_792 : i32 to vector<16xi32>
    %shift_left3A_794 = arith.shli %and3A_791, %shift_left3A_793 : vector<16xi32>
    %or3A_795 = arith.ori %and3A_788, %shift_left3A_794 : vector<16xi32>
    %shift_right_logical3A_796 = arith.constant 11 : i32
    %shift_right_logical3A_797 = vector.broadcast %shift_right_logical3A_796 : i32 to vector<16xi32>
    %shift_right_logical3A_798 = arith.shrui %get3A_785, %shift_right_logical3A_797 : vector<16xi32>
    %and3A_799 = arith.constant 3 : i32
    %and3A_800 = vector.broadcast %and3A_799 : i32 to vector<16xi32>
    %and3A_801 = arith.andi %shift_right_logical3A_798, %and3A_800 : vector<16xi32>
    %or3A_802 = arith.ori %or3A_795, %and3A_801 : vector<16xi32>
    %swap3A_803 = arith.constant 3 : i32
    %swap3A_804 = arith.index_cast %swap3A_803 : i32 to index
    %swap3A_805 = arith.constant 64 : index
    %swap3A_806 = tpu.vector_load %arg5[%swap3A_804, %swap3A_805] {strides = array<i32>} : memref<4x128xi32, #tpu.memory_space<vmem>>, vector<1x16xi32>,
    %swap3A_807 = vector.shape_cast %swap3A_806 : vector<1x16xi32> to vector<16xi32>
    %swap3A_808 = vector.shape_cast %or3A_802 : vector<16xi32> to vector<1x16xi32>
    tpu.vector_store %arg5[%swap3A_804, %swap3A_805], %swap3A_808 {strides = array<i32>} : memref<4x128xi32, #tpu.memory_space<vmem>>, vector<1x16xi32>,
    %get3A_809 = arith.constant 3 : i32
    %get3A_810 = arith.index_cast %get3A_809 : i32 to index
    %get3A_811 = arith.constant 80 : index
    %get3A_812 = tpu.vector_load %arg5[%get3A_810, %get3A_811] {strides = array<i32>} : memref<4x128xi32, #tpu.memory_space<vmem>>, vector<1x16xi32>,
    %get3A_813 = vector.shape_cast %get3A_812 : vector<1x16xi32> to vector<16xi32>
    %and3A_814 = arith.constant -8192 : i32
    %and3A_815 = vector.broadcast %and3A_814 : i32 to vector<16xi32>
    %and3A_816 = arith.andi %get3A_813, %and3A_815 : vector<16xi32>
    %and3A_817 = arith.constant 2047 : i32
    %and3A_818 = vector.broadcast %and3A_817 : i32 to vector<16xi32>
    %and3A_819 = arith.andi %get3A_813, %and3A_818 : vector<16xi32>
    %shift_left3A_820 = arith.constant 2 : i32
    %shift_left3A_821 = vector.broadcast %shift_left3A_820 : i32 to vector<16xi32>
    %shift_left3A_822 = arith.shli %and3A_819, %shift_left3A_821 : vector<16xi32>
    %or3A_823 = arith.ori %and3A_816, %shift_left3A_822 : vector<16xi32>
    %shift_right_logical3A_824 = arith.constant 11 : i32
    %shift_right_logical3A_825 = vector.broadcast %shift_right_logical3A_824 : i32 to vector<16xi32>
    %shift_right_logical3A_826 = arith.shrui %get3A_813, %shift_right_logical3A_825 : vector<16xi32>
    %and3A_827 = arith.constant 3 : i32
    %and3A_828 = vector.broadcast %and3A_827 : i32 to vector<16xi32>
    %and3A_829 = arith.andi %shift_right_logical3A_826, %and3A_828 : vector<16xi32>
    %or3A_830 = arith.ori %or3A_823, %and3A_829 : vector<16xi32>
    %swap3A_831 = arith.constant 3 : i32
    %swap3A_832 = arith.index_cast %swap3A_831 : i32 to index
    %swap3A_833 = arith.constant 80 : index
    %swap3A_834 = tpu.vector_load %arg5[%swap3A_832, %swap3A_833] {strides = array<i32>} : memref<4x128xi32, #tpu.memory_space<vmem>>, vector<1x16xi32>,
    %swap3A_835 = vector.shape_cast %swap3A_834 : vector<1x16xi32> to vector<16xi32>
    %swap3A_836 = vector.shape_cast %or3A_830 : vector<16xi32> to vector<1x16xi32>
    tpu.vector_store %arg5[%swap3A_832, %swap3A_833], %swap3A_836 {strides = array<i32>} : memref<4x128xi32, #tpu.memory_space<vmem>>, vector<1x16xi32>,
    %get3A_837 = arith.constant 3 : i32
    %get3A_838 = arith.index_cast %get3A_837 : i32 to index
    %get3A_839 = arith.constant 96 : index
    %get3A_840 = tpu.vector_load %arg5[%get3A_838, %get3A_839] {strides = array<i32>} : memref<4x128xi32, #tpu.memory_space<vmem>>, vector<1x16xi32>,
    %get3A_841 = vector.shape_cast %get3A_840 : vector<1x16xi32> to vector<16xi32>
    %and3A_842 = arith.constant -8192 : i32
    %and3A_843 = vector.broadcast %and3A_842 : i32 to vector<16xi32>
    %and3A_844 = arith.andi %get3A_841, %and3A_843 : vector<16xi32>
    %and3A_845 = arith.constant 2047 : i32
    %and3A_846 = vector.broadcast %and3A_845 : i32 to vector<16xi32>
    %and3A_847 = arith.andi %get3A_841, %and3A_846 : vector<16xi32>
    %shift_left3A_848 = arith.constant 2 : i32
    %shift_left3A_849 = vector.broadcast %shift_left3A_848 : i32 to vector<16xi32>
    %shift_left3A_850 = arith.shli %and3A_847, %shift_left3A_849 : vector<16xi32>
    %or3A_851 = arith.ori %and3A_844, %shift_left3A_850 : vector<16xi32>
    %shift_right_logical3A_852 = arith.constant 11 : i32
    %shift_right_logical3A_853 = vector.broadcast %shift_right_logical3A_852 : i32 to vector<16xi32>
    %shift_right_logical3A_854 = arith.shrui %get3A_841, %shift_right_logical3A_853 : vector<16xi32>
    %and3A_855 = arith.constant 3 : i32
    %and3A_856 = vector.broadcast %and3A_855 : i32 to vector<16xi32>
    %and3A_857 = arith.andi %shift_right_logical3A_854, %and3A_856 : vector<16xi32>
    %or3A_858 = arith.ori %or3A_851, %and3A_857 : vector<16xi32>
    %swap3A_859 = arith.constant 3 : i32
    %swap3A_860 = arith.index_cast %swap3A_859 : i32 to index
    %swap3A_861 = arith.constant 96 : index
    %swap3A_862 = tpu.vector_load %arg5[%swap3A_860, %swap3A_861] {strides = array<i32>} : memref<4x128xi32, #tpu.memory_space<vmem>>, vector<1x16xi32>,
    %swap3A_863 = vector.shape_cast %swap3A_862 : vector<1x16xi32> to vector<16xi32>
    %swap3A_864 = vector.shape_cast %or3A_858 : vector<16xi32> to vector<1x16xi32>
    tpu.vector_store %arg5[%swap3A_860, %swap3A_861], %swap3A_864 {strides = array<i32>} : memref<4x128xi32, #tpu.memory_space<vmem>>, vector<1x16xi32>,
    %get3A_865 = arith.constant 3 : i32
    %get3A_866 = arith.index_cast %get3A_865 : i32 to index
    %get3A_867 = arith.constant 112 : index
    %get3A_868 = tpu.vector_load %arg5[%get3A_866, %get3A_867] {strides = array<i32>} : memref<4x128xi32, #tpu.memory_space<vmem>>, vector<1x16xi32>,
    %get3A_869 = vector.shape_cast %get3A_868 : vector<1x16xi32> to vector<16xi32>
    %and3A_870 = arith.constant -8192 : i32
    %and3A_871 = vector.broadcast %and3A_870 : i32 to vector<16xi32>
    %and3A_872 = arith.andi %get3A_869, %and3A_871 : vector<16xi32>
    %and3A_873 = arith.constant 2047 : i32
    %and3A_874 = vector.broadcast %and3A_873 : i32 to vector<16xi32>
    %and3A_875 = arith.andi %get3A_869, %and3A_874 : vector<16xi32>
    %shift_left3A_876 = arith.constant 2 : i32
    %shift_left3A_877 = vector.broadcast %shift_left3A_876 : i32 to vector<16xi32>
    %shift_left3A_878 = arith.shli %and3A_875, %shift_left3A_877 : vector<16xi32>
    %or3A_879 = arith.ori %and3A_872, %shift_left3A_878 : vector<16xi32>
    %shift_right_logical3A_880 = arith.constant 11 : i32
    %shift_right_logical3A_881 = vector.broadcast %shift_right_logical3A_880 : i32 to vector<16xi32>
    %shift_right_logical3A_882 = arith.shrui %get3A_869, %shift_right_logical3A_881 : vector<16xi32>
    %and3A_883 = arith.constant 3 : i32
    %and3A_884 = vector.broadcast %and3A_883 : i32 to vector<16xi32>
    %and3A_885 = arith.andi %shift_right_logical3A_882, %and3A_884 : vector<16xi32>
    %or3A_886 = arith.ori %or3A_879, %and3A_885 : vector<16xi32>
    %swap3A_887 = arith.constant 3 : i32
    %swap3A_888 = arith.index_cast %swap3A_887 : i32 to index
    %swap3A_889 = arith.constant 112 : index
    %swap3A_890 = tpu.vector_load %arg5[%swap3A_888, %swap3A_889] {strides = array<i32>} : memref<4x128xi32, #tpu.memory_space<vmem>>, vector<1x16xi32>,
    %swap3A_891 = vector.shape_cast %swap3A_890 : vector<1x16xi32> to vector<16xi32>
    %swap3A_892 = vector.shape_cast %or3A_886 : vector<16xi32> to vector<1x16xi32>
    tpu.vector_store %arg5[%swap3A_888, %swap3A_889], %swap3A_892 {strides = array<i32>} : memref<4x128xi32, #tpu.memory_space<vmem>>, vector<1x16xi32>,
    %run_scoped3A = arith.constant 0 : i32
    "tpu.region"() ({
      %run_scoped3A_898 = tpu.sem_alloc : memref<!tpu.dma_semaphore, #tpu.memory_space<semaphore_mem>>
      %dma_start3A = arith.constant 0 : i32
      %dma_start3A_899 = arith.constant 0 : i32
      %dma_start3A_900 = tpu.memref_slice %arg6[%dma_start3A, %dma_start3A_899] : memref<512x32xf32, #tpu.memory_space<vmem>> -> memref<128x32xf32, #tpu.memory_space<vmem>>
      %dma_start3A_901 = arith.constant 0 : i32
      %dma_start3A_902 = tpu.memref_slice %arg5[%run_scoped3A, %dma_start3A_901] : memref<4x128xi32, #tpu.memory_space<vmem>> -> memref<1x128xi32, #tpu.memory_space<vmem>>
      %dma_start3A_903 = tpu.memref_squeeze %dma_start3A_902 : memref<1x128xi32, #tpu.memory_space<vmem>> -> memref<128xi32, #tpu.memory_space<vmem>>
      %dma_start3A_904 = arith.constant 0 : i32
      %dma_start3A_905 = arith.constant 0 : i32
      %dma_start3A_906 = tpu.memref_slice %arg2[%dma_start3A_904, %dma_start3A_905] : memref<1007616x32xf32, #tpu.memory_space<hbm>> -> memref<1007616x32xf32, #tpu.memory_space<hbm>>
      tpu.enqueue_indirect_dma source(%dma_start3A_906 : memref<1007616x32xf32, #tpu.memory_space<hbm>>) target(%dma_start3A_900 : memref<128x32xf32, #tpu.memory_space<vmem>>) offsets(%dma_start3A_903 : memref<128xi32, #tpu.memory_space<vmem>>) semaphore(%run_scoped3A_898 : memref<!tpu.dma_semaphore, #tpu.memory_space<semaphore_mem>>)
      %dma_wait3A = arith.constant 0 : i32
      %dma_wait3A_907 = arith.constant 0 : i32
      %dma_wait3A_908 = tpu.memref_slice %arg6[%dma_wait3A, %dma_wait3A_907] : memref<512x32xf32, #tpu.memory_space<vmem>> -> memref<128x32xf32, #tpu.memory_space<vmem>>
      %dma_wait3A_909 = arith.constant 0 : i32
      %dma_wait3A_910 = tpu.memref_slice %arg5[%run_scoped3A, %dma_wait3A_909] : memref<4x128xi32, #tpu.memory_space<vmem>> -> memref<1x128xi32, #tpu.memory_space<vmem>>
      %dma_wait3A_911 = tpu.memref_squeeze %dma_wait3A_910 : memref<1x128xi32, #tpu.memory_space<vmem>> -> memref<128xi32, #tpu.memory_space<vmem>>
      %dma_wait3A_912 = arith.constant 0 : i32
      %dma_wait3A_913 = arith.constant 0 : i32
      %dma_wait3A_914 = tpu.memref_slice %arg2[%dma_wait3A_912, %dma_wait3A_913] : memref<1007616x32xf32, #tpu.memory_space<hbm>> -> memref<1007616x32xf32, #tpu.memory_space<hbm>>
      tpu.wait_indirect_dma semaphore(%run_scoped3A_898 : memref<!tpu.dma_semaphore, #tpu.memory_space<semaphore_mem>>) src(%dma_wait3A_914 : memref<1007616x32xf32, #tpu.memory_space<hbm>>) dst(%dma_wait3A_908 : memref<128x32xf32, #tpu.memory_space<vmem>>)
      tpu.yield
    }) : () -> ()
    %run_scoped3A_893 = arith.constant 1 : i32
    "tpu.region"() ({
      %run_scoped3A_898 = tpu.sem_alloc : memref<!tpu.dma_semaphore, #tpu.memory_space<semaphore_mem>>
      %dma_start3A = arith.constant 128 : i32
      %dma_start3A_899 = arith.constant 0 : i32
      %dma_start3A_900 = tpu.memref_slice %arg6[%dma_start3A, %dma_start3A_899] : memref<512x32xf32, #tpu.memory_space<vmem>> -> memref<128x32xf32, #tpu.memory_space<vmem>>
      %dma_start3A_901 = arith.constant 0 : i32
      %dma_start3A_902 = tpu.memref_slice %arg5[%run_scoped3A_893, %dma_start3A_901] : memref<4x128xi32, #tpu.memory_space<vmem>> -> memref<1x128xi32, #tpu.memory_space<vmem>>
      %dma_start3A_903 = tpu.memref_squeeze %dma_start3A_902 : memref<1x128xi32, #tpu.memory_space<vmem>> -> memref<128xi32, #tpu.memory_space<vmem>>
      %dma_start3A_904 = arith.constant 0 : i32
      %dma_start3A_905 = arith.constant 0 : i32
      %dma_start3A_906 = tpu.memref_slice %arg2[%dma_start3A_904, %dma_start3A_905] : memref<1007616x32xf32, #tpu.memory_space<hbm>> -> memref<1007616x32xf32, #tpu.memory_space<hbm>>
      tpu.enqueue_indirect_dma source(%dma_start3A_906 : memref<1007616x32xf32, #tpu.memory_space<hbm>>) target(%dma_start3A_900 : memref<128x32xf32, #tpu.memory_space<vmem>>) offsets(%dma_start3A_903 : memref<128xi32, #tpu.memory_space<vmem>>) semaphore(%run_scoped3A_898 : memref<!tpu.dma_semaphore, #tpu.memory_space<semaphore_mem>>)
      %dma_wait3A = arith.constant 128 : i32
      %dma_wait3A_907 = arith.constant 0 : i32
      %dma_wait3A_908 = tpu.memref_slice %arg6[%dma_wait3A, %dma_wait3A_907] : memref<512x32xf32, #tpu.memory_space<vmem>> -> memref<128x32xf32, #tpu.memory_space<vmem>>
      %dma_wait3A_909 = arith.constant 0 : i32
      %dma_wait3A_910 = tpu.memref_slice %arg5[%run_scoped3A_893, %dma_wait3A_909] : memref<4x128xi32, #tpu.memory_space<vmem>> -> memref<1x128xi32, #tpu.memory_space<vmem>>
      %dma_wait3A_911 = tpu.memref_squeeze %dma_wait3A_910 : memref<1x128xi32, #tpu.memory_space<vmem>> -> memref<128xi32, #tpu.memory_space<vmem>>
      %dma_wait3A_912 = arith.constant 0 : i32
      %dma_wait3A_913 = arith.constant 0 : i32
      %dma_wait3A_914 = tpu.memref_slice %arg2[%dma_wait3A_912, %dma_wait3A_913] : memref<1007616x32xf32, #tpu.memory_space<hbm>> -> memref<1007616x32xf32, #tpu.memory_space<hbm>>
      tpu.wait_indirect_dma semaphore(%run_scoped3A_898 : memref<!tpu.dma_semaphore, #tpu.memory_space<semaphore_mem>>) src(%dma_wait3A_914 : memref<1007616x32xf32, #tpu.memory_space<hbm>>) dst(%dma_wait3A_908 : memref<128x32xf32, #tpu.memory_space<vmem>>)
      tpu.yield
    }) : () -> ()
    %run_scoped3A_894 = arith.constant 2 : i32
    "tpu.region"() ({
      %run_scoped3A_898 = tpu.sem_alloc : memref<!tpu.dma_semaphore, #tpu.memory_space<semaphore_mem>>
      %dma_start3A = arith.constant 256 : i32
      %dma_start3A_899 = arith.constant 0 : i32
      %dma_start3A_900 = tpu.memref_slice %arg6[%dma_start3A, %dma_start3A_899] : memref<512x32xf32, #tpu.memory_space<vmem>> -> memref<128x32xf32, #tpu.memory_space<vmem>>
      %dma_start3A_901 = arith.constant 0 : i32
      %dma_start3A_902 = tpu.memref_slice %arg5[%run_scoped3A_894, %dma_start3A_901] : memref<4x128xi32, #tpu.memory_space<vmem>> -> memref<1x128xi32, #tpu.memory_space<vmem>>
      %dma_start3A_903 = tpu.memref_squeeze %dma_start3A_902 : memref<1x128xi32, #tpu.memory_space<vmem>> -> memref<128xi32, #tpu.memory_space<vmem>>
      %dma_start3A_904 = arith.constant 0 : i32
      %dma_start3A_905 = arith.constant 0 : i32
      %dma_start3A_906 = tpu.memref_slice %arg2[%dma_start3A_904, %dma_start3A_905] : memref<1007616x32xf32, #tpu.memory_space<hbm>> -> memref<1007616x32xf32, #tpu.memory_space<hbm>>
      tpu.enqueue_indirect_dma source(%dma_start3A_906 : memref<1007616x32xf32, #tpu.memory_space<hbm>>) target(%dma_start3A_900 : memref<128x32xf32, #tpu.memory_space<vmem>>) offsets(%dma_start3A_903 : memref<128xi32, #tpu.memory_space<vmem>>) semaphore(%run_scoped3A_898 : memref<!tpu.dma_semaphore, #tpu.memory_space<semaphore_mem>>)
      %dma_wait3A = arith.constant 256 : i32
      %dma_wait3A_907 = arith.constant 0 : i32
      %dma_wait3A_908 = tpu.memref_slice %arg6[%dma_wait3A, %dma_wait3A_907] : memref<512x32xf32, #tpu.memory_space<vmem>> -> memref<128x32xf32, #tpu.memory_space<vmem>>
      %dma_wait3A_909 = arith.constant 0 : i32
      %dma_wait3A_910 = tpu.memref_slice %arg5[%run_scoped3A_894, %dma_wait3A_909] : memref<4x128xi32, #tpu.memory_space<vmem>> -> memref<1x128xi32, #tpu.memory_space<vmem>>
      %dma_wait3A_911 = tpu.memref_squeeze %dma_wait3A_910 : memref<1x128xi32, #tpu.memory_space<vmem>> -> memref<128xi32, #tpu.memory_space<vmem>>
      %dma_wait3A_912 = arith.constant 0 : i32
      %dma_wait3A_913 = arith.constant 0 : i32
      %dma_wait3A_914 = tpu.memref_slice %arg2[%dma_wait3A_912, %dma_wait3A_913] : memref<1007616x32xf32, #tpu.memory_space<hbm>> -> memref<1007616x32xf32, #tpu.memory_space<hbm>>
      tpu.wait_indirect_dma semaphore(%run_scoped3A_898 : memref<!tpu.dma_semaphore, #tpu.memory_space<semaphore_mem>>) src(%dma_wait3A_914 : memref<1007616x32xf32, #tpu.memory_space<hbm>>) dst(%dma_wait3A_908 : memref<128x32xf32, #tpu.memory_space<vmem>>)
      tpu.yield
    }) : () -> ()
    %run_scoped3A_895 = arith.constant 3 : i32
    "tpu.region"() ({
      %run_scoped3A_898 = tpu.sem_alloc : memref<!tpu.dma_semaphore, #tpu.memory_space<semaphore_mem>>
      %dma_start3A = arith.constant 384 : i32
      %dma_start3A_899 = arith.constant 0 : i32
      %dma_start3A_900 = tpu.memref_slice %arg6[%dma_start3A, %dma_start3A_899] : memref<512x32xf32, #tpu.memory_space<vmem>> -> memref<128x32xf32, #tpu.memory_space<vmem>>
      %dma_start3A_901 = arith.constant 0 : i32
      %dma_start3A_902 = tpu.memref_slice %arg5[%run_scoped3A_895, %dma_start3A_901] : memref<4x128xi32, #tpu.memory_space<vmem>> -> memref<1x128xi32, #tpu.memory_space<vmem>>
      %dma_start3A_903 = tpu.memref_squeeze %dma_start3A_902 : memref<1x128xi32, #tpu.memory_space<vmem>> -> memref<128xi32, #tpu.memory_space<vmem>>
      %dma_start3A_904 = arith.constant 0 : i32
      %dma_start3A_905 = arith.constant 0 : i32
      %dma_start3A_906 = tpu.memref_slice %arg2[%dma_start3A_904, %dma_start3A_905] : memref<1007616x32xf32, #tpu.memory_space<hbm>> -> memref<1007616x32xf32, #tpu.memory_space<hbm>>
      tpu.enqueue_indirect_dma source(%dma_start3A_906 : memref<1007616x32xf32, #tpu.memory_space<hbm>>) target(%dma_start3A_900 : memref<128x32xf32, #tpu.memory_space<vmem>>) offsets(%dma_start3A_903 : memref<128xi32, #tpu.memory_space<vmem>>) semaphore(%run_scoped3A_898 : memref<!tpu.dma_semaphore, #tpu.memory_space<semaphore_mem>>)
      %dma_wait3A = arith.constant 384 : i32
      %dma_wait3A_907 = arith.constant 0 : i32
      %dma_wait3A_908 = tpu.memref_slice %arg6[%dma_wait3A, %dma_wait3A_907] : memref<512x32xf32, #tpu.memory_space<vmem>> -> memref<128x32xf32, #tpu.memory_space<vmem>>
      %dma_wait3A_909 = arith.constant 0 : i32
      %dma_wait3A_910 = tpu.memref_slice %arg5[%run_scoped3A_895, %dma_wait3A_909] : memref<4x128xi32, #tpu.memory_space<vmem>> -> memref<1x128xi32, #tpu.memory_space<vmem>>
      %dma_wait3A_911 = tpu.memref_squeeze %dma_wait3A_910 : memref<1x128xi32, #tpu.memory_space<vmem>> -> memref<128xi32, #tpu.memory_space<vmem>>
      %dma_wait3A_912 = arith.constant 0 : i32
      %dma_wait3A_913 = arith.constant 0 : i32
      %dma_wait3A_914 = tpu.memref_slice %arg2[%dma_wait3A_912, %dma_wait3A_913] : memref<1007616x32xf32, #tpu.memory_space<hbm>> -> memref<1007616x32xf32, #tpu.memory_space<hbm>>
      tpu.wait_indirect_dma semaphore(%run_scoped3A_898 : memref<!tpu.dma_semaphore, #tpu.memory_space<semaphore_mem>>) src(%dma_wait3A_914 : memref<1007616x32xf32, #tpu.memory_space<hbm>>) dst(%dma_wait3A_908 : memref<128x32xf32, #tpu.memory_space<vmem>>)
      tpu.yield
    }) : () -> ()
    %mul3A_896 = arith.constant 512 : i32
    %mul3A_897 = arith.muli %add3A, %mul3A_896 : i32
    "tpu.region"() ({
      %run_scoped3A_898 = tpu.sem_alloc : memref<!tpu.dma_semaphore, #tpu.memory_space<semaphore_mem>>
      %dma_start3A = arith.constant 0 : i32
      %dma_start3A_899 = tpu.memref_slice %arg4[%mul3A_897, %dma_start3A] : memref<16384x32xf32, #tpu.memory_space<hbm>> -> memref<512x32xf32, #tpu.memory_space<hbm>>
      %dma_start3A_900 = arith.constant 0 : i32
      %dma_start3A_901 = tpu.memref_slice %arg4[%mul3A_897, %dma_start3A_900] : memref<16384x32xf32, #tpu.memory_space<hbm>> -> memref<512x32xf32, #tpu.memory_space<hbm>>
      tpu.enqueue_dma source(%arg6 : memref<512x32xf32, #tpu.memory_space<vmem>>) target(%dma_start3A_901 : memref<512x32xf32, #tpu.memory_space<hbm>>) target_semaphore(%run_scoped3A_898 : memref<!tpu.dma_semaphore, #tpu.memory_space<semaphore_mem>>)
      %dma_wait3A = arith.constant 0 : i32
      %dma_wait3A_902 = tpu.memref_slice %arg4[%mul3A_897, %dma_wait3A] : memref<16384x32xf32, #tpu.memory_space<hbm>> -> memref<512x32xf32, #tpu.memory_space<hbm>>
      %dma_wait3A_903 = arith.constant 0 : i32
      %dma_wait3A_904 = tpu.memref_slice %arg4[%mul3A_897, %dma_wait3A_903] : memref<16384x32xf32, #tpu.memory_space<hbm>> -> memref<512x32xf32, #tpu.memory_space<hbm>>
      tpu.wait_dma2 semaphore(%run_scoped3A_898 : memref<!tpu.dma_semaphore, #tpu.memory_space<semaphore_mem>>) src(%arg6 : memref<512x32xf32, #tpu.memory_space<vmem>>) dst(%dma_wait3A_904 : memref<512x32xf32, #tpu.memory_space<hbm>>)
      tpu.yield
    }) : () -> ()
    return
  }
}

module attributes {stable_mosaic.version = 14 : i64} {
  func.func @body(%arg0: i32, %arg1: memref<32x8192xf32, #tpu.memory_space<vmem>>, %arg2: memref<2048x128xf32, #tpu.memory_space<vmem>>) attributes {dimension_semantics = [#tpu.dimension_semantics<arbitrary>], iteration_bounds = array<i64: 123>, scalar_prefetch = 0 : i64, scratch_operands = 0 : i64, tpu.core_type = #tpu.core_type<tc>, window_params = [{transform_indices = @transform_0, window_bounds = array<i64: 32, 8192>}, {transform_indices = @transform_1, window_bounds = array<i64: 2048, 128>}]} {
    %iota3A = tpu.iota {dimensions = array<i32: 0>} : vector<32x32xi32>
    %iota3A_0 = tpu.iota {dimensions = array<i32: 1>} : vector<32x32xi32>
    %eq3A = arith.cmpi eq, %iota3A, %iota3A_0 : vector<32x32xi32>
    %convert_element_type3A = arith.extui %eq3A : vector<32x32xi1> to vector<32x32xi32>
    %convert_element_type3A_1 = arith.sitofp %convert_element_type3A : vector<32x32xi32> to vector<32x32xf32>
    %get3A = arith.constant 0 : index
    %get3A_2 = arith.constant 0 : index
    %get3A_3 = vector.load %arg1[%get3A, %get3A_2] : memref<32x8192xf32, #tpu.memory_space<vmem>>, vector<32x2048xf32>
    %dot_general3A = arith.constant dense<0.000000e+00> : vector<2048x32xf32>
    %dot_general3A_4 = tpu.matmul %get3A_3, %convert_element_type3A_1, %dot_general3A {dimension_numbers = #tpu.dot_dimension_numbers<[0], [0], [1], [1], [0, 1, 1, 1], [], []>, precision = #tpu.contract_precision<fp32>, transpose_lhs_hint = false} : vector<32x2048xf32>, vector<32x32xf32>, vector<2048x32xf32> -> vector<2048x32xf32>
    %swap3A = arith.constant 0 : index
    %swap3A_5 = arith.constant 0 : index
    %swap3A_6 = vector.load %arg2[%swap3A, %swap3A_5] : memref<2048x128xf32, #tpu.memory_space<vmem>>, vector<2048x32xf32>
    tpu.vector_store %arg2[%swap3A, %swap3A_5], %dot_general3A_4 {strides = array<i32>} : memref<2048x128xf32, #tpu.memory_space<vmem>>, vector<2048x32xf32>,
    %get3A_7 = arith.constant 0 : index
    %get3A_8 = arith.constant 2048 : index
    %get3A_9 = vector.load %arg1[%get3A_7, %get3A_8] : memref<32x8192xf32, #tpu.memory_space<vmem>>, vector<32x2048xf32>
    %dot_general3A_10 = arith.constant dense<0.000000e+00> : vector<2048x32xf32>
    %dot_general3A_11 = tpu.matmul %get3A_9, %convert_element_type3A_1, %dot_general3A_10 {dimension_numbers = #tpu.dot_dimension_numbers<[0], [0], [1], [1], [0, 1, 1, 1], [], []>, precision = #tpu.contract_precision<fp32>, transpose_lhs_hint = false} : vector<32x2048xf32>, vector<32x32xf32>, vector<2048x32xf32> -> vector<2048x32xf32>
    %swap3A_12 = arith.constant 0 : index
    %swap3A_13 = arith.constant 32 : index
    %swap3A_14 = vector.load %arg2[%swap3A_12, %swap3A_13] : memref<2048x128xf32, #tpu.memory_space<vmem>>, vector<2048x32xf32>
    tpu.vector_store %arg2[%swap3A_12, %swap3A_13], %dot_general3A_11 {strides = array<i32>} : memref<2048x128xf32, #tpu.memory_space<vmem>>, vector<2048x32xf32>,
    %get3A_15 = arith.constant 0 : index
    %get3A_16 = arith.constant 4096 : index
    %get3A_17 = vector.load %arg1[%get3A_15, %get3A_16] : memref<32x8192xf32, #tpu.memory_space<vmem>>, vector<32x2048xf32>
    %dot_general3A_18 = arith.constant dense<0.000000e+00> : vector<2048x32xf32>
    %dot_general3A_19 = tpu.matmul %get3A_17, %convert_element_type3A_1, %dot_general3A_18 {dimension_numbers = #tpu.dot_dimension_numbers<[0], [0], [1], [1], [0, 1, 1, 1], [], []>, precision = #tpu.contract_precision<fp32>, transpose_lhs_hint = false} : vector<32x2048xf32>, vector<32x32xf32>, vector<2048x32xf32> -> vector<2048x32xf32>
    %swap3A_20 = arith.constant 0 : index
    %swap3A_21 = arith.constant 64 : index
    %swap3A_22 = vector.load %arg2[%swap3A_20, %swap3A_21] : memref<2048x128xf32, #tpu.memory_space<vmem>>, vector<2048x32xf32>
    tpu.vector_store %arg2[%swap3A_20, %swap3A_21], %dot_general3A_19 {strides = array<i32>} : memref<2048x128xf32, #tpu.memory_space<vmem>>, vector<2048x32xf32>,
    %get3A_23 = arith.constant 0 : index
    %get3A_24 = arith.constant 6144 : index
    %get3A_25 = vector.load %arg1[%get3A_23, %get3A_24] : memref<32x8192xf32, #tpu.memory_space<vmem>>, vector<32x2048xf32>
    %dot_general3A_26 = arith.constant dense<0.000000e+00> : vector<2048x32xf32>
    %dot_general3A_27 = tpu.matmul %get3A_25, %convert_element_type3A_1, %dot_general3A_26 {dimension_numbers = #tpu.dot_dimension_numbers<[0], [0], [1], [1], [0, 1, 1, 1], [], []>, precision = #tpu.contract_precision<fp32>, transpose_lhs_hint = false} : vector<32x2048xf32>, vector<32x32xf32>, vector<2048x32xf32> -> vector<2048x32xf32>
    %swap3A_28 = arith.constant 0 : index
    %swap3A_29 = arith.constant 96 : index
    %swap3A_30 = vector.load %arg2[%swap3A_28, %swap3A_29] : memref<2048x128xf32, #tpu.memory_space<vmem>>, vector<2048x32xf32>
    tpu.vector_store %arg2[%swap3A_28, %swap3A_29], %dot_general3A_27 {strides = array<i32>} : memref<2048x128xf32, #tpu.memory_space<vmem>>, vector<2048x32xf32>,
    return
  }
  func.func @transform_0(%arg0: i32) -> (i32, i32) {
    %c0_i32 = arith.constant 0 : i32
    %c0_i32_0 = arith.constant 0 : i32
    return %c0_i32, %arg0 : i32, i32
  }
  func.func @transform_1(%arg0: i32) -> (i32, i32) {
    %c0_i32 = arith.constant 0 : i32
    %c0_i32_0 = arith.constant 0 : i32
    return %arg0, %c0_i32 : i32, i32
  }
}

module attributes {stable_mosaic.version = 14 : i64} {
  func.func @body(%arg0: i32, %arg1: memref<2048x32xf32, #tpu.memory_space<vmem>>, %arg2: memref<2048x1xf32, #tpu.memory_space<vmem>>, %arg3: memref<2048x32xf32, #tpu.memory_space<vmem>>, %arg4: memref<32x32xf32, #tpu.memory_space<vmem>>, %arg5: memref<32x32xf32, #tpu.memory_space<vmem>>, %arg6: memref<32x32xf32, #tpu.memory_space<vmem>>, %arg7: memref<32x32xf32, #tpu.memory_space<vmem>>, %arg8: memref<32x32xf32, #tpu.memory_space<vmem>>, %arg9: memref<32x32xf32, #tpu.memory_space<vmem>>, %arg10: memref<1x32xf32, #tpu.memory_space<vmem>>, %arg11: memref<1x32xf32, #tpu.memory_space<vmem>>, %arg12: memref<1x32xf32, #tpu.memory_space<vmem>>, %arg13: memref<1x32xf32, #tpu.memory_space<vmem>>, %arg14: memref<1x32xf32, #tpu.memory_space<vmem>>, %arg15: memref<1x32xf32, #tpu.memory_space<vmem>>, %arg16: memref<2048x32xf32, #tpu.memory_space<vmem>>) attributes {dimension_semantics = [#tpu.dimension_semantics<arbitrary>], iteration_bounds = array<i64: 8>, scalar_prefetch = 0 : i64, scratch_operands = 0 : i64, tpu.core_type = #tpu.core_type<tc>, window_params = [{transform_indices = @transform_0, window_bounds = array<i64: 2048, 32>}, {transform_indices = @transform_1, window_bounds = array<i64: 2048, 1>}, {transform_indices = @transform_2, window_bounds = array<i64: 2048, 32>}, {pipeline_mode = #tpu.pipeline_mode<synchronous>, transform_indices = @transform_3, window_bounds = array<i64: 32, 32>}, {pipeline_mode = #tpu.pipeline_mode<synchronous>, transform_indices = @transform_4, window_bounds = array<i64: 32, 32>}, {pipeline_mode = #tpu.pipeline_mode<synchronous>, transform_indices = @transform_5, window_bounds = array<i64: 32, 32>}, {pipeline_mode = #tpu.pipeline_mode<synchronous>, transform_indices = @transform_6, window_bounds = array<i64: 32, 32>}, {pipeline_mode = #tpu.pipeline_mode<synchronous>, transform_indices = @transform_7, window_bounds = array<i64: 32, 32>}, {pipeline_mode = #tpu.pipeline_mode<synchronous>, transform_indices = @transform_8, window_bounds = array<i64: 32, 32>}, {pipeline_mode = #tpu.pipeline_mode<synchronous>, transform_indices = @transform_9, window_bounds = array<i64: 1, 32>}, {pipeline_mode = #tpu.pipeline_mode<synchronous>, transform_indices = @transform_10, window_bounds = array<i64: 1, 32>}, {pipeline_mode = #tpu.pipeline_mode<synchronous>, transform_indices = @transform_11, window_bounds = array<i64: 1, 32>}, {pipeline_mode = #tpu.pipeline_mode<synchronous>, transform_indices = @transform_12, window_bounds = array<i64: 1, 32>}, {pipeline_mode = #tpu.pipeline_mode<synchronous>, transform_indices = @transform_13, window_bounds = array<i64: 1, 32>}, {pipeline_mode = #tpu.pipeline_mode<synchronous>, transform_indices = @transform_14, window_bounds = array<i64: 1, 32>}, {transform_indices = @transform_15, window_bounds = array<i64: 2048, 32>}]} {
    %get3A = arith.constant 0 : index
    %get3A_0 = arith.constant 0 : index
    %get3A_1 = vector.load %arg1[%get3A, %get3A_0] : memref<2048x32xf32, #tpu.memory_space<vmem>>, vector<2048x32xf32>
    %get3A_2 = arith.constant 0 : index
    %get3A_3 = arith.constant 0 : index
    %get3A_4 = vector.load %arg2[%get3A_2, %get3A_3] : memref<2048x1xf32, #tpu.memory_space<vmem>>, vector<2048x1xf32>
    %max3A = arith.constant 1.000000e+00 : f32
    %max3A_5 = vector.broadcast %max3A : f32 to vector<2048x1xf32>
    %max3A_6 = arith.maximumf %get3A_4, %max3A_5 : vector<2048x1xf32>
    %div3A = vector.broadcast %max3A_6 : vector<2048x1xf32> to vector<2048x32xf32>
    %div3A_7 = arith.divf %get3A_1, %div3A : vector<2048x32xf32>
    %get3A_8 = arith.constant 0 : index
    %get3A_9 = arith.constant 0 : index
    %get3A_10 = vector.load %arg3[%get3A_8, %get3A_9] : memref<2048x32xf32, #tpu.memory_space<vmem>>, vector<2048x32xf32>
    %get3A_11 = arith.constant 0 : index
    %get3A_12 = arith.constant 0 : index
    %get3A_13 = vector.load %arg4[%get3A_11, %get3A_12] : memref<32x32xf32, #tpu.memory_space<vmem>>, vector<32x32xf32>
    %dot_general3A = arith.constant dense<0.000000e+00> : vector<2048x32xf32>
    %dot_general3A_14 = tpu.matmul %div3A_7, %get3A_13, %dot_general3A {dimension_numbers = #tpu.dot_dimension_numbers<[1], [0], [0], [1], [0, 0, 1, 1], [], []>, transpose_lhs_hint = false} : vector<2048x32xf32>, vector<32x32xf32>, vector<2048x32xf32> -> vector<2048x32xf32>
    %get3A_15 = arith.constant 0 : index
    %get3A_16 = arith.constant 0 : index
    %get3A_17 = vector.load %arg10[%get3A_15, %get3A_16] : memref<1x32xf32, #tpu.memory_space<vmem>>, vector<1x32xf32>
    %add3A = vector.broadcast %get3A_17 : vector<1x32xf32> to vector<2048x32xf32>
    %add3A_18 = arith.addf %dot_general3A_14, %add3A : vector<2048x32xf32>
    %get3A_19 = arith.constant 0 : index
    %get3A_20 = arith.constant 0 : index
    %get3A_21 = vector.load %arg5[%get3A_19, %get3A_20] : memref<32x32xf32, #tpu.memory_space<vmem>>, vector<32x32xf32>
    %dot_general3A_22 = arith.constant dense<0.000000e+00> : vector<2048x32xf32>
    %dot_general3A_23 = tpu.matmul %div3A_7, %get3A_21, %dot_general3A_22 {dimension_numbers = #tpu.dot_dimension_numbers<[1], [0], [0], [1], [0, 0, 1, 1], [], []>, transpose_lhs_hint = false} : vector<2048x32xf32>, vector<32x32xf32>, vector<2048x32xf32> -> vector<2048x32xf32>
    %get3A_24 = arith.constant 0 : index
    %get3A_25 = arith.constant 0 : index
    %get3A_26 = vector.load %arg11[%get3A_24, %get3A_25] : memref<1x32xf32, #tpu.memory_space<vmem>>, vector<1x32xf32>
    %add3A_27 = vector.broadcast %get3A_26 : vector<1x32xf32> to vector<2048x32xf32>
    %add3A_28 = arith.addf %dot_general3A_23, %add3A_27 : vector<2048x32xf32>
    %get3A_29 = arith.constant 0 : index
    %get3A_30 = arith.constant 0 : index
    %get3A_31 = vector.load %arg6[%get3A_29, %get3A_30] : memref<32x32xf32, #tpu.memory_space<vmem>>, vector<32x32xf32>
    %dot_general3A_32 = arith.constant dense<0.000000e+00> : vector<2048x32xf32>
    %dot_general3A_33 = tpu.matmul %div3A_7, %get3A_31, %dot_general3A_32 {dimension_numbers = #tpu.dot_dimension_numbers<[1], [0], [0], [1], [0, 0, 1, 1], [], []>, transpose_lhs_hint = false} : vector<2048x32xf32>, vector<32x32xf32>, vector<2048x32xf32> -> vector<2048x32xf32>
    %get3A_34 = arith.constant 0 : index
    %get3A_35 = arith.constant 0 : index
    %get3A_36 = vector.load %arg12[%get3A_34, %get3A_35] : memref<1x32xf32, #tpu.memory_space<vmem>>, vector<1x32xf32>
    %add3A_37 = vector.broadcast %get3A_36 : vector<1x32xf32> to vector<2048x32xf32>
    %add3A_38 = arith.addf %dot_general3A_33, %add3A_37 : vector<2048x32xf32>
    %get3A_39 = arith.constant 0 : index
    %get3A_40 = arith.constant 0 : index
    %get3A_41 = vector.load %arg7[%get3A_39, %get3A_40] : memref<32x32xf32, #tpu.memory_space<vmem>>, vector<32x32xf32>
    %dot_general3A_42 = arith.constant dense<0.000000e+00> : vector<2048x32xf32>
    %dot_general3A_43 = tpu.matmul %get3A_10, %get3A_41, %dot_general3A_42 {dimension_numbers = #tpu.dot_dimension_numbers<[1], [0], [0], [1], [0, 0, 1, 1], [], []>, transpose_lhs_hint = false} : vector<2048x32xf32>, vector<32x32xf32>, vector<2048x32xf32> -> vector<2048x32xf32>
    %get3A_44 = arith.constant 0 : index
    %get3A_45 = arith.constant 0 : index
    %get3A_46 = vector.load %arg13[%get3A_44, %get3A_45] : memref<1x32xf32, #tpu.memory_space<vmem>>, vector<1x32xf32>
    %add3A_47 = vector.broadcast %get3A_46 : vector<1x32xf32> to vector<2048x32xf32>
    %add3A_48 = arith.addf %dot_general3A_43, %add3A_47 : vector<2048x32xf32>
    %get3A_49 = arith.constant 0 : index
    %get3A_50 = arith.constant 0 : index
    %get3A_51 = vector.load %arg8[%get3A_49, %get3A_50] : memref<32x32xf32, #tpu.memory_space<vmem>>, vector<32x32xf32>
    %dot_general3A_52 = arith.constant dense<0.000000e+00> : vector<2048x32xf32>
    %dot_general3A_53 = tpu.matmul %get3A_10, %get3A_51, %dot_general3A_52 {dimension_numbers = #tpu.dot_dimension_numbers<[1], [0], [0], [1], [0, 0, 1, 1], [], []>, transpose_lhs_hint = false} : vector<2048x32xf32>, vector<32x32xf32>, vector<2048x32xf32> -> vector<2048x32xf32>
    %get3A_54 = arith.constant 0 : index
    %get3A_55 = arith.constant 0 : index
    %get3A_56 = vector.load %arg14[%get3A_54, %get3A_55] : memref<1x32xf32, #tpu.memory_space<vmem>>, vector<1x32xf32>
    %add3A_57 = vector.broadcast %get3A_56 : vector<1x32xf32> to vector<2048x32xf32>
    %add3A_58 = arith.addf %dot_general3A_53, %add3A_57 : vector<2048x32xf32>
    %get3A_59 = arith.constant 0 : index
    %get3A_60 = arith.constant 0 : index
    %get3A_61 = vector.load %arg9[%get3A_59, %get3A_60] : memref<32x32xf32, #tpu.memory_space<vmem>>, vector<32x32xf32>
    %dot_general3A_62 = arith.constant dense<0.000000e+00> : vector<2048x32xf32>
    %dot_general3A_63 = tpu.matmul %get3A_10, %get3A_61, %dot_general3A_62 {dimension_numbers = #tpu.dot_dimension_numbers<[1], [0], [0], [1], [0, 0, 1, 1], [], []>, transpose_lhs_hint = false} : vector<2048x32xf32>, vector<32x32xf32>, vector<2048x32xf32> -> vector<2048x32xf32>
    %get3A_64 = arith.constant 0 : index
    %get3A_65 = arith.constant 0 : index
    %get3A_66 = vector.load %arg15[%get3A_64, %get3A_65] : memref<1x32xf32, #tpu.memory_space<vmem>>, vector<1x32xf32>
    %add3A_67 = vector.broadcast %get3A_66 : vector<1x32xf32> to vector<2048x32xf32>
    %add3A_68 = arith.addf %dot_general3A_63, %add3A_67 : vector<2048x32xf32>
    %add3A_69 = arith.addf %add3A_18, %add3A_48 : vector<2048x32xf32>
    %logistic3A = arith.negf %add3A_69 : vector<2048x32xf32>
    %logistic3A_70 = math.exp %logistic3A : vector<2048x32xf32>
    %logistic3A_71 = arith.constant 1.000000e+00 : f32
    %logistic3A_72 = vector.broadcast %logistic3A_71 : f32 to vector<2048x32xf32>
    %logistic3A_73 = arith.addf %logistic3A_72, %logistic3A_70 : vector<2048x32xf32>
    %logistic3A_74 = arith.divf %logistic3A_72, %logistic3A_73 : vector<2048x32xf32>
    %add3A_75 = arith.addf %add3A_28, %add3A_58 : vector<2048x32xf32>
    %logistic3A_76 = arith.negf %add3A_75 : vector<2048x32xf32>
    %logistic3A_77 = math.exp %logistic3A_76 : vector<2048x32xf32>
    %logistic3A_78 = arith.constant 1.000000e+00 : f32
    %logistic3A_79 = vector.broadcast %logistic3A_78 : f32 to vector<2048x32xf32>
    %logistic3A_80 = arith.addf %logistic3A_79, %logistic3A_77 : vector<2048x32xf32>
    %logistic3A_81 = arith.divf %logistic3A_79, %logistic3A_80 : vector<2048x32xf32>
    %mul3A = arith.mulf %logistic3A_74, %add3A_68 : vector<2048x32xf32>
    %add3A_82 = arith.addf %add3A_38, %mul3A : vector<2048x32xf32>
    %tanh3A = math.tanh %add3A_82 : vector<2048x32xf32>
    %sub3A = arith.constant 1.000000e+00 : f32
    %sub3A_83 = vector.broadcast %sub3A : f32 to vector<2048x32xf32>
    %sub3A_84 = arith.subf %sub3A_83, %logistic3A_81 : vector<2048x32xf32>
    %mul3A_85 = arith.mulf %sub3A_84, %tanh3A : vector<2048x32xf32>
    %mul3A_86 = arith.mulf %logistic3A_81, %get3A_10 : vector<2048x32xf32>
    %add3A_87 = arith.addf %mul3A_85, %mul3A_86 : vector<2048x32xf32>
    %swap3A = arith.constant 0 : index
    %swap3A_88 = arith.constant 0 : index
    %swap3A_89 = vector.load %arg16[%swap3A, %swap3A_88] : memref<2048x32xf32, #tpu.memory_space<vmem>>, vector<2048x32xf32>
    tpu.vector_store %arg16[%swap3A, %swap3A_88], %add3A_87 {strides = array<i32>} : memref<2048x32xf32, #tpu.memory_space<vmem>>, vector<2048x32xf32>,
    return
  }
  func.func @transform_0(%arg0: i32) -> (i32, i32) {
    %c0_i32 = arith.constant 0 : i32
    %c0_i32_0 = arith.constant 0 : i32
    return %arg0, %c0_i32 : i32, i32
  }
  func.func @transform_1(%arg0: i32) -> (i32, i32) {
    %c0_i32 = arith.constant 0 : i32
    %c0_i32_0 = arith.constant 0 : i32
    return %arg0, %c0_i32 : i32, i32
  }
  func.func @transform_2(%arg0: i32) -> (i32, i32) {
    %c0_i32 = arith.constant 0 : i32
    %c0_i32_0 = arith.constant 0 : i32
    return %arg0, %c0_i32 : i32, i32
  }
  func.func @transform_3(%arg0: i32) -> (i32, i32) {
    %c0_i32 = arith.constant 0 : i32
    %c0_i32_0 = arith.constant 0 : i32
    %c0_i32_1 = arith.constant 0 : i32
    return %c0_i32, %c0_i32_0 : i32, i32
  }
  func.func @transform_4(%arg0: i32) -> (i32, i32) {
    %c0_i32 = arith.constant 0 : i32
    %c0_i32_0 = arith.constant 0 : i32
    %c0_i32_1 = arith.constant 0 : i32
    return %c0_i32, %c0_i32_0 : i32, i32
  }
  func.func @transform_5(%arg0: i32) -> (i32, i32) {
    %c0_i32 = arith.constant 0 : i32
    %c0_i32_0 = arith.constant 0 : i32
    %c0_i32_1 = arith.constant 0 : i32
    return %c0_i32, %c0_i32_0 : i32, i32
  }
  func.func @transform_6(%arg0: i32) -> (i32, i32) {
    %c0_i32 = arith.constant 0 : i32
    %c0_i32_0 = arith.constant 0 : i32
    %c0_i32_1 = arith.constant 0 : i32
    return %c0_i32, %c0_i32_0 : i32, i32
  }
  func.func @transform_7(%arg0: i32) -> (i32, i32) {
    %c0_i32 = arith.constant 0 : i32
    %c0_i32_0 = arith.constant 0 : i32
    %c0_i32_1 = arith.constant 0 : i32
    return %c0_i32, %c0_i32_0 : i32, i32
  }
  func.func @transform_8(%arg0: i32) -> (i32, i32) {
    %c0_i32 = arith.constant 0 : i32
    %c0_i32_0 = arith.constant 0 : i32
    %c0_i32_1 = arith.constant 0 : i32
    return %c0_i32, %c0_i32_0 : i32, i32
  }
  func.func @transform_9(%arg0: i32) -> (i32, i32) {
    %c0_i32 = arith.constant 0 : i32
    %c0_i32_0 = arith.constant 0 : i32
    %c0_i32_1 = arith.constant 0 : i32
    return %c0_i32, %c0_i32_0 : i32, i32
  }
  func.func @transform_10(%arg0: i32) -> (i32, i32) {
    %c0_i32 = arith.constant 0 : i32
    %c0_i32_0 = arith.constant 0 : i32
    %c0_i32_1 = arith.constant 0 : i32
    return %c0_i32, %c0_i32_0 : i32, i32
  }
  func.func @transform_11(%arg0: i32) -> (i32, i32) {
    %c0_i32 = arith.constant 0 : i32
    %c0_i32_0 = arith.constant 0 : i32
    %c0_i32_1 = arith.constant 0 : i32
    return %c0_i32, %c0_i32_0 : i32, i32
  }
  func.func @transform_12(%arg0: i32) -> (i32, i32) {
    %c0_i32 = arith.constant 0 : i32
    %c0_i32_0 = arith.constant 0 : i32
    %c0_i32_1 = arith.constant 0 : i32
    return %c0_i32, %c0_i32_0 : i32, i32
  }
  func.func @transform_13(%arg0: i32) -> (i32, i32) {
    %c0_i32 = arith.constant 0 : i32
    %c0_i32_0 = arith.constant 0 : i32
    %c0_i32_1 = arith.constant 0 : i32
    return %c0_i32, %c0_i32_0 : i32, i32
  }
  func.func @transform_14(%arg0: i32) -> (i32, i32) {
    %c0_i32 = arith.constant 0 : i32
    %c0_i32_0 = arith.constant 0 : i32
    %c0_i32_1 = arith.constant 0 : i32
    return %c0_i32, %c0_i32_0 : i32, i32
  }
  func.func @transform_15(%arg0: i32) -> (i32, i32) {
    %c0_i32 = arith.constant 0 : i32
    %c0_i32_0 = arith.constant 0 : i32
    return %arg0, %c0_i32 : i32, i32
  }
}

module attributes {stable_mosaic.version = 14 : i64} {
  func.func @body(%arg0: i32, %arg1: memref<2048x128xf32, #tpu.memory_space<vmem>>, %arg2: memref<32x8192xf32, #tpu.memory_space<vmem>>) attributes {dimension_semantics = [#tpu.dimension_semantics<arbitrary>], iteration_bounds = array<i64: 123>, scalar_prefetch = 0 : i64, scratch_operands = 0 : i64, tpu.core_type = #tpu.core_type<tc>, window_params = [{transform_indices = @transform_0, window_bounds = array<i64: 2048, 128>}, {transform_indices = @transform_1, window_bounds = array<i64: 32, 8192>}]} {
    %iota3A = tpu.iota {dimensions = array<i32: 0>} : vector<32x32xi32>
    %iota3A_0 = tpu.iota {dimensions = array<i32: 1>} : vector<32x32xi32>
    %eq3A = arith.cmpi eq, %iota3A, %iota3A_0 : vector<32x32xi32>
    %convert_element_type3A = arith.extui %eq3A : vector<32x32xi1> to vector<32x32xi32>
    %convert_element_type3A_1 = arith.sitofp %convert_element_type3A : vector<32x32xi32> to vector<32x32xf32>
    %get3A = arith.constant 0 : index
    %get3A_2 = arith.constant 0 : index
    %get3A_3 = vector.load %arg1[%get3A, %get3A_2] : memref<2048x128xf32, #tpu.memory_space<vmem>>, vector<2048x32xf32>
    %dot_general3A = arith.constant dense<0.000000e+00> : vector<32x2048xf32>
    %dot_general3A_4 = tpu.matmul %convert_element_type3A_1, %get3A_3, %dot_general3A {dimension_numbers = #tpu.dot_dimension_numbers<[1], [1], [0], [0], [0, 0, 1, 0], [], []>, precision = #tpu.contract_precision<fp32>, transpose_lhs_hint = false} : vector<32x32xf32>, vector<2048x32xf32>, vector<32x2048xf32> -> vector<32x2048xf32>
    %swap3A = arith.constant 0 : index
    %swap3A_5 = arith.constant 0 : index
    %swap3A_6 = vector.load %arg2[%swap3A, %swap3A_5] : memref<32x8192xf32, #tpu.memory_space<vmem>>, vector<32x2048xf32>
    tpu.vector_store %arg2[%swap3A, %swap3A_5], %dot_general3A_4 {strides = array<i32>} : memref<32x8192xf32, #tpu.memory_space<vmem>>, vector<32x2048xf32>,
    %get3A_7 = arith.constant 0 : index
    %get3A_8 = arith.constant 32 : index
    %get3A_9 = vector.load %arg1[%get3A_7, %get3A_8] : memref<2048x128xf32, #tpu.memory_space<vmem>>, vector<2048x32xf32>
    %dot_general3A_10 = arith.constant dense<0.000000e+00> : vector<32x2048xf32>
    %dot_general3A_11 = tpu.matmul %convert_element_type3A_1, %get3A_9, %dot_general3A_10 {dimension_numbers = #tpu.dot_dimension_numbers<[1], [1], [0], [0], [0, 0, 1, 0], [], []>, precision = #tpu.contract_precision<fp32>, transpose_lhs_hint = false} : vector<32x32xf32>, vector<2048x32xf32>, vector<32x2048xf32> -> vector<32x2048xf32>
    %swap3A_12 = arith.constant 0 : index
    %swap3A_13 = arith.constant 2048 : index
    %swap3A_14 = vector.load %arg2[%swap3A_12, %swap3A_13] : memref<32x8192xf32, #tpu.memory_space<vmem>>, vector<32x2048xf32>
    tpu.vector_store %arg2[%swap3A_12, %swap3A_13], %dot_general3A_11 {strides = array<i32>} : memref<32x8192xf32, #tpu.memory_space<vmem>>, vector<32x2048xf32>,
    %get3A_15 = arith.constant 0 : index
    %get3A_16 = arith.constant 64 : index
    %get3A_17 = vector.load %arg1[%get3A_15, %get3A_16] : memref<2048x128xf32, #tpu.memory_space<vmem>>, vector<2048x32xf32>
    %dot_general3A_18 = arith.constant dense<0.000000e+00> : vector<32x2048xf32>
    %dot_general3A_19 = tpu.matmul %convert_element_type3A_1, %get3A_17, %dot_general3A_18 {dimension_numbers = #tpu.dot_dimension_numbers<[1], [1], [0], [0], [0, 0, 1, 0], [], []>, precision = #tpu.contract_precision<fp32>, transpose_lhs_hint = false} : vector<32x32xf32>, vector<2048x32xf32>, vector<32x2048xf32> -> vector<32x2048xf32>
    %swap3A_20 = arith.constant 0 : index
    %swap3A_21 = arith.constant 4096 : index
    %swap3A_22 = vector.load %arg2[%swap3A_20, %swap3A_21] : memref<32x8192xf32, #tpu.memory_space<vmem>>, vector<32x2048xf32>
    tpu.vector_store %arg2[%swap3A_20, %swap3A_21], %dot_general3A_19 {strides = array<i32>} : memref<32x8192xf32, #tpu.memory_space<vmem>>, vector<32x2048xf32>,
    %get3A_23 = arith.constant 0 : index
    %get3A_24 = arith.constant 96 : index
    %get3A_25 = vector.load %arg1[%get3A_23, %get3A_24] : memref<2048x128xf32, #tpu.memory_space<vmem>>, vector<2048x32xf32>
    %dot_general3A_26 = arith.constant dense<0.000000e+00> : vector<32x2048xf32>
    %dot_general3A_27 = tpu.matmul %convert_element_type3A_1, %get3A_25, %dot_general3A_26 {dimension_numbers = #tpu.dot_dimension_numbers<[1], [1], [0], [0], [0, 0, 1, 0], [], []>, precision = #tpu.contract_precision<fp32>, transpose_lhs_hint = false} : vector<32x32xf32>, vector<2048x32xf32>, vector<32x2048xf32> -> vector<32x2048xf32>
    %swap3A_28 = arith.constant 0 : index
    %swap3A_29 = arith.constant 6144 : index
    %swap3A_30 = vector.load %arg2[%swap3A_28, %swap3A_29] : memref<32x8192xf32, #tpu.memory_space<vmem>>, vector<32x2048xf32>
    tpu.vector_store %arg2[%swap3A_28, %swap3A_29], %dot_general3A_27 {strides = array<i32>} : memref<32x8192xf32, #tpu.memory_space<vmem>>, vector<32x2048xf32>,
    return
  }
  func.func @transform_0(%arg0: i32) -> (i32, i32) {
    %c0_i32 = arith.constant 0 : i32
    %c0_i32_0 = arith.constant 0 : i32
    return %arg0, %c0_i32 : i32, i32
  }
  func.func @transform_1(%arg0: i32) -> (i32, i32) {
    %c0_i32 = arith.constant 0 : i32
    %c0_i32_0 = arith.constant 0 : i32
    return %c0_i32, %arg0 : i32, i32
  }
}

</mosaic_0001>

<sc_bundles>
// kernel: kernel.12.cloned.1.call-start
scs
__scs_entry_jumppad:
0x0: {  	(pc) =	sbr.rel $0x88, $3  }
0x1: {  	(tag) =	ssettag $0x0;
	lr =	simm.s32 $0x1  }
0x2: {  	[smem:$0x3F9A] =	sst lr;
	_ =	strace $0xD0000000  }
0x3: {  	_ = 	snop  }
0x4: {  	_ = 	snop  }
0x5: {  	_ = 	snop  }
0x6: {  	_ = 	snop  }
0x7: {  	_ = 	snop  }
__scs_overlays_trampoline_lowered:
0x8: {  	[smem:$0x3FA9] =	sst s0  }
0x9: {  	[smem:$0x3FAA] =	sst s1  }
0xa: {  	[smem:$0x3FAB] =	sst s2  }
0xb: {  	[smem:$0x3FAC] =	sst s3  }
0xc: {  	[smem:$0x3FAD] =	sst s4  }
0xd: {  	[smem:$0x3FAE] =	sst s5  }
0xe: {  	[smem:$0x3FAF] =	sst s6  }
0xf: {  	[smem:$0x3FB0] =	sst s7  }
0x10: {  	[smem:$0x3FB1] =	sst s8  }
0x11: {  	[smem:$0x3FB2] =	sst s9;
	s0 =	simm.s32 @!p0 $0x0  }
0x12: {  	s1 =	sld [smem:$0x3F98];
	s0 =	simm.s32 @p0 $0x1  }
0x13: {  	[smem:$0x3FB3] =	sst s0;
	s0 =	simm.s32 @!p1 $0x0  }
0x14: {  	s2 =	sld [smem:$0x3F97];
	s0 =	simm.s32 @p1 $0x1  }
0x15: {  	[smem:$0x3FB4] =	sst s0;
	s0 =	simm.s32 @!p2 $0x0  }
0x16: {  	s3 =	sld [smem:$0x3FDB];
	s0 =	simm.s32 @p2 $0x1  }
0x17: {  	s4 =	simm.s32 $0x1BF5;
	[smem:$0x3FB6] =	sst s0  }
0x18: {  	s0 =	sld [smem:$0x3F99];
	_ =	swait.ge [sflag:s4], $0x0  }
0x19: {  	s7 =	sld [smem:$0x3F9A]  }
0x1a: {  	s8 =	sadd.s32 $0xFFFFE003, lr  }
0x1b: {  	s9 =	sadd.s32 $0xFFFFFEF7, lr;
	s5 =	simm.s32 $0xFFFFFFFF;
	p2 =	slt.u32 s8, $0xFFFFF086  }
0x1c: {  	p1 =	slt.u32 s9, $0xF7A;
	s5 =	simm.s32 @!p2 $0x0  }
0x1d: {  	s5 =	simm.s32 @p1 $0x1;
	p0 =	seq.s32 s7, s2  }
0x1e: {  	s7 =	smul.u32 @!p0 $0xF7A, s2;
	p2 =	seq.s32 @!p0 s5, $0x0  }
0x1f: {  	s9 =	smul.u32 $0xF7A, s1;
	s8 =	simm.s32 @!p0 $0x1BF5;
	p2 =	por !p2, p0  }
0x20: {  	[sflag:s8] =	ssyncset.s32 @!p0 $0xFFFFF086;
	s6 =	sadd.s32 @!p0 s3, s7;
	s7 =	simm.s32 @!p0 $0x108  }
0x21: {  	s3 =	sadd.s32 s3, s9;
	s6 =	sadd.s32 @!p0 $0x88, s6;
	s7 =	simm.s32 @p2 $0x1082  }
0x22: {  	[simem:s7], [sflag:s8] =	dma.local @!p0 [hbm:s6], $0xF7A  }
0x23: {  	s9 =	sor.u32 $0xD0000000, s2;
	s6 =	simm.s32 $0x108;
	_ =	swait.ge @!p0 [sflag:s8], $0x0  }
0x24: {  	s3 =	sadd.s32 $0x88, s3;
	s6 =	simm.s32 @!p1 $0x1082;
	[sflag:s4] =	ssyncset.s32 $0xFFFFF086  }
0x25: {  	[simem:s6], [sflag:s4] =	dma.local [hbm:s3], $0xF7A  }
0x26: {  	[smem:$0x3F9A] =	sst s1;
	(tag) =	ssettag s2;
	_ =	strace s9  }
0x27: {  	s1 =	sld [smem:$0x3FAA]  }
0x28: {  	s2 =	sld [smem:$0x3FAB]  }
0x29: {  	s4 =	sld [smem:$0x3FAD]  }
0x2a: {  	p0 =	seq.s32 s5, $0x0;
	s5 =	sld [smem:$0x3FAE]  }
0x2b: {  	s6 =	sld [smem:$0x3FAF]  }
0x2c: {  	s7 =	sld [smem:$0x3FB0]  }
0x2d: {  	s3 =	simm.s32 $0x108;
	s8 =	sld [smem:$0x3FB1]  }
0x2e: {  	s3 =	simm.s32 @!p0 $0x1082;
	s9 =	sld [smem:$0x3FB2]  }
0x2f: {  	lr =	sadd.s32 s0, s3;
	s0 =	sld [smem:$0x3FA9]  }
0x30: {  	s3 =	sld [smem:$0x3FAC]  }
0x31: {  	[smem:$0x3FB5] =	sst s10  }
0x32: {  	s10 =	sld [smem:$0x3FB3];
	_ =	sdelay $0x3  }
0x33: {  	p0 =	seq.s32 s10, $0x1;
	s10 =	sld [smem:$0x3FB5];
	_ =	sdelay $0x3  }
0x34: {  	[smem:$0x3FB5] =	sst s10  }
0x35: {  	s10 =	sld [smem:$0x3FB4];
	_ =	sdelay $0x3  }
0x36: {  	p1 =	seq.s32 s10, $0x1;
	s10 =	sld [smem:$0x3FB5];
	_ =	sdelay $0x3  }
0x37: {  	[smem:$0x3FB5] =	sst s10  }
0x38: {  	s10 =	sld [smem:$0x3FB6]  }
0x39: {  	_ = 	snop;
	(pc) =	sbr.ind lr, $3  }
0x3a: {  	_ = 	snop  }
0x3b: {  	_ = 	snop  }
0x3c: {  	p2 =	seq.s32 s10, $0x1;
	s10 =	sld [smem:$0x3FB5]  }
0x3d: {  	_ =	shalt  }
0x3e: {  	_ =	shalt  }
0x3f: {  	_ =	shalt  }
0x40: {  	_ =	shalt  }
0x41: {  	_ =	shalt  }
0x42: {  	_ =	shalt  }
0x43: {  	_ =	shalt  }
0x44: {  	_ =	shalt  }
0x45: {  	_ =	shalt  }
0x46: {  	_ =	shalt  }
0x47: {  	_ =	shalt  }
0x48: {  	_ =	shalt  }
0x49: {  	_ =	shalt  }
0x4a: {  	_ =	shalt  }
0x4b: {  	_ =	shalt  }
0x4c: {  	_ =	shalt  }
0x4d: {  	_ =	shalt  }
0x4e: {  	_ =	shalt  }
0x4f: {  	_ =	shalt  }
0x50: {  	_ =	shalt  }
0x51: {  	_ =	shalt  }
0x52: {  	_ =	shalt  }
0x53: {  	_ =	shalt  }
0x54: {  	_ =	shalt  }
0x55: {  	_ =	shalt  }
0x56: {  	_ =	shalt  }
0x57: {  	_ =	shalt  }
0x58: {  	_ =	shalt  }
0x59: {  	_ =	shalt  }
0x5a: {  	_ =	shalt  }
0x5b: {  	_ =	shalt  }
0x5c: {  	_ =	shalt  }
0x5d: {  	_ =	shalt  }
0x5e: {  	_ =	shalt  }
0x5f: {  	_ =	shalt  }
0x60: {  	_ =	shalt  }
0x61: {  	_ =	shalt  }
0x62: {  	_ =	shalt  }
0x63: {  	_ =	shalt  }
0x64: {  	_ =	shalt  }
0x65: {  	_ =	shalt  }
0x66: {  	_ =	shalt  }
0x67: {  	_ =	shalt  }
0x68: {  	_ =	shalt  }
0x69: {  	_ =	shalt  }
0x6a: {  	_ =	shalt  }
0x6b: {  	_ =	shalt  }
0x6c: {  	_ =	shalt  }
0x6d: {  	_ =	shalt  }
0x6e: {  	_ =	shalt  }
0x6f: {  	_ =	shalt  }
0x70: {  	_ =	shalt  }
0x71: {  	_ =	shalt  }
0x72: {  	_ =	shalt  }
0x73: {  	_ =	shalt  }
0x74: {  	_ =	shalt  }
0x75: {  	_ =	shalt  }
0x76: {  	_ =	shalt  }
0x77: {  	_ =	shalt  }
0x78: {  	_ =	shalt  }
0x79: {  	_ =	shalt  }
0x7a: {  	_ =	shalt  }
0x7b: {  	_ =	shalt  }
0x7c: {  	_ =	shalt  }
0x7d: {  	_ =	shalt  }
0x7e: {  	_ =	shalt  }
0x7f: {  	_ =	shalt  }
0x80: {  	_ =	shalt  }
0x81: {  	_ =	shalt  }
0x82: {  	_ =	shalt  }
0x83: {  	_ =	shalt  }
0x84: {  	_ =	shalt  }
0x85: {  	_ =	shalt  }
0x86: {  	_ =	shalt  }
0x87: {  	_ =	shalt  }
.Lfunc_end0:
.L_simem_size_0:
called_computation.1_lowered:
.L_overlay_start_0:
0x88: {  	s2 =	sld [smem:$0x3FD9]  }
0x89: {  	s3 =	sld [smem:$0x3FFE];
	_ =	sdelay $0x1  }
0x8a: {  	s1 =	srdreg.scid  }
0x8b: {  	s0 =	sand.u32 $0x1, s1  }
0x8c: {  	s17 =	sshll.u32 s0, $0xA;
	s2 =	sadd.s32 s3, s2  }
0x8d: {  	s2 =	sadd.s32 s2, s17  }
0x8e: {  	[smem:$0x3FC1] =	sst s2  }
0x8f: {  	_ = 	snop  }
0x90: {  	s18 =	sld [smem:$0x3FD0];
	(tm) =	ssettm $0x1  }
0x91: {  	s19 =	sld [smem:$0x3FFB];
	_ =	sdelay $0x3  }
0x92: {  	_ =	strace s19  }
0x93: {  	s2 =	sld [smem:$0x3FFC];
	_ =	sdelay $0x3  }
0x94: {  	_ =	strace s2  }
0x95: {  	s2 =	sld [smem:$0x3FFD];
	_ =	sdelay $0x3  }
0x96: {  	_ =	strace s2  }
0x97: {  	_ =	strace $0x8FFFFFFF  }
0x98: {  	s20 =	sld [smem:$0x3FDB];
	_ =	sdelay $0x1  }
0x99: {  	s4 =	simm.s32 $_scs_section_size  }
0x9a: {  	s5 =	simm.s32 $_size__tile_overlayer_lowered;
	s6 =	simm.s32 $_tile_overlayer_lowered  }
0x9b: {  	s7 =	simm.s32 $0x1BFF;
	s21 =	sshll.u32 s6, $0x1;
	s4 =	sadd.s32 s4, s20  }
0x9c: {  	s22 =	simm.s32 $0x0;
	s5 =	sshll.u32 s5, $0x1;
	s6 =	sadd.s32 s21, s4  }
0x9d: {  	[timem:s22], [sflag:s7] =	dma.local [hbm:s6], s5  }
0x9e: {  	_ =	swait.ge [sflag:s7], s5  }
0x9f: {  	s5 =	ssub.s32 $0x0, s5;
	[sflag:s7] =	ssyncset.done $0x0  }
0xa0: {  	[sflag:s7] =	ssyncadd.s32 s5;
	_ =	sdelay $0x1  }
0xa1: {  	s23 =	simm.s32 $0x1B8B  }
0xa2: {  	_ =	swait.ge [sflag:s23], $0x1  }
0xa3: {  	[sflag:s23] =	ssyncset.done $0x0  }
0xa4: {  	[sflag:s23] =	ssyncadd.s32 $0xFFFFFFFF  }
0xa5: {  	s5 =	sld [smem:$0x0]  }
0xa6: {  	s6 =	sand.u32 $0xFFFFFFFE, s1  }
0xa7: {  	p0 =	sne.s32 s1, s6  }
0xa8: {  	s6 =	sshll.u32 @p0 s6, $0xE  }
0xa9: {  	s6 =	sadd.s32 @p0 $0x11B8D, s6;
	s7 =	sshll.u32 @p0 s5, $0x11  }
0xaa: {  	s6 =	sor.u32 @p0 s7, s6  }
0xab: {  	[sflag:s6] =	ssyncadd.remote.s32 @p0 $0x1;
	_ =	sdelay $0x1  }
0xac: {  	s6 =	simm.s32 @p0 $0x1B8D  }
0xad: {  	_ =	swait.eq @p0 [sflag:s6], $0x1  }
0xae: {  	[sflag:s6] =	ssyncadd.s32 @p0 $0xFFFFFFFF  }
0xaf: {  	s7 =	sshll.u32 @!p0 s1, $0xE  }
0xb0: {  	s7 =	sor.u32 @!p0 $0x4000, s7;
	s6 =	simm.s32 @!p0 $0x1B8D  }
0xb1: {  	s5 =	sshll.u32 @!p0 s5, $0x11;
	s7 =	sadd.s32 @!p0 $0x11B8D, s7;
	_ =	swait.eq @!p0 [sflag:s6], $0x1  }
0xb2: {  	s5 =	sor.u32 @!p0 s5, s7;
	[sflag:s6] =	ssyncadd.s32 @!p0 $0xFFFFFFFF  }
0xb3: {  	s25 =	simm.s32 $0x1B8E;
	s24 =	sld [smem:$0x3FFE];
	[sflag:s5] =	ssyncadd.remote.s32 @!p0 $0x1  }
0xb4: {  	s26 =	simm.s32 $execute0_lowered;
	[smem:$0x3FD2] =	sst s25  }
0xb5: {  	s6 =	sshll.u32 s26, $0x1;
	_ =	strace $0x8000004C;
	[dreg:$0x1] =	wrdreg $0xFFFFFFFF  }
0xb6: {  	s28 =	simm.s32 $_size_execute0_lowered;
	s4 =	sadd.s32 s4, s6;
	[dreg:$0x0] =	wrdreg $0x0  }
0xb7: {  	s6 =	sshll.u32 s28, $0x1;
	[dreg:$0x2] =	wrdreg s4  }
0xb8: {  	[dreg:$0x3] =	wrdreg s6  }
0xb9: {  	[dreg:$0x4] =	wrdreg $0xC0  }
0xba: {  	_ =	task [dreg:s22], $0x5FFFF  }
0xbb: {  	[dreg:$0x1] =	wrdreg $0xFFFFFFFF  }
0xbc: {  	[dreg:$0x0] =	wrdreg $0x60  }
0xbd: {  	[dreg:$0x2] =	wrdreg s24  }
0xbe: {  	[dreg:$0x3] =	wrdreg s18  }
0xbf: {  	[dreg:$0x4] =	wrdreg $0x10C000  }
0xc0: {  	[dreg:$0x5] =	wrdreg $0x18C000  }
0xc1: {  	[dreg:$0x6] =	wrdreg $0xA  }
0xc2: {  	_ =	task.clear_ibuf [dreg:s22], $0x7FFFF;
	_ =	strace $0x9000004C  }
0xc3: {  	s29 =	simm.s32 $0xA;
	_ =	strace $0x8000004E  }
0xc4: {  	_ =	swait.ge [sflag:s29], $0x1  }
0xc5: {  	[sflag:s29] =	ssyncadd.s32 $0xFFFFFFFF  }
0xc6: {  	_ =	strace $0x9000004E  }
0xc7: {  	_ =	sfence  }
0xc8: {  	s30 =	sld [smem:$0x0];
	_ =	sdelay $0x2  }
0xc9: {  	s31 =	sshll.u32 s1, $0xD;
	s1 =	sshrl.u32 s1, $0x2  }
0xca: {  	s4 =	sand.u32 $0x4000, s31;
	s1 =	sadd.s32 s1, s30  }
0xcb: {  	s0 =	sor.u32 s4, s0;
	s1 =	sshll.u32 s1, $0x11  }
0xcc: {  	s0 =	sor.u32 s1, s0  }
0xcd: {  	s0 =	sadd.s32 $0x8F2B, s0  }
0xce: {  	[sflag:s0] =	ssyncadd.remote.s32 $0x1  }
0xcf: {  	_ =	sfence.sel $0xFFFF  }
0xd0: {  	[dreg:$0x0] =	wrdreg $0xFFFFFFFF;
	(pc) =	sbr.abs _section_cstart, $3  }
0xd1: {  	[dreg:$0x1] =	wrdreg $0xFFFFFFFF  }
0xd2: {  	_ =	task.clear_ibuf [dreg:s22], $0x2FFFF;
	_ =	strace $0x9FFFFFFF  }
0xd3: {  	(tm) =	ssettm $0x7FFFFFFF  }
tec
execute0_lowered:
.L_overlay_start_1:
0x0: {  	(tag) =	ssettag $0x1  }
0x1: {  	s0 =	rddreg [dreg:$0x0]  }
0x2: {  	s3 =	rddreg [dreg:$0x1]  }
0x3: {  	s1 =	rddreg [dreg:$0x2]  }
0x4: {  	s2 =	rddreg [dreg:$0x3];
	s4 =	simm.s32 $0x0;
	s5 =	srdreg.scid  }
0x5: {  	s7 =	stileid.u32;
	s13 =	simm.s32 $0xC00;
	s14 =	simm.s32 $0x8C00  }
0x6: {  	s16 =	simm.s32 $0x80;
	s17 =	simm.s32 $0x400;
	s19 =	simm.s32 $0x480  }
0x7: {  	s20 =	simm.s32 $0x100;
	s22 =	simm.s32 $0x500;
	s23 =	simm.s32 $0x180  }
0x8: {  	s29 =	simm.s32 $0x600;
	s30 =	simm.s32 $0x280;
	s18 =	simm.s32 $0x700  }
0x9: {  	s21 =	simm.s32 $0x380;
	s28 =	simm.s32 $0x780;
	s15 =	simm.s32 $0x0  }
0xa: {  	[smem:$0x7FF] =	sst s4;
	s12 =	sand.u32 $0x1, s5;
	s8 =	sshll.u32 s7, $0xC  }
0xb: {  	s24 =	sshll.u32 s7, $0x7;
	s7 =	sshll.u32 s7, $0xF;
	_ =	strace $0x8000004D  }
0xc: {  	s6 =	ssub.s32 $0x2, s12;
	s9 =	sadd.s32 s8, s0;
	s0 =	sadd.s32 s24, s0  }
0xd: {  	s7 =	sadd.s32 s7, s1;
	s31 =	sshrl.u32 s8, $0x2;
	p0 =	sne.s32 s12, $0x0  }
.Ltmp0:
0xe: {  	s12 =	simm.s32 $0x1;
	s26 =	sadd.s32 $0x2400, s0;
	(pc) =	sbr.rel .LBB2_1-.Ltmp0, $4  }
0xf: {  	s25 =	sshrl.u32 s6, $0x1;
	s9 =	sadd.s32 $0x3EAC00, s9;
	s10 =	sadd.s32 $0x3FAC00, s0  }
0x10: {  	s0 =	simm.s32 $0x680;
	s11 =	ssub.s32 s6, s25;
	[dreg:$0x5] =	wrdreg s26  }
0x11: {  	s6 =	sadd.s32 s3, s8;
	s8 =	sadd.s32 s31, s2;
	s25 =	simm.s32 $0x580  }
0x12: {  	v0 =	vimm.f32 $1.000000000e+00;
	v1 =	vimm.f32 $0.0e+00;
	s26 =	simm.s32 $0x200;
	s3 =	simm.s32 $0x300;
	s11 =	smax.u32 s11, $0x1  }
.LBB2_9:
0x13: {  	[bflag:$0x0] =	sbarrier.arrive $0xFFFF  }
0x14: {  	[bflag:$0x0] =	sbarrier.arrive $0xFFFF  }
.LBB2_7:
0x15: {  	s15 =	sadd.s32 $0x1, s15  }
0x16: {  	p1 =	sne.s32 s15, s11  }
.Ltmp1:
0x17: {  	_ = 	snop;
	(pc) =	sbr.rel @!p1 .LBB2_8-.Ltmp1, $1  }
0x18: {  	_ =	sdelay $0x3  }
.LBB2_1:
.Ltmp2:
0x19: {  	(pc) =	sbr.rel @p0 .LBB2_9-.Ltmp2, $1  }
0x1a: {  	_ =	sdelay $0x3  }
0x1b: {  	s24 =	simm.s32 $0x0;
	s5 =	rddreg [dreg:$0x5]  }
0x1c: {  	[tilespmem:s24], [sflag:$0x1] =	stream.linear.gather [hbm4b:s5+s24], $0x400, $0x38;
	[tilespmem:$0x19000] =	vst v63  }
0x1d: {  	_ =	swait.ge [sflag:s12], $0x400  }
0x1e: {  	[sflag:s12] =	ssyncset.done $0x0  }
0x1f: {  	[sflag:s12] =	ssyncadd.s32 $0xFFFFFC00  }
0x20: {  	[tilespmem:s13], [sflag:$0x1] =	stream.linear.gather [hbm4b:s6+s24], $0x8000, $0x38;
	[tilespmem:$0x19000] =	vst v63  }
0x21: {  	_ =	swait.ge [sflag:s12], $0x8000  }
0x22: {  	[sflag:s12] =	ssyncset.done $0x0  }
0x23: {  	s31 =	simm.s32 $0x0;
	s24 =	simm.s32 $0x40;
	[sflag:s12] =	ssyncadd.s32 $0xFFFF8000  }
.LBB2_3:
0x24: {  	p1 =	sne.s32 s24, $0xFC0;
	[tilespmem:s31+$0x400] =	vst v0;
	s5 =	smov.u32 s24;
	s24 =	sadd.s32 $0x40, s24  }
.Ltmp3:
0x25: {  	[tilespmem:s31+$0x800] =	vst v1;
	(pc) =	sbr.rel @p1 .LBB2_3-.Ltmp3, $2  }
0x26: {  	_ =	sdelay $0x2  }
0x27: {  	s31 =	sshra.s32 s5, $0x2  }
0x28: {  	[tilespmem:s31+$0x400] =	vst v0  }
0x29: {  	[tilespmem:s31+$0x800] =	vst v1;
	s24 =	simm.s32 $0x80;
	s31 =	simm.s32 $0x0  }
.LBB2_5:
0x2a: {  	p1 =	seq.s32 s24, $0x1FF80;
	[tilespmem:s31+$0x8C00] =	vst v1;
	s5 =	smov.u32 s24;
	s24 =	sadd.s32 $0x80, s24  }
.Ltmp4:
0x2b: {  	[tilespmem:s31+$0x8C10] =	vst v1;
	(pc) =	sbr.rel @!p1 .LBB2_5-.Ltmp4, $2  }
0x2c: {  	_ =	sdelay $0x2  }
0x2d: {  	s31 =	sshra.s32 s5, $0x2  }
0x2e: {  	[tilespmem:s31+$0x8C00] =	vst v1  }
0x2f: {  	[tilespmem:s31+$0x8C10] =	vst v1  }
0x30: {  	[spmem:s7] =	stream.linear.scatter [tilespmem:s14], [sflag:$0x1], $0x8000, $0x38;
	[tilespmem:$0x19000] =	vst v63  }
0x31: {  	_ =	swait.ge [sflag:s12], $0x8000  }
0x32: {  	[sflag:s12] =	ssyncset.done $0x0  }
0x33: {  	s5 =	simm.s32 $0x800;
	[sflag:s12] =	ssyncadd.s32 $0xFFFF8000  }
0x34: {  	[spmem:s8] =	stream.linear.scatter [tilespmem:s5], [sflag:$0x1], $0x400, $0x38;
	[tilespmem:$0x19000] =	vst v63  }
0x35: {  	_ =	swait.ge [sflag:s12], $0x400  }
0x36: {  	[sflag:s12] =	ssyncset.done $0x0  }
0x37: {  	[sflag:s12] =	ssyncadd.s32 $0xFFFFFC00  }
0x38: {  	[bflag:$0x0] =	sbarrier.arrive $0xFFFF  }
0x39: {  	[spmem:s1] =	stream.indirect.scatter.add.f32 [tilespmem:s13], [sflag:$0x1], $0x20, s4, s16, $0xb8;
	[tilespmem:$0x19000] =	vst v63  }
0x3a: {  	_ =	swait.ge [sflag:s12], $0x1000  }
0x3b: {  	[sflag:s12] =	ssyncset.done $0x0  }
0x3c: {  	[sflag:s12] =	ssyncadd.s32 $0xFFFFF000  }
0x3d: {  	[spmem:s2] =	stream.indirect.scatter.add.f32 [tilespmem:s17], [sflag:$0x1], $0x1, s4, s16, $0xb8;
	[tilespmem:$0x19000] =	vst v63  }
0x3e: {  	_ =	swait.ge [sflag:s12], $0x80  }
0x3f: {  	[sflag:s12] =	ssyncset.done $0x0  }
0x40: {  	s24 =	simm.s32 $0x1C00;
	[sflag:s12] =	ssyncadd.s32 $0xFFFFFF80  }
0x41: {  	[spmem:s1] =	stream.indirect.scatter.add.f32 [tilespmem:s24], [sflag:$0x1], $0x20, s16, s16, $0xb8;
	[tilespmem:$0x19000] =	vst v63  }
0x42: {  	_ =	swait.ge [sflag:s12], $0x1000  }
0x43: {  	[sflag:s12] =	ssyncset.done $0x0  }
0x44: {  	[sflag:s12] =	ssyncadd.s32 $0xFFFFF000  }
0x45: {  	[spmem:s2] =	stream.indirect.scatter.add.f32 [tilespmem:s19], [sflag:$0x1], $0x1, s16, s16, $0xb8;
	[tilespmem:$0x19000] =	vst v63  }
0x46: {  	_ =	swait.ge [sflag:s12], $0x80  }
0x47: {  	[sflag:s12] =	ssyncset.done $0x0  }
0x48: {  	s31 =	simm.s32 $0x2C00;
	[sflag:s12] =	ssyncadd.s32 $0xFFFFFF80  }
0x49: {  	[spmem:s1] =	stream.indirect.scatter.add.f32 [tilespmem:s31], [sflag:$0x1], $0x20, s20, s16, $0xb8;
	[tilespmem:$0x19000] =	vst v63  }
0x4a: {  	_ =	swait.ge [sflag:s12], $0x1000  }
0x4b: {  	[sflag:s12] =	ssyncset.done $0x0  }
0x4c: {  	[sflag:s12] =	ssyncadd.s32 $0xFFFFF000  }
0x4d: {  	[spmem:s2] =	stream.indirect.scatter.add.f32 [tilespmem:s22], [sflag:$0x1], $0x1, s20, s16, $0xb8;
	[tilespmem:$0x19000] =	vst v63  }
0x4e: {  	_ =	swait.ge [sflag:s12], $0x80  }
0x4f: {  	[sflag:s12] =	ssyncset.done $0x0  }
0x50: {  	s24 =	simm.s32 $0x3C00;
	[sflag:s12] =	ssyncadd.s32 $0xFFFFFF80  }
0x51: {  	[spmem:s1] =	stream.indirect.scatter.add.f32 [tilespmem:s24], [sflag:$0x1], $0x20, s23, s16, $0xb8;
	[tilespmem:$0x19000] =	vst v63  }
0x52: {  	_ =	swait.ge [sflag:s12], $0x1000  }
0x53: {  	[sflag:s12] =	ssyncset.done $0x0  }
0x54: {  	[sflag:s12] =	ssyncadd.s32 $0xFFFFF000  }
0x55: {  	[spmem:s2] =	stream.indirect.scatter.add.f32 [tilespmem:s25], [sflag:$0x1], $0x1, s23, s16, $0xb8;
	[tilespmem:$0x19000] =	vst v63  }
0x56: {  	_ =	swait.ge [sflag:s12], $0x80  }
0x57: {  	[sflag:s12] =	ssyncset.done $0x0  }
0x58: {  	s31 =	simm.s32 $0x4C00;
	[sflag:s12] =	ssyncadd.s32 $0xFFFFFF80  }
0x59: {  	[spmem:s1] =	stream.indirect.scatter.add.f32 [tilespmem:s31], [sflag:$0x1], $0x20, s26, s16, $0xb8;
	[tilespmem:$0x19000] =	vst v63  }
0x5a: {  	_ =	swait.ge [sflag:s12], $0x1000  }
0x5b: {  	[sflag:s12] =	ssyncset.done $0x0  }
0x5c: {  	[sflag:s12] =	ssyncadd.s32 $0xFFFFF000  }
0x5d: {  	[spmem:s2] =	stream.indirect.scatter.add.f32 [tilespmem:s29], [sflag:$0x1], $0x1, s26, s16, $0xb8;
	[tilespmem:$0x19000] =	vst v63  }
0x5e: {  	_ =	swait.ge [sflag:s12], $0x80  }
0x5f: {  	[sflag:s12] =	ssyncset.done $0x0  }
0x60: {  	s24 =	simm.s32 $0x5C00;
	[sflag:s12] =	ssyncadd.s32 $0xFFFFFF80  }
0x61: {  	[spmem:s1] =	stream.indirect.scatter.add.f32 [tilespmem:s24], [sflag:$0x1], $0x20, s30, s16, $0xb8;
	[tilespmem:$0x19000] =	vst v63  }
0x62: {  	_ =	swait.ge [sflag:s12], $0x1000  }
0x63: {  	[sflag:s12] =	ssyncset.done $0x0  }
0x64: {  	[sflag:s12] =	ssyncadd.s32 $0xFFFFF000  }
0x65: {  	[spmem:s2] =	stream.indirect.scatter.add.f32 [tilespmem:s0], [sflag:$0x1], $0x1, s30, s16, $0xb8;
	[tilespmem:$0x19000] =	vst v63  }
0x66: {  	_ =	swait.ge [sflag:s12], $0x80  }
0x67: {  	[sflag:s12] =	ssyncset.done $0x0  }
0x68: {  	s31 =	simm.s32 $0x6C00;
	[sflag:s12] =	ssyncadd.s32 $0xFFFFFF80  }
0x69: {  	[spmem:s1] =	stream.indirect.scatter.add.f32 [tilespmem:s31], [sflag:$0x1], $0x20, s3, s16, $0xb8;
	[tilespmem:$0x19000] =	vst v63  }
0x6a: {  	_ =	swait.ge [sflag:s12], $0x1000  }
0x6b: {  	[sflag:s12] =	ssyncset.done $0x0  }
0x6c: {  	[sflag:s12] =	ssyncadd.s32 $0xFFFFF000  }
0x6d: {  	[spmem:s2] =	stream.indirect.scatter.add.f32 [tilespmem:s18], [sflag:$0x1], $0x1, s3, s16, $0xb8;
	[tilespmem:$0x19000] =	vst v63  }
0x6e: {  	_ =	swait.ge [sflag:s12], $0x80  }
0x6f: {  	[sflag:s12] =	ssyncset.done $0x0  }
0x70: {  	s24 =	simm.s32 $0x7C00;
	[sflag:s12] =	ssyncadd.s32 $0xFFFFFF80  }
0x71: {  	[spmem:s1] =	stream.indirect.scatter.add.f32 [tilespmem:s24], [sflag:$0x1], $0x20, s21, s16, $0xb8;
	[tilespmem:$0x19000] =	vst v63  }
0x72: {  	_ =	swait.ge [sflag:s12], $0x1000  }
0x73: {  	[sflag:s12] =	ssyncset.done $0x0  }
0x74: {  	[sflag:s12] =	ssyncadd.s32 $0xFFFFF000  }
0x75: {  	[spmem:s2] =	stream.indirect.scatter.add.f32 [tilespmem:s28], [sflag:$0x1], $0x1, s21, s16, $0xb8;
	[tilespmem:$0x19000] =	vst v63  }
0x76: {  	_ =	swait.ge [sflag:s12], $0x80  }
0x77: {  	[sflag:s12] =	ssyncset.done $0x0  }
0x78: {  	[sflag:s12] =	ssyncadd.s32 $0xFFFFFF80  }
0x79: {  	[bflag:$0x0] =	sbarrier.arrive $0xFFFF  }
0x7a: {  	[tilespmem:s14], [sflag:$0x1] =	stream.indirect.gather [spmem:s1], $0x20, s4, s16, $0xb8;
	[tilespmem:$0x19000] =	vst v63  }
0x7b: {  	_ =	swait.ge [sflag:s12], $0x1000  }
0x7c: {  	[sflag:s12] =	ssyncset.done $0x0  }
0x7d: {  	[sflag:s12] =	ssyncadd.s32 $0xFFFFF000  }
0x7e: {  	[tilespmem:s17], [sflag:$0x1] =	stream.indirect.gather [spmem:s2], $0x1, s4, s16, $0xb8;
	[tilespmem:$0x19000] =	vst v63  }
0x7f: {  	_ =	swait.ge [sflag:s12], $0x80  }
0x80: {  	[sflag:s12] =	ssyncset.done $0x0  }
0x81: {  	s31 =	simm.s32 $0x9C00;
	[sflag:s12] =	ssyncadd.s32 $0xFFFFFF80  }
0x82: {  	[tilespmem:s31], [sflag:$0x1] =	stream.indirect.gather [spmem:s1], $0x20, s16, s16, $0xb8;
	[tilespmem:$0x19000] =	vst v63  }
0x83: {  	_ =	swait.ge [sflag:s12], $0x1000  }
0x84: {  	[sflag:s12] =	ssyncset.done $0x0  }
0x85: {  	[sflag:s12] =	ssyncadd.s32 $0xFFFFF000  }
0x86: {  	[tilespmem:s19], [sflag:$0x1] =	stream.indirect.gather [spmem:s2], $0x1, s16, s16, $0xb8;
	[tilespmem:$0x19000] =	vst v63  }
0x87: {  	_ =	swait.ge [sflag:s12], $0x80  }
0x88: {  	[sflag:s12] =	ssyncset.done $0x0  }
0x89: {  	s24 =	simm.s32 $0xAC00;
	[sflag:s12] =	ssyncadd.s32 $0xFFFFFF80  }
0x8a: {  	[tilespmem:s24], [sflag:$0x1] =	stream.indirect.gather [spmem:s1], $0x20, s20, s16, $0xb8;
	[tilespmem:$0x19000] =	vst v63  }
0x8b: {  	_ =	swait.ge [sflag:s12], $0x1000  }
0x8c: {  	[sflag:s12] =	ssyncset.done $0x0  }
0x8d: {  	[sflag:s12] =	ssyncadd.s32 $0xFFFFF000  }
0x8e: {  	[tilespmem:s22], [sflag:$0x1] =	stream.indirect.gather [spmem:s2], $0x1, s20, s16, $0xb8;
	[tilespmem:$0x19000] =	vst v63  }
0x8f: {  	_ =	swait.ge [sflag:s12], $0x80  }
0x90: {  	[sflag:s12] =	ssyncset.done $0x0  }
0x91: {  	s31 =	simm.s32 $0xBC00;
	[sflag:s12] =	ssyncadd.s32 $0xFFFFFF80  }
0x92: {  	[tilespmem:s31], [sflag:$0x1] =	stream.indirect.gather [spmem:s1], $0x20, s23, s16, $0xb8;
	[tilespmem:$0x19000] =	vst v63  }
0x93: {  	_ =	swait.ge [sflag:s12], $0x1000  }
0x94: {  	[sflag:s12] =	ssyncset.done $0x0  }
0x95: {  	[sflag:s12] =	ssyncadd.s32 $0xFFFFF000  }
0x96: {  	[tilespmem:s25], [sflag:$0x1] =	stream.indirect.gather [spmem:s2], $0x1, s23, s16, $0xb8;
	[tilespmem:$0x19000] =	vst v63  }
0x97: {  	_ =	swait.ge [sflag:s12], $0x80  }
0x98: {  	[sflag:s12] =	ssyncset.done $0x0  }
0x99: {  	s24 =	simm.s32 $0xCC00;
	[sflag:s12] =	ssyncadd.s32 $0xFFFFFF80  }
0x9a: {  	[tilespmem:s24], [sflag:$0x1] =	stream.indirect.gather [spmem:s1], $0x20, s26, s16, $0xb8;
	[tilespmem:$0x19000] =	vst v63  }
0x9b: {  	_ =	swait.ge [sflag:s12], $0x1000  }
0x9c: {  	[sflag:s12] =	ssyncset.done $0x0  }
0x9d: {  	[sflag:s12] =	ssyncadd.s32 $0xFFFFF000  }
0x9e: {  	[tilespmem:s29], [sflag:$0x1] =	stream.indirect.gather [spmem:s2], $0x1, s26, s16, $0xb8;
	[tilespmem:$0x19000] =	vst v63  }
0x9f: {  	_ =	swait.ge [sflag:s12], $0x80  }
0xa0: {  	[sflag:s12] =	ssyncset.done $0x0  }
0xa1: {  	s31 =	simm.s32 $0xDC00;
	[sflag:s12] =	ssyncadd.s32 $0xFFFFFF80  }
0xa2: {  	[tilespmem:s31], [sflag:$0x1] =	stream.indirect.gather [spmem:s1], $0x20, s30, s16, $0xb8;
	[tilespmem:$0x19000] =	vst v63  }
0xa3: {  	_ =	swait.ge [sflag:s12], $0x1000  }
0xa4: {  	[sflag:s12] =	ssyncset.done $0x0  }
0xa5: {  	[sflag:s12] =	ssyncadd.s32 $0xFFFFF000  }
0xa6: {  	[tilespmem:s0], [sflag:$0x1] =	stream.indirect.gather [spmem:s2], $0x1, s30, s16, $0xb8;
	[tilespmem:$0x19000] =	vst v63  }
0xa7: {  	_ =	swait.ge [sflag:s12], $0x80  }
0xa8: {  	[sflag:s12] =	ssyncset.done $0x0  }
0xa9: {  	s24 =	simm.s32 $0xEC00;
	[sflag:s12] =	ssyncadd.s32 $0xFFFFFF80  }
0xaa: {  	[tilespmem:s24], [sflag:$0x1] =	stream.indirect.gather [spmem:s1], $0x20, s3, s16, $0xb8;
	[tilespmem:$0x19000] =	vst v63  }
0xab: {  	_ =	swait.ge [sflag:s12], $0x1000  }
0xac: {  	[sflag:s12] =	ssyncset.done $0x0  }
0xad: {  	[sflag:s12] =	ssyncadd.s32 $0xFFFFF000  }
0xae: {  	[tilespmem:s18], [sflag:$0x1] =	stream.indirect.gather [spmem:s2], $0x1, s3, s16, $0xb8;
	[tilespmem:$0x19000] =	vst v63  }
0xaf: {  	_ =	swait.ge [sflag:s12], $0x80  }
0xb0: {  	[sflag:s12] =	ssyncset.done $0x0  }
0xb1: {  	s31 =	simm.s32 $0xFC00;
	[sflag:s12] =	ssyncadd.s32 $0xFFFFFF80  }
0xb2: {  	[tilespmem:s31], [sflag:$0x1] =	stream.indirect.gather [spmem:s1], $0x20, s21, s16, $0xb8;
	[tilespmem:$0x19000] =	vst v63  }
0xb3: {  	_ =	swait.ge [sflag:s12], $0x1000  }
0xb4: {  	[sflag:s12] =	ssyncset.done $0x0  }
0xb5: {  	[sflag:s12] =	ssyncadd.s32 $0xFFFFF000  }
0xb6: {  	[tilespmem:s28], [sflag:$0x1] =	stream.indirect.gather [spmem:s2], $0x1, s21, s16, $0xb8;
	[tilespmem:$0x19000] =	vst v63  }
0xb7: {  	_ =	swait.ge [sflag:s12], $0x80  }
0xb8: {  	[sflag:s12] =	ssyncset.done $0x0  }
0xb9: {  	[sflag:s12] =	ssyncadd.s32 $0xFFFFFF80  }
0xba: {  	[hbm4b:s9+s4] =	stream.linear.scatter [tilespmem:s14], [sflag:$0x1], $0x8000, $0x38;
	[tilespmem:$0x19000] =	vst v63  }
0xbb: {  	_ =	swait.ge [sflag:s12], $0x8000  }
0xbc: {  	[sflag:s12] =	ssyncset.done $0x0  }
.Ltmp5:
0xbd: {  	[sflag:s12] =	ssyncadd.s32 $0xFFFF8000;
	(pc) =	sbr.rel .LBB2_7-.Ltmp5, $4  }
0xbe: {  	[hbm4b:s10+s4] =	stream.linear.scatter [tilespmem:s17], [sflag:$0x1], $0x400, $0x38;
	[tilespmem:$0x19000] =	vst v63  }
0xbf: {  	_ =	swait.ge [sflag:s12], $0x400  }
0xc0: {  	[sflag:s12] =	ssyncset.done $0x0  }
0xc1: {  	[sflag:s12] =	ssyncadd.s32 $0xFFFFFC00  }
.LBB2_8:
0xc2: {  	_ =	sfence.sel $0x180000  }
0xc3: {  	[bflag:$0x0] =	sbarrier.arrive $0xFFFF  }
0xc4: {  	_ =	strace $0x9000004D  }
0xc5: {  	s0 =	stileid.u32;
	[bflag:$0x2] =	sbarrier.arrive $0xFFFF  }
0xc6: {  	p0 =	sne.s32 s0, $0x0;
	s0 =	rddreg [dreg:$0x4]  }
0xc7: {  	s0 =	sadd.s32 @!p0 $0x100000, s0  }
0xc8: {  	[sflag:s0] =	ssyncadd.tile.s32 @!p0 $0x1;
	_ =	shalt  }
.Lfunc_end2:
_tile_overlayer_lowered:
.L_overlay_start_2:
0xc9: {  	(tag) =	ssettag $0x2  }
0xca: {  	s0 =	rddreg [dreg:$0x0];
	s2 =	stileid.u32  }
0xcb: {  	s1 =	rddreg [dreg:$0x1];
	p0 =	sne.s32 s2, $0x0  }
0xcc: {  	s3 =	rddreg [dreg:$0x2];
	[bflag:$0x3] =	sbarrier.arrive $0xFFFF;
	s2 =	simm.s32 @!p0 $0x1C01  }
0xcd: {  	[timem:s3], [sflag:s2] =	dma.local @!p0 [hbm:s0], s1  }
0xce: {  	s0 =	simm.s32 @!p0 $0x1  }
0xcf: {  	_ =	swait.ge @!p0 [sflag:s0], s1  }
0xd0: {  	s1 =	ssub.s32 @!p0 $0x0, s1;
	[sflag:s0] =	ssyncset.done @!p0 $0x0  }
0xd1: {  	[sflag:s0] =	ssyncadd.s32 @!p0 s1  }
0xd2: {  	[bflag:$0x3] =	sbarrier.arrive $0xFFFF  }
0xd3: {  	_ =	shalt  }

// kernel: kernel.15.cloned.1.call-start
scs
__scs_entry_jumppad:
0x0: {  	(pc) =	sbr.rel $0x88, $3  }
0x1: {  	(tag) =	ssettag $0x0;
	lr =	simm.s32 $0x1  }
0x2: {  	[smem:$0x3F9A] =	sst lr;
	_ =	strace $0xD0000000  }
0x3: {  	_ = 	snop  }
0x4: {  	_ = 	snop  }
0x5: {  	_ = 	snop  }
0x6: {  	_ = 	snop  }
0x7: {  	_ = 	snop  }
__scs_overlays_trampoline_lowered:
0x8: {  	[smem:$0x3FA9] =	sst s0  }
0x9: {  	[smem:$0x3FAA] =	sst s1  }
0xa: {  	[smem:$0x3FAB] =	sst s2  }
0xb: {  	[smem:$0x3FAC] =	sst s3  }
0xc: {  	[smem:$0x3FAD] =	sst s4  }
0xd: {  	[smem:$0x3FAE] =	sst s5  }
0xe: {  	[smem:$0x3FAF] =	sst s6  }
0xf: {  	[smem:$0x3FB0] =	sst s7  }
0x10: {  	[smem:$0x3FB1] =	sst s8  }
0x11: {  	[smem:$0x3FB2] =	sst s9;
	s0 =	simm.s32 @!p0 $0x0  }
0x12: {  	s1 =	sld [smem:$0x3F98];
	s0 =	simm.s32 @p0 $0x1  }
0x13: {  	[smem:$0x3FB3] =	sst s0;
	s0 =	simm.s32 @!p1 $0x0  }
0x14: {  	s2 =	sld [smem:$0x3F97];
	s0 =	simm.s32 @p1 $0x1  }
0x15: {  	[smem:$0x3FB4] =	sst s0;
	s0 =	simm.s32 @!p2 $0x0  }
0x16: {  	s3 =	sld [smem:$0x3FDB];
	s0 =	simm.s32 @p2 $0x1  }
0x17: {  	s4 =	simm.s32 $0x1BF5;
	[smem:$0x3FB6] =	sst s0  }
0x18: {  	s0 =	sld [smem:$0x3F99];
	_ =	swait.ge [sflag:s4], $0x0  }
0x19: {  	s7 =	sld [smem:$0x3F9A]  }
0x1a: {  	s8 =	sadd.s32 $0xFFFFE003, lr  }
0x1b: {  	s9 =	sadd.s32 $0xFFFFFEF7, lr;
	s5 =	simm.s32 $0xFFFFFFFF;
	p2 =	slt.u32 s8, $0xFFFFF086  }
0x1c: {  	p1 =	slt.u32 s9, $0xF7A;
	s5 =	simm.s32 @!p2 $0x0  }
0x1d: {  	s5 =	simm.s32 @p1 $0x1;
	p0 =	seq.s32 s7, s2  }
0x1e: {  	s7 =	smul.u32 @!p0 $0xF7A, s2;
	p2 =	seq.s32 @!p0 s5, $0x0  }
0x1f: {  	s9 =	smul.u32 $0xF7A, s1;
	s8 =	simm.s32 @!p0 $0x1BF5;
	p2 =	por !p2, p0  }
0x20: {  	[sflag:s8] =	ssyncset.s32 @!p0 $0xFFFFF086;
	s6 =	sadd.s32 @!p0 s3, s7;
	s7 =	simm.s32 @!p0 $0x108  }
0x21: {  	s3 =	sadd.s32 s3, s9;
	s6 =	sadd.s32 @!p0 $0x88, s6;
	s7 =	simm.s32 @p2 $0x1082  }
0x22: {  	[simem:s7], [sflag:s8] =	dma.local @!p0 [hbm:s6], $0xF7A  }
0x23: {  	s9 =	sor.u32 $0xD0000000, s2;
	s6 =	simm.s32 $0x108;
	_ =	swait.ge @!p0 [sflag:s8], $0x0  }
0x24: {  	s3 =	sadd.s32 $0x88, s3;
	s6 =	simm.s32 @!p1 $0x1082;
	[sflag:s4] =	ssyncset.s32 $0xFFFFF086  }
0x25: {  	[simem:s6], [sflag:s4] =	dma.local [hbm:s3], $0xF7A  }
0x26: {  	[smem:$0x3F9A] =	sst s1;
	(tag) =	ssettag s2;
	_ =	strace s9  }
0x27: {  	s1 =	sld [smem:$0x3FAA]  }
0x28: {  	s2 =	sld [smem:$0x3FAB]  }
0x29: {  	s4 =	sld [smem:$0x3FAD]  }
0x2a: {  	p0 =	seq.s32 s5, $0x0;
	s5 =	sld [smem:$0x3FAE]  }
0x2b: {  	s6 =	sld [smem:$0x3FAF]  }
0x2c: {  	s7 =	sld [smem:$0x3FB0]  }
0x2d: {  	s3 =	simm.s32 $0x108;
	s8 =	sld [smem:$0x3FB1]  }
0x2e: {  	s3 =	simm.s32 @!p0 $0x1082;
	s9 =	sld [smem:$0x3FB2]  }
0x2f: {  	lr =	sadd.s32 s0, s3;
	s0 =	sld [smem:$0x3FA9]  }
0x30: {  	s3 =	sld [smem:$0x3FAC]  }
0x31: {  	[smem:$0x3FB5] =	sst s10  }
0x32: {  	s10 =	sld [smem:$0x3FB3];
	_ =	sdelay $0x3  }
0x33: {  	p0 =	seq.s32 s10, $0x1;
	s10 =	sld [smem:$0x3FB5];
	_ =	sdelay $0x3  }
0x34: {  	[smem:$0x3FB5] =	sst s10  }
0x35: {  	s10 =	sld [smem:$0x3FB4];
	_ =	sdelay $0x3  }
0x36: {  	p1 =	seq.s32 s10, $0x1;
	s10 =	sld [smem:$0x3FB5];
	_ =	sdelay $0x3  }
0x37: {  	[smem:$0x3FB5] =	sst s10  }
0x38: {  	s10 =	sld [smem:$0x3FB6]  }
0x39: {  	_ = 	snop;
	(pc) =	sbr.ind lr, $3  }
0x3a: {  	_ = 	snop  }
0x3b: {  	_ = 	snop  }
0x3c: {  	p2 =	seq.s32 s10, $0x1;
	s10 =	sld [smem:$0x3FB5]  }
0x3d: {  	_ =	shalt  }
0x3e: {  	_ =	shalt  }
0x3f: {  	_ =	shalt  }
0x40: {  	_ =	shalt  }
0x41: {  	_ =	shalt  }
0x42: {  	_ =	shalt  }
0x43: {  	_ =	shalt  }
0x44: {  	_ =	shalt  }
0x45: {  	_ =	shalt  }
0x46: {  	_ =	shalt  }
0x47: {  	_ =	shalt  }
0x48: {  	_ =	shalt  }
0x49: {  	_ =	shalt  }
0x4a: {  	_ =	shalt  }
0x4b: {  	_ =	shalt  }
0x4c: {  	_ =	shalt  }
0x4d: {  	_ =	shalt  }
0x4e: {  	_ =	shalt  }
0x4f: {  	_ =	shalt  }
0x50: {  	_ =	shalt  }
0x51: {  	_ =	shalt  }
0x52: {  	_ =	shalt  }
0x53: {  	_ =	shalt  }
0x54: {  	_ =	shalt  }
0x55: {  	_ =	shalt  }
0x56: {  	_ =	shalt  }
0x57: {  	_ =	shalt  }
0x58: {  	_ =	shalt  }
0x59: {  	_ =	shalt  }
0x5a: {  	_ =	shalt  }
0x5b: {  	_ =	shalt  }
0x5c: {  	_ =	shalt  }
0x5d: {  	_ =	shalt  }
0x5e: {  	_ =	shalt  }
0x5f: {  	_ =	shalt  }
0x60: {  	_ =	shalt  }
0x61: {  	_ =	shalt  }
0x62: {  	_ =	shalt  }
0x63: {  	_ =	shalt  }
0x64: {  	_ =	shalt  }
0x65: {  	_ =	shalt  }
0x66: {  	_ =	shalt  }
0x67: {  	_ =	shalt  }
0x68: {  	_ =	shalt  }
0x69: {  	_ =	shalt  }
0x6a: {  	_ =	shalt  }
0x6b: {  	_ =	shalt  }
0x6c: {  	_ =	shalt  }
0x6d: {  	_ =	shalt  }
0x6e: {  	_ =	shalt  }
0x6f: {  	_ =	shalt  }
0x70: {  	_ =	shalt  }
0x71: {  	_ =	shalt  }
0x72: {  	_ =	shalt  }
0x73: {  	_ =	shalt  }
0x74: {  	_ =	shalt  }
0x75: {  	_ =	shalt  }
0x76: {  	_ =	shalt  }
0x77: {  	_ =	shalt  }
0x78: {  	_ =	shalt  }
0x79: {  	_ =	shalt  }
0x7a: {  	_ =	shalt  }
0x7b: {  	_ =	shalt  }
0x7c: {  	_ =	shalt  }
0x7d: {  	_ =	shalt  }
0x7e: {  	_ =	shalt  }
0x7f: {  	_ =	shalt  }
0x80: {  	_ =	shalt  }
0x81: {  	_ =	shalt  }
0x82: {  	_ =	shalt  }
0x83: {  	_ =	shalt  }
0x84: {  	_ =	shalt  }
0x85: {  	_ =	shalt  }
0x86: {  	_ =	shalt  }
0x87: {  	_ =	shalt  }
.Lfunc_end0:
.L_simem_size_0:
called_computation.2_lowered:
.L_overlay_start_0:
0x88: {  	s2 =	sld [smem:$0x3FD9]  }
0x89: {  	s3 =	sld [smem:$0x3FFE];
	_ =	sdelay $0x1  }
0x8a: {  	s1 =	srdreg.scid  }
0x8b: {  	s0 =	sand.u32 $0x1, s1  }
0x8c: {  	s17 =	sshll.u32 s0, $0xA;
	s2 =	sadd.s32 s3, s2  }
0x8d: {  	s2 =	sadd.s32 s2, s17  }
0x8e: {  	[smem:$0x3FC1] =	sst s2  }
0x8f: {  	_ = 	snop  }
0x90: {  	s18 =	sld [smem:$0x3FC8];
	(tm) =	ssettm $0x1  }
0x91: {  	s19 =	sld [smem:$0x3FFB];
	_ =	sdelay $0x3  }
0x92: {  	_ =	strace s19  }
0x93: {  	s2 =	sld [smem:$0x3FFC];
	_ =	sdelay $0x3  }
0x94: {  	_ =	strace s2  }
0x95: {  	s2 =	sld [smem:$0x3FFD];
	_ =	sdelay $0x3  }
0x96: {  	_ =	strace s2  }
0x97: {  	_ =	strace $0x8FFFFFFF  }
0x98: {  	s20 =	sld [smem:$0x3FDB];
	_ =	sdelay $0x1  }
0x99: {  	s4 =	simm.s32 $_scs_section_size  }
0x9a: {  	s5 =	simm.s32 $_size__tile_overlayer_lowered;
	s6 =	simm.s32 $_tile_overlayer_lowered  }
0x9b: {  	s7 =	simm.s32 $0x1BFF;
	s21 =	sshll.u32 s6, $0x1;
	s4 =	sadd.s32 s4, s20  }
0x9c: {  	s22 =	simm.s32 $0x0;
	s5 =	sshll.u32 s5, $0x1;
	s6 =	sadd.s32 s21, s4  }
0x9d: {  	[timem:s22], [sflag:s7] =	dma.local [hbm:s6], s5  }
0x9e: {  	_ =	swait.ge [sflag:s7], s5  }
0x9f: {  	s5 =	ssub.s32 $0x0, s5;
	[sflag:s7] =	ssyncset.done $0x0  }
0xa0: {  	[sflag:s7] =	ssyncadd.s32 s5;
	_ =	sdelay $0x1  }
0xa1: {  	s23 =	simm.s32 $0x1B8B  }
0xa2: {  	_ =	swait.ge [sflag:s23], $0x1  }
0xa3: {  	[sflag:s23] =	ssyncset.done $0x0  }
0xa4: {  	[sflag:s23] =	ssyncadd.s32 $0xFFFFFFFF  }
0xa5: {  	s5 =	sld [smem:$0x0]  }
0xa6: {  	s6 =	sand.u32 $0xFFFFFFFE, s1  }
0xa7: {  	p0 =	sne.s32 s1, s6  }
0xa8: {  	s6 =	sshll.u32 @p0 s6, $0xE  }
0xa9: {  	s6 =	sadd.s32 @p0 $0x11B8D, s6;
	s7 =	sshll.u32 @p0 s5, $0x11  }
0xaa: {  	s6 =	sor.u32 @p0 s7, s6  }
0xab: {  	[sflag:s6] =	ssyncadd.remote.s32 @p0 $0x1;
	_ =	sdelay $0x1  }
0xac: {  	s6 =	simm.s32 @p0 $0x1B8D  }
0xad: {  	_ =	swait.eq @p0 [sflag:s6], $0x1  }
0xae: {  	[sflag:s6] =	ssyncadd.s32 @p0 $0xFFFFFFFF  }
0xaf: {  	s7 =	sshll.u32 @!p0 s1, $0xE  }
0xb0: {  	s7 =	sor.u32 @!p0 $0x4000, s7;
	s6 =	simm.s32 @!p0 $0x1B8D  }
0xb1: {  	s5 =	sshll.u32 @!p0 s5, $0x11;
	s7 =	sadd.s32 @!p0 $0x11B8D, s7;
	_ =	swait.eq @!p0 [sflag:s6], $0x1  }
0xb2: {  	s5 =	sor.u32 @!p0 s5, s7;
	[sflag:s6] =	ssyncadd.s32 @!p0 $0xFFFFFFFF  }
0xb3: {  	s25 =	simm.s32 $0x1B8E;
	s24 =	sld [smem:$0x3FFE];
	[sflag:s5] =	ssyncadd.remote.s32 @!p0 $0x1  }
0xb4: {  	s26 =	simm.s32 $execute0_lowered;
	[smem:$0x3FD2] =	sst s25  }
0xb5: {  	s6 =	sshll.u32 s26, $0x1;
	_ =	strace $0x80000049;
	[dreg:$0x1] =	wrdreg $0xFFFFFFFF  }
0xb6: {  	s28 =	simm.s32 $_size_execute0_lowered;
	s4 =	sadd.s32 s4, s6;
	[dreg:$0x0] =	wrdreg $0x0  }
0xb7: {  	s6 =	sshll.u32 s28, $0x1;
	[dreg:$0x2] =	wrdreg s4  }
0xb8: {  	[dreg:$0x3] =	wrdreg s6  }
0xb9: {  	[dreg:$0x4] =	wrdreg $0xC0  }
0xba: {  	_ =	task [dreg:s22], $0x5FFFF  }
0xbb: {  	[dreg:$0x1] =	wrdreg $0xFFFFFFFF  }
0xbc: {  	[dreg:$0x0] =	wrdreg $0x60  }
0xbd: {  	[dreg:$0x2] =	wrdreg s24  }
0xbe: {  	[dreg:$0x3] =	wrdreg s18  }
0xbf: {  	[dreg:$0x4] =	wrdreg $0x9  }
0xc0: {  	_ =	task.clear_ibuf [dreg:s22], $0x5FFFF;
	_ =	strace $0x90000049  }
0xc1: {  	s29 =	simm.s32 $0x9;
	_ =	strace $0x8000004B  }
0xc2: {  	_ =	swait.ge [sflag:s29], $0x1  }
0xc3: {  	[sflag:s29] =	ssyncadd.s32 $0xFFFFFFFF  }
0xc4: {  	_ =	strace $0x9000004B  }
0xc5: {  	_ =	sfence  }
0xc6: {  	s30 =	sld [smem:$0x0];
	_ =	sdelay $0x2  }
0xc7: {  	s31 =	sshll.u32 s1, $0xD;
	s1 =	sshrl.u32 s1, $0x2  }
0xc8: {  	s4 =	sand.u32 $0x4000, s31;
	s1 =	sadd.s32 s1, s30  }
0xc9: {  	s0 =	sor.u32 s4, s0;
	s1 =	sshll.u32 s1, $0x11  }
0xca: {  	s0 =	sor.u32 s1, s0  }
0xcb: {  	s0 =	sadd.s32 $0x8F2B, s0  }
0xcc: {  	[sflag:s0] =	ssyncadd.remote.s32 $0x1  }
0xcd: {  	_ =	sfence.sel $0xFFFF  }
0xce: {  	[dreg:$0x0] =	wrdreg $0xFFFFFFFF;
	(pc) =	sbr.abs _section_cstart, $3  }
0xcf: {  	[dreg:$0x1] =	wrdreg $0xFFFFFFFF  }
0xd0: {  	_ =	task.clear_ibuf [dreg:s22], $0x2FFFF;
	_ =	strace $0x9FFFFFFF  }
0xd1: {  	(tm) =	ssettm $0x7FFFFFFF  }
tec
execute0_lowered:
.L_overlay_start_1:
0x0: {  	(tag) =	ssettag $0x1  }
0x1: {  	s4 =	rddreg [dreg:$0x0]  }
0x2: {  	s5 =	rddreg [dreg:$0x1]  }
0x3: {  	s1 =	srdreg.scid;
	s0 =	rddreg [dreg:$0x2];
	s2 =	simm.s32 $0x0  }
0x4: {  	s9 =	simm.s32 $0x200;
	s10 =	simm.s32 $0x1200;
	s11 =	simm.s32 $0x100  }
0x5: {  	s12 =	simm.s32 $0x2200;
	s13 =	simm.s32 $0x180;
	s14 =	simm.s32 $0x3200  }
0x6: {  	s6 =	sand.u32 $0x1, s1;
	[smem:$0x7FF] =	sst s2;
	s1 =	stileid.u32  }
0x7: {  	s3 =	sshll.u32 s6, $0x4;
	_ =	strace $0x8000004A;
	s6 =	ssub.s32 $0x2, s6  }
0x8: {  	s7 =	sor.u32 s1, s3;
	s3 =	sadd.s32 $0x2C00, s4;
	s31 =	sshrl.u32 s6, $0x1  }
0x9: {  	s8 =	sshll.u32 s7, $0xB;
	s7 =	sshll.u32 s7, $0x6;
	s6 =	ssub.s32 s6, s31  }
0xa: {  	s8 =	sadd.s32 s8, s4;
	s4 =	sadd.s32 s5, s7;
	s6 =	smax.u32 s6, $0x1  }
0xb: {  	s7 =	simm.s32 $0x1;
	s5 =	sadd.s32 $0x3DAC00, s8;
	s8 =	simm.s32 $0x80  }
.LBB2_1:
0xc: {  	[tilespmem:s2], [sflag:$0x1] =	stream.linear.gather [hbm4b:s4+s2], $0x200, $0x38;
	[tilespmem:$0x4200] =	vst v63  }
0xd: {  	_ =	swait.ge [sflag:s7], $0x200  }
0xe: {  	[sflag:s7] =	ssyncset.done $0x0  }
0xf: {  	[sflag:s7] =	ssyncadd.s32 $0xFFFFFE00  }
0x10: {  	v0 =	vld [tilespmem:$0x0]  }
0x11: {  	v1 =	vld [tilespmem:$0x10]  }
0x12: {  	v2 =	vld [tilespmem:$0x20]  }
0x13: {  	v5 =	vld [tilespmem:$0x30]  }
0x14: {  	v6 =	vld [tilespmem:$0x40]  }
0x15: {  	v8 =	vld [tilespmem:$0x50]  }
0x16: {  	v51 =	vld [tilespmem:$0x60]  }
0x17: {  	v9 =	vld [tilespmem:$0x70];
	v3 =	vshll.u32 v0, $0x2  }
0x18: {  	v55 =	vld [tilespmem:$0x80];
	v4 =	vand.u32 $0xFFFFE000, v0;
	v0 =	vshrl.u32 v0, $0xB;
	v43 =	vshll.u32 v1, $0x2  }
0x19: {  	v11 =	vld [tilespmem:$0x90];
	v44 =	vand.u32 $0xFFFFE000, v1;
	v1 =	vshrl.u32 v1, $0xB;
	v45 =	vshll.u32 v2, $0x2  }
0x1a: {  	v12 =	vld [tilespmem:$0xA0];
	v7 =	vand.u32 $0xFFFFE000, v2;
	v2 =	vshrl.u32 v2, $0xB;
	v47 =	vshll.u32 v5, $0x2  }
0x1b: {  	v62 =	vld [tilespmem:$0xB0];
	v48 =	vand.u32 $0xFFFFE000, v5;
	v5 =	vshrl.u32 v5, $0xB;
	v50 =	vshll.u32 v6, $0x2  }
0x1c: {  	v14 =	vld [tilespmem:$0xC0];
	v52 =	vand.u32 $0xFFFFE000, v6;
	v53 =	vshrl.u32 v6, $0xB;
	v54 =	vshll.u32 v8, $0x2  }
0x1d: {  	v22 =	vld [tilespmem:$0xE0];
	v10 =	vand.u32 $0xFFFFE000, v8;
	v8 =	vshrl.u32 v8, $0xB;
	v56 =	vshll.u32 v51, $0x2  }
0x1e: {  	v30 =	vld [tilespmem:$0x110];
	v57 =	vand.u32 $0xFFFFE000, v51;
	v58 =	vshll.u32 v9, $0x2;
	v59 =	vand.u32 $0xFFFFE000, v9  }
0x1f: {  	v60 =	vshrl.u32 v9, $0xB;
	v61 =	vshll.u32 v55, $0x2;
	v13 =	vand.u32 $0xFFFFE000, v55  }
0x20: {  	v15 =	vshll.u32 v11, $0x2;
	v16 =	vand.u32 $0xFFFFE000, v11;
	v11 =	vshrl.u32 v11, $0xB  }
0x21: {  	v18 =	vshll.u32 v12, $0x2;
	v19 =	vand.u32 $0xFFFFE000, v12;
	v20 =	vshrl.u32 v12, $0xB  }
0x22: {  	v21 =	vshll.u32 v62, $0x2;
	v23 =	vshll.u32 v14, $0x2;
	v24 =	vand.u32 $0xFFFFE000, v14  }
0x23: {  	v14 =	vshrl.u32 v14, $0xB;
	v29 =	vshll.u32 v22, $0x2;
	v37 =	vshll.u32 v30, $0x2  }
0x24: {  	v3 =	vand.u32 $0x1FFC, v3;
	v0 =	vand.u32 $0x3, v0;
	v1 =	vand.u32 $0x3, v1  }
0x25: {  	v46 =	vand.u32 $0x3, v2;
	v49 =	vand.u32 $0x3, v5;
	v5 =	vand.u32 $0x1FFC, v50  }
0x26: {  	v6 =	vand.u32 $0x1FFC, v54;
	v8 =	vand.u32 $0x3, v8;
	v9 =	vand.u32 $0x1FFC, v61  }
0x27: {  	v17 =	vand.u32 $0x3, v11;
	v11 =	vand.u32 $0x1FFC, v18;
	v12 =	vand.u32 $0x1FFC, v21  }
0x28: {  	v25 =	vand.u32 $0x3, v14;
	v3 =	vor.u32 v4, v3;
	v4 =	vand.u32 $0x1FFC, v43  }
0x29: {  	v6 =	vor.u32 v10, v6;
	v10 =	vshrl.u32 v55, $0xB;
	v9 =	vor.u32 v13, v9  }
0x2a: {  	v38 =	vld [tilespmem:$0x140];
	v13 =	vshrl.u32 v62, $0xB;
	v0 =	vor.u32 v0, v3;
	v3 =	vor.u32 v44, v4  }
0x2b: {  	v4 =	vand.u32 $0x1FFC, v45;
	v10 =	vand.u32 $0x3, v10;
	v13 =	vand.u32 $0x3, v13  }
0x2c: {  	v4 =	vor.u32 v7, v4;
	v2 =	vor.u32 v1, v3;
	v3 =	vand.u32 $0x1FFC, v47  }
0x2d: {  	v7 =	vshrl.u32 v51, $0xB;
	v63 =	vor.u32 v10, v9;
	v9 =	vand.u32 $0x1FFC, v15  }
0x2e: {  	v10 =	vor.u32 v19, v11;
	v11 =	vand.u32 $0x3, v20;
	v19 =	vand.u32 $0xFFFFE000, v22  }
0x2f: {  	v51 =	vand.u32 $0xFFFFE000, v38;
	v1 =	vor.u32 v46, v4;
	v3 =	vor.u32 v48, v3  }
0x30: {  	v18 =	vld [tilespmem:$0x100];
	v4 =	vor.u32 v52, v5;
	v5 =	vand.u32 $0x3, v53;
	v7 =	vand.u32 $0x3, v7  }
0x31: {  	v21 =	vld [tilespmem:$0x130];
	v9 =	vor.u32 v16, v9;
	v16 =	vand.u32 $0xFFFFE000, v62;
	v10 =	vor.u32 v11, v10  }
0x32: {  	v52 =	vshrl.u32 v38, $0xB;
	v3 =	vor.u32 v49, v3;
	v4 =	vor.u32 v5, v4  }
0x33: {  	v50 =	vld [tilespmem:$0x160];
	v5 =	vor.u32 v8, v6;
	v6 =	vand.u32 $0x1FFC, v56;
	v8 =	vand.u32 $0x1FFC, v58  }
0x34: {  	v9 =	vor.u32 v17, v9;
	v12 =	vor.u32 v16, v12;
	v16 =	vshrl.u32 v22, $0xB  }
0x35: {  	v34 =	vshll.u32 v18, $0x2;
	v35 =	vand.u32 $0xFFFFE000, v18;
	v36 =	vshrl.u32 v18, $0xB  }
0x36: {  	v55 =	vld [tilespmem:$0x170];
	v22 =	vand.u32 $0xFFFFE000, v30;
	v18 =	vand.u32 $0x1FFC, v37;
	v43 =	vshll.u32 v21, $0x2  }
0x37: {  	v45 =	vand.u32 $0xFFFFE000, v21;
	v48 =	vshrl.u32 v21, $0xB;
	v49 =	vshll.u32 v38, $0x2  }
0x38: {  	[tilespmem:$0x80] =	vst v63;
	v54 =	vand.u32 $0x3, v52;
	v62 =	vand.u32 $0xFFFFE000, v50;
	v63 =	vshrl.u32 v50, $0xB  }
0x39: {  	v15 =	vld [tilespmem:$0xD0];
	v6 =	vor.u32 v57, v6;
	v11 =	vor.u32 v13, v12;
	v12 =	vand.u32 $0x1FFC, v23  }
0x3a: {  	v20 =	vld [tilespmem:$0x120];
	v16 =	vand.u32 $0x3, v16;
	v18 =	vor.u32 v22, v18;
	v46 =	vand.u32 $0x1FFC, v43  }
0x3b: {  	v53 =	vand.u32 $0x3, v48;
	v22 =	vand.u32 $0xFFFFE000, v55;
	v6 =	vor.u32 v7, v6  }
0x3c: {  	v61 =	vld [tilespmem:$0x180];
	v7 =	vor.u32 v59, v8;
	v8 =	vand.u32 $0x3, v60;
	v12 =	vor.u32 v24, v12  }
0x3d: {  	v47 =	vor.u32 v45, v46;
	v60 =	vshll.u32 v50, $0x2;
	v7 =	vor.u32 v8, v7  }
0x3e: {  	v26 =	vshll.u32 v15, $0x2;
	v12 =	vor.u32 v25, v12;
	v27 =	vand.u32 $0xFFFFE000, v15  }
0x3f: {  	[tilespmem:$0x10] =	vst v2;
	v28 =	vshrl.u32 v15, $0xB;
	v15 =	vand.u32 $0x1FFC, v29;
	v40 =	vshll.u32 v20, $0x2  }
0x40: {  	v17 =	vld [tilespmem:$0xF0];
	[tilespmem:$0x50] =	vst v5;
	v41 =	vand.u32 $0xFFFFE000, v20;
	v20 =	vshrl.u32 v20, $0xB;
	v2 =	vor.u32 v53, v47  }
0x41: {  	[tilespmem:$0x60] =	vst v6;
	v5 =	vand.u32 $0x1FFC, v60;
	v6 =	vshrl.u32 v61, $0xB;
	v14 =	vand.u32 $0x1FFC, v26  }
0x42: {  	v21 =	vld [tilespmem:$0x190];
	v15 =	vor.u32 v19, v15;
	v19 =	vshrl.u32 v30, $0xB;
	v42 =	vand.u32 $0x3, v20  }
0x43: {  	[tilespmem:$0x40] =	vst v4;
	v4 =	vor.u32 v62, v5;
	v20 =	vshll.u32 v55, $0x2;
	v5 =	vand.u32 $0x3, v63  }
0x44: {  	v6 =	vand.u32 $0x3, v6;
	v13 =	vor.u32 v27, v14;
	v14 =	vand.u32 $0x3, v28  }
0x45: {  	v31 =	vshll.u32 v17, $0x2;
	v32 =	vand.u32 $0xFFFFE000, v17;
	v17 =	vshrl.u32 v17, $0xB  }
0x46: {  	v23 =	vld [tilespmem:$0x150];
	[tilespmem:$0x70] =	vst v7;
	v19 =	vand.u32 $0x3, v19;
	v7 =	vand.u32 $0x1FFC, v20;
	v4 =	vor.u32 v5, v4  }
0x47: {  	v27 =	vshll.u32 v61, $0x2;
	v28 =	vand.u32 $0xFFFFE000, v61;
	v29 =	vshll.u32 v21, $0x2  }
0x48: {  	v8 =	vshrl.u32 v21, $0xB;
	v13 =	vor.u32 v14, v13;
	v14 =	vor.u32 v16, v15  }
0x49: {  	v15 =	vand.u32 $0x1FFC, v31;
	v33 =	vand.u32 $0x3, v17;
	v17 =	vand.u32 $0x1FFC, v34  }
0x4a: {  	[tilespmem:$0x0] =	vst v0;
	v39 =	vor.u32 v19, v18;
	v18 =	vand.u32 $0x1FFC, v40;
	v19 =	vand.u32 $0x1FFC, v49  }
0x4b: {  	[tilespmem:$0x20] =	vst v1;
	v56 =	vshll.u32 v23, $0x2;
	v57 =	vand.u32 $0xFFFFE000, v23;
	v58 =	vshrl.u32 v23, $0xB  }
0x4c: {  	[tilespmem:$0xA0] =	vst v10;
	v23 =	vshrl.u32 v55, $0xB;
	v7 =	vor.u32 v22, v7;
	v31 =	vand.u32 $0xFFFFE000, v21  }
0x4d: {  	[tilespmem:$0x90] =	vst v9;
	v25 =	vld [tilespmem:$0x1A0];
	v9 =	vand.u32 $0x1FFC, v29;
	v8 =	vand.u32 $0x3, v8;
	v15 =	vor.u32 v32, v15  }
0x4e: {  	[tilespmem:$0x30] =	vst v3;
	v16 =	vor.u32 v35, v17;
	v17 =	vand.u32 $0x3, v36;
	v18 =	vor.u32 v41, v18  }
0x4f: {  	[tilespmem:$0xB0] =	vst v11;
	v30 =	vld [tilespmem:$0x1B0];
	v1 =	vor.u32 v51, v19;
	v3 =	vand.u32 $0x1FFC, v56;
	v59 =	vand.u32 $0x3, v58  }
0x50: {  	[tilespmem:$0xC0] =	vst v12;
	v24 =	vand.u32 $0x3, v23;
	v15 =	vor.u32 v33, v15;
	v16 =	vor.u32 v17, v16  }
0x51: {  	[tilespmem:$0x130] =	vst v2;
	v44 =	vor.u32 v42, v18;
	v1 =	vor.u32 v54, v1;
	v3 =	vor.u32 v57, v3  }
0x52: {  	[tilespmem:$0x160] =	vst v4;
	v26 =	vor.u32 v24, v7;
	v7 =	vand.u32 $0x1FFC, v27;
	v32 =	vshll.u32 v25, $0x2  }
0x53: {  	v49 =	vld [tilespmem:$0x1F0];
	[tilespmem:$0xD0] =	vst v13;
	v34 =	vand.u32 $0xFFFFE000, v25;
	v10 =	vshrl.u32 v25, $0xB;
	v3 =	vor.u32 v59, v3  }
0x54: {  	[tilespmem:$0xE0] =	vst v14;
	v35 =	vld [tilespmem:$0x1D0];
	v7 =	vor.u32 v28, v7;
	v10 =	vand.u32 $0x3, v10;
	v38 =	vshll.u32 v30, $0x2  }
0x55: {  	[tilespmem:$0x110] =	vst v39;
	v39 =	vand.u32 $0xFFFFE000, v30;
	v40 =	vshrl.u32 v30, $0xB;
	v6 =	vor.u32 v6, v7  }
0x56: {  	v33 =	vld [tilespmem:$0x1C0];
	[tilespmem:$0xF0] =	vst v15;
	v7 =	vor.u32 v31, v9;
	v9 =	vand.u32 $0x1FFC, v32;
	v42 =	vand.u32 $0x3, v40  }
0x57: {  	[tilespmem:$0x100] =	vst v16;
	v9 =	vor.u32 v34, v9;
	v36 =	vor.u32 v8, v7;
	v8 =	vand.u32 $0x1FFC, v38  }
0x58: {  	[tilespmem:$0x120] =	vst v44;
	v60 =	vshll.u32 v49, $0x2;
	v61 =	vand.u32 $0xFFFFE000, v49;
	v62 =	vshrl.u32 v49, $0xB  }
0x59: {  	[tilespmem:$0x140] =	vst v1;
	v44 =	vld [tilespmem:$0x1E0];
	v37 =	vor.u32 v10, v9;
	v41 =	vor.u32 v39, v8;
	v48 =	vshll.u32 v35, $0x2  }
0x5a: {  	[tilespmem:$0x170] =	vst v26;
	v50 =	vand.u32 $0xFFFFE000, v35;
	v51 =	vshrl.u32 v35, $0xB;
	v63 =	vand.u32 $0x3, v62  }
0x5b: {  	[tilespmem:$0x150] =	vst v3;
	v43 =	vshll.u32 v33, $0x2;
	v1 =	vor.u32 v42, v41;
	v45 =	vand.u32 $0xFFFFE000, v33  }
0x5c: {  	[tilespmem:$0x180] =	vst v6;
	v47 =	vshrl.u32 v33, $0xB;
	v4 =	vand.u32 $0x1FFC, v48;
	v52 =	vand.u32 $0x3, v51  }
0x5d: {  	[tilespmem:$0x190] =	vst v36;
	v46 =	vand.u32 $0x1FFC, v43;
	v4 =	vor.u32 v50, v4;
	v3 =	vand.u32 $0x3, v47  }
0x5e: {  	[tilespmem:$0x1A0] =	vst v37;
	v55 =	vshll.u32 v44, $0x2;
	v56 =	vand.u32 $0xFFFFE000, v44;
	v57 =	vshrl.u32 v44, $0xB  }
0x5f: {  	[tilespmem:$0x1B0] =	vst v1;
	v2 =	vor.u32 v45, v46;
	v54 =	vor.u32 v52, v4;
	v4 =	vand.u32 $0x1FFC, v60  }
0x60: {  	v53 =	vor.u32 v3, v2;
	v3 =	vand.u32 $0x1FFC, v55;
	[tilespmem:$0x1D0] =	vst v54;
	v0 =	vor.u32 v61, v4  }
0x61: {  	v59 =	vand.u32 $0x3, v57;
	v58 =	vor.u32 v56, v3;
	[tilespmem:$0x1C0] =	vst v53;
	v0 =	vor.u32 v63, v0  }
0x62: {  	v1 =	vor.u32 v59, v58;
	[tilespmem:$0x1F0] =	vst v0  }
0x63: {  	[tilespmem:$0x1E0] =	vst v1  }
0x64: {  	[tilespmem:s9], [sflag:$0x1] =	stream.indirect.gather [hbm4b:s3+s8], $0x20, s2, s8, $0xb8;
	[tilespmem:$0x4200] =	vst v63  }
0x65: {  	_ =	swait.ge [sflag:s7], $0x1000  }
0x66: {  	[sflag:s7] =	ssyncset.done $0x0  }
0x67: {  	[sflag:s7] =	ssyncadd.s32 $0xFFFFF000  }
0x68: {  	[tilespmem:s10], [sflag:$0x1] =	stream.indirect.gather [hbm4b:s3+s8], $0x20, s8, s8, $0xb8;
	[tilespmem:$0x4200] =	vst v63  }
0x69: {  	_ =	swait.ge [sflag:s7], $0x1000  }
0x6a: {  	[sflag:s7] =	ssyncset.done $0x0  }
0x6b: {  	[sflag:s7] =	ssyncadd.s32 $0xFFFFF000  }
0x6c: {  	[tilespmem:s12], [sflag:$0x1] =	stream.indirect.gather [hbm4b:s3+s8], $0x20, s11, s8, $0xb8;
	[tilespmem:$0x4200] =	vst v63  }
0x6d: {  	_ =	swait.ge [sflag:s7], $0x1000  }
0x6e: {  	[sflag:s7] =	ssyncset.done $0x0  }
0x6f: {  	[sflag:s7] =	ssyncadd.s32 $0xFFFFF000  }
0x70: {  	[tilespmem:s14], [sflag:$0x1] =	stream.indirect.gather [hbm4b:s3+s8], $0x20, s13, s8, $0xb8;
	[tilespmem:$0x4200] =	vst v63  }
0x71: {  	_ =	swait.ge [sflag:s7], $0x1000  }
0x72: {  	p0 =	sne.s32 s6, $0x1;
	[sflag:s7] =	ssyncset.done $0x0  }
.Ltmp0:
0x73: {  	[sflag:s7] =	ssyncadd.s32 $0xFFFFF000;
	(pc) =	sbr.rel @p0 .LBB2_1-.Ltmp0, $4  }
0x74: {  	[hbm4b:s5+s2] =	stream.linear.scatter [tilespmem:s9], [sflag:$0x1], $0x4000, $0x38;
	[tilespmem:$0x4200] =	vst v63  }
0x75: {  	_ =	swait.ge [sflag:s7], $0x4000  }
0x76: {  	[sflag:s7] =	ssyncset.done $0x0  }
0x77: {  	s6 =	sadd.s32 $0xFFFFFFFF, s6;
	[sflag:s7] =	ssyncadd.s32 $0xFFFFC000  }
0x78: {  	_ =	sfence.sel $0x180000  }
0x79: {  	[bflag:$0x0] =	sbarrier.arrive $0xFFFF  }
0x7a: {  	p0 =	sne.s32 s1, $0x0;
	_ =	strace $0x9000004A  }
0x7b: {  	s0 =	sadd.s32 @!p0 $0x100000, s0;
	[bflag:$0x2] =	sbarrier.arrive $0xFFFF  }
0x7c: {  	[sflag:s0] =	ssyncadd.tile.s32 @!p0 $0x1;
	_ =	shalt  }
.Lfunc_end2:
_tile_overlayer_lowered:
.L_overlay_start_2:
0x7d: {  	(tag) =	ssettag $0x2  }
0x7e: {  	s0 =	rddreg [dreg:$0x0];
	s2 =	stileid.u32  }
0x7f: {  	s1 =	rddreg [dreg:$0x1];
	p0 =	sne.s32 s2, $0x0  }
0x80: {  	s3 =	rddreg [dreg:$0x2];
	[bflag:$0x3] =	sbarrier.arrive $0xFFFF;
	s2 =	simm.s32 @!p0 $0x1C01  }
0x81: {  	[timem:s3], [sflag:s2] =	dma.local @!p0 [hbm:s0], s1  }
0x82: {  	s0 =	simm.s32 @!p0 $0x1  }
0x83: {  	_ =	swait.ge @!p0 [sflag:s0], s1  }
0x84: {  	s1 =	ssub.s32 @!p0 $0x0, s1;
	[sflag:s0] =	ssyncset.done @!p0 $0x0  }
0x85: {  	[sflag:s0] =	ssyncadd.s32 @!p0 s1  }
0x86: {  	[bflag:$0x3] =	sbarrier.arrive $0xFFFF  }
0x87: {  	_ =	shalt  }

// kernel: kernel.18.cloned.1.call-start
scs
__scs_entry_jumppad:
0x0: {  	(pc) =	sbr.rel $0x88, $3  }
0x1: {  	(tag) =	ssettag $0x0;
	lr =	simm.s32 $0x1  }
0x2: {  	[smem:$0x3F9A] =	sst lr;
	_ =	strace $0xD0000000  }
0x3: {  	_ = 	snop  }
0x4: {  	_ = 	snop  }
0x5: {  	_ = 	snop  }
0x6: {  	_ = 	snop  }
0x7: {  	_ = 	snop  }
__scs_overlays_trampoline_lowered:
0x8: {  	[smem:$0x3FA9] =	sst s0  }
0x9: {  	[smem:$0x3FAA] =	sst s1  }
0xa: {  	[smem:$0x3FAB] =	sst s2  }
0xb: {  	[smem:$0x3FAC] =	sst s3  }
0xc: {  	[smem:$0x3FAD] =	sst s4  }
0xd: {  	[smem:$0x3FAE] =	sst s5  }
0xe: {  	[smem:$0x3FAF] =	sst s6  }
0xf: {  	[smem:$0x3FB0] =	sst s7  }
0x10: {  	[smem:$0x3FB1] =	sst s8  }
0x11: {  	[smem:$0x3FB2] =	sst s9;
	s0 =	simm.s32 @!p0 $0x0  }
0x12: {  	s1 =	sld [smem:$0x3F98];
	s0 =	simm.s32 @p0 $0x1  }
0x13: {  	[smem:$0x3FB3] =	sst s0;
	s0 =	simm.s32 @!p1 $0x0  }
0x14: {  	s2 =	sld [smem:$0x3F97];
	s0 =	simm.s32 @p1 $0x1  }
0x15: {  	[smem:$0x3FB4] =	sst s0;
	s0 =	simm.s32 @!p2 $0x0  }
0x16: {  	s3 =	sld [smem:$0x3FDB];
	s0 =	simm.s32 @p2 $0x1  }
0x17: {  	s4 =	simm.s32 $0x1BF5;
	[smem:$0x3FB6] =	sst s0  }
0x18: {  	s0 =	sld [smem:$0x3F99];
	_ =	swait.ge [sflag:s4], $0x0  }
0x19: {  	s7 =	sld [smem:$0x3F9A]  }
0x1a: {  	s8 =	sadd.s32 $0xFFFFE003, lr  }
0x1b: {  	s9 =	sadd.s32 $0xFFFFFEF7, lr;
	s5 =	simm.s32 $0xFFFFFFFF;
	p2 =	slt.u32 s8, $0xFFFFF086  }
0x1c: {  	p1 =	slt.u32 s9, $0xF7A;
	s5 =	simm.s32 @!p2 $0x0  }
0x1d: {  	s5 =	simm.s32 @p1 $0x1;
	p0 =	seq.s32 s7, s2  }
0x1e: {  	s7 =	smul.u32 @!p0 $0xF7A, s2;
	p2 =	seq.s32 @!p0 s5, $0x0  }
0x1f: {  	s9 =	smul.u32 $0xF7A, s1;
	s8 =	simm.s32 @!p0 $0x1BF5;
	p2 =	por !p2, p0  }
0x20: {  	[sflag:s8] =	ssyncset.s32 @!p0 $0xFFFFF086;
	s6 =	sadd.s32 @!p0 s3, s7;
	s7 =	simm.s32 @!p0 $0x108  }
0x21: {  	s3 =	sadd.s32 s3, s9;
	s6 =	sadd.s32 @!p0 $0x88, s6;
	s7 =	simm.s32 @p2 $0x1082  }
0x22: {  	[simem:s7], [sflag:s8] =	dma.local @!p0 [hbm:s6], $0xF7A  }
0x23: {  	s9 =	sor.u32 $0xD0000000, s2;
	s6 =	simm.s32 $0x108;
	_ =	swait.ge @!p0 [sflag:s8], $0x0  }
0x24: {  	s3 =	sadd.s32 $0x88, s3;
	s6 =	simm.s32 @!p1 $0x1082;
	[sflag:s4] =	ssyncset.s32 $0xFFFFF086  }
0x25: {  	[simem:s6], [sflag:s4] =	dma.local [hbm:s3], $0xF7A  }
0x26: {  	[smem:$0x3F9A] =	sst s1;
	(tag) =	ssettag s2;
	_ =	strace s9  }
0x27: {  	s1 =	sld [smem:$0x3FAA]  }
0x28: {  	s2 =	sld [smem:$0x3FAB]  }
0x29: {  	s4 =	sld [smem:$0x3FAD]  }
0x2a: {  	p0 =	seq.s32 s5, $0x0;
	s5 =	sld [smem:$0x3FAE]  }
0x2b: {  	s6 =	sld [smem:$0x3FAF]  }
0x2c: {  	s7 =	sld [smem:$0x3FB0]  }
0x2d: {  	s3 =	simm.s32 $0x108;
	s8 =	sld [smem:$0x3FB1]  }
0x2e: {  	s3 =	simm.s32 @!p0 $0x1082;
	s9 =	sld [smem:$0x3FB2]  }
0x2f: {  	lr =	sadd.s32 s0, s3;
	s0 =	sld [smem:$0x3FA9]  }
0x30: {  	s3 =	sld [smem:$0x3FAC]  }
0x31: {  	[smem:$0x3FB5] =	sst s10  }
0x32: {  	s10 =	sld [smem:$0x3FB3];
	_ =	sdelay $0x3  }
0x33: {  	p0 =	seq.s32 s10, $0x1;
	s10 =	sld [smem:$0x3FB5];
	_ =	sdelay $0x3  }
0x34: {  	[smem:$0x3FB5] =	sst s10  }
0x35: {  	s10 =	sld [smem:$0x3FB4];
	_ =	sdelay $0x3  }
0x36: {  	p1 =	seq.s32 s10, $0x1;
	s10 =	sld [smem:$0x3FB5];
	_ =	sdelay $0x3  }
0x37: {  	[smem:$0x3FB5] =	sst s10  }
0x38: {  	s10 =	sld [smem:$0x3FB6]  }
0x39: {  	_ = 	snop;
	(pc) =	sbr.ind lr, $3  }
0x3a: {  	_ = 	snop  }
0x3b: {  	_ = 	snop  }
0x3c: {  	p2 =	seq.s32 s10, $0x1;
	s10 =	sld [smem:$0x3FB5]  }
0x3d: {  	_ =	shalt  }
0x3e: {  	_ =	shalt  }
0x3f: {  	_ =	shalt  }
0x40: {  	_ =	shalt  }
0x41: {  	_ =	shalt  }
0x42: {  	_ =	shalt  }
0x43: {  	_ =	shalt  }
0x44: {  	_ =	shalt  }
0x45: {  	_ =	shalt  }
0x46: {  	_ =	shalt  }
0x47: {  	_ =	shalt  }
0x48: {  	_ =	shalt  }
0x49: {  	_ =	shalt  }
0x4a: {  	_ =	shalt  }
0x4b: {  	_ =	shalt  }
0x4c: {  	_ =	shalt  }
0x4d: {  	_ =	shalt  }
0x4e: {  	_ =	shalt  }
0x4f: {  	_ =	shalt  }
0x50: {  	_ =	shalt  }
0x51: {  	_ =	shalt  }
0x52: {  	_ =	shalt  }
0x53: {  	_ =	shalt  }
0x54: {  	_ =	shalt  }
0x55: {  	_ =	shalt  }
0x56: {  	_ =	shalt  }
0x57: {  	_ =	shalt  }
0x58: {  	_ =	shalt  }
0x59: {  	_ =	shalt  }
0x5a: {  	_ =	shalt  }
0x5b: {  	_ =	shalt  }
0x5c: {  	_ =	shalt  }
0x5d: {  	_ =	shalt  }
0x5e: {  	_ =	shalt  }
0x5f: {  	_ =	shalt  }
0x60: {  	_ =	shalt  }
0x61: {  	_ =	shalt  }
0x62: {  	_ =	shalt  }
0x63: {  	_ =	shalt  }
0x64: {  	_ =	shalt  }
0x65: {  	_ =	shalt  }
0x66: {  	_ =	shalt  }
0x67: {  	_ =	shalt  }
0x68: {  	_ =	shalt  }
0x69: {  	_ =	shalt  }
0x6a: {  	_ =	shalt  }
0x6b: {  	_ =	shalt  }
0x6c: {  	_ =	shalt  }
0x6d: {  	_ =	shalt  }
0x6e: {  	_ =	shalt  }
0x6f: {  	_ =	shalt  }
0x70: {  	_ =	shalt  }
0x71: {  	_ =	shalt  }
0x72: {  	_ =	shalt  }
0x73: {  	_ =	shalt  }
0x74: {  	_ =	shalt  }
0x75: {  	_ =	shalt  }
0x76: {  	_ =	shalt  }
0x77: {  	_ =	shalt  }
0x78: {  	_ =	shalt  }
0x79: {  	_ =	shalt  }
0x7a: {  	_ =	shalt  }
0x7b: {  	_ =	shalt  }
0x7c: {  	_ =	shalt  }
0x7d: {  	_ =	shalt  }
0x7e: {  	_ =	shalt  }
0x7f: {  	_ =	shalt  }
0x80: {  	_ =	shalt  }
0x81: {  	_ =	shalt  }
0x82: {  	_ =	shalt  }
0x83: {  	_ =	shalt  }
0x84: {  	_ =	shalt  }
0x85: {  	_ =	shalt  }
0x86: {  	_ =	shalt  }
0x87: {  	_ =	shalt  }
.Lfunc_end0:
.L_simem_size_0:
called_computation.3_lowered:
.L_overlay_start_0:
0x88: {  	s2 =	sld [smem:$0x3FD9]  }
0x89: {  	s3 =	sld [smem:$0x3FFE];
	_ =	sdelay $0x1  }
0x8a: {  	s1 =	srdreg.scid  }
0x8b: {  	s0 =	sand.u32 $0x1, s1  }
0x8c: {  	s17 =	sshll.u32 s0, $0xA;
	s2 =	sadd.s32 s3, s2  }
0x8d: {  	s2 =	sadd.s32 s2, s17  }
0x8e: {  	[smem:$0x3FC1] =	sst s2  }
0x8f: {  	_ = 	snop  }
0x90: {  	s2 =	sld [smem:$0x3FC8]  }
0x91: {  	s18 =	sld [smem:$0x3FD0];
	(tm) =	ssettm $0x1  }
0x92: {  	s4 =	sld [smem:$0x3FFB];
	_ =	sdelay $0x3  }
0x93: {  	_ =	strace s4  }
0x94: {  	s4 =	sld [smem:$0x3FFC];
	_ =	sdelay $0x3  }
0x95: {  	_ =	strace s4  }
0x96: {  	s4 =	sld [smem:$0x3FFD];
	_ =	sdelay $0x3  }
0x97: {  	_ =	strace s4  }
0x98: {  	_ =	strace $0x8FFFFFFF  }
0x99: {  	s19 =	sld [smem:$0x3FDB];
	_ =	sdelay $0x1  }
0x9a: {  	s5 =	simm.s32 $_scs_section_size  }
0x9b: {  	s6 =	simm.s32 $_size__tile_overlayer_lowered;
	s7 =	simm.s32 $_tile_overlayer_lowered  }
0x9c: {  	s22 =	simm.s32 $0x1BFF;
	s21 =	sshll.u32 s7, $0x1;
	s4 =	sadd.s32 s5, s19  }
0x9d: {  	s8 =	simm.s32 $0x0;
	s20 =	sshll.u32 s6, $0x1;
	s6 =	sadd.s32 s21, s4  }
0x9e: {  	[timem:s8], [sflag:s22] =	dma.local [hbm:s6], s20  }
0x9f: {  	_ =	swait.ge [sflag:s22], s20  }
0xa0: {  	s5 =	ssub.s32 $0x0, s20;
	[sflag:s22] =	ssyncset.done $0x0  }
0xa1: {  	[sflag:s22] =	ssyncadd.s32 s5;
	_ =	sdelay $0x1  }
0xa2: {  	s23 =	simm.s32 $0x1B8B  }
0xa3: {  	_ =	swait.ge [sflag:s23], $0x1  }
0xa4: {  	[sflag:s23] =	ssyncset.done $0x0  }
0xa5: {  	s25 =	simm.s32 $0x1B8E;
	s24 =	sld [smem:$0x3FFE];
	[sflag:s23] =	ssyncadd.s32 $0xFFFFFFFF  }
0xa6: {  	s26 =	simm.s32 $execute0_lowered;
	[smem:$0x3FD2] =	sst s25  }
0xa7: {  	s6 =	sshll.u32 s26, $0x1;
	_ =	strace $0x8000004F;
	[dreg:$0x1] =	wrdreg $0xFFFFFFFF  }
0xa8: {  	s28 =	simm.s32 $_size_execute0_lowered;
	s4 =	sadd.s32 s4, s6;
	[dreg:$0x0] =	wrdreg $0x0  }
0xa9: {  	s6 =	sshll.u32 s28, $0x1;
	[dreg:$0x2] =	wrdreg s4  }
0xaa: {  	[dreg:$0x3] =	wrdreg s6  }
0xab: {  	[dreg:$0x4] =	wrdreg $0xC0  }
0xac: {  	_ =	task [dreg:s8], $0x5FFFF  }
0xad: {  	[dreg:$0x1] =	wrdreg $0xFFFFFFFF  }
0xae: {  	[dreg:$0x0] =	wrdreg $0x60  }
0xaf: {  	[dreg:$0x2] =	wrdreg s2  }
0xb0: {  	[dreg:$0x3] =	wrdreg s18  }
0xb1: {  	[dreg:$0x4] =	wrdreg s24  }
0xb2: {  	[dreg:$0x5] =	wrdreg $0x9  }
0xb3: {  	_ =	task.clear_ibuf [dreg:s8], $0x6FFFF;
	_ =	strace $0x9000004F  }
0xb4: {  	s29 =	simm.s32 $0x9;
	_ =	strace $0x80000051  }
0xb5: {  	_ =	swait.ge [sflag:s29], $0x1  }
0xb6: {  	[sflag:s29] =	ssyncadd.s32 $0xFFFFFFFF  }
0xb7: {  	_ =	strace $0x90000051  }
0xb8: {  	_ =	sfence  }
0xb9: {  	s30 =	sld [smem:$0x0];
	_ =	sdelay $0x2  }
0xba: {  	s31 =	sshll.u32 s1, $0xD;
	s1 =	sshrl.u32 s1, $0x2  }
0xbb: {  	s3 =	sand.u32 $0x4000, s31;
	s1 =	sadd.s32 s1, s30  }
0xbc: {  	s0 =	sor.u32 s3, s0;
	s1 =	sshll.u32 s1, $0x11  }
0xbd: {  	s0 =	sor.u32 s1, s0  }
0xbe: {  	s0 =	sadd.s32 $0x8F2B, s0  }
0xbf: {  	[sflag:s0] =	ssyncadd.remote.s32 $0x1  }
0xc0: {  	_ =	sfence.sel $0xFFFF  }
0xc1: {  	[dreg:$0x0] =	wrdreg $0xFFFFFFFF;
	(pc) =	sbr.abs _section_cstart, $3  }
0xc2: {  	[dreg:$0x1] =	wrdreg $0xFFFFFFFF  }
0xc3: {  	_ =	task.clear_ibuf [dreg:s8], $0x2FFFF;
	_ =	strace $0x9FFFFFFF  }
0xc4: {  	(tm) =	ssettm $0x7FFFFFFF  }
0xc5: {  	_ =	shalt  }
tec
execute0_lowered:
.L_overlay_start_1:
0x0: {  	(tag) =	ssettag $0x1  }
0x1: {  	s4 =	rddreg [dreg:$0x0]  }
0x2: {  	s5 =	rddreg [dreg:$0x1]  }
0x3: {  	s3 =	rddreg [dreg:$0x2]  }
0x4: {  	s0 =	rddreg [dreg:$0x3];
	s1 =	simm.s32 $0x0  }
0x5: {  	s2 =	srdreg.scid;
	s10 =	simm.s32 $0x1200;
	s11 =	simm.s32 $0x100  }
0x6: {  	s12 =	simm.s32 $0x2200;
	s13 =	simm.s32 $0x180;
	s14 =	simm.s32 $0x3200  }
0x7: {  	[smem:$0x7FF] =	sst s1;
	s6 =	sand.u32 $0x1, s2;
	s2 =	stileid.u32  }
0x8: {  	s3 =	sadd.s32 $0x2C00, s3;
	s7 =	sshll.u32 s6, $0x4;
	s6 =	ssub.s32 $0x2, s6  }
0x9: {  	_ =	strace $0x80000050;
	s7 =	sor.u32 s2, s7;
	s8 =	sshrl.u32 s6, $0x1  }
0xa: {  	s9 =	sshll.u32 s7, $0x6;
	s7 =	sshll.u32 s7, $0xB;
	s6 =	ssub.s32 s6, s8  }
0xb: {  	s8 =	simm.s32 $0x200;
	s4 =	sadd.s32 s4, s9;
	s5 =	sadd.s32 s5, s7  }
0xc: {  	s6 =	smax.u32 s6, $0x1;
	s7 =	simm.s32 $0x1;
	s9 =	simm.s32 $0x80  }
.LBB2_1:
0xd: {  	[tilespmem:s1], [sflag:$0x1] =	stream.linear.gather [hbm4b:s4+s1], $0x200, $0x38;
	[tilespmem:$0x4200] =	vst v63  }
0xe: {  	_ =	swait.ge [sflag:s7], $0x200  }
0xf: {  	[sflag:s7] =	ssyncset.done $0x0  }
0x10: {  	[sflag:s7] =	ssyncadd.s32 $0xFFFFFE00  }
0x11: {  	v0 =	vld [tilespmem:$0x0]  }
0x12: {  	v1 =	vld [tilespmem:$0x10]  }
0x13: {  	v2 =	vld [tilespmem:$0x20]  }
0x14: {  	v5 =	vld [tilespmem:$0x30]  }
0x15: {  	v6 =	vld [tilespmem:$0x40]  }
0x16: {  	v8 =	vld [tilespmem:$0x50]  }
0x17: {  	v51 =	vld [tilespmem:$0x60]  }
0x18: {  	v9 =	vld [tilespmem:$0x70];
	v3 =	vshll.u32 v0, $0x2  }
0x19: {  	v55 =	vld [tilespmem:$0x80];
	v4 =	vand.u32 $0xFFFFE000, v0;
	v0 =	vshrl.u32 v0, $0xB;
	v43 =	vshll.u32 v1, $0x2  }
0x1a: {  	v11 =	vld [tilespmem:$0x90];
	v44 =	vand.u32 $0xFFFFE000, v1;
	v1 =	vshrl.u32 v1, $0xB;
	v45 =	vshll.u32 v2, $0x2  }
0x1b: {  	v12 =	vld [tilespmem:$0xA0];
	v7 =	vand.u32 $0xFFFFE000, v2;
	v2 =	vshrl.u32 v2, $0xB;
	v47 =	vshll.u32 v5, $0x2  }
0x1c: {  	v62 =	vld [tilespmem:$0xB0];
	v48 =	vand.u32 $0xFFFFE000, v5;
	v5 =	vshrl.u32 v5, $0xB;
	v50 =	vshll.u32 v6, $0x2  }
0x1d: {  	v14 =	vld [tilespmem:$0xC0];
	v52 =	vand.u32 $0xFFFFE000, v6;
	v53 =	vshrl.u32 v6, $0xB;
	v54 =	vshll.u32 v8, $0x2  }
0x1e: {  	v22 =	vld [tilespmem:$0xE0];
	v10 =	vand.u32 $0xFFFFE000, v8;
	v8 =	vshrl.u32 v8, $0xB;
	v56 =	vshll.u32 v51, $0x2  }
0x1f: {  	v30 =	vld [tilespmem:$0x110];
	v57 =	vand.u32 $0xFFFFE000, v51;
	v58 =	vshll.u32 v9, $0x2;
	v59 =	vand.u32 $0xFFFFE000, v9  }
0x20: {  	v60 =	vshrl.u32 v9, $0xB;
	v61 =	vshll.u32 v55, $0x2;
	v13 =	vand.u32 $0xFFFFE000, v55  }
0x21: {  	v15 =	vshll.u32 v11, $0x2;
	v16 =	vand.u32 $0xFFFFE000, v11;
	v11 =	vshrl.u32 v11, $0xB  }
0x22: {  	v18 =	vshll.u32 v12, $0x2;
	v19 =	vand.u32 $0xFFFFE000, v12;
	v20 =	vshrl.u32 v12, $0xB  }
0x23: {  	v21 =	vshll.u32 v62, $0x2;
	v23 =	vshll.u32 v14, $0x2;
	v24 =	vand.u32 $0xFFFFE000, v14  }
0x24: {  	v14 =	vshrl.u32 v14, $0xB;
	v29 =	vshll.u32 v22, $0x2;
	v37 =	vshll.u32 v30, $0x2  }
0x25: {  	v3 =	vand.u32 $0x1FFC, v3;
	v0 =	vand.u32 $0x3, v0;
	v1 =	vand.u32 $0x3, v1  }
0x26: {  	v46 =	vand.u32 $0x3, v2;
	v49 =	vand.u32 $0x3, v5;
	v5 =	vand.u32 $0x1FFC, v50  }
0x27: {  	v6 =	vand.u32 $0x1FFC, v54;
	v8 =	vand.u32 $0x3, v8;
	v9 =	vand.u32 $0x1FFC, v61  }
0x28: {  	v17 =	vand.u32 $0x3, v11;
	v11 =	vand.u32 $0x1FFC, v18;
	v12 =	vand.u32 $0x1FFC, v21  }
0x29: {  	v25 =	vand.u32 $0x3, v14;
	v3 =	vor.u32 v4, v3;
	v4 =	vand.u32 $0x1FFC, v43  }
0x2a: {  	v6 =	vor.u32 v10, v6;
	v10 =	vshrl.u32 v55, $0xB;
	v9 =	vor.u32 v13, v9  }
0x2b: {  	v38 =	vld [tilespmem:$0x140];
	v13 =	vshrl.u32 v62, $0xB;
	v0 =	vor.u32 v0, v3;
	v3 =	vor.u32 v44, v4  }
0x2c: {  	v4 =	vand.u32 $0x1FFC, v45;
	v10 =	vand.u32 $0x3, v10;
	v13 =	vand.u32 $0x3, v13  }
0x2d: {  	v4 =	vor.u32 v7, v4;
	v2 =	vor.u32 v1, v3;
	v3 =	vand.u32 $0x1FFC, v47  }
0x2e: {  	v7 =	vshrl.u32 v51, $0xB;
	v63 =	vor.u32 v10, v9;
	v9 =	vand.u32 $0x1FFC, v15  }
0x2f: {  	v10 =	vor.u32 v19, v11;
	v11 =	vand.u32 $0x3, v20;
	v19 =	vand.u32 $0xFFFFE000, v22  }
0x30: {  	v51 =	vand.u32 $0xFFFFE000, v38;
	v1 =	vor.u32 v46, v4;
	v3 =	vor.u32 v48, v3  }
0x31: {  	v18 =	vld [tilespmem:$0x100];
	v4 =	vor.u32 v52, v5;
	v5 =	vand.u32 $0x3, v53;
	v7 =	vand.u32 $0x3, v7  }
0x32: {  	v21 =	vld [tilespmem:$0x130];
	v9 =	vor.u32 v16, v9;
	v16 =	vand.u32 $0xFFFFE000, v62;
	v10 =	vor.u32 v11, v10  }
0x33: {  	v52 =	vshrl.u32 v38, $0xB;
	v3 =	vor.u32 v49, v3;
	v4 =	vor.u32 v5, v4  }
0x34: {  	v50 =	vld [tilespmem:$0x160];
	v5 =	vor.u32 v8, v6;
	v6 =	vand.u32 $0x1FFC, v56;
	v8 =	vand.u32 $0x1FFC, v58  }
0x35: {  	v9 =	vor.u32 v17, v9;
	v12 =	vor.u32 v16, v12;
	v16 =	vshrl.u32 v22, $0xB  }
0x36: {  	v34 =	vshll.u32 v18, $0x2;
	v35 =	vand.u32 $0xFFFFE000, v18;
	v36 =	vshrl.u32 v18, $0xB  }
0x37: {  	v55 =	vld [tilespmem:$0x170];
	v22 =	vand.u32 $0xFFFFE000, v30;
	v18 =	vand.u32 $0x1FFC, v37;
	v43 =	vshll.u32 v21, $0x2  }
0x38: {  	v45 =	vand.u32 $0xFFFFE000, v21;
	v48 =	vshrl.u32 v21, $0xB;
	v49 =	vshll.u32 v38, $0x2  }
0x39: {  	[tilespmem:$0x80] =	vst v63;
	v54 =	vand.u32 $0x3, v52;
	v62 =	vand.u32 $0xFFFFE000, v50;
	v63 =	vshrl.u32 v50, $0xB  }
0x3a: {  	v15 =	vld [tilespmem:$0xD0];
	v6 =	vor.u32 v57, v6;
	v11 =	vor.u32 v13, v12;
	v12 =	vand.u32 $0x1FFC, v23  }
0x3b: {  	v20 =	vld [tilespmem:$0x120];
	v16 =	vand.u32 $0x3, v16;
	v18 =	vor.u32 v22, v18;
	v46 =	vand.u32 $0x1FFC, v43  }
0x3c: {  	v53 =	vand.u32 $0x3, v48;
	v22 =	vand.u32 $0xFFFFE000, v55;
	v6 =	vor.u32 v7, v6  }
0x3d: {  	v61 =	vld [tilespmem:$0x180];
	v7 =	vor.u32 v59, v8;
	v8 =	vand.u32 $0x3, v60;
	v12 =	vor.u32 v24, v12  }
0x3e: {  	v47 =	vor.u32 v45, v46;
	v60 =	vshll.u32 v50, $0x2;
	v7 =	vor.u32 v8, v7  }
0x3f: {  	v26 =	vshll.u32 v15, $0x2;
	v12 =	vor.u32 v25, v12;
	v27 =	vand.u32 $0xFFFFE000, v15  }
0x40: {  	[tilespmem:$0x10] =	vst v2;
	v28 =	vshrl.u32 v15, $0xB;
	v15 =	vand.u32 $0x1FFC, v29;
	v40 =	vshll.u32 v20, $0x2  }
0x41: {  	v17 =	vld [tilespmem:$0xF0];
	[tilespmem:$0x50] =	vst v5;
	v41 =	vand.u32 $0xFFFFE000, v20;
	v20 =	vshrl.u32 v20, $0xB;
	v2 =	vor.u32 v53, v47  }
0x42: {  	[tilespmem:$0x60] =	vst v6;
	v5 =	vand.u32 $0x1FFC, v60;
	v6 =	vshrl.u32 v61, $0xB;
	v14 =	vand.u32 $0x1FFC, v26  }
0x43: {  	v21 =	vld [tilespmem:$0x190];
	v15 =	vor.u32 v19, v15;
	v19 =	vshrl.u32 v30, $0xB;
	v42 =	vand.u32 $0x3, v20  }
0x44: {  	[tilespmem:$0x40] =	vst v4;
	v4 =	vor.u32 v62, v5;
	v20 =	vshll.u32 v55, $0x2;
	v5 =	vand.u32 $0x3, v63  }
0x45: {  	v6 =	vand.u32 $0x3, v6;
	v13 =	vor.u32 v27, v14;
	v14 =	vand.u32 $0x3, v28  }
0x46: {  	v31 =	vshll.u32 v17, $0x2;
	v32 =	vand.u32 $0xFFFFE000, v17;
	v17 =	vshrl.u32 v17, $0xB  }
0x47: {  	v23 =	vld [tilespmem:$0x150];
	[tilespmem:$0x70] =	vst v7;
	v19 =	vand.u32 $0x3, v19;
	v7 =	vand.u32 $0x1FFC, v20;
	v4 =	vor.u32 v5, v4  }
0x48: {  	v27 =	vshll.u32 v61, $0x2;
	v28 =	vand.u32 $0xFFFFE000, v61;
	v29 =	vshll.u32 v21, $0x2  }
0x49: {  	v8 =	vshrl.u32 v21, $0xB;
	v13 =	vor.u32 v14, v13;
	v14 =	vor.u32 v16, v15  }
0x4a: {  	v15 =	vand.u32 $0x1FFC, v31;
	v33 =	vand.u32 $0x3, v17;
	v17 =	vand.u32 $0x1FFC, v34  }
0x4b: {  	[tilespmem:$0x0] =	vst v0;
	v39 =	vor.u32 v19, v18;
	v18 =	vand.u32 $0x1FFC, v40;
	v19 =	vand.u32 $0x1FFC, v49  }
0x4c: {  	[tilespmem:$0x20] =	vst v1;
	v56 =	vshll.u32 v23, $0x2;
	v57 =	vand.u32 $0xFFFFE000, v23;
	v58 =	vshrl.u32 v23, $0xB  }
0x4d: {  	[tilespmem:$0xA0] =	vst v10;
	v23 =	vshrl.u32 v55, $0xB;
	v7 =	vor.u32 v22, v7;
	v31 =	vand.u32 $0xFFFFE000, v21  }
0x4e: {  	[tilespmem:$0x90] =	vst v9;
	v25 =	vld [tilespmem:$0x1A0];
	v9 =	vand.u32 $0x1FFC, v29;
	v8 =	vand.u32 $0x3, v8;
	v15 =	vor.u32 v32, v15  }
0x4f: {  	[tilespmem:$0x30] =	vst v3;
	v16 =	vor.u32 v35, v17;
	v17 =	vand.u32 $0x3, v36;
	v18 =	vor.u32 v41, v18  }
0x50: {  	[tilespmem:$0xB0] =	vst v11;
	v30 =	vld [tilespmem:$0x1B0];
	v1 =	vor.u32 v51, v19;
	v3 =	vand.u32 $0x1FFC, v56;
	v59 =	vand.u32 $0x3, v58  }
0x51: {  	[tilespmem:$0xC0] =	vst v12;
	v24 =	vand.u32 $0x3, v23;
	v15 =	vor.u32 v33, v15;
	v16 =	vor.u32 v17, v16  }
0x52: {  	[tilespmem:$0x130] =	vst v2;
	v44 =	vor.u32 v42, v18;
	v1 =	vor.u32 v54, v1;
	v3 =	vor.u32 v57, v3  }
0x53: {  	[tilespmem:$0x160] =	vst v4;
	v26 =	vor.u32 v24, v7;
	v7 =	vand.u32 $0x1FFC, v27;
	v32 =	vshll.u32 v25, $0x2  }
0x54: {  	v49 =	vld [tilespmem:$0x1F0];
	[tilespmem:$0xD0] =	vst v13;
	v34 =	vand.u32 $0xFFFFE000, v25;
	v10 =	vshrl.u32 v25, $0xB;
	v3 =	vor.u32 v59, v3  }
0x55: {  	[tilespmem:$0xE0] =	vst v14;
	v35 =	vld [tilespmem:$0x1D0];
	v7 =	vor.u32 v28, v7;
	v10 =	vand.u32 $0x3, v10;
	v38 =	vshll.u32 v30, $0x2  }
0x56: {  	[tilespmem:$0x110] =	vst v39;
	v39 =	vand.u32 $0xFFFFE000, v30;
	v40 =	vshrl.u32 v30, $0xB;
	v6 =	vor.u32 v6, v7  }
0x57: {  	v33 =	vld [tilespmem:$0x1C0];
	[tilespmem:$0xF0] =	vst v15;
	v7 =	vor.u32 v31, v9;
	v9 =	vand.u32 $0x1FFC, v32;
	v42 =	vand.u32 $0x3, v40  }
0x58: {  	[tilespmem:$0x100] =	vst v16;
	v9 =	vor.u32 v34, v9;
	v36 =	vor.u32 v8, v7;
	v8 =	vand.u32 $0x1FFC, v38  }
0x59: {  	[tilespmem:$0x120] =	vst v44;
	v60 =	vshll.u32 v49, $0x2;
	v61 =	vand.u32 $0xFFFFE000, v49;
	v62 =	vshrl.u32 v49, $0xB  }
0x5a: {  	[tilespmem:$0x140] =	vst v1;
	v44 =	vld [tilespmem:$0x1E0];
	v37 =	vor.u32 v10, v9;
	v41 =	vor.u32 v39, v8;
	v48 =	vshll.u32 v35, $0x2  }
0x5b: {  	[tilespmem:$0x170] =	vst v26;
	v50 =	vand.u32 $0xFFFFE000, v35;
	v51 =	vshrl.u32 v35, $0xB;
	v63 =	vand.u32 $0x3, v62  }
0x5c: {  	[tilespmem:$0x150] =	vst v3;
	v43 =	vshll.u32 v33, $0x2;
	v1 =	vor.u32 v42, v41;
	v45 =	vand.u32 $0xFFFFE000, v33  }
0x5d: {  	[tilespmem:$0x180] =	vst v6;
	v47 =	vshrl.u32 v33, $0xB;
	v4 =	vand.u32 $0x1FFC, v48;
	v52 =	vand.u32 $0x3, v51  }
0x5e: {  	[tilespmem:$0x190] =	vst v36;
	v46 =	vand.u32 $0x1FFC, v43;
	v4 =	vor.u32 v50, v4;
	v3 =	vand.u32 $0x3, v47  }
0x5f: {  	[tilespmem:$0x1A0] =	vst v37;
	v55 =	vshll.u32 v44, $0x2;
	v56 =	vand.u32 $0xFFFFE000, v44;
	v57 =	vshrl.u32 v44, $0xB  }
0x60: {  	[tilespmem:$0x1B0] =	vst v1;
	v2 =	vor.u32 v45, v46;
	v54 =	vor.u32 v52, v4;
	v4 =	vand.u32 $0x1FFC, v60  }
0x61: {  	v53 =	vor.u32 v3, v2;
	v3 =	vand.u32 $0x1FFC, v55;
	[tilespmem:$0x1D0] =	vst v54;
	v0 =	vor.u32 v61, v4  }
0x62: {  	v59 =	vand.u32 $0x3, v57;
	v58 =	vor.u32 v56, v3;
	[tilespmem:$0x1C0] =	vst v53;
	v0 =	vor.u32 v63, v0  }
0x63: {  	v1 =	vor.u32 v59, v58;
	[tilespmem:$0x1F0] =	vst v0  }
0x64: {  	[tilespmem:$0x1E0] =	vst v1  }
0x65: {  	[tilespmem:s8], [sflag:$0x1] =	stream.linear.gather [hbm4b:s5+s1], $0x4000, $0x38;
	[tilespmem:$0x4200] =	vst v63  }
0x66: {  	_ =	swait.ge [sflag:s7], $0x4000  }
0x67: {  	[sflag:s7] =	ssyncset.done $0x0  }
0x68: {  	[sflag:s7] =	ssyncadd.s32 $0xFFFFC000  }
0x69: {  	[hbm4b:s3+s9] =	stream.indirect.scatter [tilespmem:s8], [sflag:$0x1], $0x20, s1, s9, $0xb8;
	[tilespmem:$0x4200] =	vst v63  }
0x6a: {  	_ =	swait.ge [sflag:s7], $0x1000  }
0x6b: {  	[sflag:s7] =	ssyncset.done $0x0  }
0x6c: {  	[sflag:s7] =	ssyncadd.s32 $0xFFFFF000  }
0x6d: {  	[hbm4b:s3+s9] =	stream.indirect.scatter [tilespmem:s10], [sflag:$0x1], $0x20, s9, s9, $0xb8;
	[tilespmem:$0x4200] =	vst v63  }
0x6e: {  	_ =	swait.ge [sflag:s7], $0x1000  }
0x6f: {  	[sflag:s7] =	ssyncset.done $0x0  }
0x70: {  	[sflag:s7] =	ssyncadd.s32 $0xFFFFF000  }
0x71: {  	[hbm4b:s3+s9] =	stream.indirect.scatter [tilespmem:s12], [sflag:$0x1], $0x20, s11, s9, $0xb8;
	[tilespmem:$0x4200] =	vst v63  }
0x72: {  	_ =	swait.ge [sflag:s7], $0x1000  }
0x73: {  	p0 =	sne.s32 s6, $0x1;
	[sflag:s7] =	ssyncset.done $0x0  }
.Ltmp0:
0x74: {  	[sflag:s7] =	ssyncadd.s32 $0xFFFFF000;
	(pc) =	sbr.rel @p0 .LBB2_1-.Ltmp0, $4  }
0x75: {  	[hbm4b:s3+s9] =	stream.indirect.scatter [tilespmem:s14], [sflag:$0x1], $0x20, s13, s9, $0xb8;
	[tilespmem:$0x4200] =	vst v63  }
0x76: {  	_ =	swait.ge [sflag:s7], $0x1000  }
0x77: {  	[sflag:s7] =	ssyncset.done $0x0  }
0x78: {  	s6 =	sadd.s32 $0xFFFFFFFF, s6;
	[sflag:s7] =	ssyncadd.s32 $0xFFFFF000  }
0x79: {  	_ =	sfence.sel $0x180000  }
0x7a: {  	[bflag:$0x0] =	sbarrier.arrive $0xFFFF  }
0x7b: {  	p0 =	sne.s32 s2, $0x0;
	_ =	strace $0x90000050  }
0x7c: {  	s0 =	sadd.s32 @!p0 $0x100000, s0;
	[bflag:$0x2] =	sbarrier.arrive $0xFFFF  }
0x7d: {  	[sflag:s0] =	ssyncadd.tile.s32 @!p0 $0x1;
	_ =	shalt  }
.Lfunc_end2:
_tile_overlayer_lowered:
.L_overlay_start_2:
0x7e: {  	(tag) =	ssettag $0x2  }
0x7f: {  	s0 =	rddreg [dreg:$0x0];
	s2 =	stileid.u32  }
0x80: {  	s1 =	rddreg [dreg:$0x1];
	p0 =	sne.s32 s2, $0x0  }
0x81: {  	s3 =	rddreg [dreg:$0x2];
	[bflag:$0x3] =	sbarrier.arrive $0xFFFF;
	s2 =	simm.s32 @!p0 $0x1C01  }
0x82: {  	[timem:s3], [sflag:s2] =	dma.local @!p0 [hbm:s0], s1  }
0x83: {  	s0 =	simm.s32 @!p0 $0x1  }
0x84: {  	_ =	swait.ge @!p0 [sflag:s0], s1  }
0x85: {  	s1 =	ssub.s32 @!p0 $0x0, s1;
	[sflag:s0] =	ssyncset.done @!p0 $0x0  }
0x86: {  	[sflag:s0] =	ssyncadd.s32 @!p0 s1  }
0x87: {  	[bflag:$0x3] =	sbarrier.arrive $0xFFFF  }
0x88: {  	_ =	shalt  }

// kernel: kernel.9.cloned.1.call-start
scs
__scs_entry_jumppad:
0x0: {  	(pc) =	sbr.rel $0x88, $3  }
0x1: {  	(tag) =	ssettag $0x0;
	lr =	simm.s32 $0x1  }
0x2: {  	[smem:$0x3F9A] =	sst lr;
	_ =	strace $0xD0000000  }
0x3: {  	_ = 	snop  }
0x4: {  	_ = 	snop  }
0x5: {  	_ = 	snop  }
0x6: {  	_ = 	snop  }
0x7: {  	_ = 	snop  }
__scs_overlays_trampoline_lowered:
0x8: {  	[smem:$0x3FA9] =	sst s0  }
0x9: {  	[smem:$0x3FAA] =	sst s1  }
0xa: {  	[smem:$0x3FAB] =	sst s2  }
0xb: {  	[smem:$0x3FAC] =	sst s3  }
0xc: {  	[smem:$0x3FAD] =	sst s4  }
0xd: {  	[smem:$0x3FAE] =	sst s5  }
0xe: {  	[smem:$0x3FAF] =	sst s6  }
0xf: {  	[smem:$0x3FB0] =	sst s7  }
0x10: {  	[smem:$0x3FB1] =	sst s8  }
0x11: {  	[smem:$0x3FB2] =	sst s9;
	s0 =	simm.s32 @!p0 $0x0  }
0x12: {  	s1 =	sld [smem:$0x3F98];
	s0 =	simm.s32 @p0 $0x1  }
0x13: {  	[smem:$0x3FB3] =	sst s0;
	s0 =	simm.s32 @!p1 $0x0  }
0x14: {  	s2 =	sld [smem:$0x3F97];
	s0 =	simm.s32 @p1 $0x1  }
0x15: {  	[smem:$0x3FB4] =	sst s0;
	s0 =	simm.s32 @!p2 $0x0  }
0x16: {  	s3 =	sld [smem:$0x3FDB];
	s0 =	simm.s32 @p2 $0x1  }
0x17: {  	s4 =	simm.s32 $0x1BF5;
	[smem:$0x3FB6] =	sst s0  }
0x18: {  	s0 =	sld [smem:$0x3F99];
	_ =	swait.ge [sflag:s4], $0x0  }
0x19: {  	s7 =	sld [smem:$0x3F9A]  }
0x1a: {  	s8 =	sadd.s32 $0xFFFFE003, lr  }
0x1b: {  	s9 =	sadd.s32 $0xFFFFFEF7, lr;
	s5 =	simm.s32 $0xFFFFFFFF;
	p2 =	slt.u32 s8, $0xFFFFF086  }
0x1c: {  	p1 =	slt.u32 s9, $0xF7A;
	s5 =	simm.s32 @!p2 $0x0  }
0x1d: {  	s5 =	simm.s32 @p1 $0x1;
	p0 =	seq.s32 s7, s2  }
0x1e: {  	s7 =	smul.u32 @!p0 $0xF7A, s2;
	p2 =	seq.s32 @!p0 s5, $0x0  }
0x1f: {  	s9 =	smul.u32 $0xF7A, s1;
	s8 =	simm.s32 @!p0 $0x1BF5;
	p2 =	por !p2, p0  }
0x20: {  	[sflag:s8] =	ssyncset.s32 @!p0 $0xFFFFF086;
	s6 =	sadd.s32 @!p0 s3, s7;
	s7 =	simm.s32 @!p0 $0x108  }
0x21: {  	s3 =	sadd.s32 s3, s9;
	s6 =	sadd.s32 @!p0 $0x88, s6;
	s7 =	simm.s32 @p2 $0x1082  }
0x22: {  	[simem:s7], [sflag:s8] =	dma.local @!p0 [hbm:s6], $0xF7A  }
0x23: {  	s9 =	sor.u32 $0xD0000000, s2;
	s6 =	simm.s32 $0x108;
	_ =	swait.ge @!p0 [sflag:s8], $0x0  }
0x24: {  	s3 =	sadd.s32 $0x88, s3;
	s6 =	simm.s32 @!p1 $0x1082;
	[sflag:s4] =	ssyncset.s32 $0xFFFFF086  }
0x25: {  	[simem:s6], [sflag:s4] =	dma.local [hbm:s3], $0xF7A  }
0x26: {  	[smem:$0x3F9A] =	sst s1;
	(tag) =	ssettag s2;
	_ =	strace s9  }
0x27: {  	s1 =	sld [smem:$0x3FAA]  }
0x28: {  	s2 =	sld [smem:$0x3FAB]  }
0x29: {  	s4 =	sld [smem:$0x3FAD]  }
0x2a: {  	p0 =	seq.s32 s5, $0x0;
	s5 =	sld [smem:$0x3FAE]  }
0x2b: {  	s6 =	sld [smem:$0x3FAF]  }
0x2c: {  	s7 =	sld [smem:$0x3FB0]  }
0x2d: {  	s3 =	simm.s32 $0x108;
	s8 =	sld [smem:$0x3FB1]  }
0x2e: {  	s3 =	simm.s32 @!p0 $0x1082;
	s9 =	sld [smem:$0x3FB2]  }
0x2f: {  	lr =	sadd.s32 s0, s3;
	s0 =	sld [smem:$0x3FA9]  }
0x30: {  	s3 =	sld [smem:$0x3FAC]  }
0x31: {  	[smem:$0x3FB5] =	sst s10  }
0x32: {  	s10 =	sld [smem:$0x3FB3];
	_ =	sdelay $0x3  }
0x33: {  	p0 =	seq.s32 s10, $0x1;
	s10 =	sld [smem:$0x3FB5];
	_ =	sdelay $0x3  }
0x34: {  	[smem:$0x3FB5] =	sst s10  }
0x35: {  	s10 =	sld [smem:$0x3FB4];
	_ =	sdelay $0x3  }
0x36: {  	p1 =	seq.s32 s10, $0x1;
	s10 =	sld [smem:$0x3FB5];
	_ =	sdelay $0x3  }
0x37: {  	[smem:$0x3FB5] =	sst s10  }
0x38: {  	s10 =	sld [smem:$0x3FB6]  }
0x39: {  	_ = 	snop;
	(pc) =	sbr.ind lr, $3  }
0x3a: {  	_ = 	snop  }
0x3b: {  	_ = 	snop  }
0x3c: {  	p2 =	seq.s32 s10, $0x1;
	s10 =	sld [smem:$0x3FB5]  }
0x3d: {  	_ =	shalt  }
0x3e: {  	_ =	shalt  }
0x3f: {  	_ =	shalt  }
0x40: {  	_ =	shalt  }
0x41: {  	_ =	shalt  }
0x42: {  	_ =	shalt  }
0x43: {  	_ =	shalt  }
0x44: {  	_ =	shalt  }
0x45: {  	_ =	shalt  }
0x46: {  	_ =	shalt  }
0x47: {  	_ =	shalt  }
0x48: {  	_ =	shalt  }
0x49: {  	_ =	shalt  }
0x4a: {  	_ =	shalt  }
0x4b: {  	_ =	shalt  }
0x4c: {  	_ =	shalt  }
0x4d: {  	_ =	shalt  }
0x4e: {  	_ =	shalt  }
0x4f: {  	_ =	shalt  }
0x50: {  	_ =	shalt  }
0x51: {  	_ =	shalt  }
0x52: {  	_ =	shalt  }
0x53: {  	_ =	shalt  }
0x54: {  	_ =	shalt  }
0x55: {  	_ =	shalt  }
0x56: {  	_ =	shalt  }
0x57: {  	_ =	shalt  }
0x58: {  	_ =	shalt  }
0x59: {  	_ =	shalt  }
0x5a: {  	_ =	shalt  }
0x5b: {  	_ =	shalt  }
0x5c: {  	_ =	shalt  }
0x5d: {  	_ =	shalt  }
0x5e: {  	_ =	shalt  }
0x5f: {  	_ =	shalt  }
0x60: {  	_ =	shalt  }
0x61: {  	_ =	shalt  }
0x62: {  	_ =	shalt  }
0x63: {  	_ =	shalt  }
0x64: {  	_ =	shalt  }
0x65: {  	_ =	shalt  }
0x66: {  	_ =	shalt  }
0x67: {  	_ =	shalt  }
0x68: {  	_ =	shalt  }
0x69: {  	_ =	shalt  }
0x6a: {  	_ =	shalt  }
0x6b: {  	_ =	shalt  }
0x6c: {  	_ =	shalt  }
0x6d: {  	_ =	shalt  }
0x6e: {  	_ =	shalt  }
0x6f: {  	_ =	shalt  }
0x70: {  	_ =	shalt  }
0x71: {  	_ =	shalt  }
0x72: {  	_ =	shalt  }
0x73: {  	_ =	shalt  }
0x74: {  	_ =	shalt  }
0x75: {  	_ =	shalt  }
0x76: {  	_ =	shalt  }
0x77: {  	_ =	shalt  }
0x78: {  	_ =	shalt  }
0x79: {  	_ =	shalt  }
0x7a: {  	_ =	shalt  }
0x7b: {  	_ =	shalt  }
0x7c: {  	_ =	shalt  }
0x7d: {  	_ =	shalt  }
0x7e: {  	_ =	shalt  }
0x7f: {  	_ =	shalt  }
0x80: {  	_ =	shalt  }
0x81: {  	_ =	shalt  }
0x82: {  	_ =	shalt  }
0x83: {  	_ =	shalt  }
0x84: {  	_ =	shalt  }
0x85: {  	_ =	shalt  }
0x86: {  	_ =	shalt  }
0x87: {  	_ =	shalt  }
.Lfunc_end0:
.L_simem_size_0:
called_computation_lowered:
.L_overlay_start_0:
0x88: {  	s2 =	sld [smem:$0x3FD9]  }
0x89: {  	s3 =	sld [smem:$0x3FFE];
	_ =	sdelay $0x1  }
0x8a: {  	s1 =	srdreg.scid  }
0x8b: {  	s0 =	sand.u32 $0x1, s1  }
0x8c: {  	s17 =	sshll.u32 s0, $0xA;
	s2 =	sadd.s32 s3, s2  }
0x8d: {  	s2 =	sadd.s32 s2, s17  }
0x8e: {  	[smem:$0x3FC1] =	sst s2  }
0x8f: {  	_ = 	snop  }
0x90: {  	s2 =	sld [smem:$0x3FC8];
	(tm) =	ssettm $0x1  }
0x91: {  	s18 =	sld [smem:$0x3FFB];
	_ =	sdelay $0x3  }
0x92: {  	_ =	strace s18  }
0x93: {  	s3 =	sld [smem:$0x3FFC];
	_ =	sdelay $0x3  }
0x94: {  	_ =	strace s3  }
0x95: {  	s3 =	sld [smem:$0x3FFD];
	_ =	sdelay $0x3  }
0x96: {  	_ =	strace s3  }
0x97: {  	_ =	strace $0x8FFFFFFF  }
0x98: {  	s19 =	sld [smem:$0x3FDB];
	_ =	sdelay $0x1  }
0x99: {  	s4 =	simm.s32 $_scs_section_size  }
0x9a: {  	s5 =	simm.s32 $_size__tile_overlayer_lowered;
	s6 =	simm.s32 $_tile_overlayer_lowered  }
0x9b: {  	s22 =	simm.s32 $0x1BFF;
	s21 =	sshll.u32 s6, $0x1;
	s3 =	sadd.s32 s4, s19  }
0x9c: {  	s7 =	simm.s32 $0x0;
	s20 =	sshll.u32 s5, $0x1;
	s5 =	sadd.s32 s21, s3  }
0x9d: {  	[timem:s7], [sflag:s22] =	dma.local [hbm:s5], s20  }
0x9e: {  	_ =	swait.ge [sflag:s22], s20  }
0x9f: {  	s4 =	ssub.s32 $0x0, s20;
	[sflag:s22] =	ssyncset.done $0x0  }
0xa0: {  	[sflag:s22] =	ssyncadd.s32 s4;
	_ =	sdelay $0x1  }
0xa1: {  	s23 =	simm.s32 $0x1B8B  }
0xa2: {  	_ =	swait.ge [sflag:s23], $0x1  }
0xa3: {  	[sflag:s23] =	ssyncset.done $0x0  }
0xa4: {  	s25 =	simm.s32 $0x1B8E;
	s24 =	sld [smem:$0x3FFE];
	[sflag:s23] =	ssyncadd.s32 $0xFFFFFFFF  }
0xa5: {  	s26 =	simm.s32 $execute0_lowered;
	[smem:$0x3FD2] =	sst s25  }
0xa6: {  	s5 =	sshll.u32 s26, $0x1;
	_ =	strace $0x80000046;
	[dreg:$0x1] =	wrdreg $0xFFFFFFFF  }
0xa7: {  	s28 =	simm.s32 $_size_execute0_lowered;
	s3 =	sadd.s32 s3, s5;
	[dreg:$0x0] =	wrdreg $0x0  }
0xa8: {  	s5 =	sshll.u32 s28, $0x1;
	[dreg:$0x2] =	wrdreg s3  }
0xa9: {  	[dreg:$0x3] =	wrdreg s5  }
0xaa: {  	[dreg:$0x4] =	wrdreg $0xC0  }
0xab: {  	_ =	task [dreg:s7], $0x5FFFF  }
0xac: {  	[dreg:$0x1] =	wrdreg $0xFFFFFFFF  }
0xad: {  	[dreg:$0x0] =	wrdreg $0x60  }
0xae: {  	[dreg:$0x2] =	wrdreg s2  }
0xaf: {  	[dreg:$0x3] =	wrdreg s24  }
0xb0: {  	[dreg:$0x4] =	wrdreg $0xC000  }
0xb1: {  	[dreg:$0x5] =	wrdreg $0xA  }
0xb2: {  	_ =	task.clear_ibuf [dreg:s7], $0x6FFFF;
	_ =	strace $0x90000046  }
0xb3: {  	s29 =	simm.s32 $0xA;
	_ =	strace $0x80000048  }
0xb4: {  	_ =	swait.ge [sflag:s29], $0x1  }
0xb5: {  	[sflag:s29] =	ssyncadd.s32 $0xFFFFFFFF  }
0xb6: {  	_ =	strace $0x90000048  }
0xb7: {  	_ =	sfence  }
0xb8: {  	s30 =	sld [smem:$0x0];
	_ =	sdelay $0x2  }
0xb9: {  	s31 =	sshll.u32 s1, $0xD;
	s1 =	sshrl.u32 s1, $0x2  }
0xba: {  	s3 =	sand.u32 $0x4000, s31;
	s1 =	sadd.s32 s1, s30  }
0xbb: {  	s0 =	sor.u32 s3, s0;
	s1 =	sshll.u32 s1, $0x11  }
0xbc: {  	s0 =	sor.u32 s1, s0  }
0xbd: {  	s0 =	sadd.s32 $0x8F2B, s0  }
0xbe: {  	[sflag:s0] =	ssyncadd.remote.s32 $0x1  }
0xbf: {  	_ =	sfence.sel $0xFFFF  }
0xc0: {  	[dreg:$0x0] =	wrdreg $0xFFFFFFFF;
	(pc) =	sbr.abs _section_cstart, $3  }
0xc1: {  	[dreg:$0x1] =	wrdreg $0xFFFFFFFF  }
0xc2: {  	_ =	task.clear_ibuf [dreg:s7], $0x2FFFF;
	_ =	strace $0x9FFFFFFF  }
0xc3: {  	(tm) =	ssettm $0x7FFFFFFF  }
tec
execute0_lowered:
.L_overlay_start_1:
0x0: {  	(tag) =	ssettag $0x1  }
0x1: {  	s0 =	rddreg [dreg:$0x0]  }
0x2: {  	s2 =	rddreg [dreg:$0x1]  }
0x3: {  	s1 =	rddreg [dreg:$0x2]  }
0x4: {  	s3 =	srdreg.scid;
	s9 =	stileid.u32;
	s12 =	simm.s32 $0x100  }
0x5: {  	s14 =	simm.s32 $0x180;
	s15 =	simm.s32 $0x980;
	s16 =	simm.s32 $0x200  }
0x6: {  	s17 =	simm.s32 $0xA00;
	s18 =	simm.s32 $0x280;
	s19 =	simm.s32 $0xA80  }
0x7: {  	s20 =	simm.s32 $0x300;
	s21 =	simm.s32 $0xB00;
	s22 =	simm.s32 $0x380  }
0x8: {  	s23 =	simm.s32 $0xB80;
	s24 =	simm.s32 $0x400;
	s25 =	simm.s32 $0x480  }
0x9: {  	s26 =	simm.s32 $0x500;
	s28 =	simm.s32 $0x580;
	s29 =	simm.s32 $0x600  }
0xa: {  	s30 =	simm.s32 $0x680;
	s31 =	simm.s32 $0x700;
	s8 =	sand.u32 $0x1, s3  }
0xb: {  	s3 =	simm.s32 $0x0;
	s5 =	sshll.u32 s9, $0x7;
	s4 =	ssub.s32 $0x2, s8  }
.Ltmp0:
0xc: {  	[smem:$0x7FF] =	sst s3;
	s2 =	sadd.s32 s5, s2;
	(pc) =	sbr.rel .LBB2_1-.Ltmp0, $4  }
0xd: {  	s5 =	sadd.s32 s0, s5;
	p0 =	sne.s32 s8, $0x0;
	s8 =	simm.s32 $0x1  }
0xe: {  	s0 =	simm.s32 $0x780;
	s6 =	sshrl.u32 s4, $0x1;
	_ =	strace $0x80000047  }
0xf: {  	s7 =	ssub.s32 s4, s6;
	s4 =	sshll.u32 s9, $0xA;
	s6 =	sadd.s32 $0x2400, s2  }
0x10: {  	v0 =	vlaneseq.u32;
	s9 =	simm.s32 $0x80;
	s2 =	simm.s32 $0x0;
	s7 =	smax.u32 s7, $0x1  }
.LBB2_5:
0x11: {  	[bflag:$0x0] =	sbarrier.arrive $0xFFFF  }
.LBB2_6:
0x12: {  	s2 =	sadd.s32 $0x1, s2  }
0x13: {  	p1 =	sne.s32 s2, s7  }
.Ltmp1:
0x14: {  	_ = 	snop;
	(pc) =	sbr.rel @!p1 .LBB2_7-.Ltmp1, $1  }
0x15: {  	_ =	sdelay $0x3  }
.LBB2_1:
.Ltmp2:
0x16: {  	(pc) =	sbr.rel @p0 .LBB2_5-.Ltmp2, $1  }
0x17: {  	_ =	sdelay $0x3  }
0x18: {  	s10 =	simm.s32 $0x0  }
0x19: {  	[tilespmem:s10], [sflag:$0x1] =	stream.linear.gather [hbm4b:s5+s10], $0x400, $0x38;
	[tilespmem:$0x10028] =	vst v63  }
0x1a: {  	_ =	swait.ge [sflag:s8], $0x400  }
0x1b: {  	s11 =	sadd.s32 $0x0, s4;
	[sflag:s8] =	ssyncset.done $0x0  }
0x1c: {  	s10 =	simm.s32 $0x800;
	v1 =	vor.u32 s11, v0;
	[sflag:s8] =	ssyncadd.s32 $0xFFFFFC00  }
0x1d: {  	s11 =	simm.s32 $0x10;
	[tilespmem:s10+$0x0] =	vst v1  }
.LBB2_3:
0x1e: {  	p1 =	sne.s32 s11, $0x3F0  }
.Ltmp3:
0x1f: {  	_ = 	snop;
	(pc) =	sbr.rel @p1 .LBB2_3-.Ltmp3, $4  }
0x20: {  	_ = 	snop  }
0x21: {  	s13 =	sadd.s32 s4, s11;
	s11 =	sadd.s32 $0x10, s11  }
0x22: {  	s10 =	sadd.s32 $0x10, s10;
	v1 =	vor.u32 s13, v0  }
0x23: {  	[tilespmem:s10+$0x0] =	vst v1  }
0x24: {  	s10 =	simm.s32 $0x800  }
0x25: {  	[spmem:s1] =	stream.indirect.scatter [tilespmem:s10], [sflag:$0x1], $0x1, s3, s9, $0xb8;
	[tilespmem:$0x10028] =	vst v63  }
0x26: {  	_ =	swait.ge [sflag:s8], $0x80  }
0x27: {  	[sflag:s8] =	ssyncset.done $0x0  }
0x28: {  	s11 =	simm.s32 $0x880;
	[sflag:s8] =	ssyncadd.s32 $0xFFFFFF80  }
0x29: {  	[spmem:s1] =	stream.indirect.scatter [tilespmem:s11], [sflag:$0x1], $0x1, s9, s9, $0xb8;
	[tilespmem:$0x10028] =	vst v63  }
0x2a: {  	_ =	swait.ge [sflag:s8], $0x80  }
0x2b: {  	[sflag:s8] =	ssyncset.done $0x0  }
0x2c: {  	s13 =	simm.s32 $0x900;
	[sflag:s8] =	ssyncadd.s32 $0xFFFFFF80  }
0x2d: {  	[spmem:s1] =	stream.indirect.scatter [tilespmem:s13], [sflag:$0x1], $0x1, s12, s9, $0xb8;
	[tilespmem:$0x10028] =	vst v63  }
0x2e: {  	_ =	swait.ge [sflag:s8], $0x80  }
0x2f: {  	[sflag:s8] =	ssyncset.done $0x0  }
0x30: {  	[sflag:s8] =	ssyncadd.s32 $0xFFFFFF80  }
0x31: {  	[spmem:s1] =	stream.indirect.scatter [tilespmem:s15], [sflag:$0x1], $0x1, s14, s9, $0xb8;
	[tilespmem:$0x10028] =	vst v63  }
0x32: {  	_ =	swait.ge [sflag:s8], $0x80  }
0x33: {  	[sflag:s8] =	ssyncset.done $0x0  }
0x34: {  	[sflag:s8] =	ssyncadd.s32 $0xFFFFFF80  }
0x35: {  	[spmem:s1] =	stream.indirect.scatter [tilespmem:s17], [sflag:$0x1], $0x1, s16, s9, $0xb8;
	[tilespmem:$0x10028] =	vst v63  }
0x36: {  	_ =	swait.ge [sflag:s8], $0x80  }
0x37: {  	[sflag:s8] =	ssyncset.done $0x0  }
0x38: {  	[sflag:s8] =	ssyncadd.s32 $0xFFFFFF80  }
0x39: {  	[spmem:s1] =	stream.indirect.scatter [tilespmem:s19], [sflag:$0x1], $0x1, s18, s9, $0xb8;
	[tilespmem:$0x10028] =	vst v63  }
0x3a: {  	_ =	swait.ge [sflag:s8], $0x80  }
0x3b: {  	[sflag:s8] =	ssyncset.done $0x0  }
0x3c: {  	[sflag:s8] =	ssyncadd.s32 $0xFFFFFF80  }
0x3d: {  	[spmem:s1] =	stream.indirect.scatter [tilespmem:s21], [sflag:$0x1], $0x1, s20, s9, $0xb8;
	[tilespmem:$0x10028] =	vst v63  }
0x3e: {  	_ =	swait.ge [sflag:s8], $0x80  }
0x3f: {  	[sflag:s8] =	ssyncset.done $0x0  }
0x40: {  	[sflag:s8] =	ssyncadd.s32 $0xFFFFFF80  }
0x41: {  	[spmem:s1] =	stream.indirect.scatter [tilespmem:s23], [sflag:$0x1], $0x1, s22, s9, $0xb8;
	[tilespmem:$0x10028] =	vst v63  }
0x42: {  	_ =	swait.ge [sflag:s8], $0x80  }
0x43: {  	[sflag:s8] =	ssyncset.done $0x0  }
0x44: {  	[sflag:s8] =	ssyncadd.s32 $0xFFFFFF80  }
0x45: {  	[bflag:$0x0] =	sbarrier.arrive $0xFFFF  }
0x46: {  	[tilespmem:s24], [sflag:$0x1] =	stream.indirect.gather [spmem:s1], $0x1, s3, s9, $0xb8;
	[tilespmem:$0x10028] =	vst v63  }
0x47: {  	_ =	swait.ge [sflag:s8], $0x80  }
0x48: {  	[sflag:s8] =	ssyncset.done $0x0  }
0x49: {  	[sflag:s8] =	ssyncadd.s32 $0xFFFFFF80  }
0x4a: {  	[tilespmem:s25], [sflag:$0x1] =	stream.indirect.gather [spmem:s1], $0x1, s9, s9, $0xb8;
	[tilespmem:$0x10028] =	vst v63  }
0x4b: {  	_ =	swait.ge [sflag:s8], $0x80  }
0x4c: {  	[sflag:s8] =	ssyncset.done $0x0  }
0x4d: {  	[sflag:s8] =	ssyncadd.s32 $0xFFFFFF80  }
0x4e: {  	[tilespmem:s26], [sflag:$0x1] =	stream.indirect.gather [spmem:s1], $0x1, s12, s9, $0xb8;
	[tilespmem:$0x10028] =	vst v63  }
0x4f: {  	_ =	swait.ge [sflag:s8], $0x80  }
0x50: {  	[sflag:s8] =	ssyncset.done $0x0  }
0x51: {  	[sflag:s8] =	ssyncadd.s32 $0xFFFFFF80  }
0x52: {  	[tilespmem:s28], [sflag:$0x1] =	stream.indirect.gather [spmem:s1], $0x1, s14, s9, $0xb8;
	[tilespmem:$0x10028] =	vst v63  }
0x53: {  	_ =	swait.ge [sflag:s8], $0x80  }
0x54: {  	[sflag:s8] =	ssyncset.done $0x0  }
0x55: {  	[sflag:s8] =	ssyncadd.s32 $0xFFFFFF80  }
0x56: {  	[tilespmem:s29], [sflag:$0x1] =	stream.indirect.gather [spmem:s1], $0x1, s16, s9, $0xb8;
	[tilespmem:$0x10028] =	vst v63  }
0x57: {  	_ =	swait.ge [sflag:s8], $0x80  }
0x58: {  	[sflag:s8] =	ssyncset.done $0x0  }
0x59: {  	[sflag:s8] =	ssyncadd.s32 $0xFFFFFF80  }
0x5a: {  	[tilespmem:s30], [sflag:$0x1] =	stream.indirect.gather [spmem:s1], $0x1, s18, s9, $0xb8;
	[tilespmem:$0x10028] =	vst v63  }
0x5b: {  	_ =	swait.ge [sflag:s8], $0x80  }
0x5c: {  	[sflag:s8] =	ssyncset.done $0x0  }
0x5d: {  	[sflag:s8] =	ssyncadd.s32 $0xFFFFFF80  }
0x5e: {  	[tilespmem:s31], [sflag:$0x1] =	stream.indirect.gather [spmem:s1], $0x1, s20, s9, $0xb8;
	[tilespmem:$0x10028] =	vst v63  }
0x5f: {  	_ =	swait.ge [sflag:s8], $0x80  }
0x60: {  	[sflag:s8] =	ssyncset.done $0x0  }
0x61: {  	[sflag:s8] =	ssyncadd.s32 $0xFFFFFF80  }
0x62: {  	[tilespmem:s0], [sflag:$0x1] =	stream.indirect.gather [spmem:s1], $0x1, s22, s9, $0xb8;
	[tilespmem:$0x10028] =	vst v63  }
0x63: {  	_ =	swait.ge [sflag:s8], $0x80  }
0x64: {  	[sflag:s8] =	ssyncset.done $0x0  }
.Ltmp4:
0x65: {  	[sflag:s8] =	ssyncadd.s32 $0xFFFFFF80;
	(pc) =	sbr.rel .LBB2_6-.Ltmp4, $4  }
0x66: {  	[hbm4b:s6+s3] =	stream.linear.scatter [tilespmem:s24], [sflag:$0x1], $0x400, $0x38;
	[tilespmem:$0x10028] =	vst v63  }
0x67: {  	_ =	swait.ge [sflag:s8], $0x400  }
0x68: {  	[sflag:s8] =	ssyncset.done $0x0  }
0x69: {  	[sflag:s8] =	ssyncadd.s32 $0xFFFFFC00  }
.LBB2_7:
0x6a: {  	_ =	sfence.sel $0x180000  }
0x6b: {  	[bflag:$0x0] =	sbarrier.arrive $0xFFFF  }
0x6c: {  	_ =	strace $0x90000047  }
0x6d: {  	s0 =	stileid.u32;
	[bflag:$0x2] =	sbarrier.arrive $0xFFFF  }
0x6e: {  	p0 =	sne.s32 s0, $0x0;
	s0 =	rddreg [dreg:$0x3]  }
0x6f: {  	s0 =	sadd.s32 @!p0 $0x100000, s0  }
0x70: {  	[sflag:s0] =	ssyncadd.tile.s32 @!p0 $0x1;
	_ =	shalt  }
.Lfunc_end2:
_tile_overlayer_lowered:
.L_overlay_start_2:
0x71: {  	(tag) =	ssettag $0x2  }
0x72: {  	s0 =	rddreg [dreg:$0x0];
	s2 =	stileid.u32  }
0x73: {  	s1 =	rddreg [dreg:$0x1];
	p0 =	sne.s32 s2, $0x0  }
0x74: {  	s3 =	rddreg [dreg:$0x2];
	[bflag:$0x3] =	sbarrier.arrive $0xFFFF;
	s2 =	simm.s32 @!p0 $0x1C01  }
0x75: {  	[timem:s3], [sflag:s2] =	dma.local @!p0 [hbm:s0], s1  }
0x76: {  	s0 =	simm.s32 @!p0 $0x1  }
0x77: {  	_ =	swait.ge @!p0 [sflag:s0], s1  }
0x78: {  	s1 =	ssub.s32 @!p0 $0x0, s1;
	[sflag:s0] =	ssyncset.done @!p0 $0x0  }
0x79: {  	[sflag:s0] =	ssyncadd.s32 @!p0 s1  }
0x7a: {  	[bflag:$0x3] =	sbarrier.arrive $0xFFFF  }
0x7b: {  	_ =	shalt  }

</sc_bundles>
